<compile_context>
chip_gen: v7x
topology: tpu7x:2x2x1
jax: 0.10.2.dev20260603
libtpu: 0.0.44.dev20260713+nightly
codegen_flags: <defaults>
</compile_context>

<pallas_src>
import jax
import jax.numpy as jnp
from jax import lax
from jax.experimental import pallas as pl
from jax.experimental.pallas import tpu as pltpu
from jax.experimental.pallas import tpu_sc as plsc

N = 10000
NP = 10240
E = 320000
NC = 2
NS = 16
NW = NC * NS
EPW = E // NW
EPAD = NP * NW
EPWP = EPAD // NW
RW = 16

_mesh = plsc.VectorSubcoreMesh(core_axis_name="c", subcore_axis_name="s")
_sc_params = pltpu.CompilerParams(use_tc_tiling_on_sc=False)



def _degrees_body(ei3, do_out, di_out, sbuf, dbuf, obuf, zc, ssem, dsem, zsem,
                  sh_do, sh_di):
    c = lax.axis_index("c")
    s = lax.axis_index("s")
    wid = s * NC + c
    BC = 640
    NCH = EPWP // BC
    ones16 = jnp.full((16,), 1.0, jnp.float32)
    zv = jnp.zeros((16,), jnp.float32)

    def fill(i, _):
        obuf[i, :] = ones16
        return 0

    lax.fori_loop(0, BC, fill, 0)
    for r in range(16):
        zc[r, :] = zv

    def zbatch(i, _):
        for t in range(4):
            g = (s * 40 + i * 4 + t) * 16
            pltpu.async_copy(zc, sh_do.at[pl.ds(g, 16)], zsem)
            pltpu.async_copy(zc, sh_di.at[pl.ds(g, 16)], zsem)
        for t in range(4):
            g = (s * 40 + i * 4 + t) * 16
            pltpu.make_async_copy(zc, sh_do.at[pl.ds(g, 16)], zsem).wait()
            pltpu.make_async_copy(zc, sh_di.at[pl.ds(g, 16)], zsem).wait()
        return 0

    lax.fori_loop(0, (NP // 16) // NS // 4, zbatch, 0)
    row0 = wid * NCH
    pltpu.sync_copy(ei3.at[0, pl.ds(row0, NCH)], sbuf)
    pltpu.sync_copy(ei3.at[1, pl.ds(row0, NCH)], dbuf)
    plsc.subcore_barrier()

    def batch(i, _):
        for t in range(4):
            j = i * 4 + t
            pltpu.async_copy(obuf, sh_do.at[sbuf.at[j]], ssem, add=True)
            pltpu.async_copy(obuf, sh_di.at[dbuf.at[j]], dsem, add=True)
        for t in range(4):
            j = i * 4 + t
            pltpu.make_async_copy(obuf, sh_do.at[sbuf.at[j]],
                                  ssem).wait()
            pltpu.make_async_copy(obuf, sh_di.at[dbuf.at[j]],
                                  dsem).wait()
        return 0

    lax.fori_loop(0, NCH // 4, batch, 0)
    plsc.subcore_barrier()

    @pl.when(s == 0)
    def _():
        pltpu.sync_copy(sh_do, do_out.at[c])
        pltpu.sync_copy(sh_di, di_out.at[c])


_DEG_OUT_TYPE = (
    jax.ShapeDtypeStruct((NC, NP, RW), jnp.float32),
    jax.ShapeDtypeStruct((NC, NP, RW), jnp.float32),
)
_DEG_SCRATCH = (
    pltpu.VMEM((EPWP // 640, 640), jnp.int32),
    pltpu.VMEM((EPWP // 640, 640), jnp.int32),
    pltpu.VMEM((640, RW), jnp.float32),
    pltpu.VMEM((16, RW), jnp.float32),
    pltpu.SemaphoreType.DMA,
    pltpu.SemaphoreType.DMA,
    pltpu.SemaphoreType.DMA,
    pltpu.VMEM_SHARED((NP, RW), jnp.float32),
    pltpu.VMEM_SHARED((NP, RW), jnp.float32),
)
_degrees_kernel = pl.kernel(
    _degrees_body, out_type=_DEG_OUT_TYPE, mesh=_mesh,
    scratch_types=_DEG_SCRATCH, compiler_params=_sc_params)



def _make_agg_parts(F, with_c, dt, BC):
    NCH = EPWP // BC
    out_type = [jax.ShapeDtypeStruct((NC, NP, F), dt)]
    scratch = [
        pltpu.VMEM((NCH, BC), jnp.int32),
        pltpu.VMEM((NCH, BC), jnp.int32),
        pltpu.VMEM((BC, F), dt),
        pltpu.VMEM((BC, F), dt),
        pltpu.VMEM((16, F), dt),
        pltpu.SemaphoreType.DMA,
        pltpu.SemaphoreType.DMA,
        pltpu.SemaphoreType.DMA,
        pltpu.VMEM_SHARED((NP, F), dt),
    ]
    if with_c:
        out_type.append(jax.ShapeDtypeStruct((NC, NP, RW), jnp.float32))
        scratch += [
            pltpu.VMEM((BC, RW), jnp.float32),
            pltpu.VMEM((BC, RW), jnp.float32),
            pltpu.VMEM((16, RW), jnp.float32),
            pltpu.SemaphoreType.DMA,
            pltpu.SemaphoreType.DMA,
            pltpu.VMEM_SHARED((NP, RW), jnp.float32),
        ]

    def body(*args):
        if with_c:
            (h, ei3, dii, agg_out, c_out,
             sbuf, dbuf, rows0, rows1, zbuf, sem0, sem1, zsem, sh_agg,
             vals0, vals1, zc, vsem0, vsem1, sh_c) = args
            vals = (vals0, vals1)
            vsem = (vsem0, vsem1)
        else:
            (h, ei3, agg_out,
             sbuf, dbuf, rows0, rows1, zbuf, sem0, sem1, zsem, sh_agg) = args
        rows = (rows0, rows1)
        sem = (sem0, sem1)
        c = lax.axis_index("c")
        s = lax.axis_index("s")
        wid = s * NC + c
        zlanes = 16 if dt == jnp.float32 else 32
        zvd = jnp.zeros((zlanes,), dt)
        for r in range(16):
            for q in range(F // zlanes):
                zbuf[r, pl.ds(q * zlanes, zlanes)] = zvd
        if with_c:
            zv = jnp.zeros((16,), jnp.float32)
            for r in range(16):
                zc[r, :] = zv

        def zbatch(i, _):
            for t in range(4):
                g = (s * 40 + i * 4 + t) * 16
                pltpu.async_copy(zbuf, sh_agg.at[pl.ds(g, 16)], zsem)
                if with_c:
                    pltpu.async_copy(zc, sh_c.at[pl.ds(g, 16)], zsem)
            for t in range(4):
                g = (s * 40 + i * 4 + t) * 16
                pltpu.make_async_copy(zbuf, sh_agg.at[pl.ds(g, 16)],
                                      zsem).wait()
                if with_c:
                    pltpu.make_async_copy(zc, sh_c.at[pl.ds(g, 16)],
                                          zsem).wait()
            return 0

        lax.fori_loop(0, (NP // 16) // NS // 4, zbatch, 0)
        row0 = wid * NCH
        pltpu.sync_copy(ei3.at[0, pl.ds(row0, NCH)], sbuf)
        pltpu.sync_copy(ei3.at[1, pl.ds(row0, NCH)], dbuf)
        plsc.subcore_barrier()

        def gathers(j, b):
            pltpu.async_copy(h.at[sbuf.at[j]], rows[b], sem[b])
            if with_c:
                pltpu.async_copy(dii.at[dbuf.at[j]], vals[b], vsem[b])

        def drain(j, b):
            pltpu.make_async_copy(h.at[sbuf.at[j]], rows[b], sem[b]).wait()
            pltpu.sync_copy(rows[b], sh_agg.at[dbuf.at[j]], add=True)
            if with_c:
                pltpu.make_async_copy(dii.at[dbuf.at[j]], vals[b],
                                      vsem[b]).wait()
                pltpu.sync_copy(vals[b], sh_c.at[sbuf.at[j]], add=True)

        def chunk2(i, _):
            j0 = 2 * i
            gathers(j0 + 1, 1)
            drain(j0, 0)

            @pl.when(j0 + 2 < NCH)
            def _():
                gathers(j0 + 2, 0)

            drain(j0 + 1, 1)
            return 0

        gathers(0, 0)
        lax.fori_loop(0, NCH // 2, chunk2, 0)
        plsc.subcore_barrier()
        rpt = NP // NS
        pltpu.sync_copy(sh_agg.at[pl.ds(s * rpt, rpt)],
                        agg_out.at[c, pl.ds(s * rpt, rpt)])
        if with_c:
            @pl.when(s == 0)
            def _():
                pltpu.sync_copy(sh_c, c_out.at[c])

    return body, tuple(out_type), tuple(scratch)


def _make_agg_kernel(F, with_c, dt=jnp.float32, BC=640):
    body, out_type, scratch = _make_agg_parts(F, with_c, dt, BC)
    return pl.kernel(body, out_type=out_type, mesh=_mesh,
                     scratch_types=scratch, compiler_params=_sc_params)


_agg1_kernel = _make_agg_kernel(128, with_c=False, dt=jnp.bfloat16, BC=320)
_agg2_kernel = _make_agg_kernel(64, with_c=False, dt=jnp.bfloat16)
_agg3_kernel = _make_agg_kernel(32, with_c=True, dt=jnp.bfloat16)



def _first_body(x_ref, w_ref, dop_ref, dip_ref, h_ref, dio_ref, dii_ref,
                dii16_ref):
    deg_o = jnp.maximum(dop_ref[0, :N, :1] + dop_ref[1, :N, :1], 1.0)
    deg_i = jnp.maximum(dip_ref[0, :N, :1] + dip_ref[1, :N, :1], 1.0)
    dio = lax.rsqrt(deg_o)
    dii = lax.rsqrt(deg_i)
    dio_ref[...] = dio
    dii_ref[...] = dii
    dii16_ref[:N] = jnp.broadcast_to(dii, (N, RW))
    dii16_ref[N:] = jnp.zeros((NP - N, RW), jnp.float32)
    h_ref[:N] = jnp.dot(x_ref[...] * dio, w_ref[...],
                        preferred_element_type=jnp.float32
                        ).astype(h_ref.dtype)
    h_ref[N:] = jnp.zeros((NP - N, 128), h_ref.dtype)


_first_call = pl.pallas_call(
    _first_body,
    out_shape=(
        jax.ShapeDtypeStruct((NP, 128), jnp.bfloat16),
        jax.ShapeDtypeStruct((N, 1), jnp.float32),
        jax.ShapeDtypeStruct((N, 1), jnp.float32),
        jax.ShapeDtypeStruct((NP, RW), jnp.float32),
    ),
)


def _mid_body(aggp_ref, dii_ref, dio_ref, b_ref, w_ref, out_ref):
    agg = (aggp_ref[0, :N].astype(jnp.float32)
           + aggp_ref[1, :N].astype(jnp.float32))
    h = agg * dii_ref[...] + b_ref[...]
    h = jnp.maximum(h, 0.0) * dio_ref[...]
    fout = out_ref.shape[1]
    out_ref[:N] = jnp.dot(h, w_ref[...], preferred_element_type=jnp.float32
                          ).astype(out_ref.dtype)
    out_ref[N:] = jnp.zeros((NP - N, fout), out_ref.dtype)


def _mid_call(fout, dt=jnp.float32):
    return pl.pallas_call(
        _mid_body,
        out_shape=jax.ShapeDtypeStruct((NP, fout), dt),
    )


def _final_body(aggp_ref, dii_ref, dio_ref, b3_ref, cp_ref, w4_ref, b4_ref,
                out_ref):
    x4 = (aggp_ref[0, :N].astype(jnp.float32)
          + aggp_ref[1, :N].astype(jnp.float32)) * dii_ref[...] + b3_ref[...]
    x4 = jnp.maximum(x4, 0.0) * dio_ref[...]
    w = cp_ref[0, :N, :1] + cp_ref[1, :N, :1]
    u = jnp.sum(x4 * w, axis=0, keepdims=True)
    out_ref[...] = (jnp.dot(u, w4_ref[...], preferred_element_type=jnp.float32)
                    * (1.0 / N) + b4_ref[...])


_final_call = pl.pallas_call(
    _final_body,
    out_shape=jax.ShapeDtypeStruct((1, 32), jnp.float32),
)



@jax.jit
def kernel(x, edge_index, W1, b1, W2, b2, W3, b3, W4, b4):
    eip = jnp.concatenate(
        [edge_index.astype(jnp.int32),
         jnp.full((2, EPAD - E), NP - 1, jnp.int32)], axis=1)
    ei_a = eip.reshape(2, EPAD // 320, 320)
    ei_b = eip.reshape(2, EPAD // 640, 640)

    dop, dip = _degrees_kernel(ei_b)
    h1, dio, dii, dii16 = _first_call(x, W1, dop, dip)
    agg1, = _agg1_kernel(h1, ei_a)
    h2 = _mid_call(64, jnp.bfloat16)(agg1, dii, dio, b1.reshape(1, -1), W2)
    agg2, = _agg2_kernel(h2, ei_b)
    h3 = _mid_call(32, jnp.bfloat16)(agg2, dii, dio, b2.reshape(1, -1), W3)
    agg3, cp = _agg3_kernel(h3, ei_b, dii16)
    out = _final_call(agg3, dii, dio, b3.reshape(1, -1),
                      cp, W4, b4.reshape(1, -1))
    return out

# --- scband reference (transcript-rebuilt; emitter-appended) ---
"""Pipeline reference for scband-gcn4-layers-62526133895431 (READ-ONLY COPY).

The authoritative reference and input builder live on the scoring server;
editing this copy changes nothing except your own understanding.
"""

import jax, jax.numpy as jnp
import numpy as np

N_NODES = 10000
N_EDGES = 320000
IN_FEATS = 128
NUM_CLASSES = 32


def setup_inputs(seed: int = 0) -> dict:
    key = jax.random.key(seed)
    ks = jax.random.split(key, 10)
    x = jax.random.normal(ks[0], (N_NODES, IN_FEATS), dtype=jnp.float32)
    edge_index = jax.random.randint(ks[1], (2, N_EDGES), 0, N_NODES, dtype=jnp.int64)
    dims = [(IN_FEATS, 128), (128, 64), (64, 32), (32, NUM_CLASSES)]
    inp = {"x": x, "edge_index": edge_index}
    for i, (din, dout) in enumerate(dims):
        std = 1.0 / np.sqrt(din)
        inp[f"W{i+1}"] = jax.random.uniform(ks[2 + 2 * i], (din, dout), dtype=jnp.float32, minval=-std, maxval=std)
        inp[f"b{i+1}"] = jnp.zeros((dout,), dtype=jnp.float32)
    return inp


def _graph_conv(x, src, dst, W, b):
    # DGL GraphConv with norm='both': D_out^{-1/2} applied at src,
    # sum-aggregate over edges, D_in^{-1/2} applied at dst, then bias.
    n = x.shape[0]
    ones = jnp.ones((src.shape[0],), dtype=x.dtype)
    deg_out = jnp.maximum(jax.ops.segment_sum(ones, src, num_segments=n), 1.0)
    deg_in = jnp.maximum(jax.ops.segment_sum(ones, dst, num_segments=n), 1.0)
    h = x * (deg_out ** -0.5)[:, None]
    h = h @ W
    agg = jax.ops.segment_sum(h[src], dst, num_segments=n)
    return agg * (deg_in ** -0.5)[:, None] + b


def reference(x, edge_index, W1, b1, W2, b2, W3, b3, W4, b4):
    src = edge_index[0]
    dst = edge_index[1]
    h = _graph_conv(x, src, dst, W1, b1)
    h = jax.nn.relu(h)
    h = _graph_conv(h, src, dst, W2, b2)
    h = jax.nn.relu(h)
    h = _graph_conv(h, src, dst, W3, b3)
    h = jax.nn.relu(h)
    h = _graph_conv(h, src, dst, W4, b4)
    # dgl.mean_nodes over a single graph -> [1, num_classes]
    return jnp.mean(h, axis=0, keepdims=True)

if __name__ == "__main__":
    import jax
    _d = setup_inputs()
    print(jax.jit(kernel)(*tuple(_d.values())))

</pallas_src>

<mosaic_0001>
#map = affine_map<(d0, d1) -> (0, 0)>
#map1 = affine_map<(d0, d1) -> (0, 0, 0)>
module attributes {stable_mosaic.version = 14 : i64} {
  func.func @body(%arg0: i32, %arg1: i32, %arg2: memref<10240x128xbf16, #tpu.memory_space<hbm>>, %arg3: memref<2x1024x320xi32, #tpu.memory_space<hbm>>, %arg4: memref<2x10240x128xbf16, #tpu.memory_space<hbm>>, %arg5: memref<32x320xi32, #tpu.memory_space<vmem>>, %arg6: memref<32x320xi32, #tpu.memory_space<vmem>>, %arg7: memref<320x128xbf16, #tpu.memory_space<vmem>>, %arg8: memref<320x128xbf16, #tpu.memory_space<vmem>>, %arg9: memref<16x128xbf16, #tpu.memory_space<vmem>>, %arg10: memref<!tpu.dma_semaphore, #tpu.memory_space<semaphore_mem>>, %arg11: memref<!tpu.dma_semaphore, #tpu.memory_space<semaphore_mem>>, %arg12: memref<!tpu.dma_semaphore, #tpu.memory_space<semaphore_mem>>, %arg13: memref<10240x128xbf16, #tpu.memory_space<vmem_shared>>) attributes {dimension_semantics = [#tpu.dimension_semantics<core_parallel>, #tpu.dimension_semantics<subcore_parallel>], iteration_bounds = array<i64: 2, 16>, scalar_prefetch = 0 : i64, scratch_operands = 9 : i64, tpu.core_type = #tpu.core_type<sc_vector_subcore>, window_params = [{transform_indices = #map}, {transform_indices = #map1}, {transform_indices = #map1}]} {
    %mul3A = arith.constant 2 : i32
    %mul3A_0 = arith.muli %arg1, %mul3A : i32
    %add3A = arith.addi %mul3A_0, %arg0 : i32
    %broadcast_in_dim3A = arith.constant 0.000000e+00 : bf16
    %broadcast_in_dim3A_1 = vector.broadcast %broadcast_in_dim3A : bf16 to vector<32xbf16>
    %swap3A = arith.constant 0 : i32
    %swap3A_2 = arith.index_cast %swap3A : i32 to index
    %swap3A_3 = arith.constant 0 : index
    %swap3A_4 = tpu.vector_load %arg9[%swap3A_2, %swap3A_3] {strides = array<i32>} : memref<16x128xbf16, #tpu.memory_space<vmem>>, vector<1x32xbf16>,
    %swap3A_5 = vector.shape_cast %swap3A_4 : vector<1x32xbf16> to vector<32xbf16>
    %swap3A_6 = vector.shape_cast %broadcast_in_dim3A_1 : vector<32xbf16> to vector<1x32xbf16>
    tpu.vector_store %arg9[%swap3A_2, %swap3A_3], %swap3A_6 {strides = array<i32>} : memref<16x128xbf16, #tpu.memory_space<vmem>>, vector<1x32xbf16>,
    %swap3A_7 = arith.constant 0 : i32
    %swap3A_8 = arith.index_cast %swap3A_7 : i32 to index
    %swap3A_9 = arith.constant 32 : index
    %swap3A_10 = tpu.vector_load %arg9[%swap3A_8, %swap3A_9] {strides = array<i32>} : memref<16x128xbf16, #tpu.memory_space<vmem>>, vector<1x32xbf16>,
    %swap3A_11 = vector.shape_cast %swap3A_10 : vector<1x32xbf16> to vector<32xbf16>
    %swap3A_12 = vector.shape_cast %broadcast_in_dim3A_1 : vector<32xbf16> to vector<1x32xbf16>
    tpu.vector_store %arg9[%swap3A_8, %swap3A_9], %swap3A_12 {strides = array<i32>} : memref<16x128xbf16, #tpu.memory_space<vmem>>, vector<1x32xbf16>,
    %swap3A_13 = arith.constant 0 : i32
    %swap3A_14 = arith.index_cast %swap3A_13 : i32 to index
    %swap3A_15 = arith.constant 64 : index
    %swap3A_16 = tpu.vector_load %arg9[%swap3A_14, %swap3A_15] {strides = array<i32>} : memref<16x128xbf16, #tpu.memory_space<vmem>>, vector<1x32xbf16>,
    %swap3A_17 = vector.shape_cast %swap3A_16 : vector<1x32xbf16> to vector<32xbf16>
    %swap3A_18 = vector.shape_cast %broadcast_in_dim3A_1 : vector<32xbf16> to vector<1x32xbf16>
    tpu.vector_store %arg9[%swap3A_14, %swap3A_15], %swap3A_18 {strides = array<i32>} : memref<16x128xbf16, #tpu.memory_space<vmem>>, vector<1x32xbf16>,
    %swap3A_19 = arith.constant 0 : i32
    %swap3A_20 = arith.index_cast %swap3A_19 : i32 to index
    %swap3A_21 = arith.constant 96 : index
    %swap3A_22 = tpu.vector_load %arg9[%swap3A_20, %swap3A_21] {strides = array<i32>} : memref<16x128xbf16, #tpu.memory_space<vmem>>, vector<1x32xbf16>,
    %swap3A_23 = vector.shape_cast %swap3A_22 : vector<1x32xbf16> to vector<32xbf16>
    %swap3A_24 = vector.shape_cast %broadcast_in_dim3A_1 : vector<32xbf16> to vector<1x32xbf16>
    tpu.vector_store %arg9[%swap3A_20, %swap3A_21], %swap3A_24 {strides = array<i32>} : memref<16x128xbf16, #tpu.memory_space<vmem>>, vector<1x32xbf16>,
    %swap3A_25 = arith.constant 1 : i32
    %swap3A_26 = arith.index_cast %swap3A_25 : i32 to index
    %swap3A_27 = arith.constant 0 : index
    %swap3A_28 = tpu.vector_load %arg9[%swap3A_26, %swap3A_27] {strides = array<i32>} : memref<16x128xbf16, #tpu.memory_space<vmem>>, vector<1x32xbf16>,
    %swap3A_29 = vector.shape_cast %swap3A_28 : vector<1x32xbf16> to vector<32xbf16>
    %swap3A_30 = vector.shape_cast %broadcast_in_dim3A_1 : vector<32xbf16> to vector<1x32xbf16>
    tpu.vector_store %arg9[%swap3A_26, %swap3A_27], %swap3A_30 {strides = array<i32>} : memref<16x128xbf16, #tpu.memory_space<vmem>>, vector<1x32xbf16>,
    %swap3A_31 = arith.constant 1 : i32
    %swap3A_32 = arith.index_cast %swap3A_31 : i32 to index
    %swap3A_33 = arith.constant 32 : index
    %swap3A_34 = tpu.vector_load %arg9[%swap3A_32, %swap3A_33] {strides = array<i32>} : memref<16x128xbf16, #tpu.memory_space<vmem>>, vector<1x32xbf16>,
    %swap3A_35 = vector.shape_cast %swap3A_34 : vector<1x32xbf16> to vector<32xbf16>
    %swap3A_36 = vector.shape_cast %broadcast_in_dim3A_1 : vector<32xbf16> to vector<1x32xbf16>
    tpu.vector_store %arg9[%swap3A_32, %swap3A_33], %swap3A_36 {strides = array<i32>} : memref<16x128xbf16, #tpu.memory_space<vmem>>, vector<1x32xbf16>,
    %swap3A_37 = arith.constant 1 : i32
    %swap3A_38 = arith.index_cast %swap3A_37 : i32 to index
    %swap3A_39 = arith.constant 64 : index
    %swap3A_40 = tpu.vector_load %arg9[%swap3A_38, %swap3A_39] {strides = array<i32>} : memref<16x128xbf16, #tpu.memory_space<vmem>>, vector<1x32xbf16>,
    %swap3A_41 = vector.shape_cast %swap3A_40 : vector<1x32xbf16> to vector<32xbf16>
    %swap3A_42 = vector.shape_cast %broadcast_in_dim3A_1 : vector<32xbf16> to vector<1x32xbf16>
    tpu.vector_store %arg9[%swap3A_38, %swap3A_39], %swap3A_42 {strides = array<i32>} : memref<16x128xbf16, #tpu.memory_space<vmem>>, vector<1x32xbf16>,
    %swap3A_43 = arith.constant 1 : i32
    %swap3A_44 = arith.index_cast %swap3A_43 : i32 to index
    %swap3A_45 = arith.constant 96 : index
    %swap3A_46 = tpu.vector_load %arg9[%swap3A_44, %swap3A_45] {strides = array<i32>} : memref<16x128xbf16, #tpu.memory_space<vmem>>, vector<1x32xbf16>,
    %swap3A_47 = vector.shape_cast %swap3A_46 : vector<1x32xbf16> to vector<32xbf16>
    %swap3A_48 = vector.shape_cast %broadcast_in_dim3A_1 : vector<32xbf16> to vector<1x32xbf16>
    tpu.vector_store %arg9[%swap3A_44, %swap3A_45], %swap3A_48 {strides = array<i32>} : memref<16x128xbf16, #tpu.memory_space<vmem>>, vector<1x32xbf16>,
    %swap3A_49 = arith.constant 2 : i32
    %swap3A_50 = arith.index_cast %swap3A_49 : i32 to index
    %swap3A_51 = arith.constant 0 : index
    %swap3A_52 = tpu.vector_load %arg9[%swap3A_50, %swap3A_51] {strides = array<i32>} : memref<16x128xbf16, #tpu.memory_space<vmem>>, vector<1x32xbf16>,
    %swap3A_53 = vector.shape_cast %swap3A_52 : vector<1x32xbf16> to vector<32xbf16>
    %swap3A_54 = vector.shape_cast %broadcast_in_dim3A_1 : vector<32xbf16> to vector<1x32xbf16>
    tpu.vector_store %arg9[%swap3A_50, %swap3A_51], %swap3A_54 {strides = array<i32>} : memref<16x128xbf16, #tpu.memory_space<vmem>>, vector<1x32xbf16>,
    %swap3A_55 = arith.constant 2 : i32
    %swap3A_56 = arith.index_cast %swap3A_55 : i32 to index
    %swap3A_57 = arith.constant 32 : index
    %swap3A_58 = tpu.vector_load %arg9[%swap3A_56, %swap3A_57] {strides = array<i32>} : memref<16x128xbf16, #tpu.memory_space<vmem>>, vector<1x32xbf16>,
    %swap3A_59 = vector.shape_cast %swap3A_58 : vector<1x32xbf16> to vector<32xbf16>
    %swap3A_60 = vector.shape_cast %broadcast_in_dim3A_1 : vector<32xbf16> to vector<1x32xbf16>
    tpu.vector_store %arg9[%swap3A_56, %swap3A_57], %swap3A_60 {strides = array<i32>} : memref<16x128xbf16, #tpu.memory_space<vmem>>, vector<1x32xbf16>,
    %swap3A_61 = arith.constant 2 : i32
    %swap3A_62 = arith.index_cast %swap3A_61 : i32 to index
    %swap3A_63 = arith.constant 64 : index
    %swap3A_64 = tpu.vector_load %arg9[%swap3A_62, %swap3A_63] {strides = array<i32>} : memref<16x128xbf16, #tpu.memory_space<vmem>>, vector<1x32xbf16>,
    %swap3A_65 = vector.shape_cast %swap3A_64 : vector<1x32xbf16> to vector<32xbf16>
    %swap3A_66 = vector.shape_cast %broadcast_in_dim3A_1 : vector<32xbf16> to vector<1x32xbf16>
    tpu.vector_store %arg9[%swap3A_62, %swap3A_63], %swap3A_66 {strides = array<i32>} : memref<16x128xbf16, #tpu.memory_space<vmem>>, vector<1x32xbf16>,
    %swap3A_67 = arith.constant 2 : i32
    %swap3A_68 = arith.index_cast %swap3A_67 : i32 to index
    %swap3A_69 = arith.constant 96 : index
    %swap3A_70 = tpu.vector_load %arg9[%swap3A_68, %swap3A_69] {strides = array<i32>} : memref<16x128xbf16, #tpu.memory_space<vmem>>, vector<1x32xbf16>,
    %swap3A_71 = vector.shape_cast %swap3A_70 : vector<1x32xbf16> to vector<32xbf16>
    %swap3A_72 = vector.shape_cast %broadcast_in_dim3A_1 : vector<32xbf16> to vector<1x32xbf16>
    tpu.vector_store %arg9[%swap3A_68, %swap3A_69], %swap3A_72 {strides = array<i32>} : memref<16x128xbf16, #tpu.memory_space<vmem>>, vector<1x32xbf16>,
    %swap3A_73 = arith.constant 3 : i32
    %swap3A_74 = arith.index_cast %swap3A_73 : i32 to index
    %swap3A_75 = arith.constant 0 : index
    %swap3A_76 = tpu.vector_load %arg9[%swap3A_74, %swap3A_75] {strides = array<i32>} : memref<16x128xbf16, #tpu.memory_space<vmem>>, vector<1x32xbf16>,
    %swap3A_77 = vector.shape_cast %swap3A_76 : vector<1x32xbf16> to vector<32xbf16>
    %swap3A_78 = vector.shape_cast %broadcast_in_dim3A_1 : vector<32xbf16> to vector<1x32xbf16>
    tpu.vector_store %arg9[%swap3A_74, %swap3A_75], %swap3A_78 {strides = array<i32>} : memref<16x128xbf16, #tpu.memory_space<vmem>>, vector<1x32xbf16>,
    %swap3A_79 = arith.constant 3 : i32
    %swap3A_80 = arith.index_cast %swap3A_79 : i32 to index
    %swap3A_81 = arith.constant 32 : index
    %swap3A_82 = tpu.vector_load %arg9[%swap3A_80, %swap3A_81] {strides = array<i32>} : memref<16x128xbf16, #tpu.memory_space<vmem>>, vector<1x32xbf16>,
    %swap3A_83 = vector.shape_cast %swap3A_82 : vector<1x32xbf16> to vector<32xbf16>
    %swap3A_84 = vector.shape_cast %broadcast_in_dim3A_1 : vector<32xbf16> to vector<1x32xbf16>
    tpu.vector_store %arg9[%swap3A_80, %swap3A_81], %swap3A_84 {strides = array<i32>} : memref<16x128xbf16, #tpu.memory_space<vmem>>, vector<1x32xbf16>,
    %swap3A_85 = arith.constant 3 : i32
    %swap3A_86 = arith.index_cast %swap3A_85 : i32 to index
    %swap3A_87 = arith.constant 64 : index
    %swap3A_88 = tpu.vector_load %arg9[%swap3A_86, %swap3A_87] {strides = array<i32>} : memref<16x128xbf16, #tpu.memory_space<vmem>>, vector<1x32xbf16>,
    %swap3A_89 = vector.shape_cast %swap3A_88 : vector<1x32xbf16> to vector<32xbf16>
    %swap3A_90 = vector.shape_cast %broadcast_in_dim3A_1 : vector<32xbf16> to vector<1x32xbf16>
    tpu.vector_store %arg9[%swap3A_86, %swap3A_87], %swap3A_90 {strides = array<i32>} : memref<16x128xbf16, #tpu.memory_space<vmem>>, vector<1x32xbf16>,
    %swap3A_91 = arith.constant 3 : i32
    %swap3A_92 = arith.index_cast %swap3A_91 : i32 to index
    %swap3A_93 = arith.constant 96 : index
    %swap3A_94 = tpu.vector_load %arg9[%swap3A_92, %swap3A_93] {strides = array<i32>} : memref<16x128xbf16, #tpu.memory_space<vmem>>, vector<1x32xbf16>,
    %swap3A_95 = vector.shape_cast %swap3A_94 : vector<1x32xbf16> to vector<32xbf16>
    %swap3A_96 = vector.shape_cast %broadcast_in_dim3A_1 : vector<32xbf16> to vector<1x32xbf16>
    tpu.vector_store %arg9[%swap3A_92, %swap3A_93], %swap3A_96 {strides = array<i32>} : memref<16x128xbf16, #tpu.memory_space<vmem>>, vector<1x32xbf16>,
    %swap3A_97 = arith.constant 4 : i32
    %swap3A_98 = arith.index_cast %swap3A_97 : i32 to index
    %swap3A_99 = arith.constant 0 : index
    %swap3A_100 = tpu.vector_load %arg9[%swap3A_98, %swap3A_99] {strides = array<i32>} : memref<16x128xbf16, #tpu.memory_space<vmem>>, vector<1x32xbf16>,
    %swap3A_101 = vector.shape_cast %swap3A_100 : vector<1x32xbf16> to vector<32xbf16>
    %swap3A_102 = vector.shape_cast %broadcast_in_dim3A_1 : vector<32xbf16> to vector<1x32xbf16>
    tpu.vector_store %arg9[%swap3A_98, %swap3A_99], %swap3A_102 {strides = array<i32>} : memref<16x128xbf16, #tpu.memory_space<vmem>>, vector<1x32xbf16>,
    %swap3A_103 = arith.constant 4 : i32
    %swap3A_104 = arith.index_cast %swap3A_103 : i32 to index
    %swap3A_105 = arith.constant 32 : index
    %swap3A_106 = tpu.vector_load %arg9[%swap3A_104, %swap3A_105] {strides = array<i32>} : memref<16x128xbf16, #tpu.memory_space<vmem>>, vector<1x32xbf16>,
    %swap3A_107 = vector.shape_cast %swap3A_106 : vector<1x32xbf16> to vector<32xbf16>
    %swap3A_108 = vector.shape_cast %broadcast_in_dim3A_1 : vector<32xbf16> to vector<1x32xbf16>
    tpu.vector_store %arg9[%swap3A_104, %swap3A_105], %swap3A_108 {strides = array<i32>} : memref<16x128xbf16, #tpu.memory_space<vmem>>, vector<1x32xbf16>,
    %swap3A_109 = arith.constant 4 : i32
    %swap3A_110 = arith.index_cast %swap3A_109 : i32 to index
    %swap3A_111 = arith.constant 64 : index
    %swap3A_112 = tpu.vector_load %arg9[%swap3A_110, %swap3A_111] {strides = array<i32>} : memref<16x128xbf16, #tpu.memory_space<vmem>>, vector<1x32xbf16>,
    %swap3A_113 = vector.shape_cast %swap3A_112 : vector<1x32xbf16> to vector<32xbf16>
    %swap3A_114 = vector.shape_cast %broadcast_in_dim3A_1 : vector<32xbf16> to vector<1x32xbf16>
    tpu.vector_store %arg9[%swap3A_110, %swap3A_111], %swap3A_114 {strides = array<i32>} : memref<16x128xbf16, #tpu.memory_space<vmem>>, vector<1x32xbf16>,
    %swap3A_115 = arith.constant 4 : i32
    %swap3A_116 = arith.index_cast %swap3A_115 : i32 to index
    %swap3A_117 = arith.constant 96 : index
    %swap3A_118 = tpu.vector_load %arg9[%swap3A_116, %swap3A_117] {strides = array<i32>} : memref<16x128xbf16, #tpu.memory_space<vmem>>, vector<1x32xbf16>,
    %swap3A_119 = vector.shape_cast %swap3A_118 : vector<1x32xbf16> to vector<32xbf16>
    %swap3A_120 = vector.shape_cast %broadcast_in_dim3A_1 : vector<32xbf16> to vector<1x32xbf16>
    tpu.vector_store %arg9[%swap3A_116, %swap3A_117], %swap3A_120 {strides = array<i32>} : memref<16x128xbf16, #tpu.memory_space<vmem>>, vector<1x32xbf16>,
    %swap3A_121 = arith.constant 5 : i32
    %swap3A_122 = arith.index_cast %swap3A_121 : i32 to index
    %swap3A_123 = arith.constant 0 : index
    %swap3A_124 = tpu.vector_load %arg9[%swap3A_122, %swap3A_123] {strides = array<i32>} : memref<16x128xbf16, #tpu.memory_space<vmem>>, vector<1x32xbf16>,
    %swap3A_125 = vector.shape_cast %swap3A_124 : vector<1x32xbf16> to vector<32xbf16>
    %swap3A_126 = vector.shape_cast %broadcast_in_dim3A_1 : vector<32xbf16> to vector<1x32xbf16>
    tpu.vector_store %arg9[%swap3A_122, %swap3A_123], %swap3A_126 {strides = array<i32>} : memref<16x128xbf16, #tpu.memory_space<vmem>>, vector<1x32xbf16>,
    %swap3A_127 = arith.constant 5 : i32
    %swap3A_128 = arith.index_cast %swap3A_127 : i32 to index
    %swap3A_129 = arith.constant 32 : index
    %swap3A_130 = tpu.vector_load %arg9[%swap3A_128, %swap3A_129] {strides = array<i32>} : memref<16x128xbf16, #tpu.memory_space<vmem>>, vector<1x32xbf16>,
    %swap3A_131 = vector.shape_cast %swap3A_130 : vector<1x32xbf16> to vector<32xbf16>
    %swap3A_132 = vector.shape_cast %broadcast_in_dim3A_1 : vector<32xbf16> to vector<1x32xbf16>
    tpu.vector_store %arg9[%swap3A_128, %swap3A_129], %swap3A_132 {strides = array<i32>} : memref<16x128xbf16, #tpu.memory_space<vmem>>, vector<1x32xbf16>,
    %swap3A_133 = arith.constant 5 : i32
    %swap3A_134 = arith.index_cast %swap3A_133 : i32 to index
    %swap3A_135 = arith.constant 64 : index
    %swap3A_136 = tpu.vector_load %arg9[%swap3A_134, %swap3A_135] {strides = array<i32>} : memref<16x128xbf16, #tpu.memory_space<vmem>>, vector<1x32xbf16>,
    %swap3A_137 = vector.shape_cast %swap3A_136 : vector<1x32xbf16> to vector<32xbf16>
    %swap3A_138 = vector.shape_cast %broadcast_in_dim3A_1 : vector<32xbf16> to vector<1x32xbf16>
    tpu.vector_store %arg9[%swap3A_134, %swap3A_135], %swap3A_138 {strides = array<i32>} : memref<16x128xbf16, #tpu.memory_space<vmem>>, vector<1x32xbf16>,
    %swap3A_139 = arith.constant 5 : i32
    %swap3A_140 = arith.index_cast %swap3A_139 : i32 to index
    %swap3A_141 = arith.constant 96 : index
    %swap3A_142 = tpu.vector_load %arg9[%swap3A_140, %swap3A_141] {strides = array<i32>} : memref<16x128xbf16, #tpu.memory_space<vmem>>, vector<1x32xbf16>,
    %swap3A_143 = vector.shape_cast %swap3A_142 : vector<1x32xbf16> to vector<32xbf16>
    %swap3A_144 = vector.shape_cast %broadcast_in_dim3A_1 : vector<32xbf16> to vector<1x32xbf16>
    tpu.vector_store %arg9[%swap3A_140, %swap3A_141], %swap3A_144 {strides = array<i32>} : memref<16x128xbf16, #tpu.memory_space<vmem>>, vector<1x32xbf16>,
    %swap3A_145 = arith.constant 6 : i32
    %swap3A_146 = arith.index_cast %swap3A_145 : i32 to index
    %swap3A_147 = arith.constant 0 : index
    %swap3A_148 = tpu.vector_load %arg9[%swap3A_146, %swap3A_147] {strides = array<i32>} : memref<16x128xbf16, #tpu.memory_space<vmem>>, vector<1x32xbf16>,
    %swap3A_149 = vector.shape_cast %swap3A_148 : vector<1x32xbf16> to vector<32xbf16>
    %swap3A_150 = vector.shape_cast %broadcast_in_dim3A_1 : vector<32xbf16> to vector<1x32xbf16>
    tpu.vector_store %arg9[%swap3A_146, %swap3A_147], %swap3A_150 {strides = array<i32>} : memref<16x128xbf16, #tpu.memory_space<vmem>>, vector<1x32xbf16>,
    %swap3A_151 = arith.constant 6 : i32
    %swap3A_152 = arith.index_cast %swap3A_151 : i32 to index
    %swap3A_153 = arith.constant 32 : index
    %swap3A_154 = tpu.vector_load %arg9[%swap3A_152, %swap3A_153] {strides = array<i32>} : memref<16x128xbf16, #tpu.memory_space<vmem>>, vector<1x32xbf16>,
    %swap3A_155 = vector.shape_cast %swap3A_154 : vector<1x32xbf16> to vector<32xbf16>
    %swap3A_156 = vector.shape_cast %broadcast_in_dim3A_1 : vector<32xbf16> to vector<1x32xbf16>
    tpu.vector_store %arg9[%swap3A_152, %swap3A_153], %swap3A_156 {strides = array<i32>} : memref<16x128xbf16, #tpu.memory_space<vmem>>, vector<1x32xbf16>,
    %swap3A_157 = arith.constant 6 : i32
    %swap3A_158 = arith.index_cast %swap3A_157 : i32 to index
    %swap3A_159 = arith.constant 64 : index
    %swap3A_160 = tpu.vector_load %arg9[%swap3A_158, %swap3A_159] {strides = array<i32>} : memref<16x128xbf16, #tpu.memory_space<vmem>>, vector<1x32xbf16>,
    %swap3A_161 = vector.shape_cast %swap3A_160 : vector<1x32xbf16> to vector<32xbf16>
    %swap3A_162 = vector.shape_cast %broadcast_in_dim3A_1 : vector<32xbf16> to vector<1x32xbf16>
    tpu.vector_store %arg9[%swap3A_158, %swap3A_159], %swap3A_162 {strides = array<i32>} : memref<16x128xbf16, #tpu.memory_space<vmem>>, vector<1x32xbf16>,
    %swap3A_163 = arith.constant 6 : i32
    %swap3A_164 = arith.index_cast %swap3A_163 : i32 to index
    %swap3A_165 = arith.constant 96 : index
    %swap3A_166 = tpu.vector_load %arg9[%swap3A_164, %swap3A_165] {strides = array<i32>} : memref<16x128xbf16, #tpu.memory_space<vmem>>, vector<1x32xbf16>,
    %swap3A_167 = vector.shape_cast %swap3A_166 : vector<1x32xbf16> to vector<32xbf16>
    %swap3A_168 = vector.shape_cast %broadcast_in_dim3A_1 : vector<32xbf16> to vector<1x32xbf16>
    tpu.vector_store %arg9[%swap3A_164, %swap3A_165], %swap3A_168 {strides = array<i32>} : memref<16x128xbf16, #tpu.memory_space<vmem>>, vector<1x32xbf16>,
    %swap3A_169 = arith.constant 7 : i32
    %swap3A_170 = arith.index_cast %swap3A_169 : i32 to index
    %swap3A_171 = arith.constant 0 : index
    %swap3A_172 = tpu.vector_load %arg9[%swap3A_170, %swap3A_171] {strides = array<i32>} : memref<16x128xbf16, #tpu.memory_space<vmem>>, vector<1x32xbf16>,
    %swap3A_173 = vector.shape_cast %swap3A_172 : vector<1x32xbf16> to vector<32xbf16>
    %swap3A_174 = vector.shape_cast %broadcast_in_dim3A_1 : vector<32xbf16> to vector<1x32xbf16>
    tpu.vector_store %arg9[%swap3A_170, %swap3A_171], %swap3A_174 {strides = array<i32>} : memref<16x128xbf16, #tpu.memory_space<vmem>>, vector<1x32xbf16>,
    %swap3A_175 = arith.constant 7 : i32
    %swap3A_176 = arith.index_cast %swap3A_175 : i32 to index
    %swap3A_177 = arith.constant 32 : index
    %swap3A_178 = tpu.vector_load %arg9[%swap3A_176, %swap3A_177] {strides = array<i32>} : memref<16x128xbf16, #tpu.memory_space<vmem>>, vector<1x32xbf16>,
    %swap3A_179 = vector.shape_cast %swap3A_178 : vector<1x32xbf16> to vector<32xbf16>
    %swap3A_180 = vector.shape_cast %broadcast_in_dim3A_1 : vector<32xbf16> to vector<1x32xbf16>
    tpu.vector_store %arg9[%swap3A_176, %swap3A_177], %swap3A_180 {strides = array<i32>} : memref<16x128xbf16, #tpu.memory_space<vmem>>, vector<1x32xbf16>,
    %swap3A_181 = arith.constant 7 : i32
    %swap3A_182 = arith.index_cast %swap3A_181 : i32 to index
    %swap3A_183 = arith.constant 64 : index
    %swap3A_184 = tpu.vector_load %arg9[%swap3A_182, %swap3A_183] {strides = array<i32>} : memref<16x128xbf16, #tpu.memory_space<vmem>>, vector<1x32xbf16>,
    %swap3A_185 = vector.shape_cast %swap3A_184 : vector<1x32xbf16> to vector<32xbf16>
    %swap3A_186 = vector.shape_cast %broadcast_in_dim3A_1 : vector<32xbf16> to vector<1x32xbf16>
    tpu.vector_store %arg9[%swap3A_182, %swap3A_183], %swap3A_186 {strides = array<i32>} : memref<16x128xbf16, #tpu.memory_space<vmem>>, vector<1x32xbf16>,
    %swap3A_187 = arith.constant 7 : i32
    %swap3A_188 = arith.index_cast %swap3A_187 : i32 to index
    %swap3A_189 = arith.constant 96 : index
    %swap3A_190 = tpu.vector_load %arg9[%swap3A_188, %swap3A_189] {strides = array<i32>} : memref<16x128xbf16, #tpu.memory_space<vmem>>, vector<1x32xbf16>,
    %swap3A_191 = vector.shape_cast %swap3A_190 : vector<1x32xbf16> to vector<32xbf16>
    %swap3A_192 = vector.shape_cast %broadcast_in_dim3A_1 : vector<32xbf16> to vector<1x32xbf16>
    tpu.vector_store %arg9[%swap3A_188, %swap3A_189], %swap3A_192 {strides = array<i32>} : memref<16x128xbf16, #tpu.memory_space<vmem>>, vector<1x32xbf16>,
    %swap3A_193 = arith.constant 8 : i32
    %swap3A_194 = arith.index_cast %swap3A_193 : i32 to index
    %swap3A_195 = arith.constant 0 : index
    %swap3A_196 = tpu.vector_load %arg9[%swap3A_194, %swap3A_195] {strides = array<i32>} : memref<16x128xbf16, #tpu.memory_space<vmem>>, vector<1x32xbf16>,
    %swap3A_197 = vector.shape_cast %swap3A_196 : vector<1x32xbf16> to vector<32xbf16>
    %swap3A_198 = vector.shape_cast %broadcast_in_dim3A_1 : vector<32xbf16> to vector<1x32xbf16>
    tpu.vector_store %arg9[%swap3A_194, %swap3A_195], %swap3A_198 {strides = array<i32>} : memref<16x128xbf16, #tpu.memory_space<vmem>>, vector<1x32xbf16>,
    %swap3A_199 = arith.constant 8 : i32
    %swap3A_200 = arith.index_cast %swap3A_199 : i32 to index
    %swap3A_201 = arith.constant 32 : index
    %swap3A_202 = tpu.vector_load %arg9[%swap3A_200, %swap3A_201] {strides = array<i32>} : memref<16x128xbf16, #tpu.memory_space<vmem>>, vector<1x32xbf16>,
    %swap3A_203 = vector.shape_cast %swap3A_202 : vector<1x32xbf16> to vector<32xbf16>
    %swap3A_204 = vector.shape_cast %broadcast_in_dim3A_1 : vector<32xbf16> to vector<1x32xbf16>
    tpu.vector_store %arg9[%swap3A_200, %swap3A_201], %swap3A_204 {strides = array<i32>} : memref<16x128xbf16, #tpu.memory_space<vmem>>, vector<1x32xbf16>,
    %swap3A_205 = arith.constant 8 : i32
    %swap3A_206 = arith.index_cast %swap3A_205 : i32 to index
    %swap3A_207 = arith.constant 64 : index
    %swap3A_208 = tpu.vector_load %arg9[%swap3A_206, %swap3A_207] {strides = array<i32>} : memref<16x128xbf16, #tpu.memory_space<vmem>>, vector<1x32xbf16>,
    %swap3A_209 = vector.shape_cast %swap3A_208 : vector<1x32xbf16> to vector<32xbf16>
    %swap3A_210 = vector.shape_cast %broadcast_in_dim3A_1 : vector<32xbf16> to vector<1x32xbf16>
    tpu.vector_store %arg9[%swap3A_206, %swap3A_207], %swap3A_210 {strides = array<i32>} : memref<16x128xbf16, #tpu.memory_space<vmem>>, vector<1x32xbf16>,
    %swap3A_211 = arith.constant 8 : i32
    %swap3A_212 = arith.index_cast %swap3A_211 : i32 to index
    %swap3A_213 = arith.constant 96 : index
    %swap3A_214 = tpu.vector_load %arg9[%swap3A_212, %swap3A_213] {strides = array<i32>} : memref<16x128xbf16, #tpu.memory_space<vmem>>, vector<1x32xbf16>,
    %swap3A_215 = vector.shape_cast %swap3A_214 : vector<1x32xbf16> to vector<32xbf16>
    %swap3A_216 = vector.shape_cast %broadcast_in_dim3A_1 : vector<32xbf16> to vector<1x32xbf16>
    tpu.vector_store %arg9[%swap3A_212, %swap3A_213], %swap3A_216 {strides = array<i32>} : memref<16x128xbf16, #tpu.memory_space<vmem>>, vector<1x32xbf16>,
    %swap3A_217 = arith.constant 9 : i32
    %swap3A_218 = arith.index_cast %swap3A_217 : i32 to index
    %swap3A_219 = arith.constant 0 : index
    %swap3A_220 = tpu.vector_load %arg9[%swap3A_218, %swap3A_219] {strides = array<i32>} : memref<16x128xbf16, #tpu.memory_space<vmem>>, vector<1x32xbf16>,
    %swap3A_221 = vector.shape_cast %swap3A_220 : vector<1x32xbf16> to vector<32xbf16>
    %swap3A_222 = vector.shape_cast %broadcast_in_dim3A_1 : vector<32xbf16> to vector<1x32xbf16>
    tpu.vector_store %arg9[%swap3A_218, %swap3A_219], %swap3A_222 {strides = array<i32>} : memref<16x128xbf16, #tpu.memory_space<vmem>>, vector<1x32xbf16>,
    %swap3A_223 = arith.constant 9 : i32
    %swap3A_224 = arith.index_cast %swap3A_223 : i32 to index
    %swap3A_225 = arith.constant 32 : index
    %swap3A_226 = tpu.vector_load %arg9[%swap3A_224, %swap3A_225] {strides = array<i32>} : memref<16x128xbf16, #tpu.memory_space<vmem>>, vector<1x32xbf16>,
    %swap3A_227 = vector.shape_cast %swap3A_226 : vector<1x32xbf16> to vector<32xbf16>
    %swap3A_228 = vector.shape_cast %broadcast_in_dim3A_1 : vector<32xbf16> to vector<1x32xbf16>
    tpu.vector_store %arg9[%swap3A_224, %swap3A_225], %swap3A_228 {strides = array<i32>} : memref<16x128xbf16, #tpu.memory_space<vmem>>, vector<1x32xbf16>,
    %swap3A_229 = arith.constant 9 : i32
    %swap3A_230 = arith.index_cast %swap3A_229 : i32 to index
    %swap3A_231 = arith.constant 64 : index
    %swap3A_232 = tpu.vector_load %arg9[%swap3A_230, %swap3A_231] {strides = array<i32>} : memref<16x128xbf16, #tpu.memory_space<vmem>>, vector<1x32xbf16>,
    %swap3A_233 = vector.shape_cast %swap3A_232 : vector<1x32xbf16> to vector<32xbf16>
    %swap3A_234 = vector.shape_cast %broadcast_in_dim3A_1 : vector<32xbf16> to vector<1x32xbf16>
    tpu.vector_store %arg9[%swap3A_230, %swap3A_231], %swap3A_234 {strides = array<i32>} : memref<16x128xbf16, #tpu.memory_space<vmem>>, vector<1x32xbf16>,
    %swap3A_235 = arith.constant 9 : i32
    %swap3A_236 = arith.index_cast %swap3A_235 : i32 to index
    %swap3A_237 = arith.constant 96 : index
    %swap3A_238 = tpu.vector_load %arg9[%swap3A_236, %swap3A_237] {strides = array<i32>} : memref<16x128xbf16, #tpu.memory_space<vmem>>, vector<1x32xbf16>,
    %swap3A_239 = vector.shape_cast %swap3A_238 : vector<1x32xbf16> to vector<32xbf16>
    %swap3A_240 = vector.shape_cast %broadcast_in_dim3A_1 : vector<32xbf16> to vector<1x32xbf16>
    tpu.vector_store %arg9[%swap3A_236, %swap3A_237], %swap3A_240 {strides = array<i32>} : memref<16x128xbf16, #tpu.memory_space<vmem>>, vector<1x32xbf16>,
    %swap3A_241 = arith.constant 10 : i32
    %swap3A_242 = arith.index_cast %swap3A_241 : i32 to index
    %swap3A_243 = arith.constant 0 : index
    %swap3A_244 = tpu.vector_load %arg9[%swap3A_242, %swap3A_243] {strides = array<i32>} : memref<16x128xbf16, #tpu.memory_space<vmem>>, vector<1x32xbf16>,
    %swap3A_245 = vector.shape_cast %swap3A_244 : vector<1x32xbf16> to vector<32xbf16>
    %swap3A_246 = vector.shape_cast %broadcast_in_dim3A_1 : vector<32xbf16> to vector<1x32xbf16>
    tpu.vector_store %arg9[%swap3A_242, %swap3A_243], %swap3A_246 {strides = array<i32>} : memref<16x128xbf16, #tpu.memory_space<vmem>>, vector<1x32xbf16>,
    %swap3A_247 = arith.constant 10 : i32
    %swap3A_248 = arith.index_cast %swap3A_247 : i32 to index
    %swap3A_249 = arith.constant 32 : index
    %swap3A_250 = tpu.vector_load %arg9[%swap3A_248, %swap3A_249] {strides = array<i32>} : memref<16x128xbf16, #tpu.memory_space<vmem>>, vector<1x32xbf16>,
    %swap3A_251 = vector.shape_cast %swap3A_250 : vector<1x32xbf16> to vector<32xbf16>
    %swap3A_252 = vector.shape_cast %broadcast_in_dim3A_1 : vector<32xbf16> to vector<1x32xbf16>
    tpu.vector_store %arg9[%swap3A_248, %swap3A_249], %swap3A_252 {strides = array<i32>} : memref<16x128xbf16, #tpu.memory_space<vmem>>, vector<1x32xbf16>,
    %swap3A_253 = arith.constant 10 : i32
    %swap3A_254 = arith.index_cast %swap3A_253 : i32 to index
    %swap3A_255 = arith.constant 64 : index
    %swap3A_256 = tpu.vector_load %arg9[%swap3A_254, %swap3A_255] {strides = array<i32>} : memref<16x128xbf16, #tpu.memory_space<vmem>>, vector<1x32xbf16>,
    %swap3A_257 = vector.shape_cast %swap3A_256 : vector<1x32xbf16> to vector<32xbf16>
    %swap3A_258 = vector.shape_cast %broadcast_in_dim3A_1 : vector<32xbf16> to vector<1x32xbf16>
    tpu.vector_store %arg9[%swap3A_254, %swap3A_255], %swap3A_258 {strides = array<i32>} : memref<16x128xbf16, #tpu.memory_space<vmem>>, vector<1x32xbf16>,
    %swap3A_259 = arith.constant 10 : i32
    %swap3A_260 = arith.index_cast %swap3A_259 : i32 to index
    %swap3A_261 = arith.constant 96 : index
    %swap3A_262 = tpu.vector_load %arg9[%swap3A_260, %swap3A_261] {strides = array<i32>} : memref<16x128xbf16, #tpu.memory_space<vmem>>, vector<1x32xbf16>,
    %swap3A_263 = vector.shape_cast %swap3A_262 : vector<1x32xbf16> to vector<32xbf16>
    %swap3A_264 = vector.shape_cast %broadcast_in_dim3A_1 : vector<32xbf16> to vector<1x32xbf16>
    tpu.vector_store %arg9[%swap3A_260, %swap3A_261], %swap3A_264 {strides = array<i32>} : memref<16x128xbf16, #tpu.memory_space<vmem>>, vector<1x32xbf16>,
    %swap3A_265 = arith.constant 11 : i32
    %swap3A_266 = arith.index_cast %swap3A_265 : i32 to index
    %swap3A_267 = arith.constant 0 : index
    %swap3A_268 = tpu.vector_load %arg9[%swap3A_266, %swap3A_267] {strides = array<i32>} : memref<16x128xbf16, #tpu.memory_space<vmem>>, vector<1x32xbf16>,
    %swap3A_269 = vector.shape_cast %swap3A_268 : vector<1x32xbf16> to vector<32xbf16>
    %swap3A_270 = vector.shape_cast %broadcast_in_dim3A_1 : vector<32xbf16> to vector<1x32xbf16>
    tpu.vector_store %arg9[%swap3A_266, %swap3A_267], %swap3A_270 {strides = array<i32>} : memref<16x128xbf16, #tpu.memory_space<vmem>>, vector<1x32xbf16>,
    %swap3A_271 = arith.constant 11 : i32
    %swap3A_272 = arith.index_cast %swap3A_271 : i32 to index
    %swap3A_273 = arith.constant 32 : index
    %swap3A_274 = tpu.vector_load %arg9[%swap3A_272, %swap3A_273] {strides = array<i32>} : memref<16x128xbf16, #tpu.memory_space<vmem>>, vector<1x32xbf16>,
    %swap3A_275 = vector.shape_cast %swap3A_274 : vector<1x32xbf16> to vector<32xbf16>
    %swap3A_276 = vector.shape_cast %broadcast_in_dim3A_1 : vector<32xbf16> to vector<1x32xbf16>
    tpu.vector_store %arg9[%swap3A_272, %swap3A_273], %swap3A_276 {strides = array<i32>} : memref<16x128xbf16, #tpu.memory_space<vmem>>, vector<1x32xbf16>,
    %swap3A_277 = arith.constant 11 : i32
    %swap3A_278 = arith.index_cast %swap3A_277 : i32 to index
    %swap3A_279 = arith.constant 64 : index
    %swap3A_280 = tpu.vector_load %arg9[%swap3A_278, %swap3A_279] {strides = array<i32>} : memref<16x128xbf16, #tpu.memory_space<vmem>>, vector<1x32xbf16>,
    %swap3A_281 = vector.shape_cast %swap3A_280 : vector<1x32xbf16> to vector<32xbf16>
    %swap3A_282 = vector.shape_cast %broadcast_in_dim3A_1 : vector<32xbf16> to vector<1x32xbf16>
    tpu.vector_store %arg9[%swap3A_278, %swap3A_279], %swap3A_282 {strides = array<i32>} : memref<16x128xbf16, #tpu.memory_space<vmem>>, vector<1x32xbf16>,
    %swap3A_283 = arith.constant 11 : i32
    %swap3A_284 = arith.index_cast %swap3A_283 : i32 to index
    %swap3A_285 = arith.constant 96 : index
    %swap3A_286 = tpu.vector_load %arg9[%swap3A_284, %swap3A_285] {strides = array<i32>} : memref<16x128xbf16, #tpu.memory_space<vmem>>, vector<1x32xbf16>,
    %swap3A_287 = vector.shape_cast %swap3A_286 : vector<1x32xbf16> to vector<32xbf16>
    %swap3A_288 = vector.shape_cast %broadcast_in_dim3A_1 : vector<32xbf16> to vector<1x32xbf16>
    tpu.vector_store %arg9[%swap3A_284, %swap3A_285], %swap3A_288 {strides = array<i32>} : memref<16x128xbf16, #tpu.memory_space<vmem>>, vector<1x32xbf16>,
    %swap3A_289 = arith.constant 12 : i32
    %swap3A_290 = arith.index_cast %swap3A_289 : i32 to index
    %swap3A_291 = arith.constant 0 : index
    %swap3A_292 = tpu.vector_load %arg9[%swap3A_290, %swap3A_291] {strides = array<i32>} : memref<16x128xbf16, #tpu.memory_space<vmem>>, vector<1x32xbf16>,
    %swap3A_293 = vector.shape_cast %swap3A_292 : vector<1x32xbf16> to vector<32xbf16>
    %swap3A_294 = vector.shape_cast %broadcast_in_dim3A_1 : vector<32xbf16> to vector<1x32xbf16>
    tpu.vector_store %arg9[%swap3A_290, %swap3A_291], %swap3A_294 {strides = array<i32>} : memref<16x128xbf16, #tpu.memory_space<vmem>>, vector<1x32xbf16>,
    %swap3A_295 = arith.constant 12 : i32
    %swap3A_296 = arith.index_cast %swap3A_295 : i32 to index
    %swap3A_297 = arith.constant 32 : index
    %swap3A_298 = tpu.vector_load %arg9[%swap3A_296, %swap3A_297] {strides = array<i32>} : memref<16x128xbf16, #tpu.memory_space<vmem>>, vector<1x32xbf16>,
    %swap3A_299 = vector.shape_cast %swap3A_298 : vector<1x32xbf16> to vector<32xbf16>
    %swap3A_300 = vector.shape_cast %broadcast_in_dim3A_1 : vector<32xbf16> to vector<1x32xbf16>
    tpu.vector_store %arg9[%swap3A_296, %swap3A_297], %swap3A_300 {strides = array<i32>} : memref<16x128xbf16, #tpu.memory_space<vmem>>, vector<1x32xbf16>,
    %swap3A_301 = arith.constant 12 : i32
    %swap3A_302 = arith.index_cast %swap3A_301 : i32 to index
    %swap3A_303 = arith.constant 64 : index
    %swap3A_304 = tpu.vector_load %arg9[%swap3A_302, %swap3A_303] {strides = array<i32>} : memref<16x128xbf16, #tpu.memory_space<vmem>>, vector<1x32xbf16>,
    %swap3A_305 = vector.shape_cast %swap3A_304 : vector<1x32xbf16> to vector<32xbf16>
    %swap3A_306 = vector.shape_cast %broadcast_in_dim3A_1 : vector<32xbf16> to vector<1x32xbf16>
    tpu.vector_store %arg9[%swap3A_302, %swap3A_303], %swap3A_306 {strides = array<i32>} : memref<16x128xbf16, #tpu.memory_space<vmem>>, vector<1x32xbf16>,
    %swap3A_307 = arith.constant 12 : i32
    %swap3A_308 = arith.index_cast %swap3A_307 : i32 to index
    %swap3A_309 = arith.constant 96 : index
    %swap3A_310 = tpu.vector_load %arg9[%swap3A_308, %swap3A_309] {strides = array<i32>} : memref<16x128xbf16, #tpu.memory_space<vmem>>, vector<1x32xbf16>,
    %swap3A_311 = vector.shape_cast %swap3A_310 : vector<1x32xbf16> to vector<32xbf16>
    %swap3A_312 = vector.shape_cast %broadcast_in_dim3A_1 : vector<32xbf16> to vector<1x32xbf16>
    tpu.vector_store %arg9[%swap3A_308, %swap3A_309], %swap3A_312 {strides = array<i32>} : memref<16x128xbf16, #tpu.memory_space<vmem>>, vector<1x32xbf16>,
    %swap3A_313 = arith.constant 13 : i32
    %swap3A_314 = arith.index_cast %swap3A_313 : i32 to index
    %swap3A_315 = arith.constant 0 : index
    %swap3A_316 = tpu.vector_load %arg9[%swap3A_314, %swap3A_315] {strides = array<i32>} : memref<16x128xbf16, #tpu.memory_space<vmem>>, vector<1x32xbf16>,
    %swap3A_317 = vector.shape_cast %swap3A_316 : vector<1x32xbf16> to vector<32xbf16>
    %swap3A_318 = vector.shape_cast %broadcast_in_dim3A_1 : vector<32xbf16> to vector<1x32xbf16>
    tpu.vector_store %arg9[%swap3A_314, %swap3A_315], %swap3A_318 {strides = array<i32>} : memref<16x128xbf16, #tpu.memory_space<vmem>>, vector<1x32xbf16>,
    %swap3A_319 = arith.constant 13 : i32
    %swap3A_320 = arith.index_cast %swap3A_319 : i32 to index
    %swap3A_321 = arith.constant 32 : index
    %swap3A_322 = tpu.vector_load %arg9[%swap3A_320, %swap3A_321] {strides = array<i32>} : memref<16x128xbf16, #tpu.memory_space<vmem>>, vector<1x32xbf16>,
    %swap3A_323 = vector.shape_cast %swap3A_322 : vector<1x32xbf16> to vector<32xbf16>
    %swap3A_324 = vector.shape_cast %broadcast_in_dim3A_1 : vector<32xbf16> to vector<1x32xbf16>
    tpu.vector_store %arg9[%swap3A_320, %swap3A_321], %swap3A_324 {strides = array<i32>} : memref<16x128xbf16, #tpu.memory_space<vmem>>, vector<1x32xbf16>,
    %swap3A_325 = arith.constant 13 : i32
    %swap3A_326 = arith.index_cast %swap3A_325 : i32 to index
    %swap3A_327 = arith.constant 64 : index
    %swap3A_328 = tpu.vector_load %arg9[%swap3A_326, %swap3A_327] {strides = array<i32>} : memref<16x128xbf16, #tpu.memory_space<vmem>>, vector<1x32xbf16>,
    %swap3A_329 = vector.shape_cast %swap3A_328 : vector<1x32xbf16> to vector<32xbf16>
    %swap3A_330 = vector.shape_cast %broadcast_in_dim3A_1 : vector<32xbf16> to vector<1x32xbf16>
    tpu.vector_store %arg9[%swap3A_326, %swap3A_327], %swap3A_330 {strides = array<i32>} : memref<16x128xbf16, #tpu.memory_space<vmem>>, vector<1x32xbf16>,
    %swap3A_331 = arith.constant 13 : i32
    %swap3A_332 = arith.index_cast %swap3A_331 : i32 to index
    %swap3A_333 = arith.constant 96 : index
    %swap3A_334 = tpu.vector_load %arg9[%swap3A_332, %swap3A_333] {strides = array<i32>} : memref<16x128xbf16, #tpu.memory_space<vmem>>, vector<1x32xbf16>,
    %swap3A_335 = vector.shape_cast %swap3A_334 : vector<1x32xbf16> to vector<32xbf16>
    %swap3A_336 = vector.shape_cast %broadcast_in_dim3A_1 : vector<32xbf16> to vector<1x32xbf16>
    tpu.vector_store %arg9[%swap3A_332, %swap3A_333], %swap3A_336 {strides = array<i32>} : memref<16x128xbf16, #tpu.memory_space<vmem>>, vector<1x32xbf16>,
    %swap3A_337 = arith.constant 14 : i32
    %swap3A_338 = arith.index_cast %swap3A_337 : i32 to index
    %swap3A_339 = arith.constant 0 : index
    %swap3A_340 = tpu.vector_load %arg9[%swap3A_338, %swap3A_339] {strides = array<i32>} : memref<16x128xbf16, #tpu.memory_space<vmem>>, vector<1x32xbf16>,
    %swap3A_341 = vector.shape_cast %swap3A_340 : vector<1x32xbf16> to vector<32xbf16>
    %swap3A_342 = vector.shape_cast %broadcast_in_dim3A_1 : vector<32xbf16> to vector<1x32xbf16>
    tpu.vector_store %arg9[%swap3A_338, %swap3A_339], %swap3A_342 {strides = array<i32>} : memref<16x128xbf16, #tpu.memory_space<vmem>>, vector<1x32xbf16>,
    %swap3A_343 = arith.constant 14 : i32
    %swap3A_344 = arith.index_cast %swap3A_343 : i32 to index
    %swap3A_345 = arith.constant 32 : index
    %swap3A_346 = tpu.vector_load %arg9[%swap3A_344, %swap3A_345] {strides = array<i32>} : memref<16x128xbf16, #tpu.memory_space<vmem>>, vector<1x32xbf16>,
    %swap3A_347 = vector.shape_cast %swap3A_346 : vector<1x32xbf16> to vector<32xbf16>
    %swap3A_348 = vector.shape_cast %broadcast_in_dim3A_1 : vector<32xbf16> to vector<1x32xbf16>
    tpu.vector_store %arg9[%swap3A_344, %swap3A_345], %swap3A_348 {strides = array<i32>} : memref<16x128xbf16, #tpu.memory_space<vmem>>, vector<1x32xbf16>,
    %swap3A_349 = arith.constant 14 : i32
    %swap3A_350 = arith.index_cast %swap3A_349 : i32 to index
    %swap3A_351 = arith.constant 64 : index
    %swap3A_352 = tpu.vector_load %arg9[%swap3A_350, %swap3A_351] {strides = array<i32>} : memref<16x128xbf16, #tpu.memory_space<vmem>>, vector<1x32xbf16>,
    %swap3A_353 = vector.shape_cast %swap3A_352 : vector<1x32xbf16> to vector<32xbf16>
    %swap3A_354 = vector.shape_cast %broadcast_in_dim3A_1 : vector<32xbf16> to vector<1x32xbf16>
    tpu.vector_store %arg9[%swap3A_350, %swap3A_351], %swap3A_354 {strides = array<i32>} : memref<16x128xbf16, #tpu.memory_space<vmem>>, vector<1x32xbf16>,
    %swap3A_355 = arith.constant 14 : i32
    %swap3A_356 = arith.index_cast %swap3A_355 : i32 to index
    %swap3A_357 = arith.constant 96 : index
    %swap3A_358 = tpu.vector_load %arg9[%swap3A_356, %swap3A_357] {strides = array<i32>} : memref<16x128xbf16, #tpu.memory_space<vmem>>, vector<1x32xbf16>,
    %swap3A_359 = vector.shape_cast %swap3A_358 : vector<1x32xbf16> to vector<32xbf16>
    %swap3A_360 = vector.shape_cast %broadcast_in_dim3A_1 : vector<32xbf16> to vector<1x32xbf16>
    tpu.vector_store %arg9[%swap3A_356, %swap3A_357], %swap3A_360 {strides = array<i32>} : memref<16x128xbf16, #tpu.memory_space<vmem>>, vector<1x32xbf16>,
    %swap3A_361 = arith.constant 15 : i32
    %swap3A_362 = arith.index_cast %swap3A_361 : i32 to index
    %swap3A_363 = arith.constant 0 : index
    %swap3A_364 = tpu.vector_load %arg9[%swap3A_362, %swap3A_363] {strides = array<i32>} : memref<16x128xbf16, #tpu.memory_space<vmem>>, vector<1x32xbf16>,
    %swap3A_365 = vector.shape_cast %swap3A_364 : vector<1x32xbf16> to vector<32xbf16>
    %swap3A_366 = vector.shape_cast %broadcast_in_dim3A_1 : vector<32xbf16> to vector<1x32xbf16>
    tpu.vector_store %arg9[%swap3A_362, %swap3A_363], %swap3A_366 {strides = array<i32>} : memref<16x128xbf16, #tpu.memory_space<vmem>>, vector<1x32xbf16>,
    %swap3A_367 = arith.constant 15 : i32
    %swap3A_368 = arith.index_cast %swap3A_367 : i32 to index
    %swap3A_369 = arith.constant 32 : index
    %swap3A_370 = tpu.vector_load %arg9[%swap3A_368, %swap3A_369] {strides = array<i32>} : memref<16x128xbf16, #tpu.memory_space<vmem>>, vector<1x32xbf16>,
    %swap3A_371 = vector.shape_cast %swap3A_370 : vector<1x32xbf16> to vector<32xbf16>
    %swap3A_372 = vector.shape_cast %broadcast_in_dim3A_1 : vector<32xbf16> to vector<1x32xbf16>
    tpu.vector_store %arg9[%swap3A_368, %swap3A_369], %swap3A_372 {strides = array<i32>} : memref<16x128xbf16, #tpu.memory_space<vmem>>, vector<1x32xbf16>,
    %swap3A_373 = arith.constant 15 : i32
    %swap3A_374 = arith.index_cast %swap3A_373 : i32 to index
    %swap3A_375 = arith.constant 64 : index
    %swap3A_376 = tpu.vector_load %arg9[%swap3A_374, %swap3A_375] {strides = array<i32>} : memref<16x128xbf16, #tpu.memory_space<vmem>>, vector<1x32xbf16>,
    %swap3A_377 = vector.shape_cast %swap3A_376 : vector<1x32xbf16> to vector<32xbf16>
    %swap3A_378 = vector.shape_cast %broadcast_in_dim3A_1 : vector<32xbf16> to vector<1x32xbf16>
    tpu.vector_store %arg9[%swap3A_374, %swap3A_375], %swap3A_378 {strides = array<i32>} : memref<16x128xbf16, #tpu.memory_space<vmem>>, vector<1x32xbf16>,
    %swap3A_379 = arith.constant 15 : i32
    %swap3A_380 = arith.index_cast %swap3A_379 : i32 to index
    %swap3A_381 = arith.constant 96 : index
    %swap3A_382 = tpu.vector_load %arg9[%swap3A_380, %swap3A_381] {strides = array<i32>} : memref<16x128xbf16, #tpu.memory_space<vmem>>, vector<1x32xbf16>,
    %swap3A_383 = vector.shape_cast %swap3A_382 : vector<1x32xbf16> to vector<32xbf16>
    %swap3A_384 = vector.shape_cast %broadcast_in_dim3A_1 : vector<32xbf16> to vector<1x32xbf16>
    tpu.vector_store %arg9[%swap3A_380, %swap3A_381], %swap3A_384 {strides = array<i32>} : memref<16x128xbf16, #tpu.memory_space<vmem>>, vector<1x32xbf16>,
    %scan3A = arith.constant 0 : i32
    %scan3A_385 = arith.constant 0 : i32
    %scan3A_386 = arith.constant 10 : i32
    %scan3A_387 = arith.addi %scan3A_385, %scan3A_386 : i32
    %scan3A_388 = arith.constant 1 : i32
    %scan3A_389 = scf.for %scan3A_412 = %scan3A_385 to %scan3A_387 step %scan3A_388 iter_args(%scan3A_413 = %scan3A) -> (i32)  : i32 {
      %mul3A_414 = arith.constant 40 : i32
      %mul3A_415 = arith.muli %arg1, %mul3A_414 : i32
      %mul3A_416 = arith.constant 4 : i32
      %mul3A_417 = arith.muli %scan3A_412, %mul3A_416 : i32
      %add3A_418 = arith.addi %mul3A_415, %mul3A_417 : i32
      %add3A_419 = arith.constant 0 : i32
      %add3A_420 = arith.addi %add3A_418, %add3A_419 : i32
      %mul3A_421 = arith.constant 16 : i32
      %mul3A_422 = arith.muli %add3A_420, %mul3A_421 : i32
      %dma_start3A_423 = arith.constant 0 : i32
      %dma_start3A_424 = tpu.memref_slice %arg13[%mul3A_422, %dma_start3A_423] : memref<10240x128xbf16, #tpu.memory_space<vmem_shared>> -> memref<16x128xbf16, #tpu.memory_space<vmem_shared>>
      %dma_start3A_425 = arith.constant 0 : i32
      %dma_start3A_426 = tpu.memref_slice %arg13[%mul3A_422, %dma_start3A_425] : memref<10240x128xbf16, #tpu.memory_space<vmem_shared>> -> memref<16x128xbf16, #tpu.memory_space<vmem_shared>>
      tpu.enqueue_dma source(%arg9 : memref<16x128xbf16, #tpu.memory_space<vmem>>) target(%dma_start3A_426 : memref<16x128xbf16, #tpu.memory_space<vmem_shared>>) target_semaphore(%arg12 : memref<!tpu.dma_semaphore, #tpu.memory_space<semaphore_mem>>)
      %mul3A_427 = arith.constant 40 : i32
      %mul3A_428 = arith.muli %arg1, %mul3A_427 : i32
      %mul3A_429 = arith.constant 4 : i32
      %mul3A_430 = arith.muli %scan3A_412, %mul3A_429 : i32
      %add3A_431 = arith.addi %mul3A_428, %mul3A_430 : i32
      %add3A_432 = arith.constant 1 : i32
      %add3A_433 = arith.addi %add3A_431, %add3A_432 : i32
      %mul3A_434 = arith.constant 16 : i32
      %mul3A_435 = arith.muli %add3A_433, %mul3A_434 : i32
      %dma_start3A_436 = arith.constant 0 : i32
      %dma_start3A_437 = tpu.memref_slice %arg13[%mul3A_435, %dma_start3A_436] : memref<10240x128xbf16, #tpu.memory_space<vmem_shared>> -> memref<16x128xbf16, #tpu.memory_space<vmem_shared>>
      %dma_start3A_438 = arith.constant 0 : i32
      %dma_start3A_439 = tpu.memref_slice %arg13[%mul3A_435, %dma_start3A_438] : memref<10240x128xbf16, #tpu.memory_space<vmem_shared>> -> memref<16x128xbf16, #tpu.memory_space<vmem_shared>>
      tpu.enqueue_dma source(%arg9 : memref<16x128xbf16, #tpu.memory_space<vmem>>) target(%dma_start3A_439 : memref<16x128xbf16, #tpu.memory_space<vmem_shared>>) target_semaphore(%arg12 : memref<!tpu.dma_semaphore, #tpu.memory_space<semaphore_mem>>)
      %mul3A_440 = arith.constant 40 : i32
      %mul3A_441 = arith.muli %arg1, %mul3A_440 : i32
      %mul3A_442 = arith.constant 4 : i32
      %mul3A_443 = arith.muli %scan3A_412, %mul3A_442 : i32
      %add3A_444 = arith.addi %mul3A_441, %mul3A_443 : i32
      %add3A_445 = arith.constant 2 : i32
      %add3A_446 = arith.addi %add3A_444, %add3A_445 : i32
      %mul3A_447 = arith.constant 16 : i32
      %mul3A_448 = arith.muli %add3A_446, %mul3A_447 : i32
      %dma_start3A_449 = arith.constant 0 : i32
      %dma_start3A_450 = tpu.memref_slice %arg13[%mul3A_448, %dma_start3A_449] : memref<10240x128xbf16, #tpu.memory_space<vmem_shared>> -> memref<16x128xbf16, #tpu.memory_space<vmem_shared>>
      %dma_start3A_451 = arith.constant 0 : i32
      %dma_start3A_452 = tpu.memref_slice %arg13[%mul3A_448, %dma_start3A_451] : memref<10240x128xbf16, #tpu.memory_space<vmem_shared>> -> memref<16x128xbf16, #tpu.memory_space<vmem_shared>>
      tpu.enqueue_dma source(%arg9 : memref<16x128xbf16, #tpu.memory_space<vmem>>) target(%dma_start3A_452 : memref<16x128xbf16, #tpu.memory_space<vmem_shared>>) target_semaphore(%arg12 : memref<!tpu.dma_semaphore, #tpu.memory_space<semaphore_mem>>)
      %mul3A_453 = arith.constant 40 : i32
      %mul3A_454 = arith.muli %arg1, %mul3A_453 : i32
      %mul3A_455 = arith.constant 4 : i32
      %mul3A_456 = arith.muli %scan3A_412, %mul3A_455 : i32
      %add3A_457 = arith.addi %mul3A_454, %mul3A_456 : i32
      %add3A_458 = arith.constant 3 : i32
      %add3A_459 = arith.addi %add3A_457, %add3A_458 : i32
      %mul3A_460 = arith.constant 16 : i32
      %mul3A_461 = arith.muli %add3A_459, %mul3A_460 : i32
      %dma_start3A_462 = arith.constant 0 : i32
      %dma_start3A_463 = tpu.memref_slice %arg13[%mul3A_461, %dma_start3A_462] : memref<10240x128xbf16, #tpu.memory_space<vmem_shared>> -> memref<16x128xbf16, #tpu.memory_space<vmem_shared>>
      %dma_start3A_464 = arith.constant 0 : i32
      %dma_start3A_465 = tpu.memref_slice %arg13[%mul3A_461, %dma_start3A_464] : memref<10240x128xbf16, #tpu.memory_space<vmem_shared>> -> memref<16x128xbf16, #tpu.memory_space<vmem_shared>>
      tpu.enqueue_dma source(%arg9 : memref<16x128xbf16, #tpu.memory_space<vmem>>) target(%dma_start3A_465 : memref<16x128xbf16, #tpu.memory_space<vmem_shared>>) target_semaphore(%arg12 : memref<!tpu.dma_semaphore, #tpu.memory_space<semaphore_mem>>)
      %mul3A_466 = arith.constant 40 : i32
      %mul3A_467 = arith.muli %arg1, %mul3A_466 : i32
      %mul3A_468 = arith.constant 4 : i32
      %mul3A_469 = arith.muli %scan3A_412, %mul3A_468 : i32
      %add3A_470 = arith.addi %mul3A_467, %mul3A_469 : i32
      %add3A_471 = arith.constant 0 : i32
      %add3A_472 = arith.addi %add3A_470, %add3A_471 : i32
      %mul3A_473 = arith.constant 16 : i32
      %mul3A_474 = arith.muli %add3A_472, %mul3A_473 : i32
      %dma_wait3A = arith.constant 0 : i32
      %dma_wait3A_475 = tpu.memref_slice %arg13[%mul3A_474, %dma_wait3A] : memref<10240x128xbf16, #tpu.memory_space<vmem_shared>> -> memref<16x128xbf16, #tpu.memory_space<vmem_shared>>
      %dma_wait3A_476 = arith.constant 0 : i32
      %dma_wait3A_477 = tpu.memref_slice %arg13[%mul3A_474, %dma_wait3A_476] : memref<10240x128xbf16, #tpu.memory_space<vmem_shared>> -> memref<16x128xbf16, #tpu.memory_space<vmem_shared>>
      tpu.wait_dma2 semaphore(%arg12 : memref<!tpu.dma_semaphore, #tpu.memory_space<semaphore_mem>>) src(%arg9 : memref<16x128xbf16, #tpu.memory_space<vmem>>) dst(%dma_wait3A_477 : memref<16x128xbf16, #tpu.memory_space<vmem_shared>>)
      %mul3A_478 = arith.constant 40 : i32
      %mul3A_479 = arith.muli %arg1, %mul3A_478 : i32
      %mul3A_480 = arith.constant 4 : i32
      %mul3A_481 = arith.muli %scan3A_412, %mul3A_480 : i32
      %add3A_482 = arith.addi %mul3A_479, %mul3A_481 : i32
      %add3A_483 = arith.constant 1 : i32
      %add3A_484 = arith.addi %add3A_482, %add3A_483 : i32
      %mul3A_485 = arith.constant 16 : i32
      %mul3A_486 = arith.muli %add3A_484, %mul3A_485 : i32
      %dma_wait3A_487 = arith.constant 0 : i32
      %dma_wait3A_488 = tpu.memref_slice %arg13[%mul3A_486, %dma_wait3A_487] : memref<10240x128xbf16, #tpu.memory_space<vmem_shared>> -> memref<16x128xbf16, #tpu.memory_space<vmem_shared>>
      %dma_wait3A_489 = arith.constant 0 : i32
      %dma_wait3A_490 = tpu.memref_slice %arg13[%mul3A_486, %dma_wait3A_489] : memref<10240x128xbf16, #tpu.memory_space<vmem_shared>> -> memref<16x128xbf16, #tpu.memory_space<vmem_shared>>
      tpu.wait_dma2 semaphore(%arg12 : memref<!tpu.dma_semaphore, #tpu.memory_space<semaphore_mem>>) src(%arg9 : memref<16x128xbf16, #tpu.memory_space<vmem>>) dst(%dma_wait3A_490 : memref<16x128xbf16, #tpu.memory_space<vmem_shared>>)
      %mul3A_491 = arith.constant 40 : i32
      %mul3A_492 = arith.muli %arg1, %mul3A_491 : i32
      %mul3A_493 = arith.constant 4 : i32
      %mul3A_494 = arith.muli %scan3A_412, %mul3A_493 : i32
      %add3A_495 = arith.addi %mul3A_492, %mul3A_494 : i32
      %add3A_496 = arith.constant 2 : i32
      %add3A_497 = arith.addi %add3A_495, %add3A_496 : i32
      %mul3A_498 = arith.constant 16 : i32
      %mul3A_499 = arith.muli %add3A_497, %mul3A_498 : i32
      %dma_wait3A_500 = arith.constant 0 : i32
      %dma_wait3A_501 = tpu.memref_slice %arg13[%mul3A_499, %dma_wait3A_500] : memref<10240x128xbf16, #tpu.memory_space<vmem_shared>> -> memref<16x128xbf16, #tpu.memory_space<vmem_shared>>
      %dma_wait3A_502 = arith.constant 0 : i32
      %dma_wait3A_503 = tpu.memref_slice %arg13[%mul3A_499, %dma_wait3A_502] : memref<10240x128xbf16, #tpu.memory_space<vmem_shared>> -> memref<16x128xbf16, #tpu.memory_space<vmem_shared>>
      tpu.wait_dma2 semaphore(%arg12 : memref<!tpu.dma_semaphore, #tpu.memory_space<semaphore_mem>>) src(%arg9 : memref<16x128xbf16, #tpu.memory_space<vmem>>) dst(%dma_wait3A_503 : memref<16x128xbf16, #tpu.memory_space<vmem_shared>>)
      %mul3A_504 = arith.constant 40 : i32
      %mul3A_505 = arith.muli %arg1, %mul3A_504 : i32
      %mul3A_506 = arith.constant 4 : i32
      %mul3A_507 = arith.muli %scan3A_412, %mul3A_506 : i32
      %add3A_508 = arith.addi %mul3A_505, %mul3A_507 : i32
      %add3A_509 = arith.constant 3 : i32
      %add3A_510 = arith.addi %add3A_508, %add3A_509 : i32
      %mul3A_511 = arith.constant 16 : i32
      %mul3A_512 = arith.muli %add3A_510, %mul3A_511 : i32
      %dma_wait3A_513 = arith.constant 0 : i32
      %dma_wait3A_514 = tpu.memref_slice %arg13[%mul3A_512, %dma_wait3A_513] : memref<10240x128xbf16, #tpu.memory_space<vmem_shared>> -> memref<16x128xbf16, #tpu.memory_space<vmem_shared>>
      %dma_wait3A_515 = arith.constant 0 : i32
      %dma_wait3A_516 = tpu.memref_slice %arg13[%mul3A_512, %dma_wait3A_515] : memref<10240x128xbf16, #tpu.memory_space<vmem_shared>> -> memref<16x128xbf16, #tpu.memory_space<vmem_shared>>
      tpu.wait_dma2 semaphore(%arg12 : memref<!tpu.dma_semaphore, #tpu.memory_space<semaphore_mem>>) src(%arg9 : memref<16x128xbf16, #tpu.memory_space<vmem>>) dst(%dma_wait3A_516 : memref<16x128xbf16, #tpu.memory_space<vmem_shared>>)
      %scan3A_517 = arith.constant 0 : i32
      scf.yield %scan3A_517 : i32
    }
    %scan3A_390 = arith.constant 10 : i32
    %mul3A_391 = arith.constant 32 : i32
    %mul3A_392 = arith.muli %add3A, %mul3A_391 : i32
    %run_scoped3A = arith.constant 0 : i32
    "tpu.region"() ({
      %run_scoped3A_412 = tpu.sem_alloc : memref<!tpu.dma_semaphore, #tpu.memory_space<semaphore_mem>>
      %dma_start3A_413 = arith.constant 0 : i32
      %dma_start3A_414 = tpu.memref_slice %arg3[%run_scoped3A, %mul3A_392, %dma_start3A_413] : memref<2x1024x320xi32, #tpu.memory_space<hbm>> -> memref<1x32x320xi32, #tpu.memory_space<hbm>>
      %dma_start3A_415 = tpu.memref_squeeze %dma_start3A_414 : memref<1x32x320xi32, #tpu.memory_space<hbm>> -> memref<32x320xi32, #tpu.memory_space<hbm>>
      %dma_start3A_416 = arith.constant 0 : i32
      %dma_start3A_417 = tpu.memref_slice %arg3[%run_scoped3A, %mul3A_392, %dma_start3A_416] : memref<2x1024x320xi32, #tpu.memory_space<hbm>> -> memref<1x32x320xi32, #tpu.memory_space<hbm>>
      %dma_start3A_418 = tpu.memref_squeeze %dma_start3A_417 : memref<1x32x320xi32, #tpu.memory_space<hbm>> -> memref<32x320xi32, #tpu.memory_space<hbm>>
      tpu.enqueue_dma source(%dma_start3A_418 : memref<32x320xi32, #tpu.memory_space<hbm>>) target(%arg5 : memref<32x320xi32, #tpu.memory_space<vmem>>) target_semaphore(%run_scoped3A_412 : memref<!tpu.dma_semaphore, #tpu.memory_space<semaphore_mem>>)
      %dma_wait3A = arith.constant 0 : i32
      %dma_wait3A_419 = tpu.memref_slice %arg3[%run_scoped3A, %mul3A_392, %dma_wait3A] : memref<2x1024x320xi32, #tpu.memory_space<hbm>> -> memref<1x32x320xi32, #tpu.memory_space<hbm>>
      %dma_wait3A_420 = tpu.memref_squeeze %dma_wait3A_419 : memref<1x32x320xi32, #tpu.memory_space<hbm>> -> memref<32x320xi32, #tpu.memory_space<hbm>>
      %dma_wait3A_421 = arith.constant 0 : i32
      %dma_wait3A_422 = tpu.memref_slice %arg3[%run_scoped3A, %mul3A_392, %dma_wait3A_421] : memref<2x1024x320xi32, #tpu.memory_space<hbm>> -> memref<1x32x320xi32, #tpu.memory_space<hbm>>
      %dma_wait3A_423 = tpu.memref_squeeze %dma_wait3A_422 : memref<1x32x320xi32, #tpu.memory_space<hbm>> -> memref<32x320xi32, #tpu.memory_space<hbm>>
      tpu.wait_dma2 semaphore(%run_scoped3A_412 : memref<!tpu.dma_semaphore, #tpu.memory_space<semaphore_mem>>) src(%dma_wait3A_423 : memref<32x320xi32, #tpu.memory_space<hbm>>) dst(%arg5 : memref<32x320xi32, #tpu.memory_space<vmem>>)
      tpu.yield
    }) : () -> ()
    %run_scoped3A_393 = arith.constant 1 : i32
    "tpu.region"() ({
      %run_scoped3A_412 = tpu.sem_alloc : memref<!tpu.dma_semaphore, #tpu.memory_space<semaphore_mem>>
      %dma_start3A_413 = arith.constant 0 : i32
      %dma_start3A_414 = tpu.memref_slice %arg3[%run_scoped3A_393, %mul3A_392, %dma_start3A_413] : memref<2x1024x320xi32, #tpu.memory_space<hbm>> -> memref<1x32x320xi32, #tpu.memory_space<hbm>>
      %dma_start3A_415 = tpu.memref_squeeze %dma_start3A_414 : memref<1x32x320xi32, #tpu.memory_space<hbm>> -> memref<32x320xi32, #tpu.memory_space<hbm>>
      %dma_start3A_416 = arith.constant 0 : i32
      %dma_start3A_417 = tpu.memref_slice %arg3[%run_scoped3A_393, %mul3A_392, %dma_start3A_416] : memref<2x1024x320xi32, #tpu.memory_space<hbm>> -> memref<1x32x320xi32, #tpu.memory_space<hbm>>
      %dma_start3A_418 = tpu.memref_squeeze %dma_start3A_417 : memref<1x32x320xi32, #tpu.memory_space<hbm>> -> memref<32x320xi32, #tpu.memory_space<hbm>>
      tpu.enqueue_dma source(%dma_start3A_418 : memref<32x320xi32, #tpu.memory_space<hbm>>) target(%arg6 : memref<32x320xi32, #tpu.memory_space<vmem>>) target_semaphore(%run_scoped3A_412 : memref<!tpu.dma_semaphore, #tpu.memory_space<semaphore_mem>>)
      %dma_wait3A = arith.constant 0 : i32
      %dma_wait3A_419 = tpu.memref_slice %arg3[%run_scoped3A_393, %mul3A_392, %dma_wait3A] : memref<2x1024x320xi32, #tpu.memory_space<hbm>> -> memref<1x32x320xi32, #tpu.memory_space<hbm>>
      %dma_wait3A_420 = tpu.memref_squeeze %dma_wait3A_419 : memref<1x32x320xi32, #tpu.memory_space<hbm>> -> memref<32x320xi32, #tpu.memory_space<hbm>>
      %dma_wait3A_421 = arith.constant 0 : i32
      %dma_wait3A_422 = tpu.memref_slice %arg3[%run_scoped3A_393, %mul3A_392, %dma_wait3A_421] : memref<2x1024x320xi32, #tpu.memory_space<hbm>> -> memref<1x32x320xi32, #tpu.memory_space<hbm>>
      %dma_wait3A_423 = tpu.memref_squeeze %dma_wait3A_422 : memref<1x32x320xi32, #tpu.memory_space<hbm>> -> memref<32x320xi32, #tpu.memory_space<hbm>>
      tpu.wait_dma2 semaphore(%run_scoped3A_412 : memref<!tpu.dma_semaphore, #tpu.memory_space<semaphore_mem>>) src(%dma_wait3A_423 : memref<32x320xi32, #tpu.memory_space<hbm>>) dst(%arg6 : memref<32x320xi32, #tpu.memory_space<vmem>>)
      tpu.yield
    }) : () -> ()
    %barrier3A = arith.constant 0 : index
    tpu.barrier barrier_id(%barrier3A)
    %dma_start3A = arith.constant 0 : i32
    %dma_start3A_394 = arith.constant 0 : i32
    %dma_start3A_395 = tpu.memref_slice %arg5[%dma_start3A, %dma_start3A_394] : memref<32x320xi32, #tpu.memory_space<vmem>> -> memref<1x320xi32, #tpu.memory_space<vmem>>
    %dma_start3A_396 = tpu.memref_squeeze %dma_start3A_395 : memref<1x320xi32, #tpu.memory_space<vmem>> -> memref<320xi32, #tpu.memory_space<vmem>>
    %dma_start3A_397 = arith.constant 0 : i32
    %dma_start3A_398 = arith.constant 0 : i32
    %dma_start3A_399 = tpu.memref_slice %arg2[%dma_start3A_397, %dma_start3A_398] : memref<10240x128xbf16, #tpu.memory_space<hbm>> -> memref<10240x128xbf16, #tpu.memory_space<hbm>>
    tpu.enqueue_indirect_dma source(%dma_start3A_399 : memref<10240x128xbf16, #tpu.memory_space<hbm>>) target(%arg7 : memref<320x128xbf16, #tpu.memory_space<vmem>>) offsets(%dma_start3A_396 : memref<320xi32, #tpu.memory_space<vmem>>) semaphore(%arg10 : memref<!tpu.dma_semaphore, #tpu.memory_space<semaphore_mem>>)
    %scan3A_400 = arith.constant 0 : i32
    %scan3A_401 = arith.constant 0 : i32
    %scan3A_402 = arith.constant 16 : i32
    %scan3A_403 = arith.addi %scan3A_401, %scan3A_402 : i32
    %scan3A_404 = arith.constant 1 : i32
    %scan3A_405 = scf.for %scan3A_412 = %scan3A_401 to %scan3A_403 step %scan3A_404 iter_args(%scan3A_413 = %scan3A_400) -> (i32)  : i32 {
      %mul3A_414 = arith.constant 2 : i32
      %mul3A_415 = arith.muli %mul3A_414, %scan3A_412 : i32
      %add3A_416 = arith.constant 1 : i32
      %add3A_417 = arith.addi %mul3A_415, %add3A_416 : i32
      %dma_start3A_418 = arith.constant 0 : i32
      %dma_start3A_419 = tpu.memref_slice %arg5[%add3A_417, %dma_start3A_418] : memref<32x320xi32, #tpu.memory_space<vmem>> -> memref<1x320xi32, #tpu.memory_space<vmem>>
      %dma_start3A_420 = tpu.memref_squeeze %dma_start3A_419 : memref<1x320xi32, #tpu.memory_space<vmem>> -> memref<320xi32, #tpu.memory_space<vmem>>
      %dma_start3A_421 = arith.constant 0 : i32
      %dma_start3A_422 = arith.constant 0 : i32
      %dma_start3A_423 = tpu.memref_slice %arg2[%dma_start3A_421, %dma_start3A_422] : memref<10240x128xbf16, #tpu.memory_space<hbm>> -> memref<10240x128xbf16, #tpu.memory_space<hbm>>
      tpu.enqueue_indirect_dma source(%dma_start3A_423 : memref<10240x128xbf16, #tpu.memory_space<hbm>>) target(%arg8 : memref<320x128xbf16, #tpu.memory_space<vmem>>) offsets(%dma_start3A_420 : memref<320xi32, #tpu.memory_space<vmem>>) semaphore(%arg11 : memref<!tpu.dma_semaphore, #tpu.memory_space<semaphore_mem>>)
      %dma_wait3A = arith.constant 0 : i32
      %dma_wait3A_424 = tpu.memref_slice %arg5[%mul3A_415, %dma_wait3A] : memref<32x320xi32, #tpu.memory_space<vmem>> -> memref<1x320xi32, #tpu.memory_space<vmem>>
      %dma_wait3A_425 = tpu.memref_squeeze %dma_wait3A_424 : memref<1x320xi32, #tpu.memory_space<vmem>> -> memref<320xi32, #tpu.memory_space<vmem>>
      %dma_wait3A_426 = arith.constant 0 : i32
      %dma_wait3A_427 = arith.constant 0 : i32
      %dma_wait3A_428 = tpu.memref_slice %arg2[%dma_wait3A_426, %dma_wait3A_427] : memref<10240x128xbf16, #tpu.memory_space<hbm>> -> memref<10240x128xbf16, #tpu.memory_space<hbm>>
      tpu.wait_indirect_dma semaphore(%arg10 : memref<!tpu.dma_semaphore, #tpu.memory_space<semaphore_mem>>) src(%dma_wait3A_428 : memref<10240x128xbf16, #tpu.memory_space<hbm>>) dst(%arg7 : memref<320x128xbf16, #tpu.memory_space<vmem>>)
      "tpu.region"() ({
        %run_scoped3A_442 = tpu.sem_alloc : memref<!tpu.dma_semaphore, #tpu.memory_space<semaphore_mem>>
        %dma_start3A_443 = arith.constant 0 : i32
        %dma_start3A_444 = tpu.memref_slice %arg6[%mul3A_415, %dma_start3A_443] : memref<32x320xi32, #tpu.memory_space<vmem>> -> memref<1x320xi32, #tpu.memory_space<vmem>>
        %dma_start3A_445 = tpu.memref_squeeze %dma_start3A_444 : memref<1x320xi32, #tpu.memory_space<vmem>> -> memref<320xi32, #tpu.memory_space<vmem>>
        %dma_start3A_446 = arith.constant 0 : i32
        %dma_start3A_447 = arith.constant 0 : i32
        %dma_start3A_448 = tpu.memref_slice %arg13[%dma_start3A_446, %dma_start3A_447] : memref<10240x128xbf16, #tpu.memory_space<vmem_shared>> -> memref<10240x128xbf16, #tpu.memory_space<vmem_shared>>
        tpu.enqueue_indirect_dma source(%arg7 : memref<320x128xbf16, #tpu.memory_space<vmem>>) target(%dma_start3A_448 : memref<10240x128xbf16, #tpu.memory_space<vmem_shared>>) offsets(%dma_start3A_445 : memref<320xi32, #tpu.memory_space<vmem>>) semaphore(%run_scoped3A_442 : memref<!tpu.dma_semaphore, #tpu.memory_space<semaphore_mem>>) {add = true}
        %dma_wait3A_449 = arith.constant 0 : i32
        %dma_wait3A_450 = tpu.memref_slice %arg6[%mul3A_415, %dma_wait3A_449] : memref<32x320xi32, #tpu.memory_space<vmem>> -> memref<1x320xi32, #tpu.memory_space<vmem>>
        %dma_wait3A_451 = tpu.memref_squeeze %dma_wait3A_450 : memref<1x320xi32, #tpu.memory_space<vmem>> -> memref<320xi32, #tpu.memory_space<vmem>>
        %dma_wait3A_452 = arith.constant 0 : i32
        %dma_wait3A_453 = arith.constant 0 : i32
        %dma_wait3A_454 = tpu.memref_slice %arg13[%dma_wait3A_452, %dma_wait3A_453] : memref<10240x128xbf16, #tpu.memory_space<vmem_shared>> -> memref<10240x128xbf16, #tpu.memory_space<vmem_shared>>
        tpu.wait_indirect_dma semaphore(%run_scoped3A_442 : memref<!tpu.dma_semaphore, #tpu.memory_space<semaphore_mem>>) src(%arg7 : memref<320x128xbf16, #tpu.memory_space<vmem>>) dst(%dma_wait3A_454 : memref<10240x128xbf16, #tpu.memory_space<vmem_shared>>)
        tpu.yield
      }) : () -> ()
      %add3A_429 = arith.constant 2 : i32
      %add3A_430 = arith.addi %mul3A_415, %add3A_429 : i32
      %lt3A = arith.constant 32 : i32
      %lt3A_431 = arith.cmpi slt, %add3A_430, %lt3A : i32
      %convert_element_type3A = arith.extui %lt3A_431 : i1 to i32
      %cond3A = arith.constant 0 : i32
      %cond3A_432 = arith.cmpi ne, %convert_element_type3A, %cond3A : i32
      scf.if %cond3A_432 {
        %add3A_442 = arith.constant 2 : i32
        %add3A_443 = arith.addi %mul3A_415, %add3A_442 : i32
        %dma_start3A_444 = arith.constant 0 : i32
        %dma_start3A_445 = tpu.memref_slice %arg5[%add3A_443, %dma_start3A_444] : memref<32x320xi32, #tpu.memory_space<vmem>> -> memref<1x320xi32, #tpu.memory_space<vmem>>
        %dma_start3A_446 = tpu.memref_squeeze %dma_start3A_445 : memref<1x320xi32, #tpu.memory_space<vmem>> -> memref<320xi32, #tpu.memory_space<vmem>>
        %dma_start3A_447 = arith.constant 0 : i32
        %dma_start3A_448 = arith.constant 0 : i32
        %dma_start3A_449 = tpu.memref_slice %arg2[%dma_start3A_447, %dma_start3A_448] : memref<10240x128xbf16, #tpu.memory_space<hbm>> -> memref<10240x128xbf16, #tpu.memory_space<hbm>>
        tpu.enqueue_indirect_dma source(%dma_start3A_449 : memref<10240x128xbf16, #tpu.memory_space<hbm>>) target(%arg7 : memref<320x128xbf16, #tpu.memory_space<vmem>>) offsets(%dma_start3A_446 : memref<320xi32, #tpu.memory_space<vmem>>) semaphore(%arg10 : memref<!tpu.dma_semaphore, #tpu.memory_space<semaphore_mem>>)
      } else {
      }
      %add3A_433 = arith.constant 1 : i32
      %add3A_434 = arith.addi %mul3A_415, %add3A_433 : i32
      %dma_wait3A_435 = arith.constant 0 : i32
      %dma_wait3A_436 = tpu.memref_slice %arg5[%add3A_434, %dma_wait3A_435] : memref<32x320xi32, #tpu.memory_space<vmem>> -> memref<1x320xi32, #tpu.memory_space<vmem>>
      %dma_wait3A_437 = tpu.memref_squeeze %dma_wait3A_436 : memref<1x320xi32, #tpu.memory_space<vmem>> -> memref<320xi32, #tpu.memory_space<vmem>>
      %dma_wait3A_438 = arith.constant 0 : i32
      %dma_wait3A_439 = arith.constant 0 : i32
      %dma_wait3A_440 = tpu.memref_slice %arg2[%dma_wait3A_438, %dma_wait3A_439] : memref<10240x128xbf16, #tpu.memory_space<hbm>> -> memref<10240x128xbf16, #tpu.memory_space<hbm>>
      tpu.wait_indirect_dma semaphore(%arg11 : memref<!tpu.dma_semaphore, #tpu.memory_space<semaphore_mem>>) src(%dma_wait3A_440 : memref<10240x128xbf16, #tpu.memory_space<hbm>>) dst(%arg8 : memref<320x128xbf16, #tpu.memory_space<vmem>>)
      "tpu.region"() ({
        %run_scoped3A_442 = tpu.sem_alloc : memref<!tpu.dma_semaphore, #tpu.memory_space<semaphore_mem>>
        %dma_start3A_443 = arith.constant 0 : i32
        %dma_start3A_444 = tpu.memref_slice %arg6[%add3A_434, %dma_start3A_443] : memref<32x320xi32, #tpu.memory_space<vmem>> -> memref<1x320xi32, #tpu.memory_space<vmem>>
        %dma_start3A_445 = tpu.memref_squeeze %dma_start3A_444 : memref<1x320xi32, #tpu.memory_space<vmem>> -> memref<320xi32, #tpu.memory_space<vmem>>
        %dma_start3A_446 = arith.constant 0 : i32
        %dma_start3A_447 = arith.constant 0 : i32
        %dma_start3A_448 = tpu.memref_slice %arg13[%dma_start3A_446, %dma_start3A_447] : memref<10240x128xbf16, #tpu.memory_space<vmem_shared>> -> memref<10240x128xbf16, #tpu.memory_space<vmem_shared>>
        tpu.enqueue_indirect_dma source(%arg8 : memref<320x128xbf16, #tpu.memory_space<vmem>>) target(%dma_start3A_448 : memref<10240x128xbf16, #tpu.memory_space<vmem_shared>>) offsets(%dma_start3A_445 : memref<320xi32, #tpu.memory_space<vmem>>) semaphore(%run_scoped3A_442 : memref<!tpu.dma_semaphore, #tpu.memory_space<semaphore_mem>>) {add = true}
        %dma_wait3A_449 = arith.constant 0 : i32
        %dma_wait3A_450 = tpu.memref_slice %arg6[%add3A_434, %dma_wait3A_449] : memref<32x320xi32, #tpu.memory_space<vmem>> -> memref<1x320xi32, #tpu.memory_space<vmem>>
        %dma_wait3A_451 = tpu.memref_squeeze %dma_wait3A_450 : memref<1x320xi32, #tpu.memory_space<vmem>> -> memref<320xi32, #tpu.memory_space<vmem>>
        %dma_wait3A_452 = arith.constant 0 : i32
        %dma_wait3A_453 = arith.constant 0 : i32
        %dma_wait3A_454 = tpu.memref_slice %arg13[%dma_wait3A_452, %dma_wait3A_453] : memref<10240x128xbf16, #tpu.memory_space<vmem_shared>> -> memref<10240x128xbf16, #tpu.memory_space<vmem_shared>>
        tpu.wait_indirect_dma semaphore(%run_scoped3A_442 : memref<!tpu.dma_semaphore, #tpu.memory_space<semaphore_mem>>) src(%arg8 : memref<320x128xbf16, #tpu.memory_space<vmem>>) dst(%dma_wait3A_454 : memref<10240x128xbf16, #tpu.memory_space<vmem_shared>>)
        tpu.yield
      }) : () -> ()
      %scan3A_441 = arith.constant 0 : i32
      scf.yield %scan3A_441 : i32
    }
    %scan3A_406 = arith.constant 16 : i32
    %barrier3A_407 = arith.constant 0 : index
    tpu.barrier barrier_id(%barrier3A_407)
    %mul3A_408 = arith.constant 640 : i32
    %mul3A_409 = arith.muli %arg1, %mul3A_408 : i32
    %mul3A_410 = arith.constant 640 : i32
    %mul3A_411 = arith.muli %arg1, %mul3A_410 : i32
    "tpu.region"() ({
      %run_scoped3A_412 = tpu.sem_alloc : memref<!tpu.dma_semaphore, #tpu.memory_space<semaphore_mem>>
      %dma_start3A_413 = arith.constant 0 : i32
      %dma_start3A_414 = tpu.memref_slice %arg4[%arg0, %mul3A_411, %dma_start3A_413] : memref<2x10240x128xbf16, #tpu.memory_space<hbm>> -> memref<1x640x128xbf16, #tpu.memory_space<hbm>>
      %dma_start3A_415 = tpu.memref_squeeze %dma_start3A_414 : memref<1x640x128xbf16, #tpu.memory_space<hbm>> -> memref<640x128xbf16, #tpu.memory_space<hbm>>
      %dma_start3A_416 = arith.constant 0 : i32
      %dma_start3A_417 = tpu.memref_slice %arg13[%mul3A_409, %dma_start3A_416] : memref<10240x128xbf16, #tpu.memory_space<vmem_shared>> -> memref<640x128xbf16, #tpu.memory_space<vmem_shared>>
      tpu.enqueue_dma source(%dma_start3A_417 : memref<640x128xbf16, #tpu.memory_space<vmem_shared>>) target(%dma_start3A_415 : memref<640x128xbf16, #tpu.memory_space<hbm>>) target_semaphore(%run_scoped3A_412 : memref<!tpu.dma_semaphore, #tpu.memory_space<semaphore_mem>>)
      %dma_wait3A = arith.constant 0 : i32
      %dma_wait3A_418 = tpu.memref_slice %arg4[%arg0, %mul3A_411, %dma_wait3A] : memref<2x10240x128xbf16, #tpu.memory_space<hbm>> -> memref<1x640x128xbf16, #tpu.memory_space<hbm>>
      %dma_wait3A_419 = tpu.memref_squeeze %dma_wait3A_418 : memref<1x640x128xbf16, #tpu.memory_space<hbm>> -> memref<640x128xbf16, #tpu.memory_space<hbm>>
      %dma_wait3A_420 = arith.constant 0 : i32
      %dma_wait3A_421 = tpu.memref_slice %arg13[%mul3A_409, %dma_wait3A_420] : memref<10240x128xbf16, #tpu.memory_space<vmem_shared>> -> memref<640x128xbf16, #tpu.memory_space<vmem_shared>>
      tpu.wait_dma2 semaphore(%run_scoped3A_412 : memref<!tpu.dma_semaphore, #tpu.memory_space<semaphore_mem>>) src(%dma_wait3A_421 : memref<640x128xbf16, #tpu.memory_space<vmem_shared>>) dst(%dma_wait3A_419 : memref<640x128xbf16, #tpu.memory_space<hbm>>)
      tpu.yield
    }) : () -> ()
    return
  }
}

#map = affine_map<(d0, d1) -> (0, 0, 0)>
module attributes {stable_mosaic.version = 14 : i64} {
  func.func @_degrees_body(%arg0: i32, %arg1: i32, %arg2: memref<2x512x640xi32, #tpu.memory_space<hbm>>, %arg3: memref<2x10240x16xf32, #tpu.memory_space<hbm>>, %arg4: memref<2x10240x16xf32, #tpu.memory_space<hbm>>, %arg5: memref<16x640xi32, #tpu.memory_space<vmem>>, %arg6: memref<16x640xi32, #tpu.memory_space<vmem>>, %arg7: memref<640x16xf32, #tpu.memory_space<vmem>>, %arg8: memref<16x16xf32, #tpu.memory_space<vmem>>, %arg9: memref<!tpu.dma_semaphore, #tpu.memory_space<semaphore_mem>>, %arg10: memref<!tpu.dma_semaphore, #tpu.memory_space<semaphore_mem>>, %arg11: memref<!tpu.dma_semaphore, #tpu.memory_space<semaphore_mem>>, %arg12: memref<10240x16xf32, #tpu.memory_space<vmem_shared>>, %arg13: memref<10240x16xf32, #tpu.memory_space<vmem_shared>>) attributes {dimension_semantics = [#tpu.dimension_semantics<core_parallel>, #tpu.dimension_semantics<subcore_parallel>], iteration_bounds = array<i64: 2, 16>, scalar_prefetch = 0 : i64, scratch_operands = 9 : i64, tpu.core_type = #tpu.core_type<sc_vector_subcore>, window_params = [{transform_indices = #map}, {transform_indices = #map}, {transform_indices = #map}]} {
    %mul3A = arith.constant 2 : i32
    %mul3A_0 = arith.muli %arg1, %mul3A : i32
    %add3A = arith.addi %mul3A_0, %arg0 : i32
    %broadcast_in_dim3A = arith.constant 1.000000e+00 : f32
    %broadcast_in_dim3A_1 = vector.broadcast %broadcast_in_dim3A : f32 to vector<16xf32>
    %broadcast_in_dim3A_2 = arith.constant 0.000000e+00 : f32
    %broadcast_in_dim3A_3 = vector.broadcast %broadcast_in_dim3A_2 : f32 to vector<16xf32>
    %scan3A = arith.constant 0 : i32
    %scan3A_4 = arith.constant 0 : i32
    %scan3A_5 = arith.constant 640 : i32
    %scan3A_6 = arith.addi %scan3A_4, %scan3A_5 : i32
    %scan3A_7 = arith.constant 1 : i32
    %scan3A_8 = scf.for %scan3A_125 = %scan3A_4 to %scan3A_6 step %scan3A_7 iter_args(%scan3A_126 = %scan3A) -> (i32)  : i32 {
      %swap3A_127 = arith.index_cast %scan3A_125 : i32 to index
      %swap3A_128 = arith.constant 0 : index
      %swap3A_129 = tpu.vector_load %arg7[%swap3A_127, %swap3A_128] {strides = array<i32>} : memref<640x16xf32, #tpu.memory_space<vmem>>, vector<1x16xf32>,
      %swap3A_130 = vector.shape_cast %swap3A_129 : vector<1x16xf32> to vector<16xf32>
      %swap3A_131 = vector.shape_cast %broadcast_in_dim3A_1 : vector<16xf32> to vector<1x16xf32>
      tpu.vector_store %arg7[%swap3A_127, %swap3A_128], %swap3A_131 {strides = array<i32>} : memref<640x16xf32, #tpu.memory_space<vmem>>, vector<1x16xf32>,
      %scan3A_132 = arith.constant 0 : i32
      scf.yield %scan3A_132 : i32
    }
    %scan3A_9 = arith.constant 640 : i32
    %swap3A = arith.constant 0 : i32
    %swap3A_10 = arith.index_cast %swap3A : i32 to index
    %swap3A_11 = arith.constant 0 : index
    %swap3A_12 = tpu.vector_load %arg8[%swap3A_10, %swap3A_11] {strides = array<i32>} : memref<16x16xf32, #tpu.memory_space<vmem>>, vector<1x16xf32>,
    %swap3A_13 = vector.shape_cast %swap3A_12 : vector<1x16xf32> to vector<16xf32>
    %swap3A_14 = vector.shape_cast %broadcast_in_dim3A_3 : vector<16xf32> to vector<1x16xf32>
    tpu.vector_store %arg8[%swap3A_10, %swap3A_11], %swap3A_14 {strides = array<i32>} : memref<16x16xf32, #tpu.memory_space<vmem>>, vector<1x16xf32>,
    %swap3A_15 = arith.constant 1 : i32
    %swap3A_16 = arith.index_cast %swap3A_15 : i32 to index
    %swap3A_17 = arith.constant 0 : index
    %swap3A_18 = tpu.vector_load %arg8[%swap3A_16, %swap3A_17] {strides = array<i32>} : memref<16x16xf32, #tpu.memory_space<vmem>>, vector<1x16xf32>,
    %swap3A_19 = vector.shape_cast %swap3A_18 : vector<1x16xf32> to vector<16xf32>
    %swap3A_20 = vector.shape_cast %broadcast_in_dim3A_3 : vector<16xf32> to vector<1x16xf32>
    tpu.vector_store %arg8[%swap3A_16, %swap3A_17], %swap3A_20 {strides = array<i32>} : memref<16x16xf32, #tpu.memory_space<vmem>>, vector<1x16xf32>,
    %swap3A_21 = arith.constant 2 : i32
    %swap3A_22 = arith.index_cast %swap3A_21 : i32 to index
    %swap3A_23 = arith.constant 0 : index
    %swap3A_24 = tpu.vector_load %arg8[%swap3A_22, %swap3A_23] {strides = array<i32>} : memref<16x16xf32, #tpu.memory_space<vmem>>, vector<1x16xf32>,
    %swap3A_25 = vector.shape_cast %swap3A_24 : vector<1x16xf32> to vector<16xf32>
    %swap3A_26 = vector.shape_cast %broadcast_in_dim3A_3 : vector<16xf32> to vector<1x16xf32>
    tpu.vector_store %arg8[%swap3A_22, %swap3A_23], %swap3A_26 {strides = array<i32>} : memref<16x16xf32, #tpu.memory_space<vmem>>, vector<1x16xf32>,
    %swap3A_27 = arith.constant 3 : i32
    %swap3A_28 = arith.index_cast %swap3A_27 : i32 to index
    %swap3A_29 = arith.constant 0 : index
    %swap3A_30 = tpu.vector_load %arg8[%swap3A_28, %swap3A_29] {strides = array<i32>} : memref<16x16xf32, #tpu.memory_space<vmem>>, vector<1x16xf32>,
    %swap3A_31 = vector.shape_cast %swap3A_30 : vector<1x16xf32> to vector<16xf32>
    %swap3A_32 = vector.shape_cast %broadcast_in_dim3A_3 : vector<16xf32> to vector<1x16xf32>
    tpu.vector_store %arg8[%swap3A_28, %swap3A_29], %swap3A_32 {strides = array<i32>} : memref<16x16xf32, #tpu.memory_space<vmem>>, vector<1x16xf32>,
    %swap3A_33 = arith.constant 4 : i32
    %swap3A_34 = arith.index_cast %swap3A_33 : i32 to index
    %swap3A_35 = arith.constant 0 : index
    %swap3A_36 = tpu.vector_load %arg8[%swap3A_34, %swap3A_35] {strides = array<i32>} : memref<16x16xf32, #tpu.memory_space<vmem>>, vector<1x16xf32>,
    %swap3A_37 = vector.shape_cast %swap3A_36 : vector<1x16xf32> to vector<16xf32>
    %swap3A_38 = vector.shape_cast %broadcast_in_dim3A_3 : vector<16xf32> to vector<1x16xf32>
    tpu.vector_store %arg8[%swap3A_34, %swap3A_35], %swap3A_38 {strides = array<i32>} : memref<16x16xf32, #tpu.memory_space<vmem>>, vector<1x16xf32>,
    %swap3A_39 = arith.constant 5 : i32
    %swap3A_40 = arith.index_cast %swap3A_39 : i32 to index
    %swap3A_41 = arith.constant 0 : index
    %swap3A_42 = tpu.vector_load %arg8[%swap3A_40, %swap3A_41] {strides = array<i32>} : memref<16x16xf32, #tpu.memory_space<vmem>>, vector<1x16xf32>,
    %swap3A_43 = vector.shape_cast %swap3A_42 : vector<1x16xf32> to vector<16xf32>
    %swap3A_44 = vector.shape_cast %broadcast_in_dim3A_3 : vector<16xf32> to vector<1x16xf32>
    tpu.vector_store %arg8[%swap3A_40, %swap3A_41], %swap3A_44 {strides = array<i32>} : memref<16x16xf32, #tpu.memory_space<vmem>>, vector<1x16xf32>,
    %swap3A_45 = arith.constant 6 : i32
    %swap3A_46 = arith.index_cast %swap3A_45 : i32 to index
    %swap3A_47 = arith.constant 0 : index
    %swap3A_48 = tpu.vector_load %arg8[%swap3A_46, %swap3A_47] {strides = array<i32>} : memref<16x16xf32, #tpu.memory_space<vmem>>, vector<1x16xf32>,
    %swap3A_49 = vector.shape_cast %swap3A_48 : vector<1x16xf32> to vector<16xf32>
    %swap3A_50 = vector.shape_cast %broadcast_in_dim3A_3 : vector<16xf32> to vector<1x16xf32>
    tpu.vector_store %arg8[%swap3A_46, %swap3A_47], %swap3A_50 {strides = array<i32>} : memref<16x16xf32, #tpu.memory_space<vmem>>, vector<1x16xf32>,
    %swap3A_51 = arith.constant 7 : i32
    %swap3A_52 = arith.index_cast %swap3A_51 : i32 to index
    %swap3A_53 = arith.constant 0 : index
    %swap3A_54 = tpu.vector_load %arg8[%swap3A_52, %swap3A_53] {strides = array<i32>} : memref<16x16xf32, #tpu.memory_space<vmem>>, vector<1x16xf32>,
    %swap3A_55 = vector.shape_cast %swap3A_54 : vector<1x16xf32> to vector<16xf32>
    %swap3A_56 = vector.shape_cast %broadcast_in_dim3A_3 : vector<16xf32> to vector<1x16xf32>
    tpu.vector_store %arg8[%swap3A_52, %swap3A_53], %swap3A_56 {strides = array<i32>} : memref<16x16xf32, #tpu.memory_space<vmem>>, vector<1x16xf32>,
    %swap3A_57 = arith.constant 8 : i32
    %swap3A_58 = arith.index_cast %swap3A_57 : i32 to index
    %swap3A_59 = arith.constant 0 : index
    %swap3A_60 = tpu.vector_load %arg8[%swap3A_58, %swap3A_59] {strides = array<i32>} : memref<16x16xf32, #tpu.memory_space<vmem>>, vector<1x16xf32>,
    %swap3A_61 = vector.shape_cast %swap3A_60 : vector<1x16xf32> to vector<16xf32>
    %swap3A_62 = vector.shape_cast %broadcast_in_dim3A_3 : vector<16xf32> to vector<1x16xf32>
    tpu.vector_store %arg8[%swap3A_58, %swap3A_59], %swap3A_62 {strides = array<i32>} : memref<16x16xf32, #tpu.memory_space<vmem>>, vector<1x16xf32>,
    %swap3A_63 = arith.constant 9 : i32
    %swap3A_64 = arith.index_cast %swap3A_63 : i32 to index
    %swap3A_65 = arith.constant 0 : index
    %swap3A_66 = tpu.vector_load %arg8[%swap3A_64, %swap3A_65] {strides = array<i32>} : memref<16x16xf32, #tpu.memory_space<vmem>>, vector<1x16xf32>,
    %swap3A_67 = vector.shape_cast %swap3A_66 : vector<1x16xf32> to vector<16xf32>
    %swap3A_68 = vector.shape_cast %broadcast_in_dim3A_3 : vector<16xf32> to vector<1x16xf32>
    tpu.vector_store %arg8[%swap3A_64, %swap3A_65], %swap3A_68 {strides = array<i32>} : memref<16x16xf32, #tpu.memory_space<vmem>>, vector<1x16xf32>,
    %swap3A_69 = arith.constant 10 : i32
    %swap3A_70 = arith.index_cast %swap3A_69 : i32 to index
    %swap3A_71 = arith.constant 0 : index
    %swap3A_72 = tpu.vector_load %arg8[%swap3A_70, %swap3A_71] {strides = array<i32>} : memref<16x16xf32, #tpu.memory_space<vmem>>, vector<1x16xf32>,
    %swap3A_73 = vector.shape_cast %swap3A_72 : vector<1x16xf32> to vector<16xf32>
    %swap3A_74 = vector.shape_cast %broadcast_in_dim3A_3 : vector<16xf32> to vector<1x16xf32>
    tpu.vector_store %arg8[%swap3A_70, %swap3A_71], %swap3A_74 {strides = array<i32>} : memref<16x16xf32, #tpu.memory_space<vmem>>, vector<1x16xf32>,
    %swap3A_75 = arith.constant 11 : i32
    %swap3A_76 = arith.index_cast %swap3A_75 : i32 to index
    %swap3A_77 = arith.constant 0 : index
    %swap3A_78 = tpu.vector_load %arg8[%swap3A_76, %swap3A_77] {strides = array<i32>} : memref<16x16xf32, #tpu.memory_space<vmem>>, vector<1x16xf32>,
    %swap3A_79 = vector.shape_cast %swap3A_78 : vector<1x16xf32> to vector<16xf32>
    %swap3A_80 = vector.shape_cast %broadcast_in_dim3A_3 : vector<16xf32> to vector<1x16xf32>
    tpu.vector_store %arg8[%swap3A_76, %swap3A_77], %swap3A_80 {strides = array<i32>} : memref<16x16xf32, #tpu.memory_space<vmem>>, vector<1x16xf32>,
    %swap3A_81 = arith.constant 12 : i32
    %swap3A_82 = arith.index_cast %swap3A_81 : i32 to index
    %swap3A_83 = arith.constant 0 : index
    %swap3A_84 = tpu.vector_load %arg8[%swap3A_82, %swap3A_83] {strides = array<i32>} : memref<16x16xf32, #tpu.memory_space<vmem>>, vector<1x16xf32>,
    %swap3A_85 = vector.shape_cast %swap3A_84 : vector<1x16xf32> to vector<16xf32>
    %swap3A_86 = vector.shape_cast %broadcast_in_dim3A_3 : vector<16xf32> to vector<1x16xf32>
    tpu.vector_store %arg8[%swap3A_82, %swap3A_83], %swap3A_86 {strides = array<i32>} : memref<16x16xf32, #tpu.memory_space<vmem>>, vector<1x16xf32>,
    %swap3A_87 = arith.constant 13 : i32
    %swap3A_88 = arith.index_cast %swap3A_87 : i32 to index
    %swap3A_89 = arith.constant 0 : index
    %swap3A_90 = tpu.vector_load %arg8[%swap3A_88, %swap3A_89] {strides = array<i32>} : memref<16x16xf32, #tpu.memory_space<vmem>>, vector<1x16xf32>,
    %swap3A_91 = vector.shape_cast %swap3A_90 : vector<1x16xf32> to vector<16xf32>
    %swap3A_92 = vector.shape_cast %broadcast_in_dim3A_3 : vector<16xf32> to vector<1x16xf32>
    tpu.vector_store %arg8[%swap3A_88, %swap3A_89], %swap3A_92 {strides = array<i32>} : memref<16x16xf32, #tpu.memory_space<vmem>>, vector<1x16xf32>,
    %swap3A_93 = arith.constant 14 : i32
    %swap3A_94 = arith.index_cast %swap3A_93 : i32 to index
    %swap3A_95 = arith.constant 0 : index
    %swap3A_96 = tpu.vector_load %arg8[%swap3A_94, %swap3A_95] {strides = array<i32>} : memref<16x16xf32, #tpu.memory_space<vmem>>, vector<1x16xf32>,
    %swap3A_97 = vector.shape_cast %swap3A_96 : vector<1x16xf32> to vector<16xf32>
    %swap3A_98 = vector.shape_cast %broadcast_in_dim3A_3 : vector<16xf32> to vector<1x16xf32>
    tpu.vector_store %arg8[%swap3A_94, %swap3A_95], %swap3A_98 {strides = array<i32>} : memref<16x16xf32, #tpu.memory_space<vmem>>, vector<1x16xf32>,
    %swap3A_99 = arith.constant 15 : i32
    %swap3A_100 = arith.index_cast %swap3A_99 : i32 to index
    %swap3A_101 = arith.constant 0 : index
    %swap3A_102 = tpu.vector_load %arg8[%swap3A_100, %swap3A_101] {strides = array<i32>} : memref<16x16xf32, #tpu.memory_space<vmem>>, vector<1x16xf32>,
    %swap3A_103 = vector.shape_cast %swap3A_102 : vector<1x16xf32> to vector<16xf32>
    %swap3A_104 = vector.shape_cast %broadcast_in_dim3A_3 : vector<16xf32> to vector<1x16xf32>
    tpu.vector_store %arg8[%swap3A_100, %swap3A_101], %swap3A_104 {strides = array<i32>} : memref<16x16xf32, #tpu.memory_space<vmem>>, vector<1x16xf32>,
    %scan3A_105 = arith.constant 0 : i32
    %scan3A_106 = arith.constant 0 : i32
    %scan3A_107 = arith.constant 10 : i32
    %scan3A_108 = arith.addi %scan3A_106, %scan3A_107 : i32
    %scan3A_109 = arith.constant 1 : i32
    %scan3A_110 = scf.for %scan3A_125 = %scan3A_106 to %scan3A_108 step %scan3A_109 iter_args(%scan3A_126 = %scan3A_105) -> (i32)  : i32 {
      %mul3A_127 = arith.constant 40 : i32
      %mul3A_128 = arith.muli %arg1, %mul3A_127 : i32
      %mul3A_129 = arith.constant 4 : i32
      %mul3A_130 = arith.muli %scan3A_125, %mul3A_129 : i32
      %add3A_131 = arith.addi %mul3A_128, %mul3A_130 : i32
      %add3A_132 = arith.constant 0 : i32
      %add3A_133 = arith.addi %add3A_131, %add3A_132 : i32
      %mul3A_134 = arith.constant 16 : i32
      %mul3A_135 = arith.muli %add3A_133, %mul3A_134 : i32
      %dma_start3A = arith.constant 0 : i32
      %dma_start3A_136 = tpu.memref_slice %arg12[%mul3A_135, %dma_start3A] : memref<10240x16xf32, #tpu.memory_space<vmem_shared>> -> memref<16x16xf32, #tpu.memory_space<vmem_shared>>
      %dma_start3A_137 = arith.constant 0 : i32
      %dma_start3A_138 = tpu.memref_slice %arg12[%mul3A_135, %dma_start3A_137] : memref<10240x16xf32, #tpu.memory_space<vmem_shared>> -> memref<16x16xf32, #tpu.memory_space<vmem_shared>>
      tpu.enqueue_dma source(%arg8 : memref<16x16xf32, #tpu.memory_space<vmem>>) target(%dma_start3A_138 : memref<16x16xf32, #tpu.memory_space<vmem_shared>>) target_semaphore(%arg11 : memref<!tpu.dma_semaphore, #tpu.memory_space<semaphore_mem>>)
      %dma_start3A_139 = arith.constant 0 : i32
      %dma_start3A_140 = tpu.memref_slice %arg13[%mul3A_135, %dma_start3A_139] : memref<10240x16xf32, #tpu.memory_space<vmem_shared>> -> memref<16x16xf32, #tpu.memory_space<vmem_shared>>
      %dma_start3A_141 = arith.constant 0 : i32
      %dma_start3A_142 = tpu.memref_slice %arg13[%mul3A_135, %dma_start3A_141] : memref<10240x16xf32, #tpu.memory_space<vmem_shared>> -> memref<16x16xf32, #tpu.memory_space<vmem_shared>>
      tpu.enqueue_dma source(%arg8 : memref<16x16xf32, #tpu.memory_space<vmem>>) target(%dma_start3A_142 : memref<16x16xf32, #tpu.memory_space<vmem_shared>>) target_semaphore(%arg11 : memref<!tpu.dma_semaphore, #tpu.memory_space<semaphore_mem>>)
      %mul3A_143 = arith.constant 40 : i32
      %mul3A_144 = arith.muli %arg1, %mul3A_143 : i32
      %mul3A_145 = arith.constant 4 : i32
      %mul3A_146 = arith.muli %scan3A_125, %mul3A_145 : i32
      %add3A_147 = arith.addi %mul3A_144, %mul3A_146 : i32
      %add3A_148 = arith.constant 1 : i32
      %add3A_149 = arith.addi %add3A_147, %add3A_148 : i32
      %mul3A_150 = arith.constant 16 : i32
      %mul3A_151 = arith.muli %add3A_149, %mul3A_150 : i32
      %dma_start3A_152 = arith.constant 0 : i32
      %dma_start3A_153 = tpu.memref_slice %arg12[%mul3A_151, %dma_start3A_152] : memref<10240x16xf32, #tpu.memory_space<vmem_shared>> -> memref<16x16xf32, #tpu.memory_space<vmem_shared>>
      %dma_start3A_154 = arith.constant 0 : i32
      %dma_start3A_155 = tpu.memref_slice %arg12[%mul3A_151, %dma_start3A_154] : memref<10240x16xf32, #tpu.memory_space<vmem_shared>> -> memref<16x16xf32, #tpu.memory_space<vmem_shared>>
      tpu.enqueue_dma source(%arg8 : memref<16x16xf32, #tpu.memory_space<vmem>>) target(%dma_start3A_155 : memref<16x16xf32, #tpu.memory_space<vmem_shared>>) target_semaphore(%arg11 : memref<!tpu.dma_semaphore, #tpu.memory_space<semaphore_mem>>)
      %dma_start3A_156 = arith.constant 0 : i32
      %dma_start3A_157 = tpu.memref_slice %arg13[%mul3A_151, %dma_start3A_156] : memref<10240x16xf32, #tpu.memory_space<vmem_shared>> -> memref<16x16xf32, #tpu.memory_space<vmem_shared>>
      %dma_start3A_158 = arith.constant 0 : i32
      %dma_start3A_159 = tpu.memref_slice %arg13[%mul3A_151, %dma_start3A_158] : memref<10240x16xf32, #tpu.memory_space<vmem_shared>> -> memref<16x16xf32, #tpu.memory_space<vmem_shared>>
      tpu.enqueue_dma source(%arg8 : memref<16x16xf32, #tpu.memory_space<vmem>>) target(%dma_start3A_159 : memref<16x16xf32, #tpu.memory_space<vmem_shared>>) target_semaphore(%arg11 : memref<!tpu.dma_semaphore, #tpu.memory_space<semaphore_mem>>)
      %mul3A_160 = arith.constant 40 : i32
      %mul3A_161 = arith.muli %arg1, %mul3A_160 : i32
      %mul3A_162 = arith.constant 4 : i32
      %mul3A_163 = arith.muli %scan3A_125, %mul3A_162 : i32
      %add3A_164 = arith.addi %mul3A_161, %mul3A_163 : i32
      %add3A_165 = arith.constant 2 : i32
      %add3A_166 = arith.addi %add3A_164, %add3A_165 : i32
      %mul3A_167 = arith.constant 16 : i32
      %mul3A_168 = arith.muli %add3A_166, %mul3A_167 : i32
      %dma_start3A_169 = arith.constant 0 : i32
      %dma_start3A_170 = tpu.memref_slice %arg12[%mul3A_168, %dma_start3A_169] : memref<10240x16xf32, #tpu.memory_space<vmem_shared>> -> memref<16x16xf32, #tpu.memory_space<vmem_shared>>
      %dma_start3A_171 = arith.constant 0 : i32
      %dma_start3A_172 = tpu.memref_slice %arg12[%mul3A_168, %dma_start3A_171] : memref<10240x16xf32, #tpu.memory_space<vmem_shared>> -> memref<16x16xf32, #tpu.memory_space<vmem_shared>>
      tpu.enqueue_dma source(%arg8 : memref<16x16xf32, #tpu.memory_space<vmem>>) target(%dma_start3A_172 : memref<16x16xf32, #tpu.memory_space<vmem_shared>>) target_semaphore(%arg11 : memref<!tpu.dma_semaphore, #tpu.memory_space<semaphore_mem>>)
      %dma_start3A_173 = arith.constant 0 : i32
      %dma_start3A_174 = tpu.memref_slice %arg13[%mul3A_168, %dma_start3A_173] : memref<10240x16xf32, #tpu.memory_space<vmem_shared>> -> memref<16x16xf32, #tpu.memory_space<vmem_shared>>
      %dma_start3A_175 = arith.constant 0 : i32
      %dma_start3A_176 = tpu.memref_slice %arg13[%mul3A_168, %dma_start3A_175] : memref<10240x16xf32, #tpu.memory_space<vmem_shared>> -> memref<16x16xf32, #tpu.memory_space<vmem_shared>>
      tpu.enqueue_dma source(%arg8 : memref<16x16xf32, #tpu.memory_space<vmem>>) target(%dma_start3A_176 : memref<16x16xf32, #tpu.memory_space<vmem_shared>>) target_semaphore(%arg11 : memref<!tpu.dma_semaphore, #tpu.memory_space<semaphore_mem>>)
      %mul3A_177 = arith.constant 40 : i32
      %mul3A_178 = arith.muli %arg1, %mul3A_177 : i32
      %mul3A_179 = arith.constant 4 : i32
      %mul3A_180 = arith.muli %scan3A_125, %mul3A_179 : i32
      %add3A_181 = arith.addi %mul3A_178, %mul3A_180 : i32
      %add3A_182 = arith.constant 3 : i32
      %add3A_183 = arith.addi %add3A_181, %add3A_182 : i32
      %mul3A_184 = arith.constant 16 : i32
      %mul3A_185 = arith.muli %add3A_183, %mul3A_184 : i32
      %dma_start3A_186 = arith.constant 0 : i32
      %dma_start3A_187 = tpu.memref_slice %arg12[%mul3A_185, %dma_start3A_186] : memref<10240x16xf32, #tpu.memory_space<vmem_shared>> -> memref<16x16xf32, #tpu.memory_space<vmem_shared>>
      %dma_start3A_188 = arith.constant 0 : i32
      %dma_start3A_189 = tpu.memref_slice %arg12[%mul3A_185, %dma_start3A_188] : memref<10240x16xf32, #tpu.memory_space<vmem_shared>> -> memref<16x16xf32, #tpu.memory_space<vmem_shared>>
      tpu.enqueue_dma source(%arg8 : memref<16x16xf32, #tpu.memory_space<vmem>>) target(%dma_start3A_189 : memref<16x16xf32, #tpu.memory_space<vmem_shared>>) target_semaphore(%arg11 : memref<!tpu.dma_semaphore, #tpu.memory_space<semaphore_mem>>)
      %dma_start3A_190 = arith.constant 0 : i32
      %dma_start3A_191 = tpu.memref_slice %arg13[%mul3A_185, %dma_start3A_190] : memref<10240x16xf32, #tpu.memory_space<vmem_shared>> -> memref<16x16xf32, #tpu.memory_space<vmem_shared>>
      %dma_start3A_192 = arith.constant 0 : i32
      %dma_start3A_193 = tpu.memref_slice %arg13[%mul3A_185, %dma_start3A_192] : memref<10240x16xf32, #tpu.memory_space<vmem_shared>> -> memref<16x16xf32, #tpu.memory_space<vmem_shared>>
      tpu.enqueue_dma source(%arg8 : memref<16x16xf32, #tpu.memory_space<vmem>>) target(%dma_start3A_193 : memref<16x16xf32, #tpu.memory_space<vmem_shared>>) target_semaphore(%arg11 : memref<!tpu.dma_semaphore, #tpu.memory_space<semaphore_mem>>)
      %mul3A_194 = arith.constant 40 : i32
      %mul3A_195 = arith.muli %arg1, %mul3A_194 : i32
      %mul3A_196 = arith.constant 4 : i32
      %mul3A_197 = arith.muli %scan3A_125, %mul3A_196 : i32
      %add3A_198 = arith.addi %mul3A_195, %mul3A_197 : i32
      %add3A_199 = arith.constant 0 : i32
      %add3A_200 = arith.addi %add3A_198, %add3A_199 : i32
      %mul3A_201 = arith.constant 16 : i32
      %mul3A_202 = arith.muli %add3A_200, %mul3A_201 : i32
      %dma_wait3A = arith.constant 0 : i32
      %dma_wait3A_203 = tpu.memref_slice %arg12[%mul3A_202, %dma_wait3A] : memref<10240x16xf32, #tpu.memory_space<vmem_shared>> -> memref<16x16xf32, #tpu.memory_space<vmem_shared>>
      %dma_wait3A_204 = arith.constant 0 : i32
      %dma_wait3A_205 = tpu.memref_slice %arg12[%mul3A_202, %dma_wait3A_204] : memref<10240x16xf32, #tpu.memory_space<vmem_shared>> -> memref<16x16xf32, #tpu.memory_space<vmem_shared>>
      tpu.wait_dma2 semaphore(%arg11 : memref<!tpu.dma_semaphore, #tpu.memory_space<semaphore_mem>>) src(%arg8 : memref<16x16xf32, #tpu.memory_space<vmem>>) dst(%dma_wait3A_205 : memref<16x16xf32, #tpu.memory_space<vmem_shared>>)
      %dma_wait3A_206 = arith.constant 0 : i32
      %dma_wait3A_207 = tpu.memref_slice %arg13[%mul3A_202, %dma_wait3A_206] : memref<10240x16xf32, #tpu.memory_space<vmem_shared>> -> memref<16x16xf32, #tpu.memory_space<vmem_shared>>
      %dma_wait3A_208 = arith.constant 0 : i32
      %dma_wait3A_209 = tpu.memref_slice %arg13[%mul3A_202, %dma_wait3A_208] : memref<10240x16xf32, #tpu.memory_space<vmem_shared>> -> memref<16x16xf32, #tpu.memory_space<vmem_shared>>
      tpu.wait_dma2 semaphore(%arg11 : memref<!tpu.dma_semaphore, #tpu.memory_space<semaphore_mem>>) src(%arg8 : memref<16x16xf32, #tpu.memory_space<vmem>>) dst(%dma_wait3A_209 : memref<16x16xf32, #tpu.memory_space<vmem_shared>>)
      %mul3A_210 = arith.constant 40 : i32
      %mul3A_211 = arith.muli %arg1, %mul3A_210 : i32
      %mul3A_212 = arith.constant 4 : i32
      %mul3A_213 = arith.muli %scan3A_125, %mul3A_212 : i32
      %add3A_214 = arith.addi %mul3A_211, %mul3A_213 : i32
      %add3A_215 = arith.constant 1 : i32
      %add3A_216 = arith.addi %add3A_214, %add3A_215 : i32
      %mul3A_217 = arith.constant 16 : i32
      %mul3A_218 = arith.muli %add3A_216, %mul3A_217 : i32
      %dma_wait3A_219 = arith.constant 0 : i32
      %dma_wait3A_220 = tpu.memref_slice %arg12[%mul3A_218, %dma_wait3A_219] : memref<10240x16xf32, #tpu.memory_space<vmem_shared>> -> memref<16x16xf32, #tpu.memory_space<vmem_shared>>
      %dma_wait3A_221 = arith.constant 0 : i32
      %dma_wait3A_222 = tpu.memref_slice %arg12[%mul3A_218, %dma_wait3A_221] : memref<10240x16xf32, #tpu.memory_space<vmem_shared>> -> memref<16x16xf32, #tpu.memory_space<vmem_shared>>
      tpu.wait_dma2 semaphore(%arg11 : memref<!tpu.dma_semaphore, #tpu.memory_space<semaphore_mem>>) src(%arg8 : memref<16x16xf32, #tpu.memory_space<vmem>>) dst(%dma_wait3A_222 : memref<16x16xf32, #tpu.memory_space<vmem_shared>>)
      %dma_wait3A_223 = arith.constant 0 : i32
      %dma_wait3A_224 = tpu.memref_slice %arg13[%mul3A_218, %dma_wait3A_223] : memref<10240x16xf32, #tpu.memory_space<vmem_shared>> -> memref<16x16xf32, #tpu.memory_space<vmem_shared>>
      %dma_wait3A_225 = arith.constant 0 : i32
      %dma_wait3A_226 = tpu.memref_slice %arg13[%mul3A_218, %dma_wait3A_225] : memref<10240x16xf32, #tpu.memory_space<vmem_shared>> -> memref<16x16xf32, #tpu.memory_space<vmem_shared>>
      tpu.wait_dma2 semaphore(%arg11 : memref<!tpu.dma_semaphore, #tpu.memory_space<semaphore_mem>>) src(%arg8 : memref<16x16xf32, #tpu.memory_space<vmem>>) dst(%dma_wait3A_226 : memref<16x16xf32, #tpu.memory_space<vmem_shared>>)
      %mul3A_227 = arith.constant 40 : i32
      %mul3A_228 = arith.muli %arg1, %mul3A_227 : i32
      %mul3A_229 = arith.constant 4 : i32
      %mul3A_230 = arith.muli %scan3A_125, %mul3A_229 : i32
      %add3A_231 = arith.addi %mul3A_228, %mul3A_230 : i32
      %add3A_232 = arith.constant 2 : i32
      %add3A_233 = arith.addi %add3A_231, %add3A_232 : i32
      %mul3A_234 = arith.constant 16 : i32
      %mul3A_235 = arith.muli %add3A_233, %mul3A_234 : i32
      %dma_wait3A_236 = arith.constant 0 : i32
      %dma_wait3A_237 = tpu.memref_slice %arg12[%mul3A_235, %dma_wait3A_236] : memref<10240x16xf32, #tpu.memory_space<vmem_shared>> -> memref<16x16xf32, #tpu.memory_space<vmem_shared>>
      %dma_wait3A_238 = arith.constant 0 : i32
      %dma_wait3A_239 = tpu.memref_slice %arg12[%mul3A_235, %dma_wait3A_238] : memref<10240x16xf32, #tpu.memory_space<vmem_shared>> -> memref<16x16xf32, #tpu.memory_space<vmem_shared>>
      tpu.wait_dma2 semaphore(%arg11 : memref<!tpu.dma_semaphore, #tpu.memory_space<semaphore_mem>>) src(%arg8 : memref<16x16xf32, #tpu.memory_space<vmem>>) dst(%dma_wait3A_239 : memref<16x16xf32, #tpu.memory_space<vmem_shared>>)
      %dma_wait3A_240 = arith.constant 0 : i32
      %dma_wait3A_241 = tpu.memref_slice %arg13[%mul3A_235, %dma_wait3A_240] : memref<10240x16xf32, #tpu.memory_space<vmem_shared>> -> memref<16x16xf32, #tpu.memory_space<vmem_shared>>
      %dma_wait3A_242 = arith.constant 0 : i32
      %dma_wait3A_243 = tpu.memref_slice %arg13[%mul3A_235, %dma_wait3A_242] : memref<10240x16xf32, #tpu.memory_space<vmem_shared>> -> memref<16x16xf32, #tpu.memory_space<vmem_shared>>
      tpu.wait_dma2 semaphore(%arg11 : memref<!tpu.dma_semaphore, #tpu.memory_space<semaphore_mem>>) src(%arg8 : memref<16x16xf32, #tpu.memory_space<vmem>>) dst(%dma_wait3A_243 : memref<16x16xf32, #tpu.memory_space<vmem_shared>>)
      %mul3A_244 = arith.constant 40 : i32
      %mul3A_245 = arith.muli %arg1, %mul3A_244 : i32
      %mul3A_246 = arith.constant 4 : i32
      %mul3A_247 = arith.muli %scan3A_125, %mul3A_246 : i32
      %add3A_248 = arith.addi %mul3A_245, %mul3A_247 : i32
      %add3A_249 = arith.constant 3 : i32
      %add3A_250 = arith.addi %add3A_248, %add3A_249 : i32
      %mul3A_251 = arith.constant 16 : i32
      %mul3A_252 = arith.muli %add3A_250, %mul3A_251 : i32
      %dma_wait3A_253 = arith.constant 0 : i32
      %dma_wait3A_254 = tpu.memref_slice %arg12[%mul3A_252, %dma_wait3A_253] : memref<10240x16xf32, #tpu.memory_space<vmem_shared>> -> memref<16x16xf32, #tpu.memory_space<vmem_shared>>
      %dma_wait3A_255 = arith.constant 0 : i32
      %dma_wait3A_256 = tpu.memref_slice %arg12[%mul3A_252, %dma_wait3A_255] : memref<10240x16xf32, #tpu.memory_space<vmem_shared>> -> memref<16x16xf32, #tpu.memory_space<vmem_shared>>
      tpu.wait_dma2 semaphore(%arg11 : memref<!tpu.dma_semaphore, #tpu.memory_space<semaphore_mem>>) src(%arg8 : memref<16x16xf32, #tpu.memory_space<vmem>>) dst(%dma_wait3A_256 : memref<16x16xf32, #tpu.memory_space<vmem_shared>>)
      %dma_wait3A_257 = arith.constant 0 : i32
      %dma_wait3A_258 = tpu.memref_slice %arg13[%mul3A_252, %dma_wait3A_257] : memref<10240x16xf32, #tpu.memory_space<vmem_shared>> -> memref<16x16xf32, #tpu.memory_space<vmem_shared>>
      %dma_wait3A_259 = arith.constant 0 : i32
      %dma_wait3A_260 = tpu.memref_slice %arg13[%mul3A_252, %dma_wait3A_259] : memref<10240x16xf32, #tpu.memory_space<vmem_shared>> -> memref<16x16xf32, #tpu.memory_space<vmem_shared>>
      tpu.wait_dma2 semaphore(%arg11 : memref<!tpu.dma_semaphore, #tpu.memory_space<semaphore_mem>>) src(%arg8 : memref<16x16xf32, #tpu.memory_space<vmem>>) dst(%dma_wait3A_260 : memref<16x16xf32, #tpu.memory_space<vmem_shared>>)
      %scan3A_261 = arith.constant 0 : i32
      scf.yield %scan3A_261 : i32
    }
    %scan3A_111 = arith.constant 10 : i32
    %mul3A_112 = arith.constant 16 : i32
    %mul3A_113 = arith.muli %add3A, %mul3A_112 : i32
    %run_scoped3A = arith.constant 0 : i32
    "tpu.region"() ({
      %run_scoped3A_125 = tpu.sem_alloc : memref<!tpu.dma_semaphore, #tpu.memory_space<semaphore_mem>>
      %dma_start3A = arith.constant 0 : i32
      %dma_start3A_126 = tpu.memref_slice %arg2[%run_scoped3A, %mul3A_113, %dma_start3A] : memref<2x512x640xi32, #tpu.memory_space<hbm>> -> memref<1x16x640xi32, #tpu.memory_space<hbm>>
      %dma_start3A_127 = tpu.memref_squeeze %dma_start3A_126 : memref<1x16x640xi32, #tpu.memory_space<hbm>> -> memref<16x640xi32, #tpu.memory_space<hbm>>
      %dma_start3A_128 = arith.constant 0 : i32
      %dma_start3A_129 = tpu.memref_slice %arg2[%run_scoped3A, %mul3A_113, %dma_start3A_128] : memref<2x512x640xi32, #tpu.memory_space<hbm>> -> memref<1x16x640xi32, #tpu.memory_space<hbm>>
      %dma_start3A_130 = tpu.memref_squeeze %dma_start3A_129 : memref<1x16x640xi32, #tpu.memory_space<hbm>> -> memref<16x640xi32, #tpu.memory_space<hbm>>
      tpu.enqueue_dma source(%dma_start3A_130 : memref<16x640xi32, #tpu.memory_space<hbm>>) target(%arg5 : memref<16x640xi32, #tpu.memory_space<vmem>>) target_semaphore(%run_scoped3A_125 : memref<!tpu.dma_semaphore, #tpu.memory_space<semaphore_mem>>)
      %dma_wait3A = arith.constant 0 : i32
      %dma_wait3A_131 = tpu.memref_slice %arg2[%run_scoped3A, %mul3A_113, %dma_wait3A] : memref<2x512x640xi32, #tpu.memory_space<hbm>> -> memref<1x16x640xi32, #tpu.memory_space<hbm>>
      %dma_wait3A_132 = tpu.memref_squeeze %dma_wait3A_131 : memref<1x16x640xi32, #tpu.memory_space<hbm>> -> memref<16x640xi32, #tpu.memory_space<hbm>>
      %dma_wait3A_133 = arith.constant 0 : i32
      %dma_wait3A_134 = tpu.memref_slice %arg2[%run_scoped3A, %mul3A_113, %dma_wait3A_133] : memref<2x512x640xi32, #tpu.memory_space<hbm>> -> memref<1x16x640xi32, #tpu.memory_space<hbm>>
      %dma_wait3A_135 = tpu.memref_squeeze %dma_wait3A_134 : memref<1x16x640xi32, #tpu.memory_space<hbm>> -> memref<16x640xi32, #tpu.memory_space<hbm>>
      tpu.wait_dma2 semaphore(%run_scoped3A_125 : memref<!tpu.dma_semaphore, #tpu.memory_space<semaphore_mem>>) src(%dma_wait3A_135 : memref<16x640xi32, #tpu.memory_space<hbm>>) dst(%arg5 : memref<16x640xi32, #tpu.memory_space<vmem>>)
      tpu.yield
    }) : () -> ()
    %run_scoped3A_114 = arith.constant 1 : i32
    "tpu.region"() ({
      %run_scoped3A_125 = tpu.sem_alloc : memref<!tpu.dma_semaphore, #tpu.memory_space<semaphore_mem>>
      %dma_start3A = arith.constant 0 : i32
      %dma_start3A_126 = tpu.memref_slice %arg2[%run_scoped3A_114, %mul3A_113, %dma_start3A] : memref<2x512x640xi32, #tpu.memory_space<hbm>> -> memref<1x16x640xi32, #tpu.memory_space<hbm>>
      %dma_start3A_127 = tpu.memref_squeeze %dma_start3A_126 : memref<1x16x640xi32, #tpu.memory_space<hbm>> -> memref<16x640xi32, #tpu.memory_space<hbm>>
      %dma_start3A_128 = arith.constant 0 : i32
      %dma_start3A_129 = tpu.memref_slice %arg2[%run_scoped3A_114, %mul3A_113, %dma_start3A_128] : memref<2x512x640xi32, #tpu.memory_space<hbm>> -> memref<1x16x640xi32, #tpu.memory_space<hbm>>
      %dma_start3A_130 = tpu.memref_squeeze %dma_start3A_129 : memref<1x16x640xi32, #tpu.memory_space<hbm>> -> memref<16x640xi32, #tpu.memory_space<hbm>>
      tpu.enqueue_dma source(%dma_start3A_130 : memref<16x640xi32, #tpu.memory_space<hbm>>) target(%arg6 : memref<16x640xi32, #tpu.memory_space<vmem>>) target_semaphore(%run_scoped3A_125 : memref<!tpu.dma_semaphore, #tpu.memory_space<semaphore_mem>>)
      %dma_wait3A = arith.constant 0 : i32
      %dma_wait3A_131 = tpu.memref_slice %arg2[%run_scoped3A_114, %mul3A_113, %dma_wait3A] : memref<2x512x640xi32, #tpu.memory_space<hbm>> -> memref<1x16x640xi32, #tpu.memory_space<hbm>>
      %dma_wait3A_132 = tpu.memref_squeeze %dma_wait3A_131 : memref<1x16x640xi32, #tpu.memory_space<hbm>> -> memref<16x640xi32, #tpu.memory_space<hbm>>
      %dma_wait3A_133 = arith.constant 0 : i32
      %dma_wait3A_134 = tpu.memref_slice %arg2[%run_scoped3A_114, %mul3A_113, %dma_wait3A_133] : memref<2x512x640xi32, #tpu.memory_space<hbm>> -> memref<1x16x640xi32, #tpu.memory_space<hbm>>
      %dma_wait3A_135 = tpu.memref_squeeze %dma_wait3A_134 : memref<1x16x640xi32, #tpu.memory_space<hbm>> -> memref<16x640xi32, #tpu.memory_space<hbm>>
      tpu.wait_dma2 semaphore(%run_scoped3A_125 : memref<!tpu.dma_semaphore, #tpu.memory_space<semaphore_mem>>) src(%dma_wait3A_135 : memref<16x640xi32, #tpu.memory_space<hbm>>) dst(%arg6 : memref<16x640xi32, #tpu.memory_space<vmem>>)
      tpu.yield
    }) : () -> ()
    %barrier3A = arith.constant 0 : index
    tpu.barrier barrier_id(%barrier3A)
    %scan3A_115 = arith.constant 0 : i32
    %scan3A_116 = arith.constant 0 : i32
    %scan3A_117 = arith.constant 4 : i32
    %scan3A_118 = arith.addi %scan3A_116, %scan3A_117 : i32
    %scan3A_119 = arith.constant 1 : i32
    %scan3A_120 = scf.for %scan3A_125 = %scan3A_116 to %scan3A_118 step %scan3A_119 iter_args(%scan3A_126 = %scan3A_115) -> (i32)  : i32 {
      %mul3A_127 = arith.constant 4 : i32
      %mul3A_128 = arith.muli %scan3A_125, %mul3A_127 : i32
      %add3A_129 = arith.constant 0 : i32
      %add3A_130 = arith.addi %mul3A_128, %add3A_129 : i32
      %dma_start3A = arith.constant 0 : i32
      %dma_start3A_131 = tpu.memref_slice %arg5[%add3A_130, %dma_start3A] : memref<16x640xi32, #tpu.memory_space<vmem>> -> memref<1x640xi32, #tpu.memory_space<vmem>>
      %dma_start3A_132 = tpu.memref_squeeze %dma_start3A_131 : memref<1x640xi32, #tpu.memory_space<vmem>> -> memref<640xi32, #tpu.memory_space<vmem>>
      %dma_start3A_133 = arith.constant 0 : i32
      %dma_start3A_134 = arith.constant 0 : i32
      %dma_start3A_135 = tpu.memref_slice %arg12[%dma_start3A_133, %dma_start3A_134] : memref<10240x16xf32, #tpu.memory_space<vmem_shared>> -> memref<10240x16xf32, #tpu.memory_space<vmem_shared>>
      tpu.enqueue_indirect_dma source(%arg7 : memref<640x16xf32, #tpu.memory_space<vmem>>) target(%dma_start3A_135 : memref<10240x16xf32, #tpu.memory_space<vmem_shared>>) offsets(%dma_start3A_132 : memref<640xi32, #tpu.memory_space<vmem>>) semaphore(%arg9 : memref<!tpu.dma_semaphore, #tpu.memory_space<semaphore_mem>>) {add = true}
      %dma_start3A_136 = arith.constant 0 : i32
      %dma_start3A_137 = tpu.memref_slice %arg6[%add3A_130, %dma_start3A_136] : memref<16x640xi32, #tpu.memory_space<vmem>> -> memref<1x640xi32, #tpu.memory_space<vmem>>
      %dma_start3A_138 = tpu.memref_squeeze %dma_start3A_137 : memref<1x640xi32, #tpu.memory_space<vmem>> -> memref<640xi32, #tpu.memory_space<vmem>>
      %dma_start3A_139 = arith.constant 0 : i32
      %dma_start3A_140 = arith.constant 0 : i32
      %dma_start3A_141 = tpu.memref_slice %arg13[%dma_start3A_139, %dma_start3A_140] : memref<10240x16xf32, #tpu.memory_space<vmem_shared>> -> memref<10240x16xf32, #tpu.memory_space<vmem_shared>>
      tpu.enqueue_indirect_dma source(%arg7 : memref<640x16xf32, #tpu.memory_space<vmem>>) target(%dma_start3A_141 : memref<10240x16xf32, #tpu.memory_space<vmem_shared>>) offsets(%dma_start3A_138 : memref<640xi32, #tpu.memory_space<vmem>>) semaphore(%arg10 : memref<!tpu.dma_semaphore, #tpu.memory_space<semaphore_mem>>) {add = true}
      %mul3A_142 = arith.constant 4 : i32
      %mul3A_143 = arith.muli %scan3A_125, %mul3A_142 : i32
      %add3A_144 = arith.constant 1 : i32
      %add3A_145 = arith.addi %mul3A_143, %add3A_144 : i32
      %dma_start3A_146 = arith.constant 0 : i32
      %dma_start3A_147 = tpu.memref_slice %arg5[%add3A_145, %dma_start3A_146] : memref<16x640xi32, #tpu.memory_space<vmem>> -> memref<1x640xi32, #tpu.memory_space<vmem>>
      %dma_start3A_148 = tpu.memref_squeeze %dma_start3A_147 : memref<1x640xi32, #tpu.memory_space<vmem>> -> memref<640xi32, #tpu.memory_space<vmem>>
      %dma_start3A_149 = arith.constant 0 : i32
      %dma_start3A_150 = arith.constant 0 : i32
      %dma_start3A_151 = tpu.memref_slice %arg12[%dma_start3A_149, %dma_start3A_150] : memref<10240x16xf32, #tpu.memory_space<vmem_shared>> -> memref<10240x16xf32, #tpu.memory_space<vmem_shared>>
      tpu.enqueue_indirect_dma source(%arg7 : memref<640x16xf32, #tpu.memory_space<vmem>>) target(%dma_start3A_151 : memref<10240x16xf32, #tpu.memory_space<vmem_shared>>) offsets(%dma_start3A_148 : memref<640xi32, #tpu.memory_space<vmem>>) semaphore(%arg9 : memref<!tpu.dma_semaphore, #tpu.memory_space<semaphore_mem>>) {add = true}
      %dma_start3A_152 = arith.constant 0 : i32
      %dma_start3A_153 = tpu.memref_slice %arg6[%add3A_145, %dma_start3A_152] : memref<16x640xi32, #tpu.memory_space<vmem>> -> memref<1x640xi32, #tpu.memory_space<vmem>>
      %dma_start3A_154 = tpu.memref_squeeze %dma_start3A_153 : memref<1x640xi32, #tpu.memory_space<vmem>> -> memref<640xi32, #tpu.memory_space<vmem>>
      %dma_start3A_155 = arith.constant 0 : i32
      %dma_start3A_156 = arith.constant 0 : i32
      %dma_start3A_157 = tpu.memref_slice %arg13[%dma_start3A_155, %dma_start3A_156] : memref<10240x16xf32, #tpu.memory_space<vmem_shared>> -> memref<10240x16xf32, #tpu.memory_space<vmem_shared>>
      tpu.enqueue_indirect_dma source(%arg7 : memref<640x16xf32, #tpu.memory_space<vmem>>) target(%dma_start3A_157 : memref<10240x16xf32, #tpu.memory_space<vmem_shared>>) offsets(%dma_start3A_154 : memref<640xi32, #tpu.memory_space<vmem>>) semaphore(%arg10 : memref<!tpu.dma_semaphore, #tpu.memory_space<semaphore_mem>>) {add = true}
      %mul3A_158 = arith.constant 4 : i32
      %mul3A_159 = arith.muli %scan3A_125, %mul3A_158 : i32
      %add3A_160 = arith.constant 2 : i32
      %add3A_161 = arith.addi %mul3A_159, %add3A_160 : i32
      %dma_start3A_162 = arith.constant 0 : i32
      %dma_start3A_163 = tpu.memref_slice %arg5[%add3A_161, %dma_start3A_162] : memref<16x640xi32, #tpu.memory_space<vmem>> -> memref<1x640xi32, #tpu.memory_space<vmem>>
      %dma_start3A_164 = tpu.memref_squeeze %dma_start3A_163 : memref<1x640xi32, #tpu.memory_space<vmem>> -> memref<640xi32, #tpu.memory_space<vmem>>
      %dma_start3A_165 = arith.constant 0 : i32
      %dma_start3A_166 = arith.constant 0 : i32
      %dma_start3A_167 = tpu.memref_slice %arg12[%dma_start3A_165, %dma_start3A_166] : memref<10240x16xf32, #tpu.memory_space<vmem_shared>> -> memref<10240x16xf32, #tpu.memory_space<vmem_shared>>
      tpu.enqueue_indirect_dma source(%arg7 : memref<640x16xf32, #tpu.memory_space<vmem>>) target(%dma_start3A_167 : memref<10240x16xf32, #tpu.memory_space<vmem_shared>>) offsets(%dma_start3A_164 : memref<640xi32, #tpu.memory_space<vmem>>) semaphore(%arg9 : memref<!tpu.dma_semaphore, #tpu.memory_space<semaphore_mem>>) {add = true}
      %dma_start3A_168 = arith.constant 0 : i32
      %dma_start3A_169 = tpu.memref_slice %arg6[%add3A_161, %dma_start3A_168] : memref<16x640xi32, #tpu.memory_space<vmem>> -> memref<1x640xi32, #tpu.memory_space<vmem>>
      %dma_start3A_170 = tpu.memref_squeeze %dma_start3A_169 : memref<1x640xi32, #tpu.memory_space<vmem>> -> memref<640xi32, #tpu.memory_space<vmem>>
      %dma_start3A_171 = arith.constant 0 : i32
      %dma_start3A_172 = arith.constant 0 : i32
      %dma_start3A_173 = tpu.memref_slice %arg13[%dma_start3A_171, %dma_start3A_172] : memref<10240x16xf32, #tpu.memory_space<vmem_shared>> -> memref<10240x16xf32, #tpu.memory_space<vmem_shared>>
      tpu.enqueue_indirect_dma source(%arg7 : memref<640x16xf32, #tpu.memory_space<vmem>>) target(%dma_start3A_173 : memref<10240x16xf32, #tpu.memory_space<vmem_shared>>) offsets(%dma_start3A_170 : memref<640xi32, #tpu.memory_space<vmem>>) semaphore(%arg10 : memref<!tpu.dma_semaphore, #tpu.memory_space<semaphore_mem>>) {add = true}
      %mul3A_174 = arith.constant 4 : i32
      %mul3A_175 = arith.muli %scan3A_125, %mul3A_174 : i32
      %add3A_176 = arith.constant 3 : i32
      %add3A_177 = arith.addi %mul3A_175, %add3A_176 : i32
      %dma_start3A_178 = arith.constant 0 : i32
      %dma_start3A_179 = tpu.memref_slice %arg5[%add3A_177, %dma_start3A_178] : memref<16x640xi32, #tpu.memory_space<vmem>> -> memref<1x640xi32, #tpu.memory_space<vmem>>
      %dma_start3A_180 = tpu.memref_squeeze %dma_start3A_179 : memref<1x640xi32, #tpu.memory_space<vmem>> -> memref<640xi32, #tpu.memory_space<vmem>>
      %dma_start3A_181 = arith.constant 0 : i32
      %dma_start3A_182 = arith.constant 0 : i32
      %dma_start3A_183 = tpu.memref_slice %arg12[%dma_start3A_181, %dma_start3A_182] : memref<10240x16xf32, #tpu.memory_space<vmem_shared>> -> memref<10240x16xf32, #tpu.memory_space<vmem_shared>>
      tpu.enqueue_indirect_dma source(%arg7 : memref<640x16xf32, #tpu.memory_space<vmem>>) target(%dma_start3A_183 : memref<10240x16xf32, #tpu.memory_space<vmem_shared>>) offsets(%dma_start3A_180 : memref<640xi32, #tpu.memory_space<vmem>>) semaphore(%arg9 : memref<!tpu.dma_semaphore, #tpu.memory_space<semaphore_mem>>) {add = true}
      %dma_start3A_184 = arith.constant 0 : i32
      %dma_start3A_185 = tpu.memref_slice %arg6[%add3A_177, %dma_start3A_184] : memref<16x640xi32, #tpu.memory_space<vmem>> -> memref<1x640xi32, #tpu.memory_space<vmem>>
      %dma_start3A_186 = tpu.memref_squeeze %dma_start3A_185 : memref<1x640xi32, #tpu.memory_space<vmem>> -> memref<640xi32, #tpu.memory_space<vmem>>
      %dma_start3A_187 = arith.constant 0 : i32
      %dma_start3A_188 = arith.constant 0 : i32
      %dma_start3A_189 = tpu.memref_slice %arg13[%dma_start3A_187, %dma_start3A_188] : memref<10240x16xf32, #tpu.memory_space<vmem_shared>> -> memref<10240x16xf32, #tpu.memory_space<vmem_shared>>
      tpu.enqueue_indirect_dma source(%arg7 : memref<640x16xf32, #tpu.memory_space<vmem>>) target(%dma_start3A_189 : memref<10240x16xf32, #tpu.memory_space<vmem_shared>>) offsets(%dma_start3A_186 : memref<640xi32, #tpu.memory_space<vmem>>) semaphore(%arg10 : memref<!tpu.dma_semaphore, #tpu.memory_space<semaphore_mem>>) {add = true}
      %mul3A_190 = arith.constant 4 : i32
      %mul3A_191 = arith.muli %scan3A_125, %mul3A_190 : i32
      %add3A_192 = arith.constant 0 : i32
      %add3A_193 = arith.addi %mul3A_191, %add3A_192 : i32
      %dma_wait3A = arith.constant 0 : i32
      %dma_wait3A_194 = tpu.memref_slice %arg5[%add3A_193, %dma_wait3A] : memref<16x640xi32, #tpu.memory_space<vmem>> -> memref<1x640xi32, #tpu.memory_space<vmem>>
      %dma_wait3A_195 = tpu.memref_squeeze %dma_wait3A_194 : memref<1x640xi32, #tpu.memory_space<vmem>> -> memref<640xi32, #tpu.memory_space<vmem>>
      %dma_wait3A_196 = arith.constant 0 : i32
      %dma_wait3A_197 = arith.constant 0 : i32
      %dma_wait3A_198 = tpu.memref_slice %arg12[%dma_wait3A_196, %dma_wait3A_197] : memref<10240x16xf32, #tpu.memory_space<vmem_shared>> -> memref<10240x16xf32, #tpu.memory_space<vmem_shared>>
      tpu.wait_indirect_dma semaphore(%arg9 : memref<!tpu.dma_semaphore, #tpu.memory_space<semaphore_mem>>) src(%arg7 : memref<640x16xf32, #tpu.memory_space<vmem>>) dst(%dma_wait3A_198 : memref<10240x16xf32, #tpu.memory_space<vmem_shared>>)
      %dma_wait3A_199 = arith.constant 0 : i32
      %dma_wait3A_200 = tpu.memref_slice %arg6[%add3A_193, %dma_wait3A_199] : memref<16x640xi32, #tpu.memory_space<vmem>> -> memref<1x640xi32, #tpu.memory_space<vmem>>
      %dma_wait3A_201 = tpu.memref_squeeze %dma_wait3A_200 : memref<1x640xi32, #tpu.memory_space<vmem>> -> memref<640xi32, #tpu.memory_space<vmem>>
      %dma_wait3A_202 = arith.constant 0 : i32
      %dma_wait3A_203 = arith.constant 0 : i32
      %dma_wait3A_204 = tpu.memref_slice %arg13[%dma_wait3A_202, %dma_wait3A_203] : memref<10240x16xf32, #tpu.memory_space<vmem_shared>> -> memref<10240x16xf32, #tpu.memory_space<vmem_shared>>
      tpu.wait_indirect_dma semaphore(%arg10 : memref<!tpu.dma_semaphore, #tpu.memory_space<semaphore_mem>>) src(%arg7 : memref<640x16xf32, #tpu.memory_space<vmem>>) dst(%dma_wait3A_204 : memref<10240x16xf32, #tpu.memory_space<vmem_shared>>)
      %mul3A_205 = arith.constant 4 : i32
      %mul3A_206 = arith.muli %scan3A_125, %mul3A_205 : i32
      %add3A_207 = arith.constant 1 : i32
      %add3A_208 = arith.addi %mul3A_206, %add3A_207 : i32
      %dma_wait3A_209 = arith.constant 0 : i32
      %dma_wait3A_210 = tpu.memref_slice %arg5[%add3A_208, %dma_wait3A_209] : memref<16x640xi32, #tpu.memory_space<vmem>> -> memref<1x640xi32, #tpu.memory_space<vmem>>
      %dma_wait3A_211 = tpu.memref_squeeze %dma_wait3A_210 : memref<1x640xi32, #tpu.memory_space<vmem>> -> memref<640xi32, #tpu.memory_space<vmem>>
      %dma_wait3A_212 = arith.constant 0 : i32
      %dma_wait3A_213 = arith.constant 0 : i32
      %dma_wait3A_214 = tpu.memref_slice %arg12[%dma_wait3A_212, %dma_wait3A_213] : memref<10240x16xf32, #tpu.memory_space<vmem_shared>> -> memref<10240x16xf32, #tpu.memory_space<vmem_shared>>
      tpu.wait_indirect_dma semaphore(%arg9 : memref<!tpu.dma_semaphore, #tpu.memory_space<semaphore_mem>>) src(%arg7 : memref<640x16xf32, #tpu.memory_space<vmem>>) dst(%dma_wait3A_214 : memref<10240x16xf32, #tpu.memory_space<vmem_shared>>)
      %dma_wait3A_215 = arith.constant 0 : i32
      %dma_wait3A_216 = tpu.memref_slice %arg6[%add3A_208, %dma_wait3A_215] : memref<16x640xi32, #tpu.memory_space<vmem>> -> memref<1x640xi32, #tpu.memory_space<vmem>>
      %dma_wait3A_217 = tpu.memref_squeeze %dma_wait3A_216 : memref<1x640xi32, #tpu.memory_space<vmem>> -> memref<640xi32, #tpu.memory_space<vmem>>
      %dma_wait3A_218 = arith.constant 0 : i32
      %dma_wait3A_219 = arith.constant 0 : i32
      %dma_wait3A_220 = tpu.memref_slice %arg13[%dma_wait3A_218, %dma_wait3A_219] : memref<10240x16xf32, #tpu.memory_space<vmem_shared>> -> memref<10240x16xf32, #tpu.memory_space<vmem_shared>>
      tpu.wait_indirect_dma semaphore(%arg10 : memref<!tpu.dma_semaphore, #tpu.memory_space<semaphore_mem>>) src(%arg7 : memref<640x16xf32, #tpu.memory_space<vmem>>) dst(%dma_wait3A_220 : memref<10240x16xf32, #tpu.memory_space<vmem_shared>>)
      %mul3A_221 = arith.constant 4 : i32
      %mul3A_222 = arith.muli %scan3A_125, %mul3A_221 : i32
      %add3A_223 = arith.constant 2 : i32
      %add3A_224 = arith.addi %mul3A_222, %add3A_223 : i32
      %dma_wait3A_225 = arith.constant 0 : i32
      %dma_wait3A_226 = tpu.memref_slice %arg5[%add3A_224, %dma_wait3A_225] : memref<16x640xi32, #tpu.memory_space<vmem>> -> memref<1x640xi32, #tpu.memory_space<vmem>>
      %dma_wait3A_227 = tpu.memref_squeeze %dma_wait3A_226 : memref<1x640xi32, #tpu.memory_space<vmem>> -> memref<640xi32, #tpu.memory_space<vmem>>
      %dma_wait3A_228 = arith.constant 0 : i32
      %dma_wait3A_229 = arith.constant 0 : i32
      %dma_wait3A_230 = tpu.memref_slice %arg12[%dma_wait3A_228, %dma_wait3A_229] : memref<10240x16xf32, #tpu.memory_space<vmem_shared>> -> memref<10240x16xf32, #tpu.memory_space<vmem_shared>>
      tpu.wait_indirect_dma semaphore(%arg9 : memref<!tpu.dma_semaphore, #tpu.memory_space<semaphore_mem>>) src(%arg7 : memref<640x16xf32, #tpu.memory_space<vmem>>) dst(%dma_wait3A_230 : memref<10240x16xf32, #tpu.memory_space<vmem_shared>>)
      %dma_wait3A_231 = arith.constant 0 : i32
      %dma_wait3A_232 = tpu.memref_slice %arg6[%add3A_224, %dma_wait3A_231] : memref<16x640xi32, #tpu.memory_space<vmem>> -> memref<1x640xi32, #tpu.memory_space<vmem>>
      %dma_wait3A_233 = tpu.memref_squeeze %dma_wait3A_232 : memref<1x640xi32, #tpu.memory_space<vmem>> -> memref<640xi32, #tpu.memory_space<vmem>>
      %dma_wait3A_234 = arith.constant 0 : i32
      %dma_wait3A_235 = arith.constant 0 : i32
      %dma_wait3A_236 = tpu.memref_slice %arg13[%dma_wait3A_234, %dma_wait3A_235] : memref<10240x16xf32, #tpu.memory_space<vmem_shared>> -> memref<10240x16xf32, #tpu.memory_space<vmem_shared>>
      tpu.wait_indirect_dma semaphore(%arg10 : memref<!tpu.dma_semaphore, #tpu.memory_space<semaphore_mem>>) src(%arg7 : memref<640x16xf32, #tpu.memory_space<vmem>>) dst(%dma_wait3A_236 : memref<10240x16xf32, #tpu.memory_space<vmem_shared>>)
      %mul3A_237 = arith.constant 4 : i32
      %mul3A_238 = arith.muli %scan3A_125, %mul3A_237 : i32
      %add3A_239 = arith.constant 3 : i32
      %add3A_240 = arith.addi %mul3A_238, %add3A_239 : i32
      %dma_wait3A_241 = arith.constant 0 : i32
      %dma_wait3A_242 = tpu.memref_slice %arg5[%add3A_240, %dma_wait3A_241] : memref<16x640xi32, #tpu.memory_space<vmem>> -> memref<1x640xi32, #tpu.memory_space<vmem>>
      %dma_wait3A_243 = tpu.memref_squeeze %dma_wait3A_242 : memref<1x640xi32, #tpu.memory_space<vmem>> -> memref<640xi32, #tpu.memory_space<vmem>>
      %dma_wait3A_244 = arith.constant 0 : i32
      %dma_wait3A_245 = arith.constant 0 : i32
      %dma_wait3A_246 = tpu.memref_slice %arg12[%dma_wait3A_244, %dma_wait3A_245] : memref<10240x16xf32, #tpu.memory_space<vmem_shared>> -> memref<10240x16xf32, #tpu.memory_space<vmem_shared>>
      tpu.wait_indirect_dma semaphore(%arg9 : memref<!tpu.dma_semaphore, #tpu.memory_space<semaphore_mem>>) src(%arg7 : memref<640x16xf32, #tpu.memory_space<vmem>>) dst(%dma_wait3A_246 : memref<10240x16xf32, #tpu.memory_space<vmem_shared>>)
      %dma_wait3A_247 = arith.constant 0 : i32
      %dma_wait3A_248 = tpu.memref_slice %arg6[%add3A_240, %dma_wait3A_247] : memref<16x640xi32, #tpu.memory_space<vmem>> -> memref<1x640xi32, #tpu.memory_space<vmem>>
      %dma_wait3A_249 = tpu.memref_squeeze %dma_wait3A_248 : memref<1x640xi32, #tpu.memory_space<vmem>> -> memref<640xi32, #tpu.memory_space<vmem>>
      %dma_wait3A_250 = arith.constant 0 : i32
      %dma_wait3A_251 = arith.constant 0 : i32
      %dma_wait3A_252 = tpu.memref_slice %arg13[%dma_wait3A_250, %dma_wait3A_251] : memref<10240x16xf32, #tpu.memory_space<vmem_shared>> -> memref<10240x16xf32, #tpu.memory_space<vmem_shared>>
      tpu.wait_indirect_dma semaphore(%arg10 : memref<!tpu.dma_semaphore, #tpu.memory_space<semaphore_mem>>) src(%arg7 : memref<640x16xf32, #tpu.memory_space<vmem>>) dst(%dma_wait3A_252 : memref<10240x16xf32, #tpu.memory_space<vmem_shared>>)
      %scan3A_253 = arith.constant 0 : i32
      scf.yield %scan3A_253 : i32
    }
    %scan3A_121 = arith.constant 4 : i32
    %barrier3A_122 = arith.constant 0 : index
    tpu.barrier barrier_id(%barrier3A_122)
    %eq3A = arith.constant 0 : i32
    %eq3A_123 = arith.cmpi eq, %arg1, %eq3A : i32
    %convert_element_type3A = arith.extui %eq3A_123 : i1 to i32
    %cond3A = arith.constant 0 : i32
    %cond3A_124 = arith.cmpi ne, %convert_element_type3A, %cond3A : i32
    scf.if %cond3A_124 {
      "tpu.region"() ({
        %run_scoped3A_125 = tpu.sem_alloc : memref<!tpu.dma_semaphore, #tpu.memory_space<semaphore_mem>>
        %dma_start3A = arith.constant 0 : i32
        %dma_start3A_126 = arith.constant 0 : i32
        %dma_start3A_127 = tpu.memref_slice %arg3[%arg0, %dma_start3A, %dma_start3A_126] : memref<2x10240x16xf32, #tpu.memory_space<hbm>> -> memref<1x10240x16xf32, #tpu.memory_space<hbm>>
        %dma_start3A_128 = tpu.memref_squeeze %dma_start3A_127 : memref<1x10240x16xf32, #tpu.memory_space<hbm>> -> memref<10240x16xf32, #tpu.memory_space<hbm>>
        tpu.enqueue_dma source(%arg12 : memref<10240x16xf32, #tpu.memory_space<vmem_shared>>) target(%dma_start3A_128 : memref<10240x16xf32, #tpu.memory_space<hbm>>) target_semaphore(%run_scoped3A_125 : memref<!tpu.dma_semaphore, #tpu.memory_space<semaphore_mem>>)
        %dma_wait3A = arith.constant 0 : i32
        %dma_wait3A_129 = arith.constant 0 : i32
        %dma_wait3A_130 = tpu.memref_slice %arg3[%arg0, %dma_wait3A, %dma_wait3A_129] : memref<2x10240x16xf32, #tpu.memory_space<hbm>> -> memref<1x10240x16xf32, #tpu.memory_space<hbm>>
        %dma_wait3A_131 = tpu.memref_squeeze %dma_wait3A_130 : memref<1x10240x16xf32, #tpu.memory_space<hbm>> -> memref<10240x16xf32, #tpu.memory_space<hbm>>
        tpu.wait_dma2 semaphore(%run_scoped3A_125 : memref<!tpu.dma_semaphore, #tpu.memory_space<semaphore_mem>>) src(%arg12 : memref<10240x16xf32, #tpu.memory_space<vmem_shared>>) dst(%dma_wait3A_131 : memref<10240x16xf32, #tpu.memory_space<hbm>>)
        tpu.yield
      }) : () -> ()
      "tpu.region"() ({
        %run_scoped3A_125 = tpu.sem_alloc : memref<!tpu.dma_semaphore, #tpu.memory_space<semaphore_mem>>
        %dma_start3A = arith.constant 0 : i32
        %dma_start3A_126 = arith.constant 0 : i32
        %dma_start3A_127 = tpu.memref_slice %arg4[%arg0, %dma_start3A, %dma_start3A_126] : memref<2x10240x16xf32, #tpu.memory_space<hbm>> -> memref<1x10240x16xf32, #tpu.memory_space<hbm>>
        %dma_start3A_128 = tpu.memref_squeeze %dma_start3A_127 : memref<1x10240x16xf32, #tpu.memory_space<hbm>> -> memref<10240x16xf32, #tpu.memory_space<hbm>>
        tpu.enqueue_dma source(%arg13 : memref<10240x16xf32, #tpu.memory_space<vmem_shared>>) target(%dma_start3A_128 : memref<10240x16xf32, #tpu.memory_space<hbm>>) target_semaphore(%run_scoped3A_125 : memref<!tpu.dma_semaphore, #tpu.memory_space<semaphore_mem>>)
        %dma_wait3A = arith.constant 0 : i32
        %dma_wait3A_129 = arith.constant 0 : i32
        %dma_wait3A_130 = tpu.memref_slice %arg4[%arg0, %dma_wait3A, %dma_wait3A_129] : memref<2x10240x16xf32, #tpu.memory_space<hbm>> -> memref<1x10240x16xf32, #tpu.memory_space<hbm>>
        %dma_wait3A_131 = tpu.memref_squeeze %dma_wait3A_130 : memref<1x10240x16xf32, #tpu.memory_space<hbm>> -> memref<10240x16xf32, #tpu.memory_space<hbm>>
        tpu.wait_dma2 semaphore(%run_scoped3A_125 : memref<!tpu.dma_semaphore, #tpu.memory_space<semaphore_mem>>) src(%arg13 : memref<10240x16xf32, #tpu.memory_space<vmem_shared>>) dst(%dma_wait3A_131 : memref<10240x16xf32, #tpu.memory_space<hbm>>)
        tpu.yield
      }) : () -> ()
    } else {
    }
    return
  }
}

#map = affine_map<(d0, d1) -> (0, 0)>
#map1 = affine_map<(d0, d1) -> (0, 0, 0)>
module attributes {stable_mosaic.version = 14 : i64} {
  func.func @body(%arg0: i32, %arg1: i32, %arg2: memref<10240x32xbf16, #tpu.memory_space<hbm>>, %arg3: memref<2x512x640xi32, #tpu.memory_space<hbm>>, %arg4: memref<10240x16xf32, #tpu.memory_space<hbm>>, %arg5: memref<2x10240x32xbf16, #tpu.memory_space<hbm>>, %arg6: memref<2x10240x16xf32, #tpu.memory_space<hbm>>, %arg7: memref<16x640xi32, #tpu.memory_space<vmem>>, %arg8: memref<16x640xi32, #tpu.memory_space<vmem>>, %arg9: memref<640x32xbf16, #tpu.memory_space<vmem>>, %arg10: memref<640x32xbf16, #tpu.memory_space<vmem>>, %arg11: memref<16x32xbf16, #tpu.memory_space<vmem>>, %arg12: memref<!tpu.dma_semaphore, #tpu.memory_space<semaphore_mem>>, %arg13: memref<!tpu.dma_semaphore, #tpu.memory_space<semaphore_mem>>, %arg14: memref<!tpu.dma_semaphore, #tpu.memory_space<semaphore_mem>>, %arg15: memref<10240x32xbf16, #tpu.memory_space<vmem_shared>>, %arg16: memref<640x16xf32, #tpu.memory_space<vmem>>, %arg17: memref<640x16xf32, #tpu.memory_space<vmem>>, %arg18: memref<16x16xf32, #tpu.memory_space<vmem>>, %arg19: memref<!tpu.dma_semaphore, #tpu.memory_space<semaphore_mem>>, %arg20: memref<!tpu.dma_semaphore, #tpu.memory_space<semaphore_mem>>, %arg21: memref<10240x16xf32, #tpu.memory_space<vmem_shared>>) attributes {dimension_semantics = [#tpu.dimension_semantics<core_parallel>, #tpu.dimension_semantics<subcore_parallel>], iteration_bounds = array<i64: 2, 16>, scalar_prefetch = 0 : i64, scratch_operands = 15 : i64, tpu.core_type = #tpu.core_type<sc_vector_subcore>, window_params = [{transform_indices = #map}, {transform_indices = #map1}, {transform_indices = #map}, {transform_indices = #map1}, {transform_indices = #map1}]} {
    %mul3A = arith.constant 2 : i32
    %mul3A_0 = arith.muli %arg1, %mul3A : i32
    %add3A = arith.addi %mul3A_0, %arg0 : i32
    %broadcast_in_dim3A = arith.constant 0.000000e+00 : bf16
    %broadcast_in_dim3A_1 = vector.broadcast %broadcast_in_dim3A : bf16 to vector<32xbf16>
    %swap3A = arith.constant 0 : i32
    %swap3A_2 = arith.index_cast %swap3A : i32 to index
    %swap3A_3 = arith.constant 0 : index
    %swap3A_4 = tpu.vector_load %arg11[%swap3A_2, %swap3A_3] {strides = array<i32>} : memref<16x32xbf16, #tpu.memory_space<vmem>>, vector<1x32xbf16>,
    %swap3A_5 = vector.shape_cast %swap3A_4 : vector<1x32xbf16> to vector<32xbf16>
    %swap3A_6 = vector.shape_cast %broadcast_in_dim3A_1 : vector<32xbf16> to vector<1x32xbf16>
    tpu.vector_store %arg11[%swap3A_2, %swap3A_3], %swap3A_6 {strides = array<i32>} : memref<16x32xbf16, #tpu.memory_space<vmem>>, vector<1x32xbf16>,
    %swap3A_7 = arith.constant 1 : i32
    %swap3A_8 = arith.index_cast %swap3A_7 : i32 to index
    %swap3A_9 = arith.constant 0 : index
    %swap3A_10 = tpu.vector_load %arg11[%swap3A_8, %swap3A_9] {strides = array<i32>} : memref<16x32xbf16, #tpu.memory_space<vmem>>, vector<1x32xbf16>,
    %swap3A_11 = vector.shape_cast %swap3A_10 : vector<1x32xbf16> to vector<32xbf16>
    %swap3A_12 = vector.shape_cast %broadcast_in_dim3A_1 : vector<32xbf16> to vector<1x32xbf16>
    tpu.vector_store %arg11[%swap3A_8, %swap3A_9], %swap3A_12 {strides = array<i32>} : memref<16x32xbf16, #tpu.memory_space<vmem>>, vector<1x32xbf16>,
    %swap3A_13 = arith.constant 2 : i32
    %swap3A_14 = arith.index_cast %swap3A_13 : i32 to index
    %swap3A_15 = arith.constant 0 : index
    %swap3A_16 = tpu.vector_load %arg11[%swap3A_14, %swap3A_15] {strides = array<i32>} : memref<16x32xbf16, #tpu.memory_space<vmem>>, vector<1x32xbf16>,
    %swap3A_17 = vector.shape_cast %swap3A_16 : vector<1x32xbf16> to vector<32xbf16>
    %swap3A_18 = vector.shape_cast %broadcast_in_dim3A_1 : vector<32xbf16> to vector<1x32xbf16>
    tpu.vector_store %arg11[%swap3A_14, %swap3A_15], %swap3A_18 {strides = array<i32>} : memref<16x32xbf16, #tpu.memory_space<vmem>>, vector<1x32xbf16>,
    %swap3A_19 = arith.constant 3 : i32
    %swap3A_20 = arith.index_cast %swap3A_19 : i32 to index
    %swap3A_21 = arith.constant 0 : index
    %swap3A_22 = tpu.vector_load %arg11[%swap3A_20, %swap3A_21] {strides = array<i32>} : memref<16x32xbf16, #tpu.memory_space<vmem>>, vector<1x32xbf16>,
    %swap3A_23 = vector.shape_cast %swap3A_22 : vector<1x32xbf16> to vector<32xbf16>
    %swap3A_24 = vector.shape_cast %broadcast_in_dim3A_1 : vector<32xbf16> to vector<1x32xbf16>
    tpu.vector_store %arg11[%swap3A_20, %swap3A_21], %swap3A_24 {strides = array<i32>} : memref<16x32xbf16, #tpu.memory_space<vmem>>, vector<1x32xbf16>,
    %swap3A_25 = arith.constant 4 : i32
    %swap3A_26 = arith.index_cast %swap3A_25 : i32 to index
    %swap3A_27 = arith.constant 0 : index
    %swap3A_28 = tpu.vector_load %arg11[%swap3A_26, %swap3A_27] {strides = array<i32>} : memref<16x32xbf16, #tpu.memory_space<vmem>>, vector<1x32xbf16>,
    %swap3A_29 = vector.shape_cast %swap3A_28 : vector<1x32xbf16> to vector<32xbf16>
    %swap3A_30 = vector.shape_cast %broadcast_in_dim3A_1 : vector<32xbf16> to vector<1x32xbf16>
    tpu.vector_store %arg11[%swap3A_26, %swap3A_27], %swap3A_30 {strides = array<i32>} : memref<16x32xbf16, #tpu.memory_space<vmem>>, vector<1x32xbf16>,
    %swap3A_31 = arith.constant 5 : i32
    %swap3A_32 = arith.index_cast %swap3A_31 : i32 to index
    %swap3A_33 = arith.constant 0 : index
    %swap3A_34 = tpu.vector_load %arg11[%swap3A_32, %swap3A_33] {strides = array<i32>} : memref<16x32xbf16, #tpu.memory_space<vmem>>, vector<1x32xbf16>,
    %swap3A_35 = vector.shape_cast %swap3A_34 : vector<1x32xbf16> to vector<32xbf16>
    %swap3A_36 = vector.shape_cast %broadcast_in_dim3A_1 : vector<32xbf16> to vector<1x32xbf16>
    tpu.vector_store %arg11[%swap3A_32, %swap3A_33], %swap3A_36 {strides = array<i32>} : memref<16x32xbf16, #tpu.memory_space<vmem>>, vector<1x32xbf16>,
    %swap3A_37 = arith.constant 6 : i32
    %swap3A_38 = arith.index_cast %swap3A_37 : i32 to index
    %swap3A_39 = arith.constant 0 : index
    %swap3A_40 = tpu.vector_load %arg11[%swap3A_38, %swap3A_39] {strides = array<i32>} : memref<16x32xbf16, #tpu.memory_space<vmem>>, vector<1x32xbf16>,
    %swap3A_41 = vector.shape_cast %swap3A_40 : vector<1x32xbf16> to vector<32xbf16>
    %swap3A_42 = vector.shape_cast %broadcast_in_dim3A_1 : vector<32xbf16> to vector<1x32xbf16>
    tpu.vector_store %arg11[%swap3A_38, %swap3A_39], %swap3A_42 {strides = array<i32>} : memref<16x32xbf16, #tpu.memory_space<vmem>>, vector<1x32xbf16>,
    %swap3A_43 = arith.constant 7 : i32
    %swap3A_44 = arith.index_cast %swap3A_43 : i32 to index
    %swap3A_45 = arith.constant 0 : index
    %swap3A_46 = tpu.vector_load %arg11[%swap3A_44, %swap3A_45] {strides = array<i32>} : memref<16x32xbf16, #tpu.memory_space<vmem>>, vector<1x32xbf16>,
    %swap3A_47 = vector.shape_cast %swap3A_46 : vector<1x32xbf16> to vector<32xbf16>
    %swap3A_48 = vector.shape_cast %broadcast_in_dim3A_1 : vector<32xbf16> to vector<1x32xbf16>
    tpu.vector_store %arg11[%swap3A_44, %swap3A_45], %swap3A_48 {strides = array<i32>} : memref<16x32xbf16, #tpu.memory_space<vmem>>, vector<1x32xbf16>,
    %swap3A_49 = arith.constant 8 : i32
    %swap3A_50 = arith.index_cast %swap3A_49 : i32 to index
    %swap3A_51 = arith.constant 0 : index
    %swap3A_52 = tpu.vector_load %arg11[%swap3A_50, %swap3A_51] {strides = array<i32>} : memref<16x32xbf16, #tpu.memory_space<vmem>>, vector<1x32xbf16>,
    %swap3A_53 = vector.shape_cast %swap3A_52 : vector<1x32xbf16> to vector<32xbf16>
    %swap3A_54 = vector.shape_cast %broadcast_in_dim3A_1 : vector<32xbf16> to vector<1x32xbf16>
    tpu.vector_store %arg11[%swap3A_50, %swap3A_51], %swap3A_54 {strides = array<i32>} : memref<16x32xbf16, #tpu.memory_space<vmem>>, vector<1x32xbf16>,
    %swap3A_55 = arith.constant 9 : i32
    %swap3A_56 = arith.index_cast %swap3A_55 : i32 to index
    %swap3A_57 = arith.constant 0 : index
    %swap3A_58 = tpu.vector_load %arg11[%swap3A_56, %swap3A_57] {strides = array<i32>} : memref<16x32xbf16, #tpu.memory_space<vmem>>, vector<1x32xbf16>,
    %swap3A_59 = vector.shape_cast %swap3A_58 : vector<1x32xbf16> to vector<32xbf16>
    %swap3A_60 = vector.shape_cast %broadcast_in_dim3A_1 : vector<32xbf16> to vector<1x32xbf16>
    tpu.vector_store %arg11[%swap3A_56, %swap3A_57], %swap3A_60 {strides = array<i32>} : memref<16x32xbf16, #tpu.memory_space<vmem>>, vector<1x32xbf16>,
    %swap3A_61 = arith.constant 10 : i32
    %swap3A_62 = arith.index_cast %swap3A_61 : i32 to index
    %swap3A_63 = arith.constant 0 : index
    %swap3A_64 = tpu.vector_load %arg11[%swap3A_62, %swap3A_63] {strides = array<i32>} : memref<16x32xbf16, #tpu.memory_space<vmem>>, vector<1x32xbf16>,
    %swap3A_65 = vector.shape_cast %swap3A_64 : vector<1x32xbf16> to vector<32xbf16>
    %swap3A_66 = vector.shape_cast %broadcast_in_dim3A_1 : vector<32xbf16> to vector<1x32xbf16>
    tpu.vector_store %arg11[%swap3A_62, %swap3A_63], %swap3A_66 {strides = array<i32>} : memref<16x32xbf16, #tpu.memory_space<vmem>>, vector<1x32xbf16>,
    %swap3A_67 = arith.constant 11 : i32
    %swap3A_68 = arith.index_cast %swap3A_67 : i32 to index
    %swap3A_69 = arith.constant 0 : index
    %swap3A_70 = tpu.vector_load %arg11[%swap3A_68, %swap3A_69] {strides = array<i32>} : memref<16x32xbf16, #tpu.memory_space<vmem>>, vector<1x32xbf16>,
    %swap3A_71 = vector.shape_cast %swap3A_70 : vector<1x32xbf16> to vector<32xbf16>
    %swap3A_72 = vector.shape_cast %broadcast_in_dim3A_1 : vector<32xbf16> to vector<1x32xbf16>
    tpu.vector_store %arg11[%swap3A_68, %swap3A_69], %swap3A_72 {strides = array<i32>} : memref<16x32xbf16, #tpu.memory_space<vmem>>, vector<1x32xbf16>,
    %swap3A_73 = arith.constant 12 : i32
    %swap3A_74 = arith.index_cast %swap3A_73 : i32 to index
    %swap3A_75 = arith.constant 0 : index
    %swap3A_76 = tpu.vector_load %arg11[%swap3A_74, %swap3A_75] {strides = array<i32>} : memref<16x32xbf16, #tpu.memory_space<vmem>>, vector<1x32xbf16>,
    %swap3A_77 = vector.shape_cast %swap3A_76 : vector<1x32xbf16> to vector<32xbf16>
    %swap3A_78 = vector.shape_cast %broadcast_in_dim3A_1 : vector<32xbf16> to vector<1x32xbf16>
    tpu.vector_store %arg11[%swap3A_74, %swap3A_75], %swap3A_78 {strides = array<i32>} : memref<16x32xbf16, #tpu.memory_space<vmem>>, vector<1x32xbf16>,
    %swap3A_79 = arith.constant 13 : i32
    %swap3A_80 = arith.index_cast %swap3A_79 : i32 to index
    %swap3A_81 = arith.constant 0 : index
    %swap3A_82 = tpu.vector_load %arg11[%swap3A_80, %swap3A_81] {strides = array<i32>} : memref<16x32xbf16, #tpu.memory_space<vmem>>, vector<1x32xbf16>,
    %swap3A_83 = vector.shape_cast %swap3A_82 : vector<1x32xbf16> to vector<32xbf16>
    %swap3A_84 = vector.shape_cast %broadcast_in_dim3A_1 : vector<32xbf16> to vector<1x32xbf16>
    tpu.vector_store %arg11[%swap3A_80, %swap3A_81], %swap3A_84 {strides = array<i32>} : memref<16x32xbf16, #tpu.memory_space<vmem>>, vector<1x32xbf16>,
    %swap3A_85 = arith.constant 14 : i32
    %swap3A_86 = arith.index_cast %swap3A_85 : i32 to index
    %swap3A_87 = arith.constant 0 : index
    %swap3A_88 = tpu.vector_load %arg11[%swap3A_86, %swap3A_87] {strides = array<i32>} : memref<16x32xbf16, #tpu.memory_space<vmem>>, vector<1x32xbf16>,
    %swap3A_89 = vector.shape_cast %swap3A_88 : vector<1x32xbf16> to vector<32xbf16>
    %swap3A_90 = vector.shape_cast %broadcast_in_dim3A_1 : vector<32xbf16> to vector<1x32xbf16>
    tpu.vector_store %arg11[%swap3A_86, %swap3A_87], %swap3A_90 {strides = array<i32>} : memref<16x32xbf16, #tpu.memory_space<vmem>>, vector<1x32xbf16>,
    %swap3A_91 = arith.constant 15 : i32
    %swap3A_92 = arith.index_cast %swap3A_91 : i32 to index
    %swap3A_93 = arith.constant 0 : index
    %swap3A_94 = tpu.vector_load %arg11[%swap3A_92, %swap3A_93] {strides = array<i32>} : memref<16x32xbf16, #tpu.memory_space<vmem>>, vector<1x32xbf16>,
    %swap3A_95 = vector.shape_cast %swap3A_94 : vector<1x32xbf16> to vector<32xbf16>
    %swap3A_96 = vector.shape_cast %broadcast_in_dim3A_1 : vector<32xbf16> to vector<1x32xbf16>
    tpu.vector_store %arg11[%swap3A_92, %swap3A_93], %swap3A_96 {strides = array<i32>} : memref<16x32xbf16, #tpu.memory_space<vmem>>, vector<1x32xbf16>,
    %broadcast_in_dim3A_97 = arith.constant 0.000000e+00 : f32
    %broadcast_in_dim3A_98 = vector.broadcast %broadcast_in_dim3A_97 : f32 to vector<16xf32>
    %swap3A_99 = arith.constant 0 : i32
    %swap3A_100 = arith.index_cast %swap3A_99 : i32 to index
    %swap3A_101 = arith.constant 0 : index
    %swap3A_102 = tpu.vector_load %arg18[%swap3A_100, %swap3A_101] {strides = array<i32>} : memref<16x16xf32, #tpu.memory_space<vmem>>, vector<1x16xf32>,
    %swap3A_103 = vector.shape_cast %swap3A_102 : vector<1x16xf32> to vector<16xf32>
    %swap3A_104 = vector.shape_cast %broadcast_in_dim3A_98 : vector<16xf32> to vector<1x16xf32>
    tpu.vector_store %arg18[%swap3A_100, %swap3A_101], %swap3A_104 {strides = array<i32>} : memref<16x16xf32, #tpu.memory_space<vmem>>, vector<1x16xf32>,
    %swap3A_105 = arith.constant 1 : i32
    %swap3A_106 = arith.index_cast %swap3A_105 : i32 to index
    %swap3A_107 = arith.constant 0 : index
    %swap3A_108 = tpu.vector_load %arg18[%swap3A_106, %swap3A_107] {strides = array<i32>} : memref<16x16xf32, #tpu.memory_space<vmem>>, vector<1x16xf32>,
    %swap3A_109 = vector.shape_cast %swap3A_108 : vector<1x16xf32> to vector<16xf32>
    %swap3A_110 = vector.shape_cast %broadcast_in_dim3A_98 : vector<16xf32> to vector<1x16xf32>
    tpu.vector_store %arg18[%swap3A_106, %swap3A_107], %swap3A_110 {strides = array<i32>} : memref<16x16xf32, #tpu.memory_space<vmem>>, vector<1x16xf32>,
    %swap3A_111 = arith.constant 2 : i32
    %swap3A_112 = arith.index_cast %swap3A_111 : i32 to index
    %swap3A_113 = arith.constant 0 : index
    %swap3A_114 = tpu.vector_load %arg18[%swap3A_112, %swap3A_113] {strides = array<i32>} : memref<16x16xf32, #tpu.memory_space<vmem>>, vector<1x16xf32>,
    %swap3A_115 = vector.shape_cast %swap3A_114 : vector<1x16xf32> to vector<16xf32>
    %swap3A_116 = vector.shape_cast %broadcast_in_dim3A_98 : vector<16xf32> to vector<1x16xf32>
    tpu.vector_store %arg18[%swap3A_112, %swap3A_113], %swap3A_116 {strides = array<i32>} : memref<16x16xf32, #tpu.memory_space<vmem>>, vector<1x16xf32>,
    %swap3A_117 = arith.constant 3 : i32
    %swap3A_118 = arith.index_cast %swap3A_117 : i32 to index
    %swap3A_119 = arith.constant 0 : index
    %swap3A_120 = tpu.vector_load %arg18[%swap3A_118, %swap3A_119] {strides = array<i32>} : memref<16x16xf32, #tpu.memory_space<vmem>>, vector<1x16xf32>,
    %swap3A_121 = vector.shape_cast %swap3A_120 : vector<1x16xf32> to vector<16xf32>
    %swap3A_122 = vector.shape_cast %broadcast_in_dim3A_98 : vector<16xf32> to vector<1x16xf32>
    tpu.vector_store %arg18[%swap3A_118, %swap3A_119], %swap3A_122 {strides = array<i32>} : memref<16x16xf32, #tpu.memory_space<vmem>>, vector<1x16xf32>,
    %swap3A_123 = arith.constant 4 : i32
    %swap3A_124 = arith.index_cast %swap3A_123 : i32 to index
    %swap3A_125 = arith.constant 0 : index
    %swap3A_126 = tpu.vector_load %arg18[%swap3A_124, %swap3A_125] {strides = array<i32>} : memref<16x16xf32, #tpu.memory_space<vmem>>, vector<1x16xf32>,
    %swap3A_127 = vector.shape_cast %swap3A_126 : vector<1x16xf32> to vector<16xf32>
    %swap3A_128 = vector.shape_cast %broadcast_in_dim3A_98 : vector<16xf32> to vector<1x16xf32>
    tpu.vector_store %arg18[%swap3A_124, %swap3A_125], %swap3A_128 {strides = array<i32>} : memref<16x16xf32, #tpu.memory_space<vmem>>, vector<1x16xf32>,
    %swap3A_129 = arith.constant 5 : i32
    %swap3A_130 = arith.index_cast %swap3A_129 : i32 to index
    %swap3A_131 = arith.constant 0 : index
    %swap3A_132 = tpu.vector_load %arg18[%swap3A_130, %swap3A_131] {strides = array<i32>} : memref<16x16xf32, #tpu.memory_space<vmem>>, vector<1x16xf32>,
    %swap3A_133 = vector.shape_cast %swap3A_132 : vector<1x16xf32> to vector<16xf32>
    %swap3A_134 = vector.shape_cast %broadcast_in_dim3A_98 : vector<16xf32> to vector<1x16xf32>
    tpu.vector_store %arg18[%swap3A_130, %swap3A_131], %swap3A_134 {strides = array<i32>} : memref<16x16xf32, #tpu.memory_space<vmem>>, vector<1x16xf32>,
    %swap3A_135 = arith.constant 6 : i32
    %swap3A_136 = arith.index_cast %swap3A_135 : i32 to index
    %swap3A_137 = arith.constant 0 : index
    %swap3A_138 = tpu.vector_load %arg18[%swap3A_136, %swap3A_137] {strides = array<i32>} : memref<16x16xf32, #tpu.memory_space<vmem>>, vector<1x16xf32>,
    %swap3A_139 = vector.shape_cast %swap3A_138 : vector<1x16xf32> to vector<16xf32>
    %swap3A_140 = vector.shape_cast %broadcast_in_dim3A_98 : vector<16xf32> to vector<1x16xf32>
    tpu.vector_store %arg18[%swap3A_136, %swap3A_137], %swap3A_140 {strides = array<i32>} : memref<16x16xf32, #tpu.memory_space<vmem>>, vector<1x16xf32>,
    %swap3A_141 = arith.constant 7 : i32
    %swap3A_142 = arith.index_cast %swap3A_141 : i32 to index
    %swap3A_143 = arith.constant 0 : index
    %swap3A_144 = tpu.vector_load %arg18[%swap3A_142, %swap3A_143] {strides = array<i32>} : memref<16x16xf32, #tpu.memory_space<vmem>>, vector<1x16xf32>,
    %swap3A_145 = vector.shape_cast %swap3A_144 : vector<1x16xf32> to vector<16xf32>
    %swap3A_146 = vector.shape_cast %broadcast_in_dim3A_98 : vector<16xf32> to vector<1x16xf32>
    tpu.vector_store %arg18[%swap3A_142, %swap3A_143], %swap3A_146 {strides = array<i32>} : memref<16x16xf32, #tpu.memory_space<vmem>>, vector<1x16xf32>,
    %swap3A_147 = arith.constant 8 : i32
    %swap3A_148 = arith.index_cast %swap3A_147 : i32 to index
    %swap3A_149 = arith.constant 0 : index
    %swap3A_150 = tpu.vector_load %arg18[%swap3A_148, %swap3A_149] {strides = array<i32>} : memref<16x16xf32, #tpu.memory_space<vmem>>, vector<1x16xf32>,
    %swap3A_151 = vector.shape_cast %swap3A_150 : vector<1x16xf32> to vector<16xf32>
    %swap3A_152 = vector.shape_cast %broadcast_in_dim3A_98 : vector<16xf32> to vector<1x16xf32>
    tpu.vector_store %arg18[%swap3A_148, %swap3A_149], %swap3A_152 {strides = array<i32>} : memref<16x16xf32, #tpu.memory_space<vmem>>, vector<1x16xf32>,
    %swap3A_153 = arith.constant 9 : i32
    %swap3A_154 = arith.index_cast %swap3A_153 : i32 to index
    %swap3A_155 = arith.constant 0 : index
    %swap3A_156 = tpu.vector_load %arg18[%swap3A_154, %swap3A_155] {strides = array<i32>} : memref<16x16xf32, #tpu.memory_space<vmem>>, vector<1x16xf32>,
    %swap3A_157 = vector.shape_cast %swap3A_156 : vector<1x16xf32> to vector<16xf32>
    %swap3A_158 = vector.shape_cast %broadcast_in_dim3A_98 : vector<16xf32> to vector<1x16xf32>
    tpu.vector_store %arg18[%swap3A_154, %swap3A_155], %swap3A_158 {strides = array<i32>} : memref<16x16xf32, #tpu.memory_space<vmem>>, vector<1x16xf32>,
    %swap3A_159 = arith.constant 10 : i32
    %swap3A_160 = arith.index_cast %swap3A_159 : i32 to index
    %swap3A_161 = arith.constant 0 : index
    %swap3A_162 = tpu.vector_load %arg18[%swap3A_160, %swap3A_161] {strides = array<i32>} : memref<16x16xf32, #tpu.memory_space<vmem>>, vector<1x16xf32>,
    %swap3A_163 = vector.shape_cast %swap3A_162 : vector<1x16xf32> to vector<16xf32>
    %swap3A_164 = vector.shape_cast %broadcast_in_dim3A_98 : vector<16xf32> to vector<1x16xf32>
    tpu.vector_store %arg18[%swap3A_160, %swap3A_161], %swap3A_164 {strides = array<i32>} : memref<16x16xf32, #tpu.memory_space<vmem>>, vector<1x16xf32>,
    %swap3A_165 = arith.constant 11 : i32
    %swap3A_166 = arith.index_cast %swap3A_165 : i32 to index
    %swap3A_167 = arith.constant 0 : index
    %swap3A_168 = tpu.vector_load %arg18[%swap3A_166, %swap3A_167] {strides = array<i32>} : memref<16x16xf32, #tpu.memory_space<vmem>>, vector<1x16xf32>,
    %swap3A_169 = vector.shape_cast %swap3A_168 : vector<1x16xf32> to vector<16xf32>
    %swap3A_170 = vector.shape_cast %broadcast_in_dim3A_98 : vector<16xf32> to vector<1x16xf32>
    tpu.vector_store %arg18[%swap3A_166, %swap3A_167], %swap3A_170 {strides = array<i32>} : memref<16x16xf32, #tpu.memory_space<vmem>>, vector<1x16xf32>,
    %swap3A_171 = arith.constant 12 : i32
    %swap3A_172 = arith.index_cast %swap3A_171 : i32 to index
    %swap3A_173 = arith.constant 0 : index
    %swap3A_174 = tpu.vector_load %arg18[%swap3A_172, %swap3A_173] {strides = array<i32>} : memref<16x16xf32, #tpu.memory_space<vmem>>, vector<1x16xf32>,
    %swap3A_175 = vector.shape_cast %swap3A_174 : vector<1x16xf32> to vector<16xf32>
    %swap3A_176 = vector.shape_cast %broadcast_in_dim3A_98 : vector<16xf32> to vector<1x16xf32>
    tpu.vector_store %arg18[%swap3A_172, %swap3A_173], %swap3A_176 {strides = array<i32>} : memref<16x16xf32, #tpu.memory_space<vmem>>, vector<1x16xf32>,
    %swap3A_177 = arith.constant 13 : i32
    %swap3A_178 = arith.index_cast %swap3A_177 : i32 to index
    %swap3A_179 = arith.constant 0 : index
    %swap3A_180 = tpu.vector_load %arg18[%swap3A_178, %swap3A_179] {strides = array<i32>} : memref<16x16xf32, #tpu.memory_space<vmem>>, vector<1x16xf32>,
    %swap3A_181 = vector.shape_cast %swap3A_180 : vector<1x16xf32> to vector<16xf32>
    %swap3A_182 = vector.shape_cast %broadcast_in_dim3A_98 : vector<16xf32> to vector<1x16xf32>
    tpu.vector_store %arg18[%swap3A_178, %swap3A_179], %swap3A_182 {strides = array<i32>} : memref<16x16xf32, #tpu.memory_space<vmem>>, vector<1x16xf32>,
    %swap3A_183 = arith.constant 14 : i32
    %swap3A_184 = arith.index_cast %swap3A_183 : i32 to index
    %swap3A_185 = arith.constant 0 : index
    %swap3A_186 = tpu.vector_load %arg18[%swap3A_184, %swap3A_185] {strides = array<i32>} : memref<16x16xf32, #tpu.memory_space<vmem>>, vector<1x16xf32>,
    %swap3A_187 = vector.shape_cast %swap3A_186 : vector<1x16xf32> to vector<16xf32>
    %swap3A_188 = vector.shape_cast %broadcast_in_dim3A_98 : vector<16xf32> to vector<1x16xf32>
    tpu.vector_store %arg18[%swap3A_184, %swap3A_185], %swap3A_188 {strides = array<i32>} : memref<16x16xf32, #tpu.memory_space<vmem>>, vector<1x16xf32>,
    %swap3A_189 = arith.constant 15 : i32
    %swap3A_190 = arith.index_cast %swap3A_189 : i32 to index
    %swap3A_191 = arith.constant 0 : index
    %swap3A_192 = tpu.vector_load %arg18[%swap3A_190, %swap3A_191] {strides = array<i32>} : memref<16x16xf32, #tpu.memory_space<vmem>>, vector<1x16xf32>,
    %swap3A_193 = vector.shape_cast %swap3A_192 : vector<1x16xf32> to vector<16xf32>
    %swap3A_194 = vector.shape_cast %broadcast_in_dim3A_98 : vector<16xf32> to vector<1x16xf32>
    tpu.vector_store %arg18[%swap3A_190, %swap3A_191], %swap3A_194 {strides = array<i32>} : memref<16x16xf32, #tpu.memory_space<vmem>>, vector<1x16xf32>,
    %scan3A = arith.constant 0 : i32
    %scan3A_195 = arith.constant 0 : i32
    %scan3A_196 = arith.constant 10 : i32
    %scan3A_197 = arith.addi %scan3A_195, %scan3A_196 : i32
    %scan3A_198 = arith.constant 1 : i32
    %scan3A_199 = scf.for %scan3A_231 = %scan3A_195 to %scan3A_197 step %scan3A_198 iter_args(%scan3A_232 = %scan3A) -> (i32)  : i32 {
      %mul3A_233 = arith.constant 40 : i32
      %mul3A_234 = arith.muli %arg1, %mul3A_233 : i32
      %mul3A_235 = arith.constant 4 : i32
      %mul3A_236 = arith.muli %scan3A_231, %mul3A_235 : i32
      %add3A_237 = arith.addi %mul3A_234, %mul3A_236 : i32
      %add3A_238 = arith.constant 0 : i32
      %add3A_239 = arith.addi %add3A_237, %add3A_238 : i32
      %mul3A_240 = arith.constant 16 : i32
      %mul3A_241 = arith.muli %add3A_239, %mul3A_240 : i32
      %dma_start3A_242 = arith.constant 0 : i32
      %dma_start3A_243 = tpu.memref_slice %arg15[%mul3A_241, %dma_start3A_242] : memref<10240x32xbf16, #tpu.memory_space<vmem_shared>> -> memref<16x32xbf16, #tpu.memory_space<vmem_shared>>
      %dma_start3A_244 = arith.constant 0 : i32
      %dma_start3A_245 = tpu.memref_slice %arg15[%mul3A_241, %dma_start3A_244] : memref<10240x32xbf16, #tpu.memory_space<vmem_shared>> -> memref<16x32xbf16, #tpu.memory_space<vmem_shared>>
      tpu.enqueue_dma source(%arg11 : memref<16x32xbf16, #tpu.memory_space<vmem>>) target(%dma_start3A_245 : memref<16x32xbf16, #tpu.memory_space<vmem_shared>>) target_semaphore(%arg14 : memref<!tpu.dma_semaphore, #tpu.memory_space<semaphore_mem>>)
      %dma_start3A_246 = arith.constant 0 : i32
      %dma_start3A_247 = tpu.memref_slice %arg21[%mul3A_241, %dma_start3A_246] : memref<10240x16xf32, #tpu.memory_space<vmem_shared>> -> memref<16x16xf32, #tpu.memory_space<vmem_shared>>
      %dma_start3A_248 = arith.constant 0 : i32
      %dma_start3A_249 = tpu.memref_slice %arg21[%mul3A_241, %dma_start3A_248] : memref<10240x16xf32, #tpu.memory_space<vmem_shared>> -> memref<16x16xf32, #tpu.memory_space<vmem_shared>>
      tpu.enqueue_dma source(%arg18 : memref<16x16xf32, #tpu.memory_space<vmem>>) target(%dma_start3A_249 : memref<16x16xf32, #tpu.memory_space<vmem_shared>>) target_semaphore(%arg14 : memref<!tpu.dma_semaphore, #tpu.memory_space<semaphore_mem>>)
      %mul3A_250 = arith.constant 40 : i32
      %mul3A_251 = arith.muli %arg1, %mul3A_250 : i32
      %mul3A_252 = arith.constant 4 : i32
      %mul3A_253 = arith.muli %scan3A_231, %mul3A_252 : i32
      %add3A_254 = arith.addi %mul3A_251, %mul3A_253 : i32
      %add3A_255 = arith.constant 1 : i32
      %add3A_256 = arith.addi %add3A_254, %add3A_255 : i32
      %mul3A_257 = arith.constant 16 : i32
      %mul3A_258 = arith.muli %add3A_256, %mul3A_257 : i32
      %dma_start3A_259 = arith.constant 0 : i32
      %dma_start3A_260 = tpu.memref_slice %arg15[%mul3A_258, %dma_start3A_259] : memref<10240x32xbf16, #tpu.memory_space<vmem_shared>> -> memref<16x32xbf16, #tpu.memory_space<vmem_shared>>
      %dma_start3A_261 = arith.constant 0 : i32
      %dma_start3A_262 = tpu.memref_slice %arg15[%mul3A_258, %dma_start3A_261] : memref<10240x32xbf16, #tpu.memory_space<vmem_shared>> -> memref<16x32xbf16, #tpu.memory_space<vmem_shared>>
      tpu.enqueue_dma source(%arg11 : memref<16x32xbf16, #tpu.memory_space<vmem>>) target(%dma_start3A_262 : memref<16x32xbf16, #tpu.memory_space<vmem_shared>>) target_semaphore(%arg14 : memref<!tpu.dma_semaphore, #tpu.memory_space<semaphore_mem>>)
      %dma_start3A_263 = arith.constant 0 : i32
      %dma_start3A_264 = tpu.memref_slice %arg21[%mul3A_258, %dma_start3A_263] : memref<10240x16xf32, #tpu.memory_space<vmem_shared>> -> memref<16x16xf32, #tpu.memory_space<vmem_shared>>
      %dma_start3A_265 = arith.constant 0 : i32
      %dma_start3A_266 = tpu.memref_slice %arg21[%mul3A_258, %dma_start3A_265] : memref<10240x16xf32, #tpu.memory_space<vmem_shared>> -> memref<16x16xf32, #tpu.memory_space<vmem_shared>>
      tpu.enqueue_dma source(%arg18 : memref<16x16xf32, #tpu.memory_space<vmem>>) target(%dma_start3A_266 : memref<16x16xf32, #tpu.memory_space<vmem_shared>>) target_semaphore(%arg14 : memref<!tpu.dma_semaphore, #tpu.memory_space<semaphore_mem>>)
      %mul3A_267 = arith.constant 40 : i32
      %mul3A_268 = arith.muli %arg1, %mul3A_267 : i32
      %mul3A_269 = arith.constant 4 : i32
      %mul3A_270 = arith.muli %scan3A_231, %mul3A_269 : i32
      %add3A_271 = arith.addi %mul3A_268, %mul3A_270 : i32
      %add3A_272 = arith.constant 2 : i32
      %add3A_273 = arith.addi %add3A_271, %add3A_272 : i32
      %mul3A_274 = arith.constant 16 : i32
      %mul3A_275 = arith.muli %add3A_273, %mul3A_274 : i32
      %dma_start3A_276 = arith.constant 0 : i32
      %dma_start3A_277 = tpu.memref_slice %arg15[%mul3A_275, %dma_start3A_276] : memref<10240x32xbf16, #tpu.memory_space<vmem_shared>> -> memref<16x32xbf16, #tpu.memory_space<vmem_shared>>
      %dma_start3A_278 = arith.constant 0 : i32
      %dma_start3A_279 = tpu.memref_slice %arg15[%mul3A_275, %dma_start3A_278] : memref<10240x32xbf16, #tpu.memory_space<vmem_shared>> -> memref<16x32xbf16, #tpu.memory_space<vmem_shared>>
      tpu.enqueue_dma source(%arg11 : memref<16x32xbf16, #tpu.memory_space<vmem>>) target(%dma_start3A_279 : memref<16x32xbf16, #tpu.memory_space<vmem_shared>>) target_semaphore(%arg14 : memref<!tpu.dma_semaphore, #tpu.memory_space<semaphore_mem>>)
      %dma_start3A_280 = arith.constant 0 : i32
      %dma_start3A_281 = tpu.memref_slice %arg21[%mul3A_275, %dma_start3A_280] : memref<10240x16xf32, #tpu.memory_space<vmem_shared>> -> memref<16x16xf32, #tpu.memory_space<vmem_shared>>
      %dma_start3A_282 = arith.constant 0 : i32
      %dma_start3A_283 = tpu.memref_slice %arg21[%mul3A_275, %dma_start3A_282] : memref<10240x16xf32, #tpu.memory_space<vmem_shared>> -> memref<16x16xf32, #tpu.memory_space<vmem_shared>>
      tpu.enqueue_dma source(%arg18 : memref<16x16xf32, #tpu.memory_space<vmem>>) target(%dma_start3A_283 : memref<16x16xf32, #tpu.memory_space<vmem_shared>>) target_semaphore(%arg14 : memref<!tpu.dma_semaphore, #tpu.memory_space<semaphore_mem>>)
      %mul3A_284 = arith.constant 40 : i32
      %mul3A_285 = arith.muli %arg1, %mul3A_284 : i32
      %mul3A_286 = arith.constant 4 : i32
      %mul3A_287 = arith.muli %scan3A_231, %mul3A_286 : i32
      %add3A_288 = arith.addi %mul3A_285, %mul3A_287 : i32
      %add3A_289 = arith.constant 3 : i32
      %add3A_290 = arith.addi %add3A_288, %add3A_289 : i32
      %mul3A_291 = arith.constant 16 : i32
      %mul3A_292 = arith.muli %add3A_290, %mul3A_291 : i32
      %dma_start3A_293 = arith.constant 0 : i32
      %dma_start3A_294 = tpu.memref_slice %arg15[%mul3A_292, %dma_start3A_293] : memref<10240x32xbf16, #tpu.memory_space<vmem_shared>> -> memref<16x32xbf16, #tpu.memory_space<vmem_shared>>
      %dma_start3A_295 = arith.constant 0 : i32
      %dma_start3A_296 = tpu.memref_slice %arg15[%mul3A_292, %dma_start3A_295] : memref<10240x32xbf16, #tpu.memory_space<vmem_shared>> -> memref<16x32xbf16, #tpu.memory_space<vmem_shared>>
      tpu.enqueue_dma source(%arg11 : memref<16x32xbf16, #tpu.memory_space<vmem>>) target(%dma_start3A_296 : memref<16x32xbf16, #tpu.memory_space<vmem_shared>>) target_semaphore(%arg14 : memref<!tpu.dma_semaphore, #tpu.memory_space<semaphore_mem>>)
      %dma_start3A_297 = arith.constant 0 : i32
      %dma_start3A_298 = tpu.memref_slice %arg21[%mul3A_292, %dma_start3A_297] : memref<10240x16xf32, #tpu.memory_space<vmem_shared>> -> memref<16x16xf32, #tpu.memory_space<vmem_shared>>
      %dma_start3A_299 = arith.constant 0 : i32
      %dma_start3A_300 = tpu.memref_slice %arg21[%mul3A_292, %dma_start3A_299] : memref<10240x16xf32, #tpu.memory_space<vmem_shared>> -> memref<16x16xf32, #tpu.memory_space<vmem_shared>>
      tpu.enqueue_dma source(%arg18 : memref<16x16xf32, #tpu.memory_space<vmem>>) target(%dma_start3A_300 : memref<16x16xf32, #tpu.memory_space<vmem_shared>>) target_semaphore(%arg14 : memref<!tpu.dma_semaphore, #tpu.memory_space<semaphore_mem>>)
      %mul3A_301 = arith.constant 40 : i32
      %mul3A_302 = arith.muli %arg1, %mul3A_301 : i32
      %mul3A_303 = arith.constant 4 : i32
      %mul3A_304 = arith.muli %scan3A_231, %mul3A_303 : i32
      %add3A_305 = arith.addi %mul3A_302, %mul3A_304 : i32
      %add3A_306 = arith.constant 0 : i32
      %add3A_307 = arith.addi %add3A_305, %add3A_306 : i32
      %mul3A_308 = arith.constant 16 : i32
      %mul3A_309 = arith.muli %add3A_307, %mul3A_308 : i32
      %dma_wait3A = arith.constant 0 : i32
      %dma_wait3A_310 = tpu.memref_slice %arg15[%mul3A_309, %dma_wait3A] : memref<10240x32xbf16, #tpu.memory_space<vmem_shared>> -> memref<16x32xbf16, #tpu.memory_space<vmem_shared>>
      %dma_wait3A_311 = arith.constant 0 : i32
      %dma_wait3A_312 = tpu.memref_slice %arg15[%mul3A_309, %dma_wait3A_311] : memref<10240x32xbf16, #tpu.memory_space<vmem_shared>> -> memref<16x32xbf16, #tpu.memory_space<vmem_shared>>
      tpu.wait_dma2 semaphore(%arg14 : memref<!tpu.dma_semaphore, #tpu.memory_space<semaphore_mem>>) src(%arg11 : memref<16x32xbf16, #tpu.memory_space<vmem>>) dst(%dma_wait3A_312 : memref<16x32xbf16, #tpu.memory_space<vmem_shared>>)
      %dma_wait3A_313 = arith.constant 0 : i32
      %dma_wait3A_314 = tpu.memref_slice %arg21[%mul3A_309, %dma_wait3A_313] : memref<10240x16xf32, #tpu.memory_space<vmem_shared>> -> memref<16x16xf32, #tpu.memory_space<vmem_shared>>
      %dma_wait3A_315 = arith.constant 0 : i32
      %dma_wait3A_316 = tpu.memref_slice %arg21[%mul3A_309, %dma_wait3A_315] : memref<10240x16xf32, #tpu.memory_space<vmem_shared>> -> memref<16x16xf32, #tpu.memory_space<vmem_shared>>
      tpu.wait_dma2 semaphore(%arg14 : memref<!tpu.dma_semaphore, #tpu.memory_space<semaphore_mem>>) src(%arg18 : memref<16x16xf32, #tpu.memory_space<vmem>>) dst(%dma_wait3A_316 : memref<16x16xf32, #tpu.memory_space<vmem_shared>>)
      %mul3A_317 = arith.constant 40 : i32
      %mul3A_318 = arith.muli %arg1, %mul3A_317 : i32
      %mul3A_319 = arith.constant 4 : i32
      %mul3A_320 = arith.muli %scan3A_231, %mul3A_319 : i32
      %add3A_321 = arith.addi %mul3A_318, %mul3A_320 : i32
      %add3A_322 = arith.constant 1 : i32
      %add3A_323 = arith.addi %add3A_321, %add3A_322 : i32
      %mul3A_324 = arith.constant 16 : i32
      %mul3A_325 = arith.muli %add3A_323, %mul3A_324 : i32
      %dma_wait3A_326 = arith.constant 0 : i32
      %dma_wait3A_327 = tpu.memref_slice %arg15[%mul3A_325, %dma_wait3A_326] : memref<10240x32xbf16, #tpu.memory_space<vmem_shared>> -> memref<16x32xbf16, #tpu.memory_space<vmem_shared>>
      %dma_wait3A_328 = arith.constant 0 : i32
      %dma_wait3A_329 = tpu.memref_slice %arg15[%mul3A_325, %dma_wait3A_328] : memref<10240x32xbf16, #tpu.memory_space<vmem_shared>> -> memref<16x32xbf16, #tpu.memory_space<vmem_shared>>
      tpu.wait_dma2 semaphore(%arg14 : memref<!tpu.dma_semaphore, #tpu.memory_space<semaphore_mem>>) src(%arg11 : memref<16x32xbf16, #tpu.memory_space<vmem>>) dst(%dma_wait3A_329 : memref<16x32xbf16, #tpu.memory_space<vmem_shared>>)
      %dma_wait3A_330 = arith.constant 0 : i32
      %dma_wait3A_331 = tpu.memref_slice %arg21[%mul3A_325, %dma_wait3A_330] : memref<10240x16xf32, #tpu.memory_space<vmem_shared>> -> memref<16x16xf32, #tpu.memory_space<vmem_shared>>
      %dma_wait3A_332 = arith.constant 0 : i32
      %dma_wait3A_333 = tpu.memref_slice %arg21[%mul3A_325, %dma_wait3A_332] : memref<10240x16xf32, #tpu.memory_space<vmem_shared>> -> memref<16x16xf32, #tpu.memory_space<vmem_shared>>
      tpu.wait_dma2 semaphore(%arg14 : memref<!tpu.dma_semaphore, #tpu.memory_space<semaphore_mem>>) src(%arg18 : memref<16x16xf32, #tpu.memory_space<vmem>>) dst(%dma_wait3A_333 : memref<16x16xf32, #tpu.memory_space<vmem_shared>>)
      %mul3A_334 = arith.constant 40 : i32
      %mul3A_335 = arith.muli %arg1, %mul3A_334 : i32
      %mul3A_336 = arith.constant 4 : i32
      %mul3A_337 = arith.muli %scan3A_231, %mul3A_336 : i32
      %add3A_338 = arith.addi %mul3A_335, %mul3A_337 : i32
      %add3A_339 = arith.constant 2 : i32
      %add3A_340 = arith.addi %add3A_338, %add3A_339 : i32
      %mul3A_341 = arith.constant 16 : i32
      %mul3A_342 = arith.muli %add3A_340, %mul3A_341 : i32
      %dma_wait3A_343 = arith.constant 0 : i32
      %dma_wait3A_344 = tpu.memref_slice %arg15[%mul3A_342, %dma_wait3A_343] : memref<10240x32xbf16, #tpu.memory_space<vmem_shared>> -> memref<16x32xbf16, #tpu.memory_space<vmem_shared>>
      %dma_wait3A_345 = arith.constant 0 : i32
      %dma_wait3A_346 = tpu.memref_slice %arg15[%mul3A_342, %dma_wait3A_345] : memref<10240x32xbf16, #tpu.memory_space<vmem_shared>> -> memref<16x32xbf16, #tpu.memory_space<vmem_shared>>
      tpu.wait_dma2 semaphore(%arg14 : memref<!tpu.dma_semaphore, #tpu.memory_space<semaphore_mem>>) src(%arg11 : memref<16x32xbf16, #tpu.memory_space<vmem>>) dst(%dma_wait3A_346 : memref<16x32xbf16, #tpu.memory_space<vmem_shared>>)
      %dma_wait3A_347 = arith.constant 0 : i32
      %dma_wait3A_348 = tpu.memref_slice %arg21[%mul3A_342, %dma_wait3A_347] : memref<10240x16xf32, #tpu.memory_space<vmem_shared>> -> memref<16x16xf32, #tpu.memory_space<vmem_shared>>
      %dma_wait3A_349 = arith.constant 0 : i32
      %dma_wait3A_350 = tpu.memref_slice %arg21[%mul3A_342, %dma_wait3A_349] : memref<10240x16xf32, #tpu.memory_space<vmem_shared>> -> memref<16x16xf32, #tpu.memory_space<vmem_shared>>
      tpu.wait_dma2 semaphore(%arg14 : memref<!tpu.dma_semaphore, #tpu.memory_space<semaphore_mem>>) src(%arg18 : memref<16x16xf32, #tpu.memory_space<vmem>>) dst(%dma_wait3A_350 : memref<16x16xf32, #tpu.memory_space<vmem_shared>>)
      %mul3A_351 = arith.constant 40 : i32
      %mul3A_352 = arith.muli %arg1, %mul3A_351 : i32
      %mul3A_353 = arith.constant 4 : i32
      %mul3A_354 = arith.muli %scan3A_231, %mul3A_353 : i32
      %add3A_355 = arith.addi %mul3A_352, %mul3A_354 : i32
      %add3A_356 = arith.constant 3 : i32
      %add3A_357 = arith.addi %add3A_355, %add3A_356 : i32
      %mul3A_358 = arith.constant 16 : i32
      %mul3A_359 = arith.muli %add3A_357, %mul3A_358 : i32
      %dma_wait3A_360 = arith.constant 0 : i32
      %dma_wait3A_361 = tpu.memref_slice %arg15[%mul3A_359, %dma_wait3A_360] : memref<10240x32xbf16, #tpu.memory_space<vmem_shared>> -> memref<16x32xbf16, #tpu.memory_space<vmem_shared>>
      %dma_wait3A_362 = arith.constant 0 : i32
      %dma_wait3A_363 = tpu.memref_slice %arg15[%mul3A_359, %dma_wait3A_362] : memref<10240x32xbf16, #tpu.memory_space<vmem_shared>> -> memref<16x32xbf16, #tpu.memory_space<vmem_shared>>
      tpu.wait_dma2 semaphore(%arg14 : memref<!tpu.dma_semaphore, #tpu.memory_space<semaphore_mem>>) src(%arg11 : memref<16x32xbf16, #tpu.memory_space<vmem>>) dst(%dma_wait3A_363 : memref<16x32xbf16, #tpu.memory_space<vmem_shared>>)
      %dma_wait3A_364 = arith.constant 0 : i32
      %dma_wait3A_365 = tpu.memref_slice %arg21[%mul3A_359, %dma_wait3A_364] : memref<10240x16xf32, #tpu.memory_space<vmem_shared>> -> memref<16x16xf32, #tpu.memory_space<vmem_shared>>
      %dma_wait3A_366 = arith.constant 0 : i32
      %dma_wait3A_367 = tpu.memref_slice %arg21[%mul3A_359, %dma_wait3A_366] : memref<10240x16xf32, #tpu.memory_space<vmem_shared>> -> memref<16x16xf32, #tpu.memory_space<vmem_shared>>
      tpu.wait_dma2 semaphore(%arg14 : memref<!tpu.dma_semaphore, #tpu.memory_space<semaphore_mem>>) src(%arg18 : memref<16x16xf32, #tpu.memory_space<vmem>>) dst(%dma_wait3A_367 : memref<16x16xf32, #tpu.memory_space<vmem_shared>>)
      %scan3A_368 = arith.constant 0 : i32
      scf.yield %scan3A_368 : i32
    }
    %scan3A_200 = arith.constant 10 : i32
    %mul3A_201 = arith.constant 16 : i32
    %mul3A_202 = arith.muli %add3A, %mul3A_201 : i32
    %run_scoped3A = arith.constant 0 : i32
    "tpu.region"() ({
      %run_scoped3A_231 = tpu.sem_alloc : memref<!tpu.dma_semaphore, #tpu.memory_space<semaphore_mem>>
      %dma_start3A_232 = arith.constant 0 : i32
      %dma_start3A_233 = tpu.memref_slice %arg3[%run_scoped3A, %mul3A_202, %dma_start3A_232] : memref<2x512x640xi32, #tpu.memory_space<hbm>> -> memref<1x16x640xi32, #tpu.memory_space<hbm>>
      %dma_start3A_234 = tpu.memref_squeeze %dma_start3A_233 : memref<1x16x640xi32, #tpu.memory_space<hbm>> -> memref<16x640xi32, #tpu.memory_space<hbm>>
      %dma_start3A_235 = arith.constant 0 : i32
      %dma_start3A_236 = tpu.memref_slice %arg3[%run_scoped3A, %mul3A_202, %dma_start3A_235] : memref<2x512x640xi32, #tpu.memory_space<hbm>> -> memref<1x16x640xi32, #tpu.memory_space<hbm>>
      %dma_start3A_237 = tpu.memref_squeeze %dma_start3A_236 : memref<1x16x640xi32, #tpu.memory_space<hbm>> -> memref<16x640xi32, #tpu.memory_space<hbm>>
      tpu.enqueue_dma source(%dma_start3A_237 : memref<16x640xi32, #tpu.memory_space<hbm>>) target(%arg7 : memref<16x640xi32, #tpu.memory_space<vmem>>) target_semaphore(%run_scoped3A_231 : memref<!tpu.dma_semaphore, #tpu.memory_space<semaphore_mem>>)
      %dma_wait3A = arith.constant 0 : i32
      %dma_wait3A_238 = tpu.memref_slice %arg3[%run_scoped3A, %mul3A_202, %dma_wait3A] : memref<2x512x640xi32, #tpu.memory_space<hbm>> -> memref<1x16x640xi32, #tpu.memory_space<hbm>>
      %dma_wait3A_239 = tpu.memref_squeeze %dma_wait3A_238 : memref<1x16x640xi32, #tpu.memory_space<hbm>> -> memref<16x640xi32, #tpu.memory_space<hbm>>
      %dma_wait3A_240 = arith.constant 0 : i32
      %dma_wait3A_241 = tpu.memref_slice %arg3[%run_scoped3A, %mul3A_202, %dma_wait3A_240] : memref<2x512x640xi32, #tpu.memory_space<hbm>> -> memref<1x16x640xi32, #tpu.memory_space<hbm>>
      %dma_wait3A_242 = tpu.memref_squeeze %dma_wait3A_241 : memref<1x16x640xi32, #tpu.memory_space<hbm>> -> memref<16x640xi32, #tpu.memory_space<hbm>>
      tpu.wait_dma2 semaphore(%run_scoped3A_231 : memref<!tpu.dma_semaphore, #tpu.memory_space<semaphore_mem>>) src(%dma_wait3A_242 : memref<16x640xi32, #tpu.memory_space<hbm>>) dst(%arg7 : memref<16x640xi32, #tpu.memory_space<vmem>>)
      tpu.yield
    }) : () -> ()
    %run_scoped3A_203 = arith.constant 1 : i32
    "tpu.region"() ({
      %run_scoped3A_231 = tpu.sem_alloc : memref<!tpu.dma_semaphore, #tpu.memory_space<semaphore_mem>>
      %dma_start3A_232 = arith.constant 0 : i32
      %dma_start3A_233 = tpu.memref_slice %arg3[%run_scoped3A_203, %mul3A_202, %dma_start3A_232] : memref<2x512x640xi32, #tpu.memory_space<hbm>> -> memref<1x16x640xi32, #tpu.memory_space<hbm>>
      %dma_start3A_234 = tpu.memref_squeeze %dma_start3A_233 : memref<1x16x640xi32, #tpu.memory_space<hbm>> -> memref<16x640xi32, #tpu.memory_space<hbm>>
      %dma_start3A_235 = arith.constant 0 : i32
      %dma_start3A_236 = tpu.memref_slice %arg3[%run_scoped3A_203, %mul3A_202, %dma_start3A_235] : memref<2x512x640xi32, #tpu.memory_space<hbm>> -> memref<1x16x640xi32, #tpu.memory_space<hbm>>
      %dma_start3A_237 = tpu.memref_squeeze %dma_start3A_236 : memref<1x16x640xi32, #tpu.memory_space<hbm>> -> memref<16x640xi32, #tpu.memory_space<hbm>>
      tpu.enqueue_dma source(%dma_start3A_237 : memref<16x640xi32, #tpu.memory_space<hbm>>) target(%arg8 : memref<16x640xi32, #tpu.memory_space<vmem>>) target_semaphore(%run_scoped3A_231 : memref<!tpu.dma_semaphore, #tpu.memory_space<semaphore_mem>>)
      %dma_wait3A = arith.constant 0 : i32
      %dma_wait3A_238 = tpu.memref_slice %arg3[%run_scoped3A_203, %mul3A_202, %dma_wait3A] : memref<2x512x640xi32, #tpu.memory_space<hbm>> -> memref<1x16x640xi32, #tpu.memory_space<hbm>>
      %dma_wait3A_239 = tpu.memref_squeeze %dma_wait3A_238 : memref<1x16x640xi32, #tpu.memory_space<hbm>> -> memref<16x640xi32, #tpu.memory_space<hbm>>
      %dma_wait3A_240 = arith.constant 0 : i32
      %dma_wait3A_241 = tpu.memref_slice %arg3[%run_scoped3A_203, %mul3A_202, %dma_wait3A_240] : memref<2x512x640xi32, #tpu.memory_space<hbm>> -> memref<1x16x640xi32, #tpu.memory_space<hbm>>
      %dma_wait3A_242 = tpu.memref_squeeze %dma_wait3A_241 : memref<1x16x640xi32, #tpu.memory_space<hbm>> -> memref<16x640xi32, #tpu.memory_space<hbm>>
      tpu.wait_dma2 semaphore(%run_scoped3A_231 : memref<!tpu.dma_semaphore, #tpu.memory_space<semaphore_mem>>) src(%dma_wait3A_242 : memref<16x640xi32, #tpu.memory_space<hbm>>) dst(%arg8 : memref<16x640xi32, #tpu.memory_space<vmem>>)
      tpu.yield
    }) : () -> ()
    %barrier3A = arith.constant 0 : index
    tpu.barrier barrier_id(%barrier3A)
    %dma_start3A = arith.constant 0 : i32
    %dma_start3A_204 = arith.constant 0 : i32
    %dma_start3A_205 = tpu.memref_slice %arg7[%dma_start3A, %dma_start3A_204] : memref<16x640xi32, #tpu.memory_space<vmem>> -> memref<1x640xi32, #tpu.memory_space<vmem>>
    %dma_start3A_206 = tpu.memref_squeeze %dma_start3A_205 : memref<1x640xi32, #tpu.memory_space<vmem>> -> memref<640xi32, #tpu.memory_space<vmem>>
    %dma_start3A_207 = arith.constant 0 : i32
    %dma_start3A_208 = arith.constant 0 : i32
    %dma_start3A_209 = tpu.memref_slice %arg2[%dma_start3A_207, %dma_start3A_208] : memref<10240x32xbf16, #tpu.memory_space<hbm>> -> memref<10240x32xbf16, #tpu.memory_space<hbm>>
    tpu.enqueue_indirect_dma source(%dma_start3A_209 : memref<10240x32xbf16, #tpu.memory_space<hbm>>) target(%arg9 : memref<640x32xbf16, #tpu.memory_space<vmem>>) offsets(%dma_start3A_206 : memref<640xi32, #tpu.memory_space<vmem>>) semaphore(%arg12 : memref<!tpu.dma_semaphore, #tpu.memory_space<semaphore_mem>>)
    %dma_start3A_210 = arith.constant 0 : i32
    %dma_start3A_211 = arith.constant 0 : i32
    %dma_start3A_212 = tpu.memref_slice %arg8[%dma_start3A_210, %dma_start3A_211] : memref<16x640xi32, #tpu.memory_space<vmem>> -> memref<1x640xi32, #tpu.memory_space<vmem>>
    %dma_start3A_213 = tpu.memref_squeeze %dma_start3A_212 : memref<1x640xi32, #tpu.memory_space<vmem>> -> memref<640xi32, #tpu.memory_space<vmem>>
    %dma_start3A_214 = arith.constant 0 : i32
    %dma_start3A_215 = arith.constant 0 : i32
    %dma_start3A_216 = tpu.memref_slice %arg4[%dma_start3A_214, %dma_start3A_215] : memref<10240x16xf32, #tpu.memory_space<hbm>> -> memref<10240x16xf32, #tpu.memory_space<hbm>>
    tpu.enqueue_indirect_dma source(%dma_start3A_216 : memref<10240x16xf32, #tpu.memory_space<hbm>>) target(%arg16 : memref<640x16xf32, #tpu.memory_space<vmem>>) offsets(%dma_start3A_213 : memref<640xi32, #tpu.memory_space<vmem>>) semaphore(%arg19 : memref<!tpu.dma_semaphore, #tpu.memory_space<semaphore_mem>>)
    %scan3A_217 = arith.constant 0 : i32
    %scan3A_218 = arith.constant 0 : i32
    %scan3A_219 = arith.constant 8 : i32
    %scan3A_220 = arith.addi %scan3A_218, %scan3A_219 : i32
    %scan3A_221 = arith.constant 1 : i32
    %scan3A_222 = scf.for %scan3A_231 = %scan3A_218 to %scan3A_220 step %scan3A_221 iter_args(%scan3A_232 = %scan3A_217) -> (i32)  : i32 {
      %mul3A_233 = arith.constant 2 : i32
      %mul3A_234 = arith.muli %mul3A_233, %scan3A_231 : i32
      %add3A_235 = arith.constant 1 : i32
      %add3A_236 = arith.addi %mul3A_234, %add3A_235 : i32
      %dma_start3A_237 = arith.constant 0 : i32
      %dma_start3A_238 = tpu.memref_slice %arg7[%add3A_236, %dma_start3A_237] : memref<16x640xi32, #tpu.memory_space<vmem>> -> memref<1x640xi32, #tpu.memory_space<vmem>>
      %dma_start3A_239 = tpu.memref_squeeze %dma_start3A_238 : memref<1x640xi32, #tpu.memory_space<vmem>> -> memref<640xi32, #tpu.memory_space<vmem>>
      %dma_start3A_240 = arith.constant 0 : i32
      %dma_start3A_241 = arith.constant 0 : i32
      %dma_start3A_242 = tpu.memref_slice %arg2[%dma_start3A_240, %dma_start3A_241] : memref<10240x32xbf16, #tpu.memory_space<hbm>> -> memref<10240x32xbf16, #tpu.memory_space<hbm>>
      tpu.enqueue_indirect_dma source(%dma_start3A_242 : memref<10240x32xbf16, #tpu.memory_space<hbm>>) target(%arg10 : memref<640x32xbf16, #tpu.memory_space<vmem>>) offsets(%dma_start3A_239 : memref<640xi32, #tpu.memory_space<vmem>>) semaphore(%arg13 : memref<!tpu.dma_semaphore, #tpu.memory_space<semaphore_mem>>)
      %dma_start3A_243 = arith.constant 0 : i32
      %dma_start3A_244 = tpu.memref_slice %arg8[%add3A_236, %dma_start3A_243] : memref<16x640xi32, #tpu.memory_space<vmem>> -> memref<1x640xi32, #tpu.memory_space<vmem>>
      %dma_start3A_245 = tpu.memref_squeeze %dma_start3A_244 : memref<1x640xi32, #tpu.memory_space<vmem>> -> memref<640xi32, #tpu.memory_space<vmem>>
      %dma_start3A_246 = arith.constant 0 : i32
      %dma_start3A_247 = arith.constant 0 : i32
      %dma_start3A_248 = tpu.memref_slice %arg4[%dma_start3A_246, %dma_start3A_247] : memref<10240x16xf32, #tpu.memory_space<hbm>> -> memref<10240x16xf32, #tpu.memory_space<hbm>>
      tpu.enqueue_indirect_dma source(%dma_start3A_248 : memref<10240x16xf32, #tpu.memory_space<hbm>>) target(%arg17 : memref<640x16xf32, #tpu.memory_space<vmem>>) offsets(%dma_start3A_245 : memref<640xi32, #tpu.memory_space<vmem>>) semaphore(%arg20 : memref<!tpu.dma_semaphore, #tpu.memory_space<semaphore_mem>>)
      %dma_wait3A = arith.constant 0 : i32
      %dma_wait3A_249 = tpu.memref_slice %arg7[%mul3A_234, %dma_wait3A] : memref<16x640xi32, #tpu.memory_space<vmem>> -> memref<1x640xi32, #tpu.memory_space<vmem>>
      %dma_wait3A_250 = tpu.memref_squeeze %dma_wait3A_249 : memref<1x640xi32, #tpu.memory_space<vmem>> -> memref<640xi32, #tpu.memory_space<vmem>>
      %dma_wait3A_251 = arith.constant 0 : i32
      %dma_wait3A_252 = arith.constant 0 : i32
      %dma_wait3A_253 = tpu.memref_slice %arg2[%dma_wait3A_251, %dma_wait3A_252] : memref<10240x32xbf16, #tpu.memory_space<hbm>> -> memref<10240x32xbf16, #tpu.memory_space<hbm>>
      tpu.wait_indirect_dma semaphore(%arg12 : memref<!tpu.dma_semaphore, #tpu.memory_space<semaphore_mem>>) src(%dma_wait3A_253 : memref<10240x32xbf16, #tpu.memory_space<hbm>>) dst(%arg9 : memref<640x32xbf16, #tpu.memory_space<vmem>>)
      "tpu.region"() ({
        %run_scoped3A_281 = tpu.sem_alloc : memref<!tpu.dma_semaphore, #tpu.memory_space<semaphore_mem>>
        %dma_start3A_282 = arith.constant 0 : i32
        %dma_start3A_283 = tpu.memref_slice %arg8[%mul3A_234, %dma_start3A_282] : memref<16x640xi32, #tpu.memory_space<vmem>> -> memref<1x640xi32, #tpu.memory_space<vmem>>
        %dma_start3A_284 = tpu.memref_squeeze %dma_start3A_283 : memref<1x640xi32, #tpu.memory_space<vmem>> -> memref<640xi32, #tpu.memory_space<vmem>>
        %dma_start3A_285 = arith.constant 0 : i32
        %dma_start3A_286 = arith.constant 0 : i32
        %dma_start3A_287 = tpu.memref_slice %arg15[%dma_start3A_285, %dma_start3A_286] : memref<10240x32xbf16, #tpu.memory_space<vmem_shared>> -> memref<10240x32xbf16, #tpu.memory_space<vmem_shared>>
        tpu.enqueue_indirect_dma source(%arg9 : memref<640x32xbf16, #tpu.memory_space<vmem>>) target(%dma_start3A_287 : memref<10240x32xbf16, #tpu.memory_space<vmem_shared>>) offsets(%dma_start3A_284 : memref<640xi32, #tpu.memory_space<vmem>>) semaphore(%run_scoped3A_281 : memref<!tpu.dma_semaphore, #tpu.memory_space<semaphore_mem>>) {add = true}
        %dma_wait3A_288 = arith.constant 0 : i32
        %dma_wait3A_289 = tpu.memref_slice %arg8[%mul3A_234, %dma_wait3A_288] : memref<16x640xi32, #tpu.memory_space<vmem>> -> memref<1x640xi32, #tpu.memory_space<vmem>>
        %dma_wait3A_290 = tpu.memref_squeeze %dma_wait3A_289 : memref<1x640xi32, #tpu.memory_space<vmem>> -> memref<640xi32, #tpu.memory_space<vmem>>
        %dma_wait3A_291 = arith.constant 0 : i32
        %dma_wait3A_292 = arith.constant 0 : i32
        %dma_wait3A_293 = tpu.memref_slice %arg15[%dma_wait3A_291, %dma_wait3A_292] : memref<10240x32xbf16, #tpu.memory_space<vmem_shared>> -> memref<10240x32xbf16, #tpu.memory_space<vmem_shared>>
        tpu.wait_indirect_dma semaphore(%run_scoped3A_281 : memref<!tpu.dma_semaphore, #tpu.memory_space<semaphore_mem>>) src(%arg9 : memref<640x32xbf16, #tpu.memory_space<vmem>>) dst(%dma_wait3A_293 : memref<10240x32xbf16, #tpu.memory_space<vmem_shared>>)
        tpu.yield
      }) : () -> ()
      %dma_wait3A_254 = arith.constant 0 : i32
      %dma_wait3A_255 = tpu.memref_slice %arg8[%mul3A_234, %dma_wait3A_254] : memref<16x640xi32, #tpu.memory_space<vmem>> -> memref<1x640xi32, #tpu.memory_space<vmem>>
      %dma_wait3A_256 = tpu.memref_squeeze %dma_wait3A_255 : memref<1x640xi32, #tpu.memory_space<vmem>> -> memref<640xi32, #tpu.memory_space<vmem>>
      %dma_wait3A_257 = arith.constant 0 : i32
      %dma_wait3A_258 = arith.constant 0 : i32
      %dma_wait3A_259 = tpu.memref_slice %arg4[%dma_wait3A_257, %dma_wait3A_258] : memref<10240x16xf32, #tpu.memory_space<hbm>> -> memref<10240x16xf32, #tpu.memory_space<hbm>>
      tpu.wait_indirect_dma semaphore(%arg19 : memref<!tpu.dma_semaphore, #tpu.memory_space<semaphore_mem>>) src(%dma_wait3A_259 : memref<10240x16xf32, #tpu.memory_space<hbm>>) dst(%arg16 : memref<640x16xf32, #tpu.memory_space<vmem>>)
      "tpu.region"() ({
        %run_scoped3A_281 = tpu.sem_alloc : memref<!tpu.dma_semaphore, #tpu.memory_space<semaphore_mem>>
        %dma_start3A_282 = arith.constant 0 : i32
        %dma_start3A_283 = tpu.memref_slice %arg7[%mul3A_234, %dma_start3A_282] : memref<16x640xi32, #tpu.memory_space<vmem>> -> memref<1x640xi32, #tpu.memory_space<vmem>>
        %dma_start3A_284 = tpu.memref_squeeze %dma_start3A_283 : memref<1x640xi32, #tpu.memory_space<vmem>> -> memref<640xi32, #tpu.memory_space<vmem>>
        %dma_start3A_285 = arith.constant 0 : i32
        %dma_start3A_286 = arith.constant 0 : i32
        %dma_start3A_287 = tpu.memref_slice %arg21[%dma_start3A_285, %dma_start3A_286] : memref<10240x16xf32, #tpu.memory_space<vmem_shared>> -> memref<10240x16xf32, #tpu.memory_space<vmem_shared>>
        tpu.enqueue_indirect_dma source(%arg16 : memref<640x16xf32, #tpu.memory_space<vmem>>) target(%dma_start3A_287 : memref<10240x16xf32, #tpu.memory_space<vmem_shared>>) offsets(%dma_start3A_284 : memref<640xi32, #tpu.memory_space<vmem>>) semaphore(%run_scoped3A_281 : memref<!tpu.dma_semaphore, #tpu.memory_space<semaphore_mem>>) {add = true}
        %dma_wait3A_288 = arith.constant 0 : i32
        %dma_wait3A_289 = tpu.memref_slice %arg7[%mul3A_234, %dma_wait3A_288] : memref<16x640xi32, #tpu.memory_space<vmem>> -> memref<1x640xi32, #tpu.memory_space<vmem>>
        %dma_wait3A_290 = tpu.memref_squeeze %dma_wait3A_289 : memref<1x640xi32, #tpu.memory_space<vmem>> -> memref<640xi32, #tpu.memory_space<vmem>>
        %dma_wait3A_291 = arith.constant 0 : i32
        %dma_wait3A_292 = arith.constant 0 : i32
        %dma_wait3A_293 = tpu.memref_slice %arg21[%dma_wait3A_291, %dma_wait3A_292] : memref<10240x16xf32, #tpu.memory_space<vmem_shared>> -> memref<10240x16xf32, #tpu.memory_space<vmem_shared>>
        tpu.wait_indirect_dma semaphore(%run_scoped3A_281 : memref<!tpu.dma_semaphore, #tpu.memory_space<semaphore_mem>>) src(%arg16 : memref<640x16xf32, #tpu.memory_space<vmem>>) dst(%dma_wait3A_293 : memref<10240x16xf32, #tpu.memory_space<vmem_shared>>)
        tpu.yield
      }) : () -> ()
      %add3A_260 = arith.constant 2 : i32
      %add3A_261 = arith.addi %mul3A_234, %add3A_260 : i32
      %lt3A = arith.constant 16 : i32
      %lt3A_262 = arith.cmpi slt, %add3A_261, %lt3A : i32
      %convert_element_type3A_263 = arith.extui %lt3A_262 : i1 to i32
      %cond3A_264 = arith.constant 0 : i32
      %cond3A_265 = arith.cmpi ne, %convert_element_type3A_263, %cond3A_264 : i32
      scf.if %cond3A_265 {
        %add3A_281 = arith.constant 2 : i32
        %add3A_282 = arith.addi %mul3A_234, %add3A_281 : i32
        %dma_start3A_283 = arith.constant 0 : i32
        %dma_start3A_284 = tpu.memref_slice %arg7[%add3A_282, %dma_start3A_283] : memref<16x640xi32, #tpu.memory_space<vmem>> -> memref<1x640xi32, #tpu.memory_space<vmem>>
        %dma_start3A_285 = tpu.memref_squeeze %dma_start3A_284 : memref<1x640xi32, #tpu.memory_space<vmem>> -> memref<640xi32, #tpu.memory_space<vmem>>
        %dma_start3A_286 = arith.constant 0 : i32
        %dma_start3A_287 = arith.constant 0 : i32
        %dma_start3A_288 = tpu.memref_slice %arg2[%dma_start3A_286, %dma_start3A_287] : memref<10240x32xbf16, #tpu.memory_space<hbm>> -> memref<10240x32xbf16, #tpu.memory_space<hbm>>
        tpu.enqueue_indirect_dma source(%dma_start3A_288 : memref<10240x32xbf16, #tpu.memory_space<hbm>>) target(%arg9 : memref<640x32xbf16, #tpu.memory_space<vmem>>) offsets(%dma_start3A_285 : memref<640xi32, #tpu.memory_space<vmem>>) semaphore(%arg12 : memref<!tpu.dma_semaphore, #tpu.memory_space<semaphore_mem>>)
        %dma_start3A_289 = arith.constant 0 : i32
        %dma_start3A_290 = tpu.memref_slice %arg8[%add3A_282, %dma_start3A_289] : memref<16x640xi32, #tpu.memory_space<vmem>> -> memref<1x640xi32, #tpu.memory_space<vmem>>
        %dma_start3A_291 = tpu.memref_squeeze %dma_start3A_290 : memref<1x640xi32, #tpu.memory_space<vmem>> -> memref<640xi32, #tpu.memory_space<vmem>>
        %dma_start3A_292 = arith.constant 0 : i32
        %dma_start3A_293 = arith.constant 0 : i32
        %dma_start3A_294 = tpu.memref_slice %arg4[%dma_start3A_292, %dma_start3A_293] : memref<10240x16xf32, #tpu.memory_space<hbm>> -> memref<10240x16xf32, #tpu.memory_space<hbm>>
        tpu.enqueue_indirect_dma source(%dma_start3A_294 : memref<10240x16xf32, #tpu.memory_space<hbm>>) target(%arg16 : memref<640x16xf32, #tpu.memory_space<vmem>>) offsets(%dma_start3A_291 : memref<640xi32, #tpu.memory_space<vmem>>) semaphore(%arg19 : memref<!tpu.dma_semaphore, #tpu.memory_space<semaphore_mem>>)
      } else {
      }
      %add3A_266 = arith.constant 1 : i32
      %add3A_267 = arith.addi %mul3A_234, %add3A_266 : i32
      %dma_wait3A_268 = arith.constant 0 : i32
      %dma_wait3A_269 = tpu.memref_slice %arg7[%add3A_267, %dma_wait3A_268] : memref<16x640xi32, #tpu.memory_space<vmem>> -> memref<1x640xi32, #tpu.memory_space<vmem>>
      %dma_wait3A_270 = tpu.memref_squeeze %dma_wait3A_269 : memref<1x640xi32, #tpu.memory_space<vmem>> -> memref<640xi32, #tpu.memory_space<vmem>>
      %dma_wait3A_271 = arith.constant 0 : i32
      %dma_wait3A_272 = arith.constant 0 : i32
      %dma_wait3A_273 = tpu.memref_slice %arg2[%dma_wait3A_271, %dma_wait3A_272] : memref<10240x32xbf16, #tpu.memory_space<hbm>> -> memref<10240x32xbf16, #tpu.memory_space<hbm>>
      tpu.wait_indirect_dma semaphore(%arg13 : memref<!tpu.dma_semaphore, #tpu.memory_space<semaphore_mem>>) src(%dma_wait3A_273 : memref<10240x32xbf16, #tpu.memory_space<hbm>>) dst(%arg10 : memref<640x32xbf16, #tpu.memory_space<vmem>>)
      "tpu.region"() ({
        %run_scoped3A_281 = tpu.sem_alloc : memref<!tpu.dma_semaphore, #tpu.memory_space<semaphore_mem>>
        %dma_start3A_282 = arith.constant 0 : i32
        %dma_start3A_283 = tpu.memref_slice %arg8[%add3A_267, %dma_start3A_282] : memref<16x640xi32, #tpu.memory_space<vmem>> -> memref<1x640xi32, #tpu.memory_space<vmem>>
        %dma_start3A_284 = tpu.memref_squeeze %dma_start3A_283 : memref<1x640xi32, #tpu.memory_space<vmem>> -> memref<640xi32, #tpu.memory_space<vmem>>
        %dma_start3A_285 = arith.constant 0 : i32
        %dma_start3A_286 = arith.constant 0 : i32
        %dma_start3A_287 = tpu.memref_slice %arg15[%dma_start3A_285, %dma_start3A_286] : memref<10240x32xbf16, #tpu.memory_space<vmem_shared>> -> memref<10240x32xbf16, #tpu.memory_space<vmem_shared>>
        tpu.enqueue_indirect_dma source(%arg10 : memref<640x32xbf16, #tpu.memory_space<vmem>>) target(%dma_start3A_287 : memref<10240x32xbf16, #tpu.memory_space<vmem_shared>>) offsets(%dma_start3A_284 : memref<640xi32, #tpu.memory_space<vmem>>) semaphore(%run_scoped3A_281 : memref<!tpu.dma_semaphore, #tpu.memory_space<semaphore_mem>>) {add = true}
        %dma_wait3A_288 = arith.constant 0 : i32
        %dma_wait3A_289 = tpu.memref_slice %arg8[%add3A_267, %dma_wait3A_288] : memref<16x640xi32, #tpu.memory_space<vmem>> -> memref<1x640xi32, #tpu.memory_space<vmem>>
        %dma_wait3A_290 = tpu.memref_squeeze %dma_wait3A_289 : memref<1x640xi32, #tpu.memory_space<vmem>> -> memref<640xi32, #tpu.memory_space<vmem>>
        %dma_wait3A_291 = arith.constant 0 : i32
        %dma_wait3A_292 = arith.constant 0 : i32
        %dma_wait3A_293 = tpu.memref_slice %arg15[%dma_wait3A_291, %dma_wait3A_292] : memref<10240x32xbf16, #tpu.memory_space<vmem_shared>> -> memref<10240x32xbf16, #tpu.memory_space<vmem_shared>>
        tpu.wait_indirect_dma semaphore(%run_scoped3A_281 : memref<!tpu.dma_semaphore, #tpu.memory_space<semaphore_mem>>) src(%arg10 : memref<640x32xbf16, #tpu.memory_space<vmem>>) dst(%dma_wait3A_293 : memref<10240x32xbf16, #tpu.memory_space<vmem_shared>>)
        tpu.yield
      }) : () -> ()
      %dma_wait3A_274 = arith.constant 0 : i32
      %dma_wait3A_275 = tpu.memref_slice %arg8[%add3A_267, %dma_wait3A_274] : memref<16x640xi32, #tpu.memory_space<vmem>> -> memref<1x640xi32, #tpu.memory_space<vmem>>
      %dma_wait3A_276 = tpu.memref_squeeze %dma_wait3A_275 : memref<1x640xi32, #tpu.memory_space<vmem>> -> memref<640xi32, #tpu.memory_space<vmem>>
      %dma_wait3A_277 = arith.constant 0 : i32
      %dma_wait3A_278 = arith.constant 0 : i32
      %dma_wait3A_279 = tpu.memref_slice %arg4[%dma_wait3A_277, %dma_wait3A_278] : memref<10240x16xf32, #tpu.memory_space<hbm>> -> memref<10240x16xf32, #tpu.memory_space<hbm>>
      tpu.wait_indirect_dma semaphore(%arg20 : memref<!tpu.dma_semaphore, #tpu.memory_space<semaphore_mem>>) src(%dma_wait3A_279 : memref<10240x16xf32, #tpu.memory_space<hbm>>) dst(%arg17 : memref<640x16xf32, #tpu.memory_space<vmem>>)
      "tpu.region"() ({
        %run_scoped3A_281 = tpu.sem_alloc : memref<!tpu.dma_semaphore, #tpu.memory_space<semaphore_mem>>
        %dma_start3A_282 = arith.constant 0 : i32
        %dma_start3A_283 = tpu.memref_slice %arg7[%add3A_267, %dma_start3A_282] : memref<16x640xi32, #tpu.memory_space<vmem>> -> memref<1x640xi32, #tpu.memory_space<vmem>>
        %dma_start3A_284 = tpu.memref_squeeze %dma_start3A_283 : memref<1x640xi32, #tpu.memory_space<vmem>> -> memref<640xi32, #tpu.memory_space<vmem>>
        %dma_start3A_285 = arith.constant 0 : i32
        %dma_start3A_286 = arith.constant 0 : i32
        %dma_start3A_287 = tpu.memref_slice %arg21[%dma_start3A_285, %dma_start3A_286] : memref<10240x16xf32, #tpu.memory_space<vmem_shared>> -> memref<10240x16xf32, #tpu.memory_space<vmem_shared>>
        tpu.enqueue_indirect_dma source(%arg17 : memref<640x16xf32, #tpu.memory_space<vmem>>) target(%dma_start3A_287 : memref<10240x16xf32, #tpu.memory_space<vmem_shared>>) offsets(%dma_start3A_284 : memref<640xi32, #tpu.memory_space<vmem>>) semaphore(%run_scoped3A_281 : memref<!tpu.dma_semaphore, #tpu.memory_space<semaphore_mem>>) {add = true}
        %dma_wait3A_288 = arith.constant 0 : i32
        %dma_wait3A_289 = tpu.memref_slice %arg7[%add3A_267, %dma_wait3A_288] : memref<16x640xi32, #tpu.memory_space<vmem>> -> memref<1x640xi32, #tpu.memory_space<vmem>>
        %dma_wait3A_290 = tpu.memref_squeeze %dma_wait3A_289 : memref<1x640xi32, #tpu.memory_space<vmem>> -> memref<640xi32, #tpu.memory_space<vmem>>
        %dma_wait3A_291 = arith.constant 0 : i32
        %dma_wait3A_292 = arith.constant 0 : i32
        %dma_wait3A_293 = tpu.memref_slice %arg21[%dma_wait3A_291, %dma_wait3A_292] : memref<10240x16xf32, #tpu.memory_space<vmem_shared>> -> memref<10240x16xf32, #tpu.memory_space<vmem_shared>>
        tpu.wait_indirect_dma semaphore(%run_scoped3A_281 : memref<!tpu.dma_semaphore, #tpu.memory_space<semaphore_mem>>) src(%arg17 : memref<640x16xf32, #tpu.memory_space<vmem>>) dst(%dma_wait3A_293 : memref<10240x16xf32, #tpu.memory_space<vmem_shared>>)
        tpu.yield
      }) : () -> ()
      %scan3A_280 = arith.constant 0 : i32
      scf.yield %scan3A_280 : i32
    }
    %scan3A_223 = arith.constant 8 : i32
    %barrier3A_224 = arith.constant 0 : index
    tpu.barrier barrier_id(%barrier3A_224)
    %mul3A_225 = arith.constant 640 : i32
    %mul3A_226 = arith.muli %arg1, %mul3A_225 : i32
    %mul3A_227 = arith.constant 640 : i32
    %mul3A_228 = arith.muli %arg1, %mul3A_227 : i32
    "tpu.region"() ({
      %run_scoped3A_231 = tpu.sem_alloc : memref<!tpu.dma_semaphore, #tpu.memory_space<semaphore_mem>>
      %dma_start3A_232 = arith.constant 0 : i32
      %dma_start3A_233 = tpu.memref_slice %arg5[%arg0, %mul3A_228, %dma_start3A_232] : memref<2x10240x32xbf16, #tpu.memory_space<hbm>> -> memref<1x640x32xbf16, #tpu.memory_space<hbm>>
      %dma_start3A_234 = tpu.memref_squeeze %dma_start3A_233 : memref<1x640x32xbf16, #tpu.memory_space<hbm>> -> memref<640x32xbf16, #tpu.memory_space<hbm>>
      %dma_start3A_235 = arith.constant 0 : i32
      %dma_start3A_236 = tpu.memref_slice %arg15[%mul3A_226, %dma_start3A_235] : memref<10240x32xbf16, #tpu.memory_space<vmem_shared>> -> memref<640x32xbf16, #tpu.memory_space<vmem_shared>>
      tpu.enqueue_dma source(%dma_start3A_236 : memref<640x32xbf16, #tpu.memory_space<vmem_shared>>) target(%dma_start3A_234 : memref<640x32xbf16, #tpu.memory_space<hbm>>) target_semaphore(%run_scoped3A_231 : memref<!tpu.dma_semaphore, #tpu.memory_space<semaphore_mem>>)
      %dma_wait3A = arith.constant 0 : i32
      %dma_wait3A_237 = tpu.memref_slice %arg5[%arg0, %mul3A_228, %dma_wait3A] : memref<2x10240x32xbf16, #tpu.memory_space<hbm>> -> memref<1x640x32xbf16, #tpu.memory_space<hbm>>
      %dma_wait3A_238 = tpu.memref_squeeze %dma_wait3A_237 : memref<1x640x32xbf16, #tpu.memory_space<hbm>> -> memref<640x32xbf16, #tpu.memory_space<hbm>>
      %dma_wait3A_239 = arith.constant 0 : i32
      %dma_wait3A_240 = tpu.memref_slice %arg15[%mul3A_226, %dma_wait3A_239] : memref<10240x32xbf16, #tpu.memory_space<vmem_shared>> -> memref<640x32xbf16, #tpu.memory_space<vmem_shared>>
      tpu.wait_dma2 semaphore(%run_scoped3A_231 : memref<!tpu.dma_semaphore, #tpu.memory_space<semaphore_mem>>) src(%dma_wait3A_240 : memref<640x32xbf16, #tpu.memory_space<vmem_shared>>) dst(%dma_wait3A_238 : memref<640x32xbf16, #tpu.memory_space<hbm>>)
      tpu.yield
    }) : () -> ()
    %eq3A = arith.constant 0 : i32
    %eq3A_229 = arith.cmpi eq, %arg1, %eq3A : i32
    %convert_element_type3A = arith.extui %eq3A_229 : i1 to i32
    %cond3A = arith.constant 0 : i32
    %cond3A_230 = arith.cmpi ne, %convert_element_type3A, %cond3A : i32
    scf.if %cond3A_230 {
      "tpu.region"() ({
        %run_scoped3A_231 = tpu.sem_alloc : memref<!tpu.dma_semaphore, #tpu.memory_space<semaphore_mem>>
        %dma_start3A_232 = arith.constant 0 : i32
        %dma_start3A_233 = arith.constant 0 : i32
        %dma_start3A_234 = tpu.memref_slice %arg6[%arg0, %dma_start3A_232, %dma_start3A_233] : memref<2x10240x16xf32, #tpu.memory_space<hbm>> -> memref<1x10240x16xf32, #tpu.memory_space<hbm>>
        %dma_start3A_235 = tpu.memref_squeeze %dma_start3A_234 : memref<1x10240x16xf32, #tpu.memory_space<hbm>> -> memref<10240x16xf32, #tpu.memory_space<hbm>>
        tpu.enqueue_dma source(%arg21 : memref<10240x16xf32, #tpu.memory_space<vmem_shared>>) target(%dma_start3A_235 : memref<10240x16xf32, #tpu.memory_space<hbm>>) target_semaphore(%run_scoped3A_231 : memref<!tpu.dma_semaphore, #tpu.memory_space<semaphore_mem>>)
        %dma_wait3A = arith.constant 0 : i32
        %dma_wait3A_236 = arith.constant 0 : i32
        %dma_wait3A_237 = tpu.memref_slice %arg6[%arg0, %dma_wait3A, %dma_wait3A_236] : memref<2x10240x16xf32, #tpu.memory_space<hbm>> -> memref<1x10240x16xf32, #tpu.memory_space<hbm>>
        %dma_wait3A_238 = tpu.memref_squeeze %dma_wait3A_237 : memref<1x10240x16xf32, #tpu.memory_space<hbm>> -> memref<10240x16xf32, #tpu.memory_space<hbm>>
        tpu.wait_dma2 semaphore(%run_scoped3A_231 : memref<!tpu.dma_semaphore, #tpu.memory_space<semaphore_mem>>) src(%arg21 : memref<10240x16xf32, #tpu.memory_space<vmem_shared>>) dst(%dma_wait3A_238 : memref<10240x16xf32, #tpu.memory_space<hbm>>)
        tpu.yield
      }) : () -> ()
    } else {
    }
    return
  }
}

#map = affine_map<(d0, d1) -> (0, 0)>
#map1 = affine_map<(d0, d1) -> (0, 0, 0)>
module attributes {stable_mosaic.version = 14 : i64} {
  func.func @body(%arg0: i32, %arg1: i32, %arg2: memref<10240x64xbf16, #tpu.memory_space<hbm>>, %arg3: memref<2x512x640xi32, #tpu.memory_space<hbm>>, %arg4: memref<2x10240x64xbf16, #tpu.memory_space<hbm>>, %arg5: memref<16x640xi32, #tpu.memory_space<vmem>>, %arg6: memref<16x640xi32, #tpu.memory_space<vmem>>, %arg7: memref<640x64xbf16, #tpu.memory_space<vmem>>, %arg8: memref<640x64xbf16, #tpu.memory_space<vmem>>, %arg9: memref<16x64xbf16, #tpu.memory_space<vmem>>, %arg10: memref<!tpu.dma_semaphore, #tpu.memory_space<semaphore_mem>>, %arg11: memref<!tpu.dma_semaphore, #tpu.memory_space<semaphore_mem>>, %arg12: memref<!tpu.dma_semaphore, #tpu.memory_space<semaphore_mem>>, %arg13: memref<10240x64xbf16, #tpu.memory_space<vmem_shared>>) attributes {dimension_semantics = [#tpu.dimension_semantics<core_parallel>, #tpu.dimension_semantics<subcore_parallel>], iteration_bounds = array<i64: 2, 16>, scalar_prefetch = 0 : i64, scratch_operands = 9 : i64, tpu.core_type = #tpu.core_type<sc_vector_subcore>, window_params = [{transform_indices = #map}, {transform_indices = #map1}, {transform_indices = #map1}]} {
    %mul3A = arith.constant 2 : i32
    %mul3A_0 = arith.muli %arg1, %mul3A : i32
    %add3A = arith.addi %mul3A_0, %arg0 : i32
    %broadcast_in_dim3A = arith.constant 0.000000e+00 : bf16
    %broadcast_in_dim3A_1 = vector.broadcast %broadcast_in_dim3A : bf16 to vector<32xbf16>
    %swap3A = arith.constant 0 : i32
    %swap3A_2 = arith.index_cast %swap3A : i32 to index
    %swap3A_3 = arith.constant 0 : index
    %swap3A_4 = tpu.vector_load %arg9[%swap3A_2, %swap3A_3] {strides = array<i32>} : memref<16x64xbf16, #tpu.memory_space<vmem>>, vector<1x32xbf16>,
    %swap3A_5 = vector.shape_cast %swap3A_4 : vector<1x32xbf16> to vector<32xbf16>
    %swap3A_6 = vector.shape_cast %broadcast_in_dim3A_1 : vector<32xbf16> to vector<1x32xbf16>
    tpu.vector_store %arg9[%swap3A_2, %swap3A_3], %swap3A_6 {strides = array<i32>} : memref<16x64xbf16, #tpu.memory_space<vmem>>, vector<1x32xbf16>,
    %swap3A_7 = arith.constant 0 : i32
    %swap3A_8 = arith.index_cast %swap3A_7 : i32 to index
    %swap3A_9 = arith.constant 32 : index
    %swap3A_10 = tpu.vector_load %arg9[%swap3A_8, %swap3A_9] {strides = array<i32>} : memref<16x64xbf16, #tpu.memory_space<vmem>>, vector<1x32xbf16>,
    %swap3A_11 = vector.shape_cast %swap3A_10 : vector<1x32xbf16> to vector<32xbf16>
    %swap3A_12 = vector.shape_cast %broadcast_in_dim3A_1 : vector<32xbf16> to vector<1x32xbf16>
    tpu.vector_store %arg9[%swap3A_8, %swap3A_9], %swap3A_12 {strides = array<i32>} : memref<16x64xbf16, #tpu.memory_space<vmem>>, vector<1x32xbf16>,
    %swap3A_13 = arith.constant 1 : i32
    %swap3A_14 = arith.index_cast %swap3A_13 : i32 to index
    %swap3A_15 = arith.constant 0 : index
    %swap3A_16 = tpu.vector_load %arg9[%swap3A_14, %swap3A_15] {strides = array<i32>} : memref<16x64xbf16, #tpu.memory_space<vmem>>, vector<1x32xbf16>,
    %swap3A_17 = vector.shape_cast %swap3A_16 : vector<1x32xbf16> to vector<32xbf16>
    %swap3A_18 = vector.shape_cast %broadcast_in_dim3A_1 : vector<32xbf16> to vector<1x32xbf16>
    tpu.vector_store %arg9[%swap3A_14, %swap3A_15], %swap3A_18 {strides = array<i32>} : memref<16x64xbf16, #tpu.memory_space<vmem>>, vector<1x32xbf16>,
    %swap3A_19 = arith.constant 1 : i32
    %swap3A_20 = arith.index_cast %swap3A_19 : i32 to index
    %swap3A_21 = arith.constant 32 : index
    %swap3A_22 = tpu.vector_load %arg9[%swap3A_20, %swap3A_21] {strides = array<i32>} : memref<16x64xbf16, #tpu.memory_space<vmem>>, vector<1x32xbf16>,
    %swap3A_23 = vector.shape_cast %swap3A_22 : vector<1x32xbf16> to vector<32xbf16>
    %swap3A_24 = vector.shape_cast %broadcast_in_dim3A_1 : vector<32xbf16> to vector<1x32xbf16>
    tpu.vector_store %arg9[%swap3A_20, %swap3A_21], %swap3A_24 {strides = array<i32>} : memref<16x64xbf16, #tpu.memory_space<vmem>>, vector<1x32xbf16>,
    %swap3A_25 = arith.constant 2 : i32
    %swap3A_26 = arith.index_cast %swap3A_25 : i32 to index
    %swap3A_27 = arith.constant 0 : index
    %swap3A_28 = tpu.vector_load %arg9[%swap3A_26, %swap3A_27] {strides = array<i32>} : memref<16x64xbf16, #tpu.memory_space<vmem>>, vector<1x32xbf16>,
    %swap3A_29 = vector.shape_cast %swap3A_28 : vector<1x32xbf16> to vector<32xbf16>
    %swap3A_30 = vector.shape_cast %broadcast_in_dim3A_1 : vector<32xbf16> to vector<1x32xbf16>
    tpu.vector_store %arg9[%swap3A_26, %swap3A_27], %swap3A_30 {strides = array<i32>} : memref<16x64xbf16, #tpu.memory_space<vmem>>, vector<1x32xbf16>,
    %swap3A_31 = arith.constant 2 : i32
    %swap3A_32 = arith.index_cast %swap3A_31 : i32 to index
    %swap3A_33 = arith.constant 32 : index
    %swap3A_34 = tpu.vector_load %arg9[%swap3A_32, %swap3A_33] {strides = array<i32>} : memref<16x64xbf16, #tpu.memory_space<vmem>>, vector<1x32xbf16>,
    %swap3A_35 = vector.shape_cast %swap3A_34 : vector<1x32xbf16> to vector<32xbf16>
    %swap3A_36 = vector.shape_cast %broadcast_in_dim3A_1 : vector<32xbf16> to vector<1x32xbf16>
    tpu.vector_store %arg9[%swap3A_32, %swap3A_33], %swap3A_36 {strides = array<i32>} : memref<16x64xbf16, #tpu.memory_space<vmem>>, vector<1x32xbf16>,
    %swap3A_37 = arith.constant 3 : i32
    %swap3A_38 = arith.index_cast %swap3A_37 : i32 to index
    %swap3A_39 = arith.constant 0 : index
    %swap3A_40 = tpu.vector_load %arg9[%swap3A_38, %swap3A_39] {strides = array<i32>} : memref<16x64xbf16, #tpu.memory_space<vmem>>, vector<1x32xbf16>,
    %swap3A_41 = vector.shape_cast %swap3A_40 : vector<1x32xbf16> to vector<32xbf16>
    %swap3A_42 = vector.shape_cast %broadcast_in_dim3A_1 : vector<32xbf16> to vector<1x32xbf16>
    tpu.vector_store %arg9[%swap3A_38, %swap3A_39], %swap3A_42 {strides = array<i32>} : memref<16x64xbf16, #tpu.memory_space<vmem>>, vector<1x32xbf16>,
    %swap3A_43 = arith.constant 3 : i32
    %swap3A_44 = arith.index_cast %swap3A_43 : i32 to index
    %swap3A_45 = arith.constant 32 : index
    %swap3A_46 = tpu.vector_load %arg9[%swap3A_44, %swap3A_45] {strides = array<i32>} : memref<16x64xbf16, #tpu.memory_space<vmem>>, vector<1x32xbf16>,
    %swap3A_47 = vector.shape_cast %swap3A_46 : vector<1x32xbf16> to vector<32xbf16>
    %swap3A_48 = vector.shape_cast %broadcast_in_dim3A_1 : vector<32xbf16> to vector<1x32xbf16>
    tpu.vector_store %arg9[%swap3A_44, %swap3A_45], %swap3A_48 {strides = array<i32>} : memref<16x64xbf16, #tpu.memory_space<vmem>>, vector<1x32xbf16>,
    %swap3A_49 = arith.constant 4 : i32
    %swap3A_50 = arith.index_cast %swap3A_49 : i32 to index
    %swap3A_51 = arith.constant 0 : index
    %swap3A_52 = tpu.vector_load %arg9[%swap3A_50, %swap3A_51] {strides = array<i32>} : memref<16x64xbf16, #tpu.memory_space<vmem>>, vector<1x32xbf16>,
    %swap3A_53 = vector.shape_cast %swap3A_52 : vector<1x32xbf16> to vector<32xbf16>
    %swap3A_54 = vector.shape_cast %broadcast_in_dim3A_1 : vector<32xbf16> to vector<1x32xbf16>
    tpu.vector_store %arg9[%swap3A_50, %swap3A_51], %swap3A_54 {strides = array<i32>} : memref<16x64xbf16, #tpu.memory_space<vmem>>, vector<1x32xbf16>,
    %swap3A_55 = arith.constant 4 : i32
    %swap3A_56 = arith.index_cast %swap3A_55 : i32 to index
    %swap3A_57 = arith.constant 32 : index
    %swap3A_58 = tpu.vector_load %arg9[%swap3A_56, %swap3A_57] {strides = array<i32>} : memref<16x64xbf16, #tpu.memory_space<vmem>>, vector<1x32xbf16>,
    %swap3A_59 = vector.shape_cast %swap3A_58 : vector<1x32xbf16> to vector<32xbf16>
    %swap3A_60 = vector.shape_cast %broadcast_in_dim3A_1 : vector<32xbf16> to vector<1x32xbf16>
    tpu.vector_store %arg9[%swap3A_56, %swap3A_57], %swap3A_60 {strides = array<i32>} : memref<16x64xbf16, #tpu.memory_space<vmem>>, vector<1x32xbf16>,
    %swap3A_61 = arith.constant 5 : i32
    %swap3A_62 = arith.index_cast %swap3A_61 : i32 to index
    %swap3A_63 = arith.constant 0 : index
    %swap3A_64 = tpu.vector_load %arg9[%swap3A_62, %swap3A_63] {strides = array<i32>} : memref<16x64xbf16, #tpu.memory_space<vmem>>, vector<1x32xbf16>,
    %swap3A_65 = vector.shape_cast %swap3A_64 : vector<1x32xbf16> to vector<32xbf16>
    %swap3A_66 = vector.shape_cast %broadcast_in_dim3A_1 : vector<32xbf16> to vector<1x32xbf16>
    tpu.vector_store %arg9[%swap3A_62, %swap3A_63], %swap3A_66 {strides = array<i32>} : memref<16x64xbf16, #tpu.memory_space<vmem>>, vector<1x32xbf16>,
    %swap3A_67 = arith.constant 5 : i32
    %swap3A_68 = arith.index_cast %swap3A_67 : i32 to index
    %swap3A_69 = arith.constant 32 : index
    %swap3A_70 = tpu.vector_load %arg9[%swap3A_68, %swap3A_69] {strides = array<i32>} : memref<16x64xbf16, #tpu.memory_space<vmem>>, vector<1x32xbf16>,
    %swap3A_71 = vector.shape_cast %swap3A_70 : vector<1x32xbf16> to vector<32xbf16>
    %swap3A_72 = vector.shape_cast %broadcast_in_dim3A_1 : vector<32xbf16> to vector<1x32xbf16>
    tpu.vector_store %arg9[%swap3A_68, %swap3A_69], %swap3A_72 {strides = array<i32>} : memref<16x64xbf16, #tpu.memory_space<vmem>>, vector<1x32xbf16>,
    %swap3A_73 = arith.constant 6 : i32
    %swap3A_74 = arith.index_cast %swap3A_73 : i32 to index
    %swap3A_75 = arith.constant 0 : index
    %swap3A_76 = tpu.vector_load %arg9[%swap3A_74, %swap3A_75] {strides = array<i32>} : memref<16x64xbf16, #tpu.memory_space<vmem>>, vector<1x32xbf16>,
    %swap3A_77 = vector.shape_cast %swap3A_76 : vector<1x32xbf16> to vector<32xbf16>
    %swap3A_78 = vector.shape_cast %broadcast_in_dim3A_1 : vector<32xbf16> to vector<1x32xbf16>
    tpu.vector_store %arg9[%swap3A_74, %swap3A_75], %swap3A_78 {strides = array<i32>} : memref<16x64xbf16, #tpu.memory_space<vmem>>, vector<1x32xbf16>,
    %swap3A_79 = arith.constant 6 : i32
    %swap3A_80 = arith.index_cast %swap3A_79 : i32 to index
    %swap3A_81 = arith.constant 32 : index
    %swap3A_82 = tpu.vector_load %arg9[%swap3A_80, %swap3A_81] {strides = array<i32>} : memref<16x64xbf16, #tpu.memory_space<vmem>>, vector<1x32xbf16>,
    %swap3A_83 = vector.shape_cast %swap3A_82 : vector<1x32xbf16> to vector<32xbf16>
    %swap3A_84 = vector.shape_cast %broadcast_in_dim3A_1 : vector<32xbf16> to vector<1x32xbf16>
    tpu.vector_store %arg9[%swap3A_80, %swap3A_81], %swap3A_84 {strides = array<i32>} : memref<16x64xbf16, #tpu.memory_space<vmem>>, vector<1x32xbf16>,
    %swap3A_85 = arith.constant 7 : i32
    %swap3A_86 = arith.index_cast %swap3A_85 : i32 to index
    %swap3A_87 = arith.constant 0 : index
    %swap3A_88 = tpu.vector_load %arg9[%swap3A_86, %swap3A_87] {strides = array<i32>} : memref<16x64xbf16, #tpu.memory_space<vmem>>, vector<1x32xbf16>,
    %swap3A_89 = vector.shape_cast %swap3A_88 : vector<1x32xbf16> to vector<32xbf16>
    %swap3A_90 = vector.shape_cast %broadcast_in_dim3A_1 : vector<32xbf16> to vector<1x32xbf16>
    tpu.vector_store %arg9[%swap3A_86, %swap3A_87], %swap3A_90 {strides = array<i32>} : memref<16x64xbf16, #tpu.memory_space<vmem>>, vector<1x32xbf16>,
    %swap3A_91 = arith.constant 7 : i32
    %swap3A_92 = arith.index_cast %swap3A_91 : i32 to index
    %swap3A_93 = arith.constant 32 : index
    %swap3A_94 = tpu.vector_load %arg9[%swap3A_92, %swap3A_93] {strides = array<i32>} : memref<16x64xbf16, #tpu.memory_space<vmem>>, vector<1x32xbf16>,
    %swap3A_95 = vector.shape_cast %swap3A_94 : vector<1x32xbf16> to vector<32xbf16>
    %swap3A_96 = vector.shape_cast %broadcast_in_dim3A_1 : vector<32xbf16> to vector<1x32xbf16>
    tpu.vector_store %arg9[%swap3A_92, %swap3A_93], %swap3A_96 {strides = array<i32>} : memref<16x64xbf16, #tpu.memory_space<vmem>>, vector<1x32xbf16>,
    %swap3A_97 = arith.constant 8 : i32
    %swap3A_98 = arith.index_cast %swap3A_97 : i32 to index
    %swap3A_99 = arith.constant 0 : index
    %swap3A_100 = tpu.vector_load %arg9[%swap3A_98, %swap3A_99] {strides = array<i32>} : memref<16x64xbf16, #tpu.memory_space<vmem>>, vector<1x32xbf16>,
    %swap3A_101 = vector.shape_cast %swap3A_100 : vector<1x32xbf16> to vector<32xbf16>
    %swap3A_102 = vector.shape_cast %broadcast_in_dim3A_1 : vector<32xbf16> to vector<1x32xbf16>
    tpu.vector_store %arg9[%swap3A_98, %swap3A_99], %swap3A_102 {strides = array<i32>} : memref<16x64xbf16, #tpu.memory_space<vmem>>, vector<1x32xbf16>,
    %swap3A_103 = arith.constant 8 : i32
    %swap3A_104 = arith.index_cast %swap3A_103 : i32 to index
    %swap3A_105 = arith.constant 32 : index
    %swap3A_106 = tpu.vector_load %arg9[%swap3A_104, %swap3A_105] {strides = array<i32>} : memref<16x64xbf16, #tpu.memory_space<vmem>>, vector<1x32xbf16>,
    %swap3A_107 = vector.shape_cast %swap3A_106 : vector<1x32xbf16> to vector<32xbf16>
    %swap3A_108 = vector.shape_cast %broadcast_in_dim3A_1 : vector<32xbf16> to vector<1x32xbf16>
    tpu.vector_store %arg9[%swap3A_104, %swap3A_105], %swap3A_108 {strides = array<i32>} : memref<16x64xbf16, #tpu.memory_space<vmem>>, vector<1x32xbf16>,
    %swap3A_109 = arith.constant 9 : i32
    %swap3A_110 = arith.index_cast %swap3A_109 : i32 to index
    %swap3A_111 = arith.constant 0 : index
    %swap3A_112 = tpu.vector_load %arg9[%swap3A_110, %swap3A_111] {strides = array<i32>} : memref<16x64xbf16, #tpu.memory_space<vmem>>, vector<1x32xbf16>,
    %swap3A_113 = vector.shape_cast %swap3A_112 : vector<1x32xbf16> to vector<32xbf16>
    %swap3A_114 = vector.shape_cast %broadcast_in_dim3A_1 : vector<32xbf16> to vector<1x32xbf16>
    tpu.vector_store %arg9[%swap3A_110, %swap3A_111], %swap3A_114 {strides = array<i32>} : memref<16x64xbf16, #tpu.memory_space<vmem>>, vector<1x32xbf16>,
    %swap3A_115 = arith.constant 9 : i32
    %swap3A_116 = arith.index_cast %swap3A_115 : i32 to index
    %swap3A_117 = arith.constant 32 : index
    %swap3A_118 = tpu.vector_load %arg9[%swap3A_116, %swap3A_117] {strides = array<i32>} : memref<16x64xbf16, #tpu.memory_space<vmem>>, vector<1x32xbf16>,
    %swap3A_119 = vector.shape_cast %swap3A_118 : vector<1x32xbf16> to vector<32xbf16>
    %swap3A_120 = vector.shape_cast %broadcast_in_dim3A_1 : vector<32xbf16> to vector<1x32xbf16>
    tpu.vector_store %arg9[%swap3A_116, %swap3A_117], %swap3A_120 {strides = array<i32>} : memref<16x64xbf16, #tpu.memory_space<vmem>>, vector<1x32xbf16>,
    %swap3A_121 = arith.constant 10 : i32
    %swap3A_122 = arith.index_cast %swap3A_121 : i32 to index
    %swap3A_123 = arith.constant 0 : index
    %swap3A_124 = tpu.vector_load %arg9[%swap3A_122, %swap3A_123] {strides = array<i32>} : memref<16x64xbf16, #tpu.memory_space<vmem>>, vector<1x32xbf16>,
    %swap3A_125 = vector.shape_cast %swap3A_124 : vector<1x32xbf16> to vector<32xbf16>
    %swap3A_126 = vector.shape_cast %broadcast_in_dim3A_1 : vector<32xbf16> to vector<1x32xbf16>
    tpu.vector_store %arg9[%swap3A_122, %swap3A_123], %swap3A_126 {strides = array<i32>} : memref<16x64xbf16, #tpu.memory_space<vmem>>, vector<1x32xbf16>,
    %swap3A_127 = arith.constant 10 : i32
    %swap3A_128 = arith.index_cast %swap3A_127 : i32 to index
    %swap3A_129 = arith.constant 32 : index
    %swap3A_130 = tpu.vector_load %arg9[%swap3A_128, %swap3A_129] {strides = array<i32>} : memref<16x64xbf16, #tpu.memory_space<vmem>>, vector<1x32xbf16>,
    %swap3A_131 = vector.shape_cast %swap3A_130 : vector<1x32xbf16> to vector<32xbf16>
    %swap3A_132 = vector.shape_cast %broadcast_in_dim3A_1 : vector<32xbf16> to vector<1x32xbf16>
    tpu.vector_store %arg9[%swap3A_128, %swap3A_129], %swap3A_132 {strides = array<i32>} : memref<16x64xbf16, #tpu.memory_space<vmem>>, vector<1x32xbf16>,
    %swap3A_133 = arith.constant 11 : i32
    %swap3A_134 = arith.index_cast %swap3A_133 : i32 to index
    %swap3A_135 = arith.constant 0 : index
    %swap3A_136 = tpu.vector_load %arg9[%swap3A_134, %swap3A_135] {strides = array<i32>} : memref<16x64xbf16, #tpu.memory_space<vmem>>, vector<1x32xbf16>,
    %swap3A_137 = vector.shape_cast %swap3A_136 : vector<1x32xbf16> to vector<32xbf16>
    %swap3A_138 = vector.shape_cast %broadcast_in_dim3A_1 : vector<32xbf16> to vector<1x32xbf16>
    tpu.vector_store %arg9[%swap3A_134, %swap3A_135], %swap3A_138 {strides = array<i32>} : memref<16x64xbf16, #tpu.memory_space<vmem>>, vector<1x32xbf16>,
    %swap3A_139 = arith.constant 11 : i32
    %swap3A_140 = arith.index_cast %swap3A_139 : i32 to index
    %swap3A_141 = arith.constant 32 : index
    %swap3A_142 = tpu.vector_load %arg9[%swap3A_140, %swap3A_141] {strides = array<i32>} : memref<16x64xbf16, #tpu.memory_space<vmem>>, vector<1x32xbf16>,
    %swap3A_143 = vector.shape_cast %swap3A_142 : vector<1x32xbf16> to vector<32xbf16>
    %swap3A_144 = vector.shape_cast %broadcast_in_dim3A_1 : vector<32xbf16> to vector<1x32xbf16>
    tpu.vector_store %arg9[%swap3A_140, %swap3A_141], %swap3A_144 {strides = array<i32>} : memref<16x64xbf16, #tpu.memory_space<vmem>>, vector<1x32xbf16>,
    %swap3A_145 = arith.constant 12 : i32
    %swap3A_146 = arith.index_cast %swap3A_145 : i32 to index
    %swap3A_147 = arith.constant 0 : index
    %swap3A_148 = tpu.vector_load %arg9[%swap3A_146, %swap3A_147] {strides = array<i32>} : memref<16x64xbf16, #tpu.memory_space<vmem>>, vector<1x32xbf16>,
    %swap3A_149 = vector.shape_cast %swap3A_148 : vector<1x32xbf16> to vector<32xbf16>
    %swap3A_150 = vector.shape_cast %broadcast_in_dim3A_1 : vector<32xbf16> to vector<1x32xbf16>
    tpu.vector_store %arg9[%swap3A_146, %swap3A_147], %swap3A_150 {strides = array<i32>} : memref<16x64xbf16, #tpu.memory_space<vmem>>, vector<1x32xbf16>,
    %swap3A_151 = arith.constant 12 : i32
    %swap3A_152 = arith.index_cast %swap3A_151 : i32 to index
    %swap3A_153 = arith.constant 32 : index
    %swap3A_154 = tpu.vector_load %arg9[%swap3A_152, %swap3A_153] {strides = array<i32>} : memref<16x64xbf16, #tpu.memory_space<vmem>>, vector<1x32xbf16>,
    %swap3A_155 = vector.shape_cast %swap3A_154 : vector<1x32xbf16> to vector<32xbf16>
    %swap3A_156 = vector.shape_cast %broadcast_in_dim3A_1 : vector<32xbf16> to vector<1x32xbf16>
    tpu.vector_store %arg9[%swap3A_152, %swap3A_153], %swap3A_156 {strides = array<i32>} : memref<16x64xbf16, #tpu.memory_space<vmem>>, vector<1x32xbf16>,
    %swap3A_157 = arith.constant 13 : i32
    %swap3A_158 = arith.index_cast %swap3A_157 : i32 to index
    %swap3A_159 = arith.constant 0 : index
    %swap3A_160 = tpu.vector_load %arg9[%swap3A_158, %swap3A_159] {strides = array<i32>} : memref<16x64xbf16, #tpu.memory_space<vmem>>, vector<1x32xbf16>,
    %swap3A_161 = vector.shape_cast %swap3A_160 : vector<1x32xbf16> to vector<32xbf16>
    %swap3A_162 = vector.shape_cast %broadcast_in_dim3A_1 : vector<32xbf16> to vector<1x32xbf16>
    tpu.vector_store %arg9[%swap3A_158, %swap3A_159], %swap3A_162 {strides = array<i32>} : memref<16x64xbf16, #tpu.memory_space<vmem>>, vector<1x32xbf16>,
    %swap3A_163 = arith.constant 13 : i32
    %swap3A_164 = arith.index_cast %swap3A_163 : i32 to index
    %swap3A_165 = arith.constant 32 : index
    %swap3A_166 = tpu.vector_load %arg9[%swap3A_164, %swap3A_165] {strides = array<i32>} : memref<16x64xbf16, #tpu.memory_space<vmem>>, vector<1x32xbf16>,
    %swap3A_167 = vector.shape_cast %swap3A_166 : vector<1x32xbf16> to vector<32xbf16>
    %swap3A_168 = vector.shape_cast %broadcast_in_dim3A_1 : vector<32xbf16> to vector<1x32xbf16>
    tpu.vector_store %arg9[%swap3A_164, %swap3A_165], %swap3A_168 {strides = array<i32>} : memref<16x64xbf16, #tpu.memory_space<vmem>>, vector<1x32xbf16>,
    %swap3A_169 = arith.constant 14 : i32
    %swap3A_170 = arith.index_cast %swap3A_169 : i32 to index
    %swap3A_171 = arith.constant 0 : index
    %swap3A_172 = tpu.vector_load %arg9[%swap3A_170, %swap3A_171] {strides = array<i32>} : memref<16x64xbf16, #tpu.memory_space<vmem>>, vector<1x32xbf16>,
    %swap3A_173 = vector.shape_cast %swap3A_172 : vector<1x32xbf16> to vector<32xbf16>
    %swap3A_174 = vector.shape_cast %broadcast_in_dim3A_1 : vector<32xbf16> to vector<1x32xbf16>
    tpu.vector_store %arg9[%swap3A_170, %swap3A_171], %swap3A_174 {strides = array<i32>} : memref<16x64xbf16, #tpu.memory_space<vmem>>, vector<1x32xbf16>,
    %swap3A_175 = arith.constant 14 : i32
    %swap3A_176 = arith.index_cast %swap3A_175 : i32 to index
    %swap3A_177 = arith.constant 32 : index
    %swap3A_178 = tpu.vector_load %arg9[%swap3A_176, %swap3A_177] {strides = array<i32>} : memref<16x64xbf16, #tpu.memory_space<vmem>>, vector<1x32xbf16>,
    %swap3A_179 = vector.shape_cast %swap3A_178 : vector<1x32xbf16> to vector<32xbf16>
    %swap3A_180 = vector.shape_cast %broadcast_in_dim3A_1 : vector<32xbf16> to vector<1x32xbf16>
    tpu.vector_store %arg9[%swap3A_176, %swap3A_177], %swap3A_180 {strides = array<i32>} : memref<16x64xbf16, #tpu.memory_space<vmem>>, vector<1x32xbf16>,
    %swap3A_181 = arith.constant 15 : i32
    %swap3A_182 = arith.index_cast %swap3A_181 : i32 to index
    %swap3A_183 = arith.constant 0 : index
    %swap3A_184 = tpu.vector_load %arg9[%swap3A_182, %swap3A_183] {strides = array<i32>} : memref<16x64xbf16, #tpu.memory_space<vmem>>, vector<1x32xbf16>,
    %swap3A_185 = vector.shape_cast %swap3A_184 : vector<1x32xbf16> to vector<32xbf16>
    %swap3A_186 = vector.shape_cast %broadcast_in_dim3A_1 : vector<32xbf16> to vector<1x32xbf16>
    tpu.vector_store %arg9[%swap3A_182, %swap3A_183], %swap3A_186 {strides = array<i32>} : memref<16x64xbf16, #tpu.memory_space<vmem>>, vector<1x32xbf16>,
    %swap3A_187 = arith.constant 15 : i32
    %swap3A_188 = arith.index_cast %swap3A_187 : i32 to index
    %swap3A_189 = arith.constant 32 : index
    %swap3A_190 = tpu.vector_load %arg9[%swap3A_188, %swap3A_189] {strides = array<i32>} : memref<16x64xbf16, #tpu.memory_space<vmem>>, vector<1x32xbf16>,
    %swap3A_191 = vector.shape_cast %swap3A_190 : vector<1x32xbf16> to vector<32xbf16>
    %swap3A_192 = vector.shape_cast %broadcast_in_dim3A_1 : vector<32xbf16> to vector<1x32xbf16>
    tpu.vector_store %arg9[%swap3A_188, %swap3A_189], %swap3A_192 {strides = array<i32>} : memref<16x64xbf16, #tpu.memory_space<vmem>>, vector<1x32xbf16>,
    %scan3A = arith.constant 0 : i32
    %scan3A_193 = arith.constant 0 : i32
    %scan3A_194 = arith.constant 10 : i32
    %scan3A_195 = arith.addi %scan3A_193, %scan3A_194 : i32
    %scan3A_196 = arith.constant 1 : i32
    %scan3A_197 = scf.for %scan3A_220 = %scan3A_193 to %scan3A_195 step %scan3A_196 iter_args(%scan3A_221 = %scan3A) -> (i32)  : i32 {
      %mul3A_222 = arith.constant 40 : i32
      %mul3A_223 = arith.muli %arg1, %mul3A_222 : i32
      %mul3A_224 = arith.constant 4 : i32
      %mul3A_225 = arith.muli %scan3A_220, %mul3A_224 : i32
      %add3A_226 = arith.addi %mul3A_223, %mul3A_225 : i32
      %add3A_227 = arith.constant 0 : i32
      %add3A_228 = arith.addi %add3A_226, %add3A_227 : i32
      %mul3A_229 = arith.constant 16 : i32
      %mul3A_230 = arith.muli %add3A_228, %mul3A_229 : i32
      %dma_start3A_231 = arith.constant 0 : i32
      %dma_start3A_232 = tpu.memref_slice %arg13[%mul3A_230, %dma_start3A_231] : memref<10240x64xbf16, #tpu.memory_space<vmem_shared>> -> memref<16x64xbf16, #tpu.memory_space<vmem_shared>>
      %dma_start3A_233 = arith.constant 0 : i32
      %dma_start3A_234 = tpu.memref_slice %arg13[%mul3A_230, %dma_start3A_233] : memref<10240x64xbf16, #tpu.memory_space<vmem_shared>> -> memref<16x64xbf16, #tpu.memory_space<vmem_shared>>
      tpu.enqueue_dma source(%arg9 : memref<16x64xbf16, #tpu.memory_space<vmem>>) target(%dma_start3A_234 : memref<16x64xbf16, #tpu.memory_space<vmem_shared>>) target_semaphore(%arg12 : memref<!tpu.dma_semaphore, #tpu.memory_space<semaphore_mem>>)
      %mul3A_235 = arith.constant 40 : i32
      %mul3A_236 = arith.muli %arg1, %mul3A_235 : i32
      %mul3A_237 = arith.constant 4 : i32
      %mul3A_238 = arith.muli %scan3A_220, %mul3A_237 : i32
      %add3A_239 = arith.addi %mul3A_236, %mul3A_238 : i32
      %add3A_240 = arith.constant 1 : i32
      %add3A_241 = arith.addi %add3A_239, %add3A_240 : i32
      %mul3A_242 = arith.constant 16 : i32
      %mul3A_243 = arith.muli %add3A_241, %mul3A_242 : i32
      %dma_start3A_244 = arith.constant 0 : i32
      %dma_start3A_245 = tpu.memref_slice %arg13[%mul3A_243, %dma_start3A_244] : memref<10240x64xbf16, #tpu.memory_space<vmem_shared>> -> memref<16x64xbf16, #tpu.memory_space<vmem_shared>>
      %dma_start3A_246 = arith.constant 0 : i32
      %dma_start3A_247 = tpu.memref_slice %arg13[%mul3A_243, %dma_start3A_246] : memref<10240x64xbf16, #tpu.memory_space<vmem_shared>> -> memref<16x64xbf16, #tpu.memory_space<vmem_shared>>
      tpu.enqueue_dma source(%arg9 : memref<16x64xbf16, #tpu.memory_space<vmem>>) target(%dma_start3A_247 : memref<16x64xbf16, #tpu.memory_space<vmem_shared>>) target_semaphore(%arg12 : memref<!tpu.dma_semaphore, #tpu.memory_space<semaphore_mem>>)
      %mul3A_248 = arith.constant 40 : i32
      %mul3A_249 = arith.muli %arg1, %mul3A_248 : i32
      %mul3A_250 = arith.constant 4 : i32
      %mul3A_251 = arith.muli %scan3A_220, %mul3A_250 : i32
      %add3A_252 = arith.addi %mul3A_249, %mul3A_251 : i32
      %add3A_253 = arith.constant 2 : i32
      %add3A_254 = arith.addi %add3A_252, %add3A_253 : i32
      %mul3A_255 = arith.constant 16 : i32
      %mul3A_256 = arith.muli %add3A_254, %mul3A_255 : i32
      %dma_start3A_257 = arith.constant 0 : i32
      %dma_start3A_258 = tpu.memref_slice %arg13[%mul3A_256, %dma_start3A_257] : memref<10240x64xbf16, #tpu.memory_space<vmem_shared>> -> memref<16x64xbf16, #tpu.memory_space<vmem_shared>>
      %dma_start3A_259 = arith.constant 0 : i32
      %dma_start3A_260 = tpu.memref_slice %arg13[%mul3A_256, %dma_start3A_259] : memref<10240x64xbf16, #tpu.memory_space<vmem_shared>> -> memref<16x64xbf16, #tpu.memory_space<vmem_shared>>
      tpu.enqueue_dma source(%arg9 : memref<16x64xbf16, #tpu.memory_space<vmem>>) target(%dma_start3A_260 : memref<16x64xbf16, #tpu.memory_space<vmem_shared>>) target_semaphore(%arg12 : memref<!tpu.dma_semaphore, #tpu.memory_space<semaphore_mem>>)
      %mul3A_261 = arith.constant 40 : i32
      %mul3A_262 = arith.muli %arg1, %mul3A_261 : i32
      %mul3A_263 = arith.constant 4 : i32
      %mul3A_264 = arith.muli %scan3A_220, %mul3A_263 : i32
      %add3A_265 = arith.addi %mul3A_262, %mul3A_264 : i32
      %add3A_266 = arith.constant 3 : i32
      %add3A_267 = arith.addi %add3A_265, %add3A_266 : i32
      %mul3A_268 = arith.constant 16 : i32
      %mul3A_269 = arith.muli %add3A_267, %mul3A_268 : i32
      %dma_start3A_270 = arith.constant 0 : i32
      %dma_start3A_271 = tpu.memref_slice %arg13[%mul3A_269, %dma_start3A_270] : memref<10240x64xbf16, #tpu.memory_space<vmem_shared>> -> memref<16x64xbf16, #tpu.memory_space<vmem_shared>>
      %dma_start3A_272 = arith.constant 0 : i32
      %dma_start3A_273 = tpu.memref_slice %arg13[%mul3A_269, %dma_start3A_272] : memref<10240x64xbf16, #tpu.memory_space<vmem_shared>> -> memref<16x64xbf16, #tpu.memory_space<vmem_shared>>
      tpu.enqueue_dma source(%arg9 : memref<16x64xbf16, #tpu.memory_space<vmem>>) target(%dma_start3A_273 : memref<16x64xbf16, #tpu.memory_space<vmem_shared>>) target_semaphore(%arg12 : memref<!tpu.dma_semaphore, #tpu.memory_space<semaphore_mem>>)
      %mul3A_274 = arith.constant 40 : i32
      %mul3A_275 = arith.muli %arg1, %mul3A_274 : i32
      %mul3A_276 = arith.constant 4 : i32
      %mul3A_277 = arith.muli %scan3A_220, %mul3A_276 : i32
      %add3A_278 = arith.addi %mul3A_275, %mul3A_277 : i32
      %add3A_279 = arith.constant 0 : i32
      %add3A_280 = arith.addi %add3A_278, %add3A_279 : i32
      %mul3A_281 = arith.constant 16 : i32
      %mul3A_282 = arith.muli %add3A_280, %mul3A_281 : i32
      %dma_wait3A = arith.constant 0 : i32
      %dma_wait3A_283 = tpu.memref_slice %arg13[%mul3A_282, %dma_wait3A] : memref<10240x64xbf16, #tpu.memory_space<vmem_shared>> -> memref<16x64xbf16, #tpu.memory_space<vmem_shared>>
      %dma_wait3A_284 = arith.constant 0 : i32
      %dma_wait3A_285 = tpu.memref_slice %arg13[%mul3A_282, %dma_wait3A_284] : memref<10240x64xbf16, #tpu.memory_space<vmem_shared>> -> memref<16x64xbf16, #tpu.memory_space<vmem_shared>>
      tpu.wait_dma2 semaphore(%arg12 : memref<!tpu.dma_semaphore, #tpu.memory_space<semaphore_mem>>) src(%arg9 : memref<16x64xbf16, #tpu.memory_space<vmem>>) dst(%dma_wait3A_285 : memref<16x64xbf16, #tpu.memory_space<vmem_shared>>)
      %mul3A_286 = arith.constant 40 : i32
      %mul3A_287 = arith.muli %arg1, %mul3A_286 : i32
      %mul3A_288 = arith.constant 4 : i32
      %mul3A_289 = arith.muli %scan3A_220, %mul3A_288 : i32
      %add3A_290 = arith.addi %mul3A_287, %mul3A_289 : i32
      %add3A_291 = arith.constant 1 : i32
      %add3A_292 = arith.addi %add3A_290, %add3A_291 : i32
      %mul3A_293 = arith.constant 16 : i32
      %mul3A_294 = arith.muli %add3A_292, %mul3A_293 : i32
      %dma_wait3A_295 = arith.constant 0 : i32
      %dma_wait3A_296 = tpu.memref_slice %arg13[%mul3A_294, %dma_wait3A_295] : memref<10240x64xbf16, #tpu.memory_space<vmem_shared>> -> memref<16x64xbf16, #tpu.memory_space<vmem_shared>>
      %dma_wait3A_297 = arith.constant 0 : i32
      %dma_wait3A_298 = tpu.memref_slice %arg13[%mul3A_294, %dma_wait3A_297] : memref<10240x64xbf16, #tpu.memory_space<vmem_shared>> -> memref<16x64xbf16, #tpu.memory_space<vmem_shared>>
      tpu.wait_dma2 semaphore(%arg12 : memref<!tpu.dma_semaphore, #tpu.memory_space<semaphore_mem>>) src(%arg9 : memref<16x64xbf16, #tpu.memory_space<vmem>>) dst(%dma_wait3A_298 : memref<16x64xbf16, #tpu.memory_space<vmem_shared>>)
      %mul3A_299 = arith.constant 40 : i32
      %mul3A_300 = arith.muli %arg1, %mul3A_299 : i32
      %mul3A_301 = arith.constant 4 : i32
      %mul3A_302 = arith.muli %scan3A_220, %mul3A_301 : i32
      %add3A_303 = arith.addi %mul3A_300, %mul3A_302 : i32
      %add3A_304 = arith.constant 2 : i32
      %add3A_305 = arith.addi %add3A_303, %add3A_304 : i32
      %mul3A_306 = arith.constant 16 : i32
      %mul3A_307 = arith.muli %add3A_305, %mul3A_306 : i32
      %dma_wait3A_308 = arith.constant 0 : i32
      %dma_wait3A_309 = tpu.memref_slice %arg13[%mul3A_307, %dma_wait3A_308] : memref<10240x64xbf16, #tpu.memory_space<vmem_shared>> -> memref<16x64xbf16, #tpu.memory_space<vmem_shared>>
      %dma_wait3A_310 = arith.constant 0 : i32
      %dma_wait3A_311 = tpu.memref_slice %arg13[%mul3A_307, %dma_wait3A_310] : memref<10240x64xbf16, #tpu.memory_space<vmem_shared>> -> memref<16x64xbf16, #tpu.memory_space<vmem_shared>>
      tpu.wait_dma2 semaphore(%arg12 : memref<!tpu.dma_semaphore, #tpu.memory_space<semaphore_mem>>) src(%arg9 : memref<16x64xbf16, #tpu.memory_space<vmem>>) dst(%dma_wait3A_311 : memref<16x64xbf16, #tpu.memory_space<vmem_shared>>)
      %mul3A_312 = arith.constant 40 : i32
      %mul3A_313 = arith.muli %arg1, %mul3A_312 : i32
      %mul3A_314 = arith.constant 4 : i32
      %mul3A_315 = arith.muli %scan3A_220, %mul3A_314 : i32
      %add3A_316 = arith.addi %mul3A_313, %mul3A_315 : i32
      %add3A_317 = arith.constant 3 : i32
      %add3A_318 = arith.addi %add3A_316, %add3A_317 : i32
      %mul3A_319 = arith.constant 16 : i32
      %mul3A_320 = arith.muli %add3A_318, %mul3A_319 : i32
      %dma_wait3A_321 = arith.constant 0 : i32
      %dma_wait3A_322 = tpu.memref_slice %arg13[%mul3A_320, %dma_wait3A_321] : memref<10240x64xbf16, #tpu.memory_space<vmem_shared>> -> memref<16x64xbf16, #tpu.memory_space<vmem_shared>>
      %dma_wait3A_323 = arith.constant 0 : i32
      %dma_wait3A_324 = tpu.memref_slice %arg13[%mul3A_320, %dma_wait3A_323] : memref<10240x64xbf16, #tpu.memory_space<vmem_shared>> -> memref<16x64xbf16, #tpu.memory_space<vmem_shared>>
      tpu.wait_dma2 semaphore(%arg12 : memref<!tpu.dma_semaphore, #tpu.memory_space<semaphore_mem>>) src(%arg9 : memref<16x64xbf16, #tpu.memory_space<vmem>>) dst(%dma_wait3A_324 : memref<16x64xbf16, #tpu.memory_space<vmem_shared>>)
      %scan3A_325 = arith.constant 0 : i32
      scf.yield %scan3A_325 : i32
    }
    %scan3A_198 = arith.constant 10 : i32
    %mul3A_199 = arith.constant 16 : i32
    %mul3A_200 = arith.muli %add3A, %mul3A_199 : i32
    %run_scoped3A = arith.constant 0 : i32
    "tpu.region"() ({
      %run_scoped3A_220 = tpu.sem_alloc : memref<!tpu.dma_semaphore, #tpu.memory_space<semaphore_mem>>
      %dma_start3A_221 = arith.constant 0 : i32
      %dma_start3A_222 = tpu.memref_slice %arg3[%run_scoped3A, %mul3A_200, %dma_start3A_221] : memref<2x512x640xi32, #tpu.memory_space<hbm>> -> memref<1x16x640xi32, #tpu.memory_space<hbm>>
      %dma_start3A_223 = tpu.memref_squeeze %dma_start3A_222 : memref<1x16x640xi32, #tpu.memory_space<hbm>> -> memref<16x640xi32, #tpu.memory_space<hbm>>
      %dma_start3A_224 = arith.constant 0 : i32
      %dma_start3A_225 = tpu.memref_slice %arg3[%run_scoped3A, %mul3A_200, %dma_start3A_224] : memref<2x512x640xi32, #tpu.memory_space<hbm>> -> memref<1x16x640xi32, #tpu.memory_space<hbm>>
      %dma_start3A_226 = tpu.memref_squeeze %dma_start3A_225 : memref<1x16x640xi32, #tpu.memory_space<hbm>> -> memref<16x640xi32, #tpu.memory_space<hbm>>
      tpu.enqueue_dma source(%dma_start3A_226 : memref<16x640xi32, #tpu.memory_space<hbm>>) target(%arg5 : memref<16x640xi32, #tpu.memory_space<vmem>>) target_semaphore(%run_scoped3A_220 : memref<!tpu.dma_semaphore, #tpu.memory_space<semaphore_mem>>)
      %dma_wait3A = arith.constant 0 : i32
      %dma_wait3A_227 = tpu.memref_slice %arg3[%run_scoped3A, %mul3A_200, %dma_wait3A] : memref<2x512x640xi32, #tpu.memory_space<hbm>> -> memref<1x16x640xi32, #tpu.memory_space<hbm>>
      %dma_wait3A_228 = tpu.memref_squeeze %dma_wait3A_227 : memref<1x16x640xi32, #tpu.memory_space<hbm>> -> memref<16x640xi32, #tpu.memory_space<hbm>>
      %dma_wait3A_229 = arith.constant 0 : i32
      %dma_wait3A_230 = tpu.memref_slice %arg3[%run_scoped3A, %mul3A_200, %dma_wait3A_229] : memref<2x512x640xi32, #tpu.memory_space<hbm>> -> memref<1x16x640xi32, #tpu.memory_space<hbm>>
      %dma_wait3A_231 = tpu.memref_squeeze %dma_wait3A_230 : memref<1x16x640xi32, #tpu.memory_space<hbm>> -> memref<16x640xi32, #tpu.memory_space<hbm>>
      tpu.wait_dma2 semaphore(%run_scoped3A_220 : memref<!tpu.dma_semaphore, #tpu.memory_space<semaphore_mem>>) src(%dma_wait3A_231 : memref<16x640xi32, #tpu.memory_space<hbm>>) dst(%arg5 : memref<16x640xi32, #tpu.memory_space<vmem>>)
      tpu.yield
    }) : () -> ()
    %run_scoped3A_201 = arith.constant 1 : i32
    "tpu.region"() ({
      %run_scoped3A_220 = tpu.sem_alloc : memref<!tpu.dma_semaphore, #tpu.memory_space<semaphore_mem>>
      %dma_start3A_221 = arith.constant 0 : i32
      %dma_start3A_222 = tpu.memref_slice %arg3[%run_scoped3A_201, %mul3A_200, %dma_start3A_221] : memref<2x512x640xi32, #tpu.memory_space<hbm>> -> memref<1x16x640xi32, #tpu.memory_space<hbm>>
      %dma_start3A_223 = tpu.memref_squeeze %dma_start3A_222 : memref<1x16x640xi32, #tpu.memory_space<hbm>> -> memref<16x640xi32, #tpu.memory_space<hbm>>
      %dma_start3A_224 = arith.constant 0 : i32
      %dma_start3A_225 = tpu.memref_slice %arg3[%run_scoped3A_201, %mul3A_200, %dma_start3A_224] : memref<2x512x640xi32, #tpu.memory_space<hbm>> -> memref<1x16x640xi32, #tpu.memory_space<hbm>>
      %dma_start3A_226 = tpu.memref_squeeze %dma_start3A_225 : memref<1x16x640xi32, #tpu.memory_space<hbm>> -> memref<16x640xi32, #tpu.memory_space<hbm>>
      tpu.enqueue_dma source(%dma_start3A_226 : memref<16x640xi32, #tpu.memory_space<hbm>>) target(%arg6 : memref<16x640xi32, #tpu.memory_space<vmem>>) target_semaphore(%run_scoped3A_220 : memref<!tpu.dma_semaphore, #tpu.memory_space<semaphore_mem>>)
      %dma_wait3A = arith.constant 0 : i32
      %dma_wait3A_227 = tpu.memref_slice %arg3[%run_scoped3A_201, %mul3A_200, %dma_wait3A] : memref<2x512x640xi32, #tpu.memory_space<hbm>> -> memref<1x16x640xi32, #tpu.memory_space<hbm>>
      %dma_wait3A_228 = tpu.memref_squeeze %dma_wait3A_227 : memref<1x16x640xi32, #tpu.memory_space<hbm>> -> memref<16x640xi32, #tpu.memory_space<hbm>>
      %dma_wait3A_229 = arith.constant 0 : i32
      %dma_wait3A_230 = tpu.memref_slice %arg3[%run_scoped3A_201, %mul3A_200, %dma_wait3A_229] : memref<2x512x640xi32, #tpu.memory_space<hbm>> -> memref<1x16x640xi32, #tpu.memory_space<hbm>>
      %dma_wait3A_231 = tpu.memref_squeeze %dma_wait3A_230 : memref<1x16x640xi32, #tpu.memory_space<hbm>> -> memref<16x640xi32, #tpu.memory_space<hbm>>
      tpu.wait_dma2 semaphore(%run_scoped3A_220 : memref<!tpu.dma_semaphore, #tpu.memory_space<semaphore_mem>>) src(%dma_wait3A_231 : memref<16x640xi32, #tpu.memory_space<hbm>>) dst(%arg6 : memref<16x640xi32, #tpu.memory_space<vmem>>)
      tpu.yield
    }) : () -> ()
    %barrier3A = arith.constant 0 : index
    tpu.barrier barrier_id(%barrier3A)
    %dma_start3A = arith.constant 0 : i32
    %dma_start3A_202 = arith.constant 0 : i32
    %dma_start3A_203 = tpu.memref_slice %arg5[%dma_start3A, %dma_start3A_202] : memref<16x640xi32, #tpu.memory_space<vmem>> -> memref<1x640xi32, #tpu.memory_space<vmem>>
    %dma_start3A_204 = tpu.memref_squeeze %dma_start3A_203 : memref<1x640xi32, #tpu.memory_space<vmem>> -> memref<640xi32, #tpu.memory_space<vmem>>
    %dma_start3A_205 = arith.constant 0 : i32
    %dma_start3A_206 = arith.constant 0 : i32
    %dma_start3A_207 = tpu.memref_slice %arg2[%dma_start3A_205, %dma_start3A_206] : memref<10240x64xbf16, #tpu.memory_space<hbm>> -> memref<10240x64xbf16, #tpu.memory_space<hbm>>
    tpu.enqueue_indirect_dma source(%dma_start3A_207 : memref<10240x64xbf16, #tpu.memory_space<hbm>>) target(%arg7 : memref<640x64xbf16, #tpu.memory_space<vmem>>) offsets(%dma_start3A_204 : memref<640xi32, #tpu.memory_space<vmem>>) semaphore(%arg10 : memref<!tpu.dma_semaphore, #tpu.memory_space<semaphore_mem>>)
    %scan3A_208 = arith.constant 0 : i32
    %scan3A_209 = arith.constant 0 : i32
    %scan3A_210 = arith.constant 8 : i32
    %scan3A_211 = arith.addi %scan3A_209, %scan3A_210 : i32
    %scan3A_212 = arith.constant 1 : i32
    %scan3A_213 = scf.for %scan3A_220 = %scan3A_209 to %scan3A_211 step %scan3A_212 iter_args(%scan3A_221 = %scan3A_208) -> (i32)  : i32 {
      %mul3A_222 = arith.constant 2 : i32
      %mul3A_223 = arith.muli %mul3A_222, %scan3A_220 : i32
      %add3A_224 = arith.constant 1 : i32
      %add3A_225 = arith.addi %mul3A_223, %add3A_224 : i32
      %dma_start3A_226 = arith.constant 0 : i32
      %dma_start3A_227 = tpu.memref_slice %arg5[%add3A_225, %dma_start3A_226] : memref<16x640xi32, #tpu.memory_space<vmem>> -> memref<1x640xi32, #tpu.memory_space<vmem>>
      %dma_start3A_228 = tpu.memref_squeeze %dma_start3A_227 : memref<1x640xi32, #tpu.memory_space<vmem>> -> memref<640xi32, #tpu.memory_space<vmem>>
      %dma_start3A_229 = arith.constant 0 : i32
      %dma_start3A_230 = arith.constant 0 : i32
      %dma_start3A_231 = tpu.memref_slice %arg2[%dma_start3A_229, %dma_start3A_230] : memref<10240x64xbf16, #tpu.memory_space<hbm>> -> memref<10240x64xbf16, #tpu.memory_space<hbm>>
      tpu.enqueue_indirect_dma source(%dma_start3A_231 : memref<10240x64xbf16, #tpu.memory_space<hbm>>) target(%arg8 : memref<640x64xbf16, #tpu.memory_space<vmem>>) offsets(%dma_start3A_228 : memref<640xi32, #tpu.memory_space<vmem>>) semaphore(%arg11 : memref<!tpu.dma_semaphore, #tpu.memory_space<semaphore_mem>>)
      %dma_wait3A = arith.constant 0 : i32
      %dma_wait3A_232 = tpu.memref_slice %arg5[%mul3A_223, %dma_wait3A] : memref<16x640xi32, #tpu.memory_space<vmem>> -> memref<1x640xi32, #tpu.memory_space<vmem>>
      %dma_wait3A_233 = tpu.memref_squeeze %dma_wait3A_232 : memref<1x640xi32, #tpu.memory_space<vmem>> -> memref<640xi32, #tpu.memory_space<vmem>>
      %dma_wait3A_234 = arith.constant 0 : i32
      %dma_wait3A_235 = arith.constant 0 : i32
      %dma_wait3A_236 = tpu.memref_slice %arg2[%dma_wait3A_234, %dma_wait3A_235] : memref<10240x64xbf16, #tpu.memory_space<hbm>> -> memref<10240x64xbf16, #tpu.memory_space<hbm>>
      tpu.wait_indirect_dma semaphore(%arg10 : memref<!tpu.dma_semaphore, #tpu.memory_space<semaphore_mem>>) src(%dma_wait3A_236 : memref<10240x64xbf16, #tpu.memory_space<hbm>>) dst(%arg7 : memref<640x64xbf16, #tpu.memory_space<vmem>>)
      "tpu.region"() ({
        %run_scoped3A_250 = tpu.sem_alloc : memref<!tpu.dma_semaphore, #tpu.memory_space<semaphore_mem>>
        %dma_start3A_251 = arith.constant 0 : i32
        %dma_start3A_252 = tpu.memref_slice %arg6[%mul3A_223, %dma_start3A_251] : memref<16x640xi32, #tpu.memory_space<vmem>> -> memref<1x640xi32, #tpu.memory_space<vmem>>
        %dma_start3A_253 = tpu.memref_squeeze %dma_start3A_252 : memref<1x640xi32, #tpu.memory_space<vmem>> -> memref<640xi32, #tpu.memory_space<vmem>>
        %dma_start3A_254 = arith.constant 0 : i32
        %dma_start3A_255 = arith.constant 0 : i32
        %dma_start3A_256 = tpu.memref_slice %arg13[%dma_start3A_254, %dma_start3A_255] : memref<10240x64xbf16, #tpu.memory_space<vmem_shared>> -> memref<10240x64xbf16, #tpu.memory_space<vmem_shared>>
        tpu.enqueue_indirect_dma source(%arg7 : memref<640x64xbf16, #tpu.memory_space<vmem>>) target(%dma_start3A_256 : memref<10240x64xbf16, #tpu.memory_space<vmem_shared>>) offsets(%dma_start3A_253 : memref<640xi32, #tpu.memory_space<vmem>>) semaphore(%run_scoped3A_250 : memref<!tpu.dma_semaphore, #tpu.memory_space<semaphore_mem>>) {add = true}
        %dma_wait3A_257 = arith.constant 0 : i32
        %dma_wait3A_258 = tpu.memref_slice %arg6[%mul3A_223, %dma_wait3A_257] : memref<16x640xi32, #tpu.memory_space<vmem>> -> memref<1x640xi32, #tpu.memory_space<vmem>>
        %dma_wait3A_259 = tpu.memref_squeeze %dma_wait3A_258 : memref<1x640xi32, #tpu.memory_space<vmem>> -> memref<640xi32, #tpu.memory_space<vmem>>
        %dma_wait3A_260 = arith.constant 0 : i32
        %dma_wait3A_261 = arith.constant 0 : i32
        %dma_wait3A_262 = tpu.memref_slice %arg13[%dma_wait3A_260, %dma_wait3A_261] : memref<10240x64xbf16, #tpu.memory_space<vmem_shared>> -> memref<10240x64xbf16, #tpu.memory_space<vmem_shared>>
        tpu.wait_indirect_dma semaphore(%run_scoped3A_250 : memref<!tpu.dma_semaphore, #tpu.memory_space<semaphore_mem>>) src(%arg7 : memref<640x64xbf16, #tpu.memory_space<vmem>>) dst(%dma_wait3A_262 : memref<10240x64xbf16, #tpu.memory_space<vmem_shared>>)
        tpu.yield
      }) : () -> ()
      %add3A_237 = arith.constant 2 : i32
      %add3A_238 = arith.addi %mul3A_223, %add3A_237 : i32
      %lt3A = arith.constant 16 : i32
      %lt3A_239 = arith.cmpi slt, %add3A_238, %lt3A : i32
      %convert_element_type3A = arith.extui %lt3A_239 : i1 to i32
      %cond3A = arith.constant 0 : i32
      %cond3A_240 = arith.cmpi ne, %convert_element_type3A, %cond3A : i32
      scf.if %cond3A_240 {
        %add3A_250 = arith.constant 2 : i32
        %add3A_251 = arith.addi %mul3A_223, %add3A_250 : i32
        %dma_start3A_252 = arith.constant 0 : i32
        %dma_start3A_253 = tpu.memref_slice %arg5[%add3A_251, %dma_start3A_252] : memref<16x640xi32, #tpu.memory_space<vmem>> -> memref<1x640xi32, #tpu.memory_space<vmem>>
        %dma_start3A_254 = tpu.memref_squeeze %dma_start3A_253 : memref<1x640xi32, #tpu.memory_space<vmem>> -> memref<640xi32, #tpu.memory_space<vmem>>
        %dma_start3A_255 = arith.constant 0 : i32
        %dma_start3A_256 = arith.constant 0 : i32
        %dma_start3A_257 = tpu.memref_slice %arg2[%dma_start3A_255, %dma_start3A_256] : memref<10240x64xbf16, #tpu.memory_space<hbm>> -> memref<10240x64xbf16, #tpu.memory_space<hbm>>
        tpu.enqueue_indirect_dma source(%dma_start3A_257 : memref<10240x64xbf16, #tpu.memory_space<hbm>>) target(%arg7 : memref<640x64xbf16, #tpu.memory_space<vmem>>) offsets(%dma_start3A_254 : memref<640xi32, #tpu.memory_space<vmem>>) semaphore(%arg10 : memref<!tpu.dma_semaphore, #tpu.memory_space<semaphore_mem>>)
      } else {
      }
      %add3A_241 = arith.constant 1 : i32
      %add3A_242 = arith.addi %mul3A_223, %add3A_241 : i32
      %dma_wait3A_243 = arith.constant 0 : i32
      %dma_wait3A_244 = tpu.memref_slice %arg5[%add3A_242, %dma_wait3A_243] : memref<16x640xi32, #tpu.memory_space<vmem>> -> memref<1x640xi32, #tpu.memory_space<vmem>>
      %dma_wait3A_245 = tpu.memref_squeeze %dma_wait3A_244 : memref<1x640xi32, #tpu.memory_space<vmem>> -> memref<640xi32, #tpu.memory_space<vmem>>
      %dma_wait3A_246 = arith.constant 0 : i32
      %dma_wait3A_247 = arith.constant 0 : i32
      %dma_wait3A_248 = tpu.memref_slice %arg2[%dma_wait3A_246, %dma_wait3A_247] : memref<10240x64xbf16, #tpu.memory_space<hbm>> -> memref<10240x64xbf16, #tpu.memory_space<hbm>>
      tpu.wait_indirect_dma semaphore(%arg11 : memref<!tpu.dma_semaphore, #tpu.memory_space<semaphore_mem>>) src(%dma_wait3A_248 : memref<10240x64xbf16, #tpu.memory_space<hbm>>) dst(%arg8 : memref<640x64xbf16, #tpu.memory_space<vmem>>)
      "tpu.region"() ({
        %run_scoped3A_250 = tpu.sem_alloc : memref<!tpu.dma_semaphore, #tpu.memory_space<semaphore_mem>>
        %dma_start3A_251 = arith.constant 0 : i32
        %dma_start3A_252 = tpu.memref_slice %arg6[%add3A_242, %dma_start3A_251] : memref<16x640xi32, #tpu.memory_space<vmem>> -> memref<1x640xi32, #tpu.memory_space<vmem>>
        %dma_start3A_253 = tpu.memref_squeeze %dma_start3A_252 : memref<1x640xi32, #tpu.memory_space<vmem>> -> memref<640xi32, #tpu.memory_space<vmem>>
        %dma_start3A_254 = arith.constant 0 : i32
        %dma_start3A_255 = arith.constant 0 : i32
        %dma_start3A_256 = tpu.memref_slice %arg13[%dma_start3A_254, %dma_start3A_255] : memref<10240x64xbf16, #tpu.memory_space<vmem_shared>> -> memref<10240x64xbf16, #tpu.memory_space<vmem_shared>>
        tpu.enqueue_indirect_dma source(%arg8 : memref<640x64xbf16, #tpu.memory_space<vmem>>) target(%dma_start3A_256 : memref<10240x64xbf16, #tpu.memory_space<vmem_shared>>) offsets(%dma_start3A_253 : memref<640xi32, #tpu.memory_space<vmem>>) semaphore(%run_scoped3A_250 : memref<!tpu.dma_semaphore, #tpu.memory_space<semaphore_mem>>) {add = true}
        %dma_wait3A_257 = arith.constant 0 : i32
        %dma_wait3A_258 = tpu.memref_slice %arg6[%add3A_242, %dma_wait3A_257] : memref<16x640xi32, #tpu.memory_space<vmem>> -> memref<1x640xi32, #tpu.memory_space<vmem>>
        %dma_wait3A_259 = tpu.memref_squeeze %dma_wait3A_258 : memref<1x640xi32, #tpu.memory_space<vmem>> -> memref<640xi32, #tpu.memory_space<vmem>>
        %dma_wait3A_260 = arith.constant 0 : i32
        %dma_wait3A_261 = arith.constant 0 : i32
        %dma_wait3A_262 = tpu.memref_slice %arg13[%dma_wait3A_260, %dma_wait3A_261] : memref<10240x64xbf16, #tpu.memory_space<vmem_shared>> -> memref<10240x64xbf16, #tpu.memory_space<vmem_shared>>
        tpu.wait_indirect_dma semaphore(%run_scoped3A_250 : memref<!tpu.dma_semaphore, #tpu.memory_space<semaphore_mem>>) src(%arg8 : memref<640x64xbf16, #tpu.memory_space<vmem>>) dst(%dma_wait3A_262 : memref<10240x64xbf16, #tpu.memory_space<vmem_shared>>)
        tpu.yield
      }) : () -> ()
      %scan3A_249 = arith.constant 0 : i32
      scf.yield %scan3A_249 : i32
    }
    %scan3A_214 = arith.constant 8 : i32
    %barrier3A_215 = arith.constant 0 : index
    tpu.barrier barrier_id(%barrier3A_215)
    %mul3A_216 = arith.constant 640 : i32
    %mul3A_217 = arith.muli %arg1, %mul3A_216 : i32
    %mul3A_218 = arith.constant 640 : i32
    %mul3A_219 = arith.muli %arg1, %mul3A_218 : i32
    "tpu.region"() ({
      %run_scoped3A_220 = tpu.sem_alloc : memref<!tpu.dma_semaphore, #tpu.memory_space<semaphore_mem>>
      %dma_start3A_221 = arith.constant 0 : i32
      %dma_start3A_222 = tpu.memref_slice %arg4[%arg0, %mul3A_219, %dma_start3A_221] : memref<2x10240x64xbf16, #tpu.memory_space<hbm>> -> memref<1x640x64xbf16, #tpu.memory_space<hbm>>
      %dma_start3A_223 = tpu.memref_squeeze %dma_start3A_222 : memref<1x640x64xbf16, #tpu.memory_space<hbm>> -> memref<640x64xbf16, #tpu.memory_space<hbm>>
      %dma_start3A_224 = arith.constant 0 : i32
      %dma_start3A_225 = tpu.memref_slice %arg13[%mul3A_217, %dma_start3A_224] : memref<10240x64xbf16, #tpu.memory_space<vmem_shared>> -> memref<640x64xbf16, #tpu.memory_space<vmem_shared>>
      tpu.enqueue_dma source(%dma_start3A_225 : memref<640x64xbf16, #tpu.memory_space<vmem_shared>>) target(%dma_start3A_223 : memref<640x64xbf16, #tpu.memory_space<hbm>>) target_semaphore(%run_scoped3A_220 : memref<!tpu.dma_semaphore, #tpu.memory_space<semaphore_mem>>)
      %dma_wait3A = arith.constant 0 : i32
      %dma_wait3A_226 = tpu.memref_slice %arg4[%arg0, %mul3A_219, %dma_wait3A] : memref<2x10240x64xbf16, #tpu.memory_space<hbm>> -> memref<1x640x64xbf16, #tpu.memory_space<hbm>>
      %dma_wait3A_227 = tpu.memref_squeeze %dma_wait3A_226 : memref<1x640x64xbf16, #tpu.memory_space<hbm>> -> memref<640x64xbf16, #tpu.memory_space<hbm>>
      %dma_wait3A_228 = arith.constant 0 : i32
      %dma_wait3A_229 = tpu.memref_slice %arg13[%mul3A_217, %dma_wait3A_228] : memref<10240x64xbf16, #tpu.memory_space<vmem_shared>> -> memref<640x64xbf16, #tpu.memory_space<vmem_shared>>
      tpu.wait_dma2 semaphore(%run_scoped3A_220 : memref<!tpu.dma_semaphore, #tpu.memory_space<semaphore_mem>>) src(%dma_wait3A_229 : memref<640x64xbf16, #tpu.memory_space<vmem_shared>>) dst(%dma_wait3A_227 : memref<640x64xbf16, #tpu.memory_space<hbm>>)
      tpu.yield
    }) : () -> ()
    return
  }
}

module attributes {stable_mosaic.version = 14 : i64} {
  func.func @_first_body(%arg0: memref<10000x128xf32, #tpu.memory_space<vmem>>, %arg1: memref<128x128xf32, #tpu.memory_space<vmem>>, %arg2: memref<2x10240x16xf32, #tpu.memory_space<vmem>>, %arg3: memref<2x10240x16xf32, #tpu.memory_space<vmem>>, %arg4: memref<10240x128xbf16, #tpu.memory_space<vmem>>, %arg5: memref<10000x1xf32, #tpu.memory_space<vmem>>, %arg6: memref<10000x1xf32, #tpu.memory_space<vmem>>, %arg7: memref<10240x16xf32, #tpu.memory_space<vmem>>) attributes {dimension_semantics = [], scalar_prefetch = 0 : i64, scratch_operands = 0 : i64, tpu.core_type = #tpu.core_type<tc>} {
    %get3A = arith.constant 0 : index
    %get3A_0 = arith.constant 0 : index
    %get3A_1 = arith.constant 0 : index
    %get3A_2 = vector.load %arg2[%get3A, %get3A_0, %get3A_1] : memref<2x10240x16xf32, #tpu.memory_space<vmem>>, vector<1x10000x1xf32>
    %get3A_3 = vector.shape_cast %get3A_2 : vector<1x10000x1xf32> to vector<10000x1xf32>
    %get3A_4 = arith.constant 1 : index
    %get3A_5 = arith.constant 0 : index
    %get3A_6 = arith.constant 0 : index
    %get3A_7 = vector.load %arg2[%get3A_4, %get3A_5, %get3A_6] : memref<2x10240x16xf32, #tpu.memory_space<vmem>>, vector<1x10000x1xf32>
    %get3A_8 = vector.shape_cast %get3A_7 : vector<1x10000x1xf32> to vector<10000x1xf32>
    %add3A = arith.addf %get3A_3, %get3A_8 : vector<10000x1xf32>
    %max3A = arith.constant 1.000000e+00 : f32
    %max3A_9 = vector.broadcast %max3A : f32 to vector<10000x1xf32>
    %max3A_10 = arith.maximumf %add3A, %max3A_9 : vector<10000x1xf32>
    %get3A_11 = arith.constant 0 : index
    %get3A_12 = arith.constant 0 : index
    %get3A_13 = arith.constant 0 : index
    %get3A_14 = vector.load %arg3[%get3A_11, %get3A_12, %get3A_13] : memref<2x10240x16xf32, #tpu.memory_space<vmem>>, vector<1x10000x1xf32>
    %get3A_15 = vector.shape_cast %get3A_14 : vector<1x10000x1xf32> to vector<10000x1xf32>
    %get3A_16 = arith.constant 1 : index
    %get3A_17 = arith.constant 0 : index
    %get3A_18 = arith.constant 0 : index
    %get3A_19 = vector.load %arg3[%get3A_16, %get3A_17, %get3A_18] : memref<2x10240x16xf32, #tpu.memory_space<vmem>>, vector<1x10000x1xf32>
    %get3A_20 = vector.shape_cast %get3A_19 : vector<1x10000x1xf32> to vector<10000x1xf32>
    %add3A_21 = arith.addf %get3A_15, %get3A_20 : vector<10000x1xf32>
    %max3A_22 = arith.constant 1.000000e+00 : f32
    %max3A_23 = vector.broadcast %max3A_22 : f32 to vector<10000x1xf32>
    %max3A_24 = arith.maximumf %add3A_21, %max3A_23 : vector<10000x1xf32>
    %rsqrt3A = math.rsqrt %max3A_10 : vector<10000x1xf32>
    %rsqrt3A_25 = math.rsqrt %max3A_24 : vector<10000x1xf32>
    %swap3A = arith.constant 0 : index
    %swap3A_26 = arith.constant 0 : index
    %swap3A_27 = vector.load %arg5[%swap3A, %swap3A_26] : memref<10000x1xf32, #tpu.memory_space<vmem>>, vector<10000x1xf32>
    tpu.vector_store %arg5[%swap3A, %swap3A_26], %rsqrt3A {strides = array<i32>} : memref<10000x1xf32, #tpu.memory_space<vmem>>, vector<10000x1xf32>,
    %swap3A_28 = arith.constant 0 : index
    %swap3A_29 = arith.constant 0 : index
    %swap3A_30 = vector.load %arg6[%swap3A_28, %swap3A_29] : memref<10000x1xf32, #tpu.memory_space<vmem>>, vector<10000x1xf32>
    tpu.vector_store %arg6[%swap3A_28, %swap3A_29], %rsqrt3A_25 {strides = array<i32>} : memref<10000x1xf32, #tpu.memory_space<vmem>>, vector<10000x1xf32>,
    %broadcast_in_dim3A = vector.shape_cast %rsqrt3A_25 : vector<10000x1xf32> to vector<10000x1xf32>
    %broadcast_in_dim3A_31 = vector.broadcast %broadcast_in_dim3A : vector<10000x1xf32> to vector<10000x16xf32>
    %swap3A_32 = arith.constant 0 : index
    %swap3A_33 = arith.constant 0 : index
    %swap3A_34 = vector.load %arg7[%swap3A_32, %swap3A_33] : memref<10240x16xf32, #tpu.memory_space<vmem>>, vector<10000x16xf32>
    tpu.vector_store %arg7[%swap3A_32, %swap3A_33], %broadcast_in_dim3A_31 {strides = array<i32>} : memref<10240x16xf32, #tpu.memory_space<vmem>>, vector<10000x16xf32>,
    %broadcast_in_dim3A_35 = arith.constant 0.000000e+00 : f32
    %broadcast_in_dim3A_36 = vector.broadcast %broadcast_in_dim3A_35 : f32 to vector<240x16xf32>
    %swap3A_37 = arith.constant 10000 : index
    %swap3A_38 = arith.constant 0 : index
    %swap3A_39 = vector.load %arg7[%swap3A_37, %swap3A_38] : memref<10240x16xf32, #tpu.memory_space<vmem>>, vector<240x16xf32>
    tpu.vector_store %arg7[%swap3A_37, %swap3A_38], %broadcast_in_dim3A_36 {strides = array<i32>} : memref<10240x16xf32, #tpu.memory_space<vmem>>, vector<240x16xf32>,
    %get3A_40 = arith.constant 0 : index
    %get3A_41 = arith.constant 0 : index
    %get3A_42 = vector.load %arg0[%get3A_40, %get3A_41] : memref<10000x128xf32, #tpu.memory_space<vmem>>, vector<10000x128xf32>
    %mul3A = vector.broadcast %rsqrt3A : vector<10000x1xf32> to vector<10000x128xf32>
    %mul3A_43 = arith.mulf %get3A_42, %mul3A : vector<10000x128xf32>
    %get3A_44 = arith.constant 0 : index
    %get3A_45 = arith.constant 0 : index
    %get3A_46 = vector.load %arg1[%get3A_44, %get3A_45] : memref<128x128xf32, #tpu.memory_space<vmem>>, vector<128x128xf32>
    %dot_general3A = arith.constant dense<0.000000e+00> : vector<10000x128xf32>
    %dot_general3A_47 = tpu.matmul %mul3A_43, %get3A_46, %dot_general3A {dimension_numbers = #tpu.dot_dimension_numbers<[1], [0], [0], [1], [0, 0, 1, 1], [], []>, transpose_lhs_hint = false} : vector<10000x128xf32>, vector<128x128xf32>, vector<10000x128xf32> -> vector<10000x128xf32>
    %convert_element_type3A = arith.truncf %dot_general3A_47 : vector<10000x128xf32> to vector<10000x128xbf16>
    %swap3A_48 = arith.constant 0 : index
    %swap3A_49 = arith.constant 0 : index
    %swap3A_50 = vector.load %arg4[%swap3A_48, %swap3A_49] : memref<10240x128xbf16, #tpu.memory_space<vmem>>, vector<10000x128xbf16>
    tpu.vector_store %arg4[%swap3A_48, %swap3A_49], %convert_element_type3A {strides = array<i32>} : memref<10240x128xbf16, #tpu.memory_space<vmem>>, vector<10000x128xbf16>,
    %broadcast_in_dim3A_51 = arith.constant 0.000000e+00 : bf16
    %broadcast_in_dim3A_52 = vector.broadcast %broadcast_in_dim3A_51 : bf16 to vector<240x128xbf16>
    %swap3A_53 = arith.constant 10000 : index
    %swap3A_54 = arith.constant 0 : index
    %swap3A_55 = vector.load %arg4[%swap3A_53, %swap3A_54] : memref<10240x128xbf16, #tpu.memory_space<vmem>>, vector<240x128xbf16>
    tpu.vector_store %arg4[%swap3A_53, %swap3A_54], %broadcast_in_dim3A_52 {strides = array<i32>} : memref<10240x128xbf16, #tpu.memory_space<vmem>>, vector<240x128xbf16>,
    return
  }
}

module attributes {stable_mosaic.version = 14 : i64} {
  func.func @_mid_body(%arg0: memref<2x10240x128xbf16, #tpu.memory_space<vmem>>, %arg1: memref<10000x1xf32, #tpu.memory_space<vmem>>, %arg2: memref<10000x1xf32, #tpu.memory_space<vmem>>, %arg3: memref<1x128xf32, #tpu.memory_space<vmem>>, %arg4: memref<128x64xf32, #tpu.memory_space<vmem>>, %arg5: memref<10240x64xbf16, #tpu.memory_space<vmem>>) attributes {dimension_semantics = [], scalar_prefetch = 0 : i64, scratch_operands = 0 : i64, tpu.core_type = #tpu.core_type<tc>} {
    %get3A = arith.constant 0 : index
    %get3A_0 = arith.constant 0 : index
    %get3A_1 = arith.constant 0 : index
    %get3A_2 = vector.load %arg0[%get3A, %get3A_0, %get3A_1] : memref<2x10240x128xbf16, #tpu.memory_space<vmem>>, vector<1x10000x128xbf16>
    %get3A_3 = vector.shape_cast %get3A_2 : vector<1x10000x128xbf16> to vector<10000x128xbf16>
    %convert_element_type3A = arith.extf %get3A_3 : vector<10000x128xbf16> to vector<10000x128xf32>
    %get3A_4 = arith.constant 1 : index
    %get3A_5 = arith.constant 0 : index
    %get3A_6 = arith.constant 0 : index
    %get3A_7 = vector.load %arg0[%get3A_4, %get3A_5, %get3A_6] : memref<2x10240x128xbf16, #tpu.memory_space<vmem>>, vector<1x10000x128xbf16>
    %get3A_8 = vector.shape_cast %get3A_7 : vector<1x10000x128xbf16> to vector<10000x128xbf16>
    %convert_element_type3A_9 = arith.extf %get3A_8 : vector<10000x128xbf16> to vector<10000x128xf32>
    %add3A = arith.addf %convert_element_type3A, %convert_element_type3A_9 : vector<10000x128xf32>
    %get3A_10 = arith.constant 0 : index
    %get3A_11 = arith.constant 0 : index
    %get3A_12 = vector.load %arg1[%get3A_10, %get3A_11] : memref<10000x1xf32, #tpu.memory_space<vmem>>, vector<10000x1xf32>
    %mul3A = vector.broadcast %get3A_12 : vector<10000x1xf32> to vector<10000x128xf32>
    %mul3A_13 = arith.mulf %add3A, %mul3A : vector<10000x128xf32>
    %get3A_14 = arith.constant 0 : index
    %get3A_15 = arith.constant 0 : index
    %get3A_16 = vector.load %arg3[%get3A_14, %get3A_15] : memref<1x128xf32, #tpu.memory_space<vmem>>, vector<1x128xf32>
    %add3A_17 = vector.broadcast %get3A_16 : vector<1x128xf32> to vector<10000x128xf32>
    %add3A_18 = arith.addf %mul3A_13, %add3A_17 : vector<10000x128xf32>
    %max3A = arith.constant 0.000000e+00 : f32
    %max3A_19 = vector.broadcast %max3A : f32 to vector<10000x128xf32>
    %max3A_20 = arith.maximumf %add3A_18, %max3A_19 : vector<10000x128xf32>
    %get3A_21 = arith.constant 0 : index
    %get3A_22 = arith.constant 0 : index
    %get3A_23 = vector.load %arg2[%get3A_21, %get3A_22] : memref<10000x1xf32, #tpu.memory_space<vmem>>, vector<10000x1xf32>
    %mul3A_24 = vector.broadcast %get3A_23 : vector<10000x1xf32> to vector<10000x128xf32>
    %mul3A_25 = arith.mulf %max3A_20, %mul3A_24 : vector<10000x128xf32>
    %get3A_26 = arith.constant 0 : index
    %get3A_27 = arith.constant 0 : index
    %get3A_28 = vector.load %arg4[%get3A_26, %get3A_27] : memref<128x64xf32, #tpu.memory_space<vmem>>, vector<128x64xf32>
    %dot_general3A = arith.constant dense<0.000000e+00> : vector<10000x64xf32>
    %dot_general3A_29 = tpu.matmul %mul3A_25, %get3A_28, %dot_general3A {dimension_numbers = #tpu.dot_dimension_numbers<[1], [0], [0], [1], [0, 0, 1, 1], [], []>, transpose_lhs_hint = false} : vector<10000x128xf32>, vector<128x64xf32>, vector<10000x64xf32> -> vector<10000x64xf32>
    %convert_element_type3A_30 = arith.truncf %dot_general3A_29 : vector<10000x64xf32> to vector<10000x64xbf16>
    %swap3A = arith.constant 0 : index
    %swap3A_31 = arith.constant 0 : index
    %swap3A_32 = vector.load %arg5[%swap3A, %swap3A_31] : memref<10240x64xbf16, #tpu.memory_space<vmem>>, vector<10000x64xbf16>
    tpu.vector_store %arg5[%swap3A, %swap3A_31], %convert_element_type3A_30 {strides = array<i32>} : memref<10240x64xbf16, #tpu.memory_space<vmem>>, vector<10000x64xbf16>,
    %broadcast_in_dim3A = arith.constant 0.000000e+00 : bf16
    %broadcast_in_dim3A_33 = vector.broadcast %broadcast_in_dim3A : bf16 to vector<240x64xbf16>
    %swap3A_34 = arith.constant 10000 : index
    %swap3A_35 = arith.constant 0 : index
    %swap3A_36 = vector.load %arg5[%swap3A_34, %swap3A_35] : memref<10240x64xbf16, #tpu.memory_space<vmem>>, vector<240x64xbf16>
    tpu.vector_store %arg5[%swap3A_34, %swap3A_35], %broadcast_in_dim3A_33 {strides = array<i32>} : memref<10240x64xbf16, #tpu.memory_space<vmem>>, vector<240x64xbf16>,
    return
  }
}

module attributes {stable_mosaic.version = 14 : i64} {
  func.func @_mid_body(%arg0: memref<2x10240x64xbf16, #tpu.memory_space<vmem>>, %arg1: memref<10000x1xf32, #tpu.memory_space<vmem>>, %arg2: memref<10000x1xf32, #tpu.memory_space<vmem>>, %arg3: memref<1x64xf32, #tpu.memory_space<vmem>>, %arg4: memref<64x32xf32, #tpu.memory_space<vmem>>, %arg5: memref<10240x32xbf16, #tpu.memory_space<vmem>>) attributes {dimension_semantics = [], scalar_prefetch = 0 : i64, scratch_operands = 0 : i64, tpu.core_type = #tpu.core_type<tc>} {
    %get3A = arith.constant 0 : index
    %get3A_0 = arith.constant 0 : index
    %get3A_1 = arith.constant 0 : index
    %get3A_2 = vector.load %arg0[%get3A, %get3A_0, %get3A_1] : memref<2x10240x64xbf16, #tpu.memory_space<vmem>>, vector<1x10000x64xbf16>
    %get3A_3 = vector.shape_cast %get3A_2 : vector<1x10000x64xbf16> to vector<10000x64xbf16>
    %convert_element_type3A = arith.extf %get3A_3 : vector<10000x64xbf16> to vector<10000x64xf32>
    %get3A_4 = arith.constant 1 : index
    %get3A_5 = arith.constant 0 : index
    %get3A_6 = arith.constant 0 : index
    %get3A_7 = vector.load %arg0[%get3A_4, %get3A_5, %get3A_6] : memref<2x10240x64xbf16, #tpu.memory_space<vmem>>, vector<1x10000x64xbf16>
    %get3A_8 = vector.shape_cast %get3A_7 : vector<1x10000x64xbf16> to vector<10000x64xbf16>
    %convert_element_type3A_9 = arith.extf %get3A_8 : vector<10000x64xbf16> to vector<10000x64xf32>
    %add3A = arith.addf %convert_element_type3A, %convert_element_type3A_9 : vector<10000x64xf32>
    %get3A_10 = arith.constant 0 : index
    %get3A_11 = arith.constant 0 : index
    %get3A_12 = vector.load %arg1[%get3A_10, %get3A_11] : memref<10000x1xf32, #tpu.memory_space<vmem>>, vector<10000x1xf32>
    %mul3A = vector.broadcast %get3A_12 : vector<10000x1xf32> to vector<10000x64xf32>
    %mul3A_13 = arith.mulf %add3A, %mul3A : vector<10000x64xf32>
    %get3A_14 = arith.constant 0 : index
    %get3A_15 = arith.constant 0 : index
    %get3A_16 = vector.load %arg3[%get3A_14, %get3A_15] : memref<1x64xf32, #tpu.memory_space<vmem>>, vector<1x64xf32>
    %add3A_17 = vector.broadcast %get3A_16 : vector<1x64xf32> to vector<10000x64xf32>
    %add3A_18 = arith.addf %mul3A_13, %add3A_17 : vector<10000x64xf32>
    %max3A = arith.constant 0.000000e+00 : f32
    %max3A_19 = vector.broadcast %max3A : f32 to vector<10000x64xf32>
    %max3A_20 = arith.maximumf %add3A_18, %max3A_19 : vector<10000x64xf32>
    %get3A_21 = arith.constant 0 : index
    %get3A_22 = arith.constant 0 : index
    %get3A_23 = vector.load %arg2[%get3A_21, %get3A_22] : memref<10000x1xf32, #tpu.memory_space<vmem>>, vector<10000x1xf32>
    %mul3A_24 = vector.broadcast %get3A_23 : vector<10000x1xf32> to vector<10000x64xf32>
    %mul3A_25 = arith.mulf %max3A_20, %mul3A_24 : vector<10000x64xf32>
    %get3A_26 = arith.constant 0 : index
    %get3A_27 = arith.constant 0 : index
    %get3A_28 = vector.load %arg4[%get3A_26, %get3A_27] : memref<64x32xf32, #tpu.memory_space<vmem>>, vector<64x32xf32>
    %dot_general3A = arith.constant dense<0.000000e+00> : vector<10000x32xf32>
    %dot_general3A_29 = tpu.matmul %mul3A_25, %get3A_28, %dot_general3A {dimension_numbers = #tpu.dot_dimension_numbers<[1], [0], [0], [1], [0, 0, 1, 1], [], []>, transpose_lhs_hint = false} : vector<10000x64xf32>, vector<64x32xf32>, vector<10000x32xf32> -> vector<10000x32xf32>
    %convert_element_type3A_30 = arith.truncf %dot_general3A_29 : vector<10000x32xf32> to vector<10000x32xbf16>
    %swap3A = arith.constant 0 : index
    %swap3A_31 = arith.constant 0 : index
    %swap3A_32 = vector.load %arg5[%swap3A, %swap3A_31] : memref<10240x32xbf16, #tpu.memory_space<vmem>>, vector<10000x32xbf16>
    tpu.vector_store %arg5[%swap3A, %swap3A_31], %convert_element_type3A_30 {strides = array<i32>} : memref<10240x32xbf16, #tpu.memory_space<vmem>>, vector<10000x32xbf16>,
    %broadcast_in_dim3A = arith.constant 0.000000e+00 : bf16
    %broadcast_in_dim3A_33 = vector.broadcast %broadcast_in_dim3A : bf16 to vector<240x32xbf16>
    %swap3A_34 = arith.constant 10000 : index
    %swap3A_35 = arith.constant 0 : index
    %swap3A_36 = vector.load %arg5[%swap3A_34, %swap3A_35] : memref<10240x32xbf16, #tpu.memory_space<vmem>>, vector<240x32xbf16>
    tpu.vector_store %arg5[%swap3A_34, %swap3A_35], %broadcast_in_dim3A_33 {strides = array<i32>} : memref<10240x32xbf16, #tpu.memory_space<vmem>>, vector<240x32xbf16>,
    return
  }
}

module attributes {stable_mosaic.version = 14 : i64} {
  func.func @_final_body(%arg0: memref<2x10240x32xbf16, #tpu.memory_space<vmem>>, %arg1: memref<10000x1xf32, #tpu.memory_space<vmem>>, %arg2: memref<10000x1xf32, #tpu.memory_space<vmem>>, %arg3: memref<1x32xf32, #tpu.memory_space<vmem>>, %arg4: memref<2x10240x16xf32, #tpu.memory_space<vmem>>, %arg5: memref<32x32xf32, #tpu.memory_space<vmem>>, %arg6: memref<1x32xf32, #tpu.memory_space<vmem>>, %arg7: memref<1x32xf32, #tpu.memory_space<vmem>>) attributes {dimension_semantics = [], scalar_prefetch = 0 : i64, scratch_operands = 0 : i64, tpu.core_type = #tpu.core_type<tc>} {
    %get3A = arith.constant 0 : index
    %get3A_0 = arith.constant 0 : index
    %get3A_1 = arith.constant 0 : index
    %get3A_2 = vector.load %arg0[%get3A, %get3A_0, %get3A_1] : memref<2x10240x32xbf16, #tpu.memory_space<vmem>>, vector<1x10000x32xbf16>
    %get3A_3 = vector.shape_cast %get3A_2 : vector<1x10000x32xbf16> to vector<10000x32xbf16>
    %convert_element_type3A = arith.extf %get3A_3 : vector<10000x32xbf16> to vector<10000x32xf32>
    %get3A_4 = arith.constant 1 : index
    %get3A_5 = arith.constant 0 : index
    %get3A_6 = arith.constant 0 : index
    %get3A_7 = vector.load %arg0[%get3A_4, %get3A_5, %get3A_6] : memref<2x10240x32xbf16, #tpu.memory_space<vmem>>, vector<1x10000x32xbf16>
    %get3A_8 = vector.shape_cast %get3A_7 : vector<1x10000x32xbf16> to vector<10000x32xbf16>
    %convert_element_type3A_9 = arith.extf %get3A_8 : vector<10000x32xbf16> to vector<10000x32xf32>
    %add3A = arith.addf %convert_element_type3A, %convert_element_type3A_9 : vector<10000x32xf32>
    %get3A_10 = arith.constant 0 : index
    %get3A_11 = arith.constant 0 : index
    %get3A_12 = vector.load %arg1[%get3A_10, %get3A_11] : memref<10000x1xf32, #tpu.memory_space<vmem>>, vector<10000x1xf32>
    %mul3A = vector.broadcast %get3A_12 : vector<10000x1xf32> to vector<10000x32xf32>
    %mul3A_13 = arith.mulf %add3A, %mul3A : vector<10000x32xf32>
    %get3A_14 = arith.constant 0 : index
    %get3A_15 = arith.constant 0 : index
    %get3A_16 = vector.load %arg3[%get3A_14, %get3A_15] : memref<1x32xf32, #tpu.memory_space<vmem>>, vector<1x32xf32>
    %add3A_17 = vector.broadcast %get3A_16 : vector<1x32xf32> to vector<10000x32xf32>
    %add3A_18 = arith.addf %mul3A_13, %add3A_17 : vector<10000x32xf32>
    %max3A = arith.constant 0.000000e+00 : f32
    %max3A_19 = vector.broadcast %max3A : f32 to vector<10000x32xf32>
    %max3A_20 = arith.maximumf %add3A_18, %max3A_19 : vector<10000x32xf32>
    %get3A_21 = arith.constant 0 : index
    %get3A_22 = arith.constant 0 : index
    %get3A_23 = vector.load %arg2[%get3A_21, %get3A_22] : memref<10000x1xf32, #tpu.memory_space<vmem>>, vector<10000x1xf32>
    %mul3A_24 = vector.broadcast %get3A_23 : vector<10000x1xf32> to vector<10000x32xf32>
    %mul3A_25 = arith.mulf %max3A_20, %mul3A_24 : vector<10000x32xf32>
    %get3A_26 = arith.constant 0 : index
    %get3A_27 = arith.constant 0 : index
    %get3A_28 = arith.constant 0 : index
    %get3A_29 = vector.load %arg4[%get3A_26, %get3A_27, %get3A_28] : memref<2x10240x16xf32, #tpu.memory_space<vmem>>, vector<1x10000x1xf32>
    %get3A_30 = vector.shape_cast %get3A_29 : vector<1x10000x1xf32> to vector<10000x1xf32>
    %get3A_31 = arith.constant 1 : index
    %get3A_32 = arith.constant 0 : index
    %get3A_33 = arith.constant 0 : index
    %get3A_34 = vector.load %arg4[%get3A_31, %get3A_32, %get3A_33] : memref<2x10240x16xf32, #tpu.memory_space<vmem>>, vector<1x10000x1xf32>
    %get3A_35 = vector.shape_cast %get3A_34 : vector<1x10000x1xf32> to vector<10000x1xf32>
    %add3A_36 = arith.addf %get3A_30, %get3A_35 : vector<10000x1xf32>
    %mul3A_37 = vector.broadcast %add3A_36 : vector<10000x1xf32> to vector<10000x32xf32>
    %mul3A_38 = arith.mulf %mul3A_25, %mul3A_37 : vector<10000x32xf32>
    %reduce_sum3A = arith.constant dense<0.000000e+00> : vector<32xf32>
    %reduce_sum3A_39 = vector.multi_reduction <add>, %mul3A_38, %reduce_sum3A [0] : vector<10000x32xf32> to vector<32xf32>
    %broadcast_in_dim3A = vector.shape_cast %reduce_sum3A_39 : vector<32xf32> to vector<1x32xf32>
    %get3A_40 = arith.constant 0 : index
    %get3A_41 = arith.constant 0 : index
    %get3A_42 = vector.load %arg5[%get3A_40, %get3A_41] : memref<32x32xf32, #tpu.memory_space<vmem>>, vector<32x32xf32>
    %dot_general3A = arith.constant dense<0.000000e+00> : vector<1x32xf32>
    %dot_general3A_43 = tpu.matmul %broadcast_in_dim3A, %get3A_42, %dot_general3A {dimension_numbers = #tpu.dot_dimension_numbers<[1], [0], [0], [1], [0, 0, 1, 1], [], []>, transpose_lhs_hint = false} : vector<1x32xf32>, vector<32x32xf32>, vector<1x32xf32> -> vector<1x32xf32>
    %mul3A_44 = arith.constant 9.99999974E-5 : f32
    %mul3A_45 = vector.broadcast %mul3A_44 : f32 to vector<1x32xf32>
    %mul3A_46 = arith.mulf %dot_general3A_43, %mul3A_45 : vector<1x32xf32>
    %get3A_47 = arith.constant 0 : index
    %get3A_48 = arith.constant 0 : index
    %get3A_49 = vector.load %arg6[%get3A_47, %get3A_48] : memref<1x32xf32, #tpu.memory_space<vmem>>, vector<1x32xf32>
    %add3A_50 = arith.addf %mul3A_46, %get3A_49 : vector<1x32xf32>
    %swap3A = arith.constant 0 : index
    %swap3A_51 = arith.constant 0 : index
    %swap3A_52 = vector.load %arg7[%swap3A, %swap3A_51] : memref<1x32xf32, #tpu.memory_space<vmem>>, vector<1x32xf32>
    tpu.vector_store %arg7[%swap3A, %swap3A_51], %add3A_50 {strides = array<i32>} : memref<1x32xf32, #tpu.memory_space<vmem>>, vector<1x32xf32>,
    return
  }
}

</mosaic_0001>

<sc_bundles>
// kernel: kernel.10.cloned.1.call-start
scs
__scs_entry_jumppad:
0x0: {  	(pc) =	sbr.rel $0x88, $3  }
0x1: {  	(tag) =	ssettag $0x0;
	lr =	simm.s32 $0x1  }
0x2: {  	[smem:$0x3F97] =	sst lr;
	_ =	strace $0xD0000000  }
0x3: {  	_ = 	snop  }
0x4: {  	_ = 	snop  }
0x5: {  	_ = 	snop  }
0x6: {  	_ = 	snop  }
0x7: {  	_ = 	snop  }
__scs_overlays_trampoline_lowered:
0x8: {  	[smem:$0x3FA6] =	sst s0  }
0x9: {  	[smem:$0x3FA7] =	sst s1  }
0xa: {  	[smem:$0x3FA8] =	sst s2  }
0xb: {  	[smem:$0x3FA9] =	sst s3  }
0xc: {  	[smem:$0x3FAA] =	sst s4  }
0xd: {  	[smem:$0x3FAB] =	sst s5  }
0xe: {  	[smem:$0x3FAC] =	sst s6  }
0xf: {  	[smem:$0x3FAD] =	sst s7  }
0x10: {  	[smem:$0x3FAE] =	sst s8  }
0x11: {  	[smem:$0x3FAF] =	sst s9;
	s0 =	simm.s32 @!p0 $0x0  }
0x12: {  	s1 =	sld [smem:$0x3F95];
	s0 =	simm.s32 @p0 $0x1  }
0x13: {  	[smem:$0x3FB0] =	sst s0;
	s0 =	simm.s32 @!p1 $0x0  }
0x14: {  	s2 =	sld [smem:$0x3F94];
	s0 =	simm.s32 @p1 $0x1  }
0x15: {  	[smem:$0x3FB1] =	sst s0;
	s0 =	simm.s32 @!p2 $0x0  }
0x16: {  	s3 =	sld [smem:$0x3FDB];
	s0 =	simm.s32 @p2 $0x1  }
0x17: {  	s4 =	simm.s32 $0x1BF5;
	[smem:$0x3FB3] =	sst s0  }
0x18: {  	s0 =	sld [smem:$0x3F96];
	_ =	swait.ge [sflag:s4], $0x0  }
0x19: {  	s7 =	sld [smem:$0x3F97]  }
0x1a: {  	s8 =	sadd.s32 $0xFFFFE003, lr  }
0x1b: {  	s9 =	sadd.s32 $0xFFFFFEF7, lr;
	s5 =	simm.s32 $0xFFFFFFFF;
	p2 =	slt.u32 s8, $0xFFFFF086  }
0x1c: {  	p1 =	slt.u32 s9, $0xF7A;
	s5 =	simm.s32 @!p2 $0x0  }
0x1d: {  	s5 =	simm.s32 @p1 $0x1;
	p0 =	seq.s32 s7, s2  }
0x1e: {  	s7 =	smul.u32 @!p0 $0xF7A, s2;
	p2 =	seq.s32 @!p0 s5, $0x0  }
0x1f: {  	s9 =	smul.u32 $0xF7A, s1;
	s8 =	simm.s32 @!p0 $0x1BF5;
	p2 =	por !p2, p0  }
0x20: {  	[sflag:s8] =	ssyncset.s32 @!p0 $0xFFFFF086;
	s6 =	sadd.s32 @!p0 s3, s7;
	s7 =	simm.s32 @!p0 $0x108  }
0x21: {  	s3 =	sadd.s32 s3, s9;
	s6 =	sadd.s32 @!p0 $0x88, s6;
	s7 =	simm.s32 @p2 $0x1082  }
0x22: {  	[simem:s7], [sflag:s8] =	dma.local @!p0 [hbm:s6], $0xF7A  }
0x23: {  	s9 =	sor.u32 $0xD0000000, s2;
	s6 =	simm.s32 $0x108;
	_ =	swait.ge @!p0 [sflag:s8], $0x0  }
0x24: {  	s3 =	sadd.s32 $0x88, s3;
	s6 =	simm.s32 @!p1 $0x1082;
	[sflag:s4] =	ssyncset.s32 $0xFFFFF086  }
0x25: {  	[simem:s6], [sflag:s4] =	dma.local [hbm:s3], $0xF7A  }
0x26: {  	[smem:$0x3F97] =	sst s1;
	(tag) =	ssettag s2;
	_ =	strace s9  }
0x27: {  	s1 =	sld [smem:$0x3FA7]  }
0x28: {  	s2 =	sld [smem:$0x3FA8]  }
0x29: {  	s4 =	sld [smem:$0x3FAA]  }
0x2a: {  	p0 =	seq.s32 s5, $0x0;
	s5 =	sld [smem:$0x3FAB]  }
0x2b: {  	s6 =	sld [smem:$0x3FAC]  }
0x2c: {  	s7 =	sld [smem:$0x3FAD]  }
0x2d: {  	s3 =	simm.s32 $0x108;
	s8 =	sld [smem:$0x3FAE]  }
0x2e: {  	s3 =	simm.s32 @!p0 $0x1082;
	s9 =	sld [smem:$0x3FAF]  }
0x2f: {  	lr =	sadd.s32 s0, s3;
	s0 =	sld [smem:$0x3FA6]  }
0x30: {  	s3 =	sld [smem:$0x3FA9]  }
0x31: {  	[smem:$0x3FB2] =	sst s10  }
0x32: {  	s10 =	sld [smem:$0x3FB0];
	_ =	sdelay $0x3  }
0x33: {  	p0 =	seq.s32 s10, $0x1;
	s10 =	sld [smem:$0x3FB2];
	_ =	sdelay $0x3  }
0x34: {  	[smem:$0x3FB2] =	sst s10  }
0x35: {  	s10 =	sld [smem:$0x3FB1];
	_ =	sdelay $0x3  }
0x36: {  	p1 =	seq.s32 s10, $0x1;
	s10 =	sld [smem:$0x3FB2];
	_ =	sdelay $0x3  }
0x37: {  	[smem:$0x3FB2] =	sst s10  }
0x38: {  	s10 =	sld [smem:$0x3FB3]  }
0x39: {  	_ = 	snop;
	(pc) =	sbr.ind lr, $3  }
0x3a: {  	_ = 	snop  }
0x3b: {  	_ = 	snop  }
0x3c: {  	p2 =	seq.s32 s10, $0x1;
	s10 =	sld [smem:$0x3FB2]  }
0x3d: {  	_ =	shalt  }
0x3e: {  	_ =	shalt  }
0x3f: {  	_ =	shalt  }
0x40: {  	_ =	shalt  }
0x41: {  	_ =	shalt  }
0x42: {  	_ =	shalt  }
0x43: {  	_ =	shalt  }
0x44: {  	_ =	shalt  }
0x45: {  	_ =	shalt  }
0x46: {  	_ =	shalt  }
0x47: {  	_ =	shalt  }
0x48: {  	_ =	shalt  }
0x49: {  	_ =	shalt  }
0x4a: {  	_ =	shalt  }
0x4b: {  	_ =	shalt  }
0x4c: {  	_ =	shalt  }
0x4d: {  	_ =	shalt  }
0x4e: {  	_ =	shalt  }
0x4f: {  	_ =	shalt  }
0x50: {  	_ =	shalt  }
0x51: {  	_ =	shalt  }
0x52: {  	_ =	shalt  }
0x53: {  	_ =	shalt  }
0x54: {  	_ =	shalt  }
0x55: {  	_ =	shalt  }
0x56: {  	_ =	shalt  }
0x57: {  	_ =	shalt  }
0x58: {  	_ =	shalt  }
0x59: {  	_ =	shalt  }
0x5a: {  	_ =	shalt  }
0x5b: {  	_ =	shalt  }
0x5c: {  	_ =	shalt  }
0x5d: {  	_ =	shalt  }
0x5e: {  	_ =	shalt  }
0x5f: {  	_ =	shalt  }
0x60: {  	_ =	shalt  }
0x61: {  	_ =	shalt  }
0x62: {  	_ =	shalt  }
0x63: {  	_ =	shalt  }
0x64: {  	_ =	shalt  }
0x65: {  	_ =	shalt  }
0x66: {  	_ =	shalt  }
0x67: {  	_ =	shalt  }
0x68: {  	_ =	shalt  }
0x69: {  	_ =	shalt  }
0x6a: {  	_ =	shalt  }
0x6b: {  	_ =	shalt  }
0x6c: {  	_ =	shalt  }
0x6d: {  	_ =	shalt  }
0x6e: {  	_ =	shalt  }
0x6f: {  	_ =	shalt  }
0x70: {  	_ =	shalt  }
0x71: {  	_ =	shalt  }
0x72: {  	_ =	shalt  }
0x73: {  	_ =	shalt  }
0x74: {  	_ =	shalt  }
0x75: {  	_ =	shalt  }
0x76: {  	_ =	shalt  }
0x77: {  	_ =	shalt  }
0x78: {  	_ =	shalt  }
0x79: {  	_ =	shalt  }
0x7a: {  	_ =	shalt  }
0x7b: {  	_ =	shalt  }
0x7c: {  	_ =	shalt  }
0x7d: {  	_ =	shalt  }
0x7e: {  	_ =	shalt  }
0x7f: {  	_ =	shalt  }
0x80: {  	_ =	shalt  }
0x81: {  	_ =	shalt  }
0x82: {  	_ =	shalt  }
0x83: {  	_ =	shalt  }
0x84: {  	_ =	shalt  }
0x85: {  	_ =	shalt  }
0x86: {  	_ =	shalt  }
0x87: {  	_ =	shalt  }
.Lfunc_end0:
.L_simem_size_0:
called_computation_lowered:
.L_overlay_start_0:
0x88: {  	s2 =	sld [smem:$0x3FD9]  }
0x89: {  	s3 =	sld [smem:$0x3FFE];
	_ =	sdelay $0x1  }
0x8a: {  	s1 =	srdreg.scid  }
0x8b: {  	s0 =	sand.u32 $0x1, s1  }
0x8c: {  	s16 =	sshll.u32 s0, $0xA;
	s2 =	sadd.s32 s3, s2  }
0x8d: {  	s2 =	sadd.s32 s2, s16  }
0x8e: {  	[smem:$0x3FBE] =	sst s2  }
0x8f: {  	_ = 	snop  }
0x90: {  	(tm) =	ssettm $0x1  }
0x91: {  	s17 =	sld [smem:$0x3FFB];
	_ =	sdelay $0x3  }
0x92: {  	_ =	strace s17  }
0x93: {  	s2 =	sld [smem:$0x3FFC];
	_ =	sdelay $0x3  }
0x94: {  	_ =	strace s2  }
0x95: {  	s2 =	sld [smem:$0x3FFD];
	_ =	sdelay $0x3  }
0x96: {  	_ =	strace s2  }
0x97: {  	_ =	strace $0x8FFFFFFF  }
0x98: {  	s18 =	sld [smem:$0x3FDB];
	_ =	sdelay $0x1  }
0x99: {  	s19 =	simm.s32 $_scs_section_size  }
0x9a: {  	s4 =	simm.s32 $_size__tile_overlayer_lowered;
	s5 =	simm.s32 $_tile_overlayer_lowered  }
0x9b: {  	s22 =	simm.s32 $0x1BFF;
	s21 =	sshll.u32 s5, $0x1;
	s2 =	sadd.s32 s19, s18  }
0x9c: {  	s6 =	simm.s32 $0x0;
	s20 =	sshll.u32 s4, $0x1;
	s4 =	sadd.s32 s21, s2  }
0x9d: {  	[timem:s6], [sflag:s22] =	dma.local [hbm:s4], s20  }
0x9e: {  	_ =	swait.ge [sflag:s22], s20  }
0x9f: {  	s3 =	ssub.s32 $0x0, s20;
	[sflag:s22] =	ssyncset.done $0x0  }
0xa0: {  	[sflag:s22] =	ssyncadd.s32 s3;
	_ =	sdelay $0x1  }
0xa1: {  	s23 =	simm.s32 $0x1B8B  }
0xa2: {  	_ =	swait.ge [sflag:s23], $0x1  }
0xa3: {  	[sflag:s23] =	ssyncset.done $0x0  }
0xa4: {  	s25 =	simm.s32 $0x1B8E;
	s24 =	sld [smem:$0x3FFE];
	[sflag:s23] =	ssyncadd.s32 $0xFFFFFFFF  }
0xa5: {  	s26 =	simm.s32 $execute0_lowered;
	[smem:$0x3FD2] =	sst s25  }
0xa6: {  	s4 =	sshll.u32 s26, $0x1;
	_ =	strace $0x80000046;
	[dreg:$0x1] =	wrdreg $0xFFFFFFFF  }
0xa7: {  	s28 =	simm.s32 $_size_execute0_lowered;
	s2 =	sadd.s32 s2, s4;
	[dreg:$0x0] =	wrdreg $0x0  }
0xa8: {  	s4 =	sshll.u32 s28, $0x1;
	[dreg:$0x2] =	wrdreg s2  }
0xa9: {  	[dreg:$0x3] =	wrdreg s4  }
0xaa: {  	[dreg:$0x4] =	wrdreg $0xC0  }
0xab: {  	_ =	task [dreg:s6], $0x5FFFF  }
0xac: {  	[dreg:$0x1] =	wrdreg $0xFFFFFFFF  }
0xad: {  	[dreg:$0x0] =	wrdreg $0x60  }
0xae: {  	[dreg:$0x2] =	wrdreg s24  }
0xaf: {  	[dreg:$0x3] =	wrdreg $0x79000  }
0xb0: {  	[dreg:$0x4] =	wrdreg $0xA1000  }
0xb1: {  	[dreg:$0x5] =	wrdreg $0x9  }
0xb2: {  	_ =	task.clear_ibuf [dreg:s6], $0x6FFFF;
	_ =	strace $0x90000046  }
0xb3: {  	s29 =	simm.s32 $0x9;
	_ =	strace $0x80000048  }
0xb4: {  	_ =	swait.ge [sflag:s29], $0x1  }
0xb5: {  	[sflag:s29] =	ssyncadd.s32 $0xFFFFFFFF  }
0xb6: {  	_ =	strace $0x90000048  }
0xb7: {  	_ =	sfence  }
0xb8: {  	s30 =	sld [smem:$0x0];
	_ =	sdelay $0x2  }
0xb9: {  	s31 =	sshll.u32 s1, $0xD;
	s1 =	sshrl.u32 s1, $0x2  }
0xba: {  	s3 =	sand.u32 $0x4000, s31;
	s1 =	sadd.s32 s1, s30  }
0xbb: {  	s0 =	sor.u32 s3, s0;
	s1 =	sshll.u32 s1, $0x11  }
0xbc: {  	s0 =	sor.u32 s1, s0  }
0xbd: {  	s0 =	sadd.s32 $0x8F2B, s0  }
0xbe: {  	[sflag:s0] =	ssyncadd.remote.s32 $0x1  }
0xbf: {  	_ =	sfence.sel $0xFFFF  }
0xc0: {  	[dreg:$0x0] =	wrdreg $0xFFFFFFFF;
	(pc) =	sbr.abs _section_cstart, $3  }
0xc1: {  	[dreg:$0x1] =	wrdreg $0xFFFFFFFF  }
0xc2: {  	_ =	task.clear_ibuf [dreg:s6], $0x2FFFF;
	_ =	strace $0x9FFFFFFF  }
0xc3: {  	(tm) =	ssettm $0x7FFFFFFF  }
tec
execute0_lowered:
.L_overlay_start_1:
0x0: {  	(tag) =	ssettag $0x1  }
0x1: {  	s0 =	srdreg.scid;
	s4 =	rddreg [dreg:$0x0]  }
0x2: {  	s13 =	stileid.u32;
	s1 =	rddreg [dreg:$0x1]  }
0x3: {  	s11 =	simm.s32 $0x7800;
	s12 =	simm.s32 $0x3;
	s14 =	simm.s32 $0x2800  }
0x4: {  	s15 =	simm.s32 $0x280;
	s16 =	simm.s32 $0x5000;
	s22 =	simm.s32 $0x1  }
0x5: {  	s23 =	simm.s32 $0x2;
	s29 =	simm.s32 $0x4600;
	s30 =	simm.s32 $0x2080  }
0x6: {  	s31 =	simm.s32 $0x4880;
	s17 =	simm.s32 $0x4B00;
	s18 =	simm.s32 $0x2580  }
0x7: {  	s19 =	simm.s32 $0x4D80;
	s20 =	simm.s32 $0x0;
	s0 =	sand.u32 $0x1, s0  }
0x8: {  	s2 =	sshll.u32 s13, $0x5;
	s8 =	smul.u32 $0xA000, s13;
	p0 =	sne.s32 s13, $0x0  }
0x9: {  	s13 =	simm.s32 $0x4;
	s3 =	sshll.u32 s0, $0x4;
	s6 =	smul.u32 $0x5000, s0  }
0xa: {  	s0 =	ssub.s32 $0x2, s0;
	s3 =	sor.u32 s3, s2;
	s2 =	rddreg [dreg:$0x2]  }
0xb: {  	s28 =	sshrl.u32 s0, $0x1;
	s10 =	sshrl.u32 s8, $0x2;
	s5 =	smul.u32 $0x280, s3  }
0xc: {  	s3 =	simm.s32 $0x0;
	s7 =	sadd.s32 s6, s4;
	s0 =	ssub.s32 s0, s28  }
0xd: {  	s9 =	sadd.s32 s10, s1;
	s10 =	sadd.s32 s10, s2;
	[smem:$0x7FF] =	sst s3  }
0xe: {  	s6 =	sadd.s32 $0x21E00, s7;
	s7 =	sadd.s32 $0x17E00, s7;
	s5 =	sshrl.u32 s5, $0x3  }
0xf: {  	s8 =	smax.u32 s0, $0x1;
	s0 =	simm.s32 $0x2300;
	s5 =	sadd.s32 s5, s4  }
0x10: {  	v0 =	vimm.f32 $1.000000000e+00;
	v1 =	vimm.f32 $0.0e+00;
	_ =	strace $0x80000047;
	s4 =	sadd.s32 $0x3E00, s5;
	s5 =	sadd.s32 $0xDE00, s5  }
.LBB2_1:
0x11: {  	s21 =	simm.s32 $0x40;
	s24 =	simm.s32 $0x0  }
.LBB2_2:
0x12: {  	p1 =	sne.s32 s21, $0x9FC0;
	[tilespmem:s24+$0x5000] =	vst v0;
	s24 =	smov.u32 s21;
	s21 =	sadd.s32 $0x40, s21  }
.Ltmp0:
0x13: {  	(pc) =	sbr.rel @p1 .LBB2_2-.Ltmp0, $2  }
0x14: {  	_ =	sdelay $0x2  }
0x15: {  	s24 =	sshra.s32 s24, $0x2  }
0x16: {  	[tilespmem:s24+$0x5000] =	vst v0  }
0x17: {  	[tilespmem:$0x7800] =	vst v1  }
0x18: {  	[tilespmem:$0x7810] =	vst v1  }
0x19: {  	[tilespmem:$0x7820] =	vst v1  }
0x1a: {  	[tilespmem:$0x7830] =	vst v1  }
0x1b: {  	[tilespmem:$0x7840] =	vst v1  }
0x1c: {  	[tilespmem:$0x7850] =	vst v1  }
0x1d: {  	[tilespmem:$0x7860] =	vst v1  }
0x1e: {  	[tilespmem:$0x7870] =	vst v1  }
0x1f: {  	[tilespmem:$0x7880] =	vst v1  }
0x20: {  	[tilespmem:$0x7890] =	vst v1  }
0x21: {  	[tilespmem:$0x78A0] =	vst v1  }
0x22: {  	[tilespmem:$0x78B0] =	vst v1  }
0x23: {  	[tilespmem:$0x78C0] =	vst v1  }
0x24: {  	[tilespmem:$0x78D0] =	vst v1  }
0x25: {  	[tilespmem:$0x78E0] =	vst v1  }
0x26: {  	s21 =	sadd.s32 $0x0, s9;
	[tilespmem:$0x78F0] =	vst v1  }
0x27: {  	[spmem:s21] =	stream.linear.scatter [tilespmem:s11], [sflag:$0x3], $0x100, $0x38;
	[tilespmem:$0xC900] =	vst v63  }
0x28: {  	s24 =	sadd.s32 $0x0, s10  }
0x29: {  	[spmem:s24] =	stream.linear.scatter [tilespmem:s11], [sflag:$0x3], $0x100, $0x38;
	[tilespmem:$0xC900] =	vst v63  }
0x2a: {  	s25 =	sadd.s32 $0x100, s21  }
0x2b: {  	[spmem:s25] =	stream.linear.scatter [tilespmem:s11], [sflag:$0x3], $0x100, $0x38;
	[tilespmem:$0xC900] =	vst v63  }
0x2c: {  	s26 =	sadd.s32 $0x100, s24  }
0x2d: {  	[spmem:s26] =	stream.linear.scatter [tilespmem:s11], [sflag:$0x3], $0x100, $0x38;
	[tilespmem:$0xC900] =	vst v63  }
0x2e: {  	s28 =	sadd.s32 $0x200, s21  }
0x2f: {  	[spmem:s28] =	stream.linear.scatter [tilespmem:s11], [sflag:$0x3], $0x100, $0x38;
	[tilespmem:$0xC900] =	vst v63  }
0x30: {  	s26 =	sadd.s32 $0x200, s24  }
0x31: {  	[spmem:s26] =	stream.linear.scatter [tilespmem:s11], [sflag:$0x3], $0x100, $0x38;
	[tilespmem:$0xC900] =	vst v63  }
0x32: {  	s21 =	sadd.s32 $0x300, s21  }
0x33: {  	[spmem:s21] =	stream.linear.scatter [tilespmem:s11], [sflag:$0x3], $0x100, $0x38;
	[tilespmem:$0xC900] =	vst v63  }
0x34: {  	s28 =	sadd.s32 $0x300, s24  }
0x35: {  	[spmem:s28] =	stream.linear.scatter [tilespmem:s11], [sflag:$0x3], $0x100, $0x38;
	[tilespmem:$0xC900] =	vst v63  }
0x36: {  	_ =	swait.ge [sflag:s12], $0x100  }
0x37: {  	[sflag:s12] =	ssyncset.done $0x0  }
0x38: {  	[sflag:s12] =	ssyncadd.s32 $0xFFFFFF00  }
0x39: {  	_ =	swait.ge [sflag:s12], $0x100  }
0x3a: {  	[sflag:s12] =	ssyncset.done $0x0  }
0x3b: {  	[sflag:s12] =	ssyncadd.s32 $0xFFFFFF00  }
0x3c: {  	_ =	swait.ge [sflag:s12], $0x100  }
0x3d: {  	[sflag:s12] =	ssyncset.done $0x0  }
0x3e: {  	[sflag:s12] =	ssyncadd.s32 $0xFFFFFF00  }
0x3f: {  	_ =	swait.ge [sflag:s12], $0x100  }
0x40: {  	[sflag:s12] =	ssyncset.done $0x0  }
0x41: {  	[sflag:s12] =	ssyncadd.s32 $0xFFFFFF00  }
0x42: {  	_ =	swait.ge [sflag:s12], $0x100  }
0x43: {  	[sflag:s12] =	ssyncset.done $0x0  }
0x44: {  	[sflag:s12] =	ssyncadd.s32 $0xFFFFFF00  }
0x45: {  	_ =	swait.ge [sflag:s12], $0x100  }
0x46: {  	[sflag:s12] =	ssyncset.done $0x0  }
0x47: {  	[sflag:s12] =	ssyncadd.s32 $0xFFFFFF00  }
0x48: {  	_ =	swait.ge [sflag:s12], $0x100  }
0x49: {  	[sflag:s12] =	ssyncset.done $0x0  }
0x4a: {  	[sflag:s12] =	ssyncadd.s32 $0xFFFFFF00  }
0x4b: {  	_ =	swait.ge [sflag:s12], $0x100  }
0x4c: {  	s25 =	simm.s32 $0x400;
	s21 =	simm.s32 $0x2000;
	[sflag:s12] =	ssyncset.done $0x0  }
.LBB2_4:
0x4d: {  	s28 =	sadd.s32 s25, s9  }
0x4e: {  	[sflag:s12] =	ssyncadd.s32 $0xFFFFFF00;
	s24 =	smov.u32 s21;
	s26 =	sadd.s32 $0x1000, s21  }
0x4f: {  	[spmem:s28] =	stream.linear.scatter [tilespmem:s11], [sflag:$0x3], $0x100, $0x38;
	[tilespmem:$0xC900] =	vst v63  }
0x50: {  	p1 =	sne.s32 s21, $0x9000;
	s21 =	sadd.s32 s25, s10  }
0x51: {  	[spmem:s21] =	stream.linear.scatter [tilespmem:s11], [sflag:$0x3], $0x100, $0x38;
	[tilespmem:$0xC900] =	vst v63  }
0x52: {  	s25 =	sadd.s32 $0x100, s28  }
0x53: {  	[spmem:s25] =	stream.linear.scatter [tilespmem:s11], [sflag:$0x3], $0x100, $0x38;
	[tilespmem:$0xC900] =	vst v63  }
0x54: {  	s25 =	sadd.s32 $0x100, s21  }
0x55: {  	[spmem:s25] =	stream.linear.scatter [tilespmem:s11], [sflag:$0x3], $0x100, $0x38;
	[tilespmem:$0xC900] =	vst v63  }
0x56: {  	s25 =	sadd.s32 $0x200, s28  }
0x57: {  	[spmem:s25] =	stream.linear.scatter [tilespmem:s11], [sflag:$0x3], $0x100, $0x38;
	[tilespmem:$0xC900] =	vst v63  }
0x58: {  	s25 =	sadd.s32 $0x200, s21  }
0x59: {  	[spmem:s25] =	stream.linear.scatter [tilespmem:s11], [sflag:$0x3], $0x100, $0x38;
	[tilespmem:$0xC900] =	vst v63  }
0x5a: {  	s25 =	sadd.s32 $0x300, s28  }
0x5b: {  	[spmem:s25] =	stream.linear.scatter [tilespmem:s11], [sflag:$0x3], $0x100, $0x38;
	[tilespmem:$0xC900] =	vst v63  }
0x5c: {  	s21 =	sadd.s32 $0x300, s21  }
0x5d: {  	[spmem:s21] =	stream.linear.scatter [tilespmem:s11], [sflag:$0x3], $0x100, $0x38;
	[tilespmem:$0xC900] =	vst v63  }
0x5e: {  	_ =	swait.ge [sflag:s12], $0x100  }
0x5f: {  	[sflag:s12] =	ssyncset.done $0x0  }
0x60: {  	[sflag:s12] =	ssyncadd.s32 $0xFFFFFF00  }
0x61: {  	_ =	swait.ge [sflag:s12], $0x100  }
0x62: {  	[sflag:s12] =	ssyncset.done $0x0  }
0x63: {  	[sflag:s12] =	ssyncadd.s32 $0xFFFFFF00  }
0x64: {  	_ =	swait.ge [sflag:s12], $0x100  }
0x65: {  	[sflag:s12] =	ssyncset.done $0x0  }
0x66: {  	[sflag:s12] =	ssyncadd.s32 $0xFFFFFF00  }
0x67: {  	_ =	swait.ge [sflag:s12], $0x100  }
0x68: {  	[sflag:s12] =	ssyncset.done $0x0  }
0x69: {  	[sflag:s12] =	ssyncadd.s32 $0xFFFFFF00  }
0x6a: {  	_ =	swait.ge [sflag:s12], $0x100  }
0x6b: {  	[sflag:s12] =	ssyncset.done $0x0  }
0x6c: {  	[sflag:s12] =	ssyncadd.s32 $0xFFFFFF00  }
0x6d: {  	_ =	swait.ge [sflag:s12], $0x100  }
0x6e: {  	[sflag:s12] =	ssyncset.done $0x0  }
0x6f: {  	[sflag:s12] =	ssyncadd.s32 $0xFFFFFF00  }
.Ltmp1:
0x70: {  	_ =	swait.ge [sflag:s12], $0x100;
	(pc) =	sbr.rel @p1 .LBB2_4-.Ltmp1, $4  }
0x71: {  	[sflag:s12] =	ssyncset.done $0x0  }
0x72: {  	[sflag:s12] =	ssyncadd.s32 $0xFFFFFF00  }
0x73: {  	_ =	swait.ge [sflag:s12], $0x100  }
0x74: {  	s25 =	sshra.s32 s24, $0x2;
	s21 =	smov.u32 s26;
	[sflag:s12] =	ssyncset.done $0x0  }
0x75: {  	s21 =	sadd.s32 s25, s9;
	[sflag:s12] =	ssyncadd.s32 $0xFFFFFF00  }
0x76: {  	[spmem:s21] =	stream.linear.scatter [tilespmem:s11], [sflag:$0x3], $0x100, $0x38;
	[tilespmem:$0xC900] =	vst v63  }
0x77: {  	s24 =	sadd.s32 s25, s10  }
0x78: {  	[spmem:s24] =	stream.linear.scatter [tilespmem:s11], [sflag:$0x3], $0x100, $0x38;
	[tilespmem:$0xC900] =	vst v63  }
0x79: {  	s26 =	sadd.s32 $0x100, s21  }
0x7a: {  	[spmem:s26] =	stream.linear.scatter [tilespmem:s11], [sflag:$0x3], $0x100, $0x38;
	[tilespmem:$0xC900] =	vst v63  }
0x7b: {  	s28 =	sadd.s32 $0x100, s24  }
0x7c: {  	[spmem:s28] =	stream.linear.scatter [tilespmem:s11], [sflag:$0x3], $0x100, $0x38;
	[tilespmem:$0xC900] =	vst v63  }
0x7d: {  	s26 =	sadd.s32 $0x200, s21  }
0x7e: {  	[spmem:s26] =	stream.linear.scatter [tilespmem:s11], [sflag:$0x3], $0x100, $0x38;
	[tilespmem:$0xC900] =	vst v63  }
0x7f: {  	s28 =	sadd.s32 $0x200, s24  }
0x80: {  	[spmem:s28] =	stream.linear.scatter [tilespmem:s11], [sflag:$0x3], $0x100, $0x38;
	[tilespmem:$0xC900] =	vst v63  }
0x81: {  	s21 =	sadd.s32 $0x300, s21  }
0x82: {  	[spmem:s21] =	stream.linear.scatter [tilespmem:s11], [sflag:$0x3], $0x100, $0x38;
	[tilespmem:$0xC900] =	vst v63  }
0x83: {  	s25 =	sadd.s32 $0x300, s24  }
0x84: {  	[spmem:s25] =	stream.linear.scatter [tilespmem:s11], [sflag:$0x3], $0x100, $0x38;
	[tilespmem:$0xC900] =	vst v63  }
0x85: {  	_ =	swait.ge [sflag:s12], $0x100  }
0x86: {  	[sflag:s12] =	ssyncset.done $0x0  }
0x87: {  	[sflag:s12] =	ssyncadd.s32 $0xFFFFFF00  }
0x88: {  	_ =	swait.ge [sflag:s12], $0x100  }
0x89: {  	[sflag:s12] =	ssyncset.done $0x0  }
0x8a: {  	[sflag:s12] =	ssyncadd.s32 $0xFFFFFF00  }
0x8b: {  	_ =	swait.ge [sflag:s12], $0x100  }
0x8c: {  	[sflag:s12] =	ssyncset.done $0x0  }
0x8d: {  	[sflag:s12] =	ssyncadd.s32 $0xFFFFFF00  }
0x8e: {  	_ =	swait.ge [sflag:s12], $0x100  }
0x8f: {  	[sflag:s12] =	ssyncset.done $0x0  }
0x90: {  	[sflag:s12] =	ssyncadd.s32 $0xFFFFFF00  }
0x91: {  	_ =	swait.ge [sflag:s12], $0x100  }
0x92: {  	[sflag:s12] =	ssyncset.done $0x0  }
0x93: {  	[sflag:s12] =	ssyncadd.s32 $0xFFFFFF00  }
0x94: {  	_ =	swait.ge [sflag:s12], $0x100  }
0x95: {  	[sflag:s12] =	ssyncset.done $0x0  }
0x96: {  	[sflag:s12] =	ssyncadd.s32 $0xFFFFFF00  }
0x97: {  	_ =	swait.ge [sflag:s12], $0x100  }
0x98: {  	[sflag:s12] =	ssyncset.done $0x0  }
0x99: {  	[sflag:s12] =	ssyncadd.s32 $0xFFFFFF00  }
0x9a: {  	_ =	swait.ge [sflag:s12], $0x100  }
0x9b: {  	[sflag:s12] =	ssyncset.done $0x0  }
0x9c: {  	[sflag:s12] =	ssyncadd.s32 $0xFFFFFF00  }
0x9d: {  	[tilespmem:s3], [sflag:$0x4] =	stream.linear.gather [hbm4b:s4+s3], $0x2800, $0x38;
	[tilespmem:$0xC900] =	vst v63  }
0x9e: {  	_ =	swait.ge [sflag:s13], $0x2800  }
0x9f: {  	[sflag:s13] =	ssyncset.done $0x0  }
0xa0: {  	[sflag:s13] =	ssyncadd.s32 $0xFFFFD800  }
0xa1: {  	[tilespmem:s14], [sflag:$0x4] =	stream.linear.gather [hbm4b:s5+s3], $0x2800, $0x38;
	[tilespmem:$0xC900] =	vst v63  }
0xa2: {  	_ =	swait.ge [sflag:s13], $0x2800  }
0xa3: {  	[sflag:s13] =	ssyncset.done $0x0  }
0xa4: {  	[sflag:s13] =	ssyncadd.s32 $0xFFFFD800  }
0xa5: {  	[bflag:$0x0] =	sbarrier.arrive $0xFFFF  }
0xa6: {  	[spmem:s1] =	stream.indirect.scatter.add.f32 [tilespmem:s16], [sflag:$0x1], $0x10, s3, s15, $0xb8;
	[tilespmem:$0xC900] =	vst v63  }
0xa7: {  	_ = 	snop  }
0xa8: {  	[spmem:s2] =	stream.indirect.scatter.add.f32 [tilespmem:s16], [sflag:$0x2], $0x10, s14, s15, $0xb8;
	[tilespmem:$0xC900] =	vst v63  }
0xa9: {  	_ = 	snop  }
0xaa: {  	[spmem:s1] =	stream.indirect.scatter.add.f32 [tilespmem:s16], [sflag:$0x1], $0x10, s15, s15, $0xb8;
	[tilespmem:$0xC900] =	vst v63  }
0xab: {  	s26 =	simm.s32 $0x2A80  }
0xac: {  	[spmem:s2] =	stream.indirect.scatter.add.f32 [tilespmem:s16], [sflag:$0x2], $0x10, s26, s15, $0xb8;
	[tilespmem:$0xC900] =	vst v63  }
0xad: {  	s28 =	simm.s32 $0x500  }
0xae: {  	[spmem:s1] =	stream.indirect.scatter.add.f32 [tilespmem:s16], [sflag:$0x1], $0x10, s28, s15, $0xb8;
	[tilespmem:$0xC900] =	vst v63  }
0xaf: {  	s24 =	simm.s32 $0x2D00  }
0xb0: {  	[spmem:s2] =	stream.indirect.scatter.add.f32 [tilespmem:s16], [sflag:$0x2], $0x10, s24, s15, $0xb8;
	[tilespmem:$0xC900] =	vst v63  }
0xb1: {  	s25 =	simm.s32 $0x780  }
0xb2: {  	[spmem:s1] =	stream.indirect.scatter.add.f32 [tilespmem:s16], [sflag:$0x1], $0x10, s25, s15, $0xb8;
	[tilespmem:$0xC900] =	vst v63  }
0xb3: {  	s26 =	simm.s32 $0x2F80  }
0xb4: {  	[spmem:s2] =	stream.indirect.scatter.add.f32 [tilespmem:s16], [sflag:$0x2], $0x10, s26, s15, $0xb8;
	[tilespmem:$0xC900] =	vst v63  }
0xb5: {  	_ =	swait.ge [sflag:s22], $0x2800  }
0xb6: {  	[sflag:s22] =	ssyncset.done $0x0  }
0xb7: {  	[sflag:s22] =	ssyncadd.s32 $0xFFFFD800  }
0xb8: {  	_ =	swait.ge [sflag:s23], $0x2800  }
0xb9: {  	[sflag:s23] =	ssyncset.done $0x0  }
0xba: {  	[sflag:s23] =	ssyncadd.s32 $0xFFFFD800  }
0xbb: {  	_ =	swait.ge [sflag:s22], $0x2800  }
0xbc: {  	[sflag:s22] =	ssyncset.done $0x0  }
0xbd: {  	[sflag:s22] =	ssyncadd.s32 $0xFFFFD800  }
0xbe: {  	_ =	swait.ge [sflag:s23], $0x2800  }
0xbf: {  	[sflag:s23] =	ssyncset.done $0x0  }
0xc0: {  	[sflag:s23] =	ssyncadd.s32 $0xFFFFD800  }
0xc1: {  	_ =	swait.ge [sflag:s22], $0x2800  }
0xc2: {  	[sflag:s22] =	ssyncset.done $0x0  }
0xc3: {  	[sflag:s22] =	ssyncadd.s32 $0xFFFFD800  }
0xc4: {  	_ =	swait.ge [sflag:s23], $0x2800  }
0xc5: {  	[sflag:s23] =	ssyncset.done $0x0  }
0xc6: {  	[sflag:s23] =	ssyncadd.s32 $0xFFFFD800  }
0xc7: {  	_ =	swait.ge [sflag:s22], $0x2800  }
0xc8: {  	[sflag:s22] =	ssyncset.done $0x0  }
0xc9: {  	[sflag:s22] =	ssyncadd.s32 $0xFFFFD800  }
0xca: {  	_ =	swait.ge [sflag:s23], $0x2800  }
0xcb: {  	[sflag:s23] =	ssyncset.done $0x0  }
0xcc: {  	s28 =	simm.s32 $0xA00;
	[sflag:s23] =	ssyncadd.s32 $0xFFFFD800  }
0xcd: {  	[spmem:s1] =	stream.indirect.scatter.add.f32 [tilespmem:s16], [sflag:$0x1], $0x10, s28, s15, $0xb8;
	[tilespmem:$0xC900] =	vst v63  }
0xce: {  	s24 =	simm.s32 $0x3200  }
0xcf: {  	[spmem:s2] =	stream.indirect.scatter.add.f32 [tilespmem:s16], [sflag:$0x2], $0x10, s24, s15, $0xb8;
	[tilespmem:$0xC900] =	vst v63  }
0xd0: {  	s25 =	simm.s32 $0xC80  }
0xd1: {  	[spmem:s1] =	stream.indirect.scatter.add.f32 [tilespmem:s16], [sflag:$0x1], $0x10, s25, s15, $0xb8;
	[tilespmem:$0xC900] =	vst v63  }
0xd2: {  	s26 =	simm.s32 $0x3480  }
0xd3: {  	[spmem:s2] =	stream.indirect.scatter.add.f32 [tilespmem:s16], [sflag:$0x2], $0x10, s26, s15, $0xb8;
	[tilespmem:$0xC900] =	vst v63  }
0xd4: {  	s28 =	simm.s32 $0xF00  }
0xd5: {  	[spmem:s1] =	stream.indirect.scatter.add.f32 [tilespmem:s16], [sflag:$0x1], $0x10, s28, s15, $0xb8;
	[tilespmem:$0xC900] =	vst v63  }
0xd6: {  	s24 =	simm.s32 $0x3700  }
0xd7: {  	[spmem:s2] =	stream.indirect.scatter.add.f32 [tilespmem:s16], [sflag:$0x2], $0x10, s24, s15, $0xb8;
	[tilespmem:$0xC900] =	vst v63  }
0xd8: {  	s25 =	simm.s32 $0x1180  }
0xd9: {  	[spmem:s1] =	stream.indirect.scatter.add.f32 [tilespmem:s16], [sflag:$0x1], $0x10, s25, s15, $0xb8;
	[tilespmem:$0xC900] =	vst v63  }
0xda: {  	s26 =	simm.s32 $0x3980  }
0xdb: {  	[spmem:s2] =	stream.indirect.scatter.add.f32 [tilespmem:s16], [sflag:$0x2], $0x10, s26, s15, $0xb8;
	[tilespmem:$0xC900] =	vst v63  }
0xdc: {  	_ =	swait.ge [sflag:s22], $0x2800  }
0xdd: {  	[sflag:s22] =	ssyncset.done $0x0  }
0xde: {  	[sflag:s22] =	ssyncadd.s32 $0xFFFFD800  }
0xdf: {  	_ =	swait.ge [sflag:s23], $0x2800  }
0xe0: {  	[sflag:s23] =	ssyncset.done $0x0  }
0xe1: {  	[sflag:s23] =	ssyncadd.s32 $0xFFFFD800  }
0xe2: {  	_ =	swait.ge [sflag:s22], $0x2800  }
0xe3: {  	[sflag:s22] =	ssyncset.done $0x0  }
0xe4: {  	[sflag:s22] =	ssyncadd.s32 $0xFFFFD800  }
0xe5: {  	_ =	swait.ge [sflag:s23], $0x2800  }
0xe6: {  	[sflag:s23] =	ssyncset.done $0x0  }
0xe7: {  	[sflag:s23] =	ssyncadd.s32 $0xFFFFD800  }
0xe8: {  	_ =	swait.ge [sflag:s22], $0x2800  }
0xe9: {  	[sflag:s22] =	ssyncset.done $0x0  }
0xea: {  	[sflag:s22] =	ssyncadd.s32 $0xFFFFD800  }
0xeb: {  	_ =	swait.ge [sflag:s23], $0x2800  }
0xec: {  	[sflag:s23] =	ssyncset.done $0x0  }
0xed: {  	[sflag:s23] =	ssyncadd.s32 $0xFFFFD800  }
0xee: {  	_ =	swait.ge [sflag:s22], $0x2800  }
0xef: {  	[sflag:s22] =	ssyncset.done $0x0  }
0xf0: {  	[sflag:s22] =	ssyncadd.s32 $0xFFFFD800  }
0xf1: {  	_ =	swait.ge [sflag:s23], $0x2800  }
0xf2: {  	[sflag:s23] =	ssyncset.done $0x0  }
0xf3: {  	s28 =	simm.s32 $0x1400;
	[sflag:s23] =	ssyncadd.s32 $0xFFFFD800  }
0xf4: {  	[spmem:s1] =	stream.indirect.scatter.add.f32 [tilespmem:s16], [sflag:$0x1], $0x10, s28, s15, $0xb8;
	[tilespmem:$0xC900] =	vst v63  }
0xf5: {  	s24 =	simm.s32 $0x3C00  }
0xf6: {  	[spmem:s2] =	stream.indirect.scatter.add.f32 [tilespmem:s16], [sflag:$0x2], $0x10, s24, s15, $0xb8;
	[tilespmem:$0xC900] =	vst v63  }
0xf7: {  	s25 =	simm.s32 $0x1680  }
0xf8: {  	[spmem:s1] =	stream.indirect.scatter.add.f32 [tilespmem:s16], [sflag:$0x1], $0x10, s25, s15, $0xb8;
	[tilespmem:$0xC900] =	vst v63  }
0xf9: {  	s26 =	simm.s32 $0x3E80  }
0xfa: {  	[spmem:s2] =	stream.indirect.scatter.add.f32 [tilespmem:s16], [sflag:$0x2], $0x10, s26, s15, $0xb8;
	[tilespmem:$0xC900] =	vst v63  }
0xfb: {  	s28 =	simm.s32 $0x1900  }
0xfc: {  	[spmem:s1] =	stream.indirect.scatter.add.f32 [tilespmem:s16], [sflag:$0x1], $0x10, s28, s15, $0xb8;
	[tilespmem:$0xC900] =	vst v63  }
0xfd: {  	s24 =	simm.s32 $0x4100  }
0xfe: {  	[spmem:s2] =	stream.indirect.scatter.add.f32 [tilespmem:s16], [sflag:$0x2], $0x10, s24, s15, $0xb8;
	[tilespmem:$0xC900] =	vst v63  }
0xff: {  	s25 =	simm.s32 $0x1B80  }
0x100: {  	[spmem:s1] =	stream.indirect.scatter.add.f32 [tilespmem:s16], [sflag:$0x1], $0x10, s25, s15, $0xb8;
	[tilespmem:$0xC900] =	vst v63  }
0x101: {  	s26 =	simm.s32 $0x4380  }
0x102: {  	[spmem:s2] =	stream.indirect.scatter.add.f32 [tilespmem:s16], [sflag:$0x2], $0x10, s26, s15, $0xb8;
	[tilespmem:$0xC900] =	vst v63  }
0x103: {  	_ =	swait.ge [sflag:s22], $0x2800  }
0x104: {  	[sflag:s22] =	ssyncset.done $0x0  }
0x105: {  	[sflag:s22] =	ssyncadd.s32 $0xFFFFD800  }
0x106: {  	_ =	swait.ge [sflag:s23], $0x2800  }
0x107: {  	[sflag:s23] =	ssyncset.done $0x0  }
0x108: {  	[sflag:s23] =	ssyncadd.s32 $0xFFFFD800  }
0x109: {  	_ =	swait.ge [sflag:s22], $0x2800  }
0x10a: {  	[sflag:s22] =	ssyncset.done $0x0  }
0x10b: {  	[sflag:s22] =	ssyncadd.s32 $0xFFFFD800  }
0x10c: {  	_ =	swait.ge [sflag:s23], $0x2800  }
0x10d: {  	[sflag:s23] =	ssyncset.done $0x0  }
0x10e: {  	[sflag:s23] =	ssyncadd.s32 $0xFFFFD800  }
0x10f: {  	_ =	swait.ge [sflag:s22], $0x2800  }
0x110: {  	[sflag:s22] =	ssyncset.done $0x0  }
0x111: {  	[sflag:s22] =	ssyncadd.s32 $0xFFFFD800  }
0x112: {  	_ =	swait.ge [sflag:s23], $0x2800  }
0x113: {  	[sflag:s23] =	ssyncset.done $0x0  }
0x114: {  	[sflag:s23] =	ssyncadd.s32 $0xFFFFD800  }
0x115: {  	_ =	swait.ge [sflag:s22], $0x2800  }
0x116: {  	[sflag:s22] =	ssyncset.done $0x0  }
0x117: {  	[sflag:s22] =	ssyncadd.s32 $0xFFFFD800  }
0x118: {  	_ =	swait.ge [sflag:s23], $0x2800  }
0x119: {  	[sflag:s23] =	ssyncset.done $0x0  }
0x11a: {  	s28 =	simm.s32 $0x1E00;
	[sflag:s23] =	ssyncadd.s32 $0xFFFFD800  }
0x11b: {  	[spmem:s1] =	stream.indirect.scatter.add.f32 [tilespmem:s16], [sflag:$0x1], $0x10, s28, s15, $0xb8;
	[tilespmem:$0xC900] =	vst v63  }
0x11c: {  	_ = 	snop  }
0x11d: {  	[spmem:s2] =	stream.indirect.scatter.add.f32 [tilespmem:s16], [sflag:$0x2], $0x10, s29, s15, $0xb8;
	[tilespmem:$0xC900] =	vst v63  }
0x11e: {  	_ = 	snop  }
0x11f: {  	[spmem:s1] =	stream.indirect.scatter.add.f32 [tilespmem:s16], [sflag:$0x1], $0x10, s30, s15, $0xb8;
	[tilespmem:$0xC900] =	vst v63  }
0x120: {  	_ = 	snop  }
0x121: {  	[spmem:s2] =	stream.indirect.scatter.add.f32 [tilespmem:s16], [sflag:$0x2], $0x10, s31, s15, $0xb8;
	[tilespmem:$0xC900] =	vst v63  }
0x122: {  	_ = 	snop  }
0x123: {  	[spmem:s1] =	stream.indirect.scatter.add.f32 [tilespmem:s16], [sflag:$0x1], $0x10, s0, s15, $0xb8;
	[tilespmem:$0xC900] =	vst v63  }
0x124: {  	_ = 	snop  }
0x125: {  	[spmem:s2] =	stream.indirect.scatter.add.f32 [tilespmem:s16], [sflag:$0x2], $0x10, s17, s15, $0xb8;
	[tilespmem:$0xC900] =	vst v63  }
0x126: {  	_ = 	snop  }
0x127: {  	[spmem:s1] =	stream.indirect.scatter.add.f32 [tilespmem:s16], [sflag:$0x1], $0x10, s18, s15, $0xb8;
	[tilespmem:$0xC900] =	vst v63  }
0x128: {  	_ = 	snop  }
0x129: {  	[spmem:s2] =	stream.indirect.scatter.add.f32 [tilespmem:s16], [sflag:$0x2], $0x10, s19, s15, $0xb8;
	[tilespmem:$0xC900] =	vst v63  }
0x12a: {  	_ =	swait.ge [sflag:s22], $0x2800  }
0x12b: {  	[sflag:s22] =	ssyncset.done $0x0  }
0x12c: {  	[sflag:s22] =	ssyncadd.s32 $0xFFFFD800  }
0x12d: {  	_ =	swait.ge [sflag:s23], $0x2800  }
0x12e: {  	[sflag:s23] =	ssyncset.done $0x0  }
0x12f: {  	[sflag:s23] =	ssyncadd.s32 $0xFFFFD800  }
0x130: {  	_ =	swait.ge [sflag:s22], $0x2800  }
0x131: {  	[sflag:s22] =	ssyncset.done $0x0  }
0x132: {  	[sflag:s22] =	ssyncadd.s32 $0xFFFFD800  }
0x133: {  	_ =	swait.ge [sflag:s23], $0x2800  }
0x134: {  	[sflag:s23] =	ssyncset.done $0x0  }
0x135: {  	[sflag:s23] =	ssyncadd.s32 $0xFFFFD800  }
0x136: {  	_ =	swait.ge [sflag:s22], $0x2800  }
0x137: {  	[sflag:s22] =	ssyncset.done $0x0  }
0x138: {  	[sflag:s22] =	ssyncadd.s32 $0xFFFFD800  }
0x139: {  	_ =	swait.ge [sflag:s23], $0x2800  }
0x13a: {  	[sflag:s23] =	ssyncset.done $0x0  }
0x13b: {  	[sflag:s23] =	ssyncadd.s32 $0xFFFFD800  }
0x13c: {  	_ =	swait.ge [sflag:s22], $0x2800  }
0x13d: {  	[sflag:s22] =	ssyncset.done $0x0  }
0x13e: {  	[sflag:s22] =	ssyncadd.s32 $0xFFFFD800  }
0x13f: {  	_ =	swait.ge [sflag:s23], $0x2800  }
0x140: {  	[sflag:s23] =	ssyncset.done $0x0  }
0x141: {  	[sflag:s23] =	ssyncadd.s32 $0xFFFFD800  }
0x142: {  	s21 =	sshrl.u32 @!p0 s1, $0x3;
	s24 =	simm.s32 @!p0 $0x1C04;
	[bflag:$0x0] =	sbarrier.arrive $0xFFFF  }
0x143: {  	[hbm:s6], [sflag:s24] =	dma.local @!p0 [spmem:s21], $0x5000  }
0x144: {  	s21 =	simm.s32 @!p0 $0x4  }
0x145: {  	s20 =	sadd.s32 $0x1, s20;
	_ =	swait.ge @!p0 [sflag:s21], $0x5000  }
0x146: {  	p1 =	sne.s32 s20, s8;
	[sflag:s21] =	ssyncset.done @!p0 $0x0  }
.Ltmp2:
0x147: {  	s25 =	sshrl.u32 @!p0 s2, $0x3;
	[sflag:s21] =	ssyncadd.s32 @!p0 $0xFFFFB000;
	(pc) =	sbr.rel @p1 .LBB2_1-.Ltmp2, $4  }
0x148: {  	[hbm:s7], [sflag:s24] =	dma.local @!p0 [spmem:s25], $0x5000  }
0x149: {  	_ =	swait.ge @!p0 [sflag:s21], $0x5000  }
0x14a: {  	[sflag:s21] =	ssyncset.done @!p0 $0x0  }
0x14b: {  	[sflag:s21] =	ssyncadd.s32 @!p0 $0xFFFFB000  }
0x14c: {  	_ =	sfence.sel $0x180000  }
0x14d: {  	[bflag:$0x0] =	sbarrier.arrive $0xFFFF  }
0x14e: {  	_ =	strace $0x90000047  }
0x14f: {  	[bflag:$0x2] =	sbarrier.arrive $0xFFFF  }
0x150: {  	s0 =	rddreg [dreg:$0x3]  }
0x151: {  	s0 =	sadd.s32 @!p0 $0x100000, s0  }
0x152: {  	[sflag:s0] =	ssyncadd.tile.s32 @!p0 $0x1;
	_ =	shalt  }
.Lfunc_end2:
_tile_overlayer_lowered:
.L_overlay_start_2:
0x153: {  	(tag) =	ssettag $0x2  }
0x154: {  	s0 =	rddreg [dreg:$0x0];
	s2 =	stileid.u32  }
0x155: {  	s1 =	rddreg [dreg:$0x1];
	p0 =	sne.s32 s2, $0x0  }
0x156: {  	s3 =	rddreg [dreg:$0x2];
	[bflag:$0x3] =	sbarrier.arrive $0xFFFF;
	s2 =	simm.s32 @!p0 $0x1C04  }
0x157: {  	[timem:s3], [sflag:s2] =	dma.local @!p0 [hbm:s0], s1  }
0x158: {  	s0 =	simm.s32 @!p0 $0x4  }
0x159: {  	_ =	swait.ge @!p0 [sflag:s0], s1  }
0x15a: {  	s1 =	ssub.s32 @!p0 $0x0, s1;
	[sflag:s0] =	ssyncset.done @!p0 $0x0  }
0x15b: {  	[sflag:s0] =	ssyncadd.s32 @!p0 s1  }
0x15c: {  	[bflag:$0x3] =	sbarrier.arrive $0xFFFF  }
0x15d: {  	_ =	shalt  }

// kernel: kernel.13.cloned.1.call-start
scs
__scs_entry_jumppad:
0x0: {  	(pc) =	sbr.rel $0x88, $3  }
0x1: {  	(tag) =	ssettag $0x0;
	lr =	simm.s32 $0x1  }
0x2: {  	[smem:$0x3F97] =	sst lr;
	_ =	strace $0xD0000000  }
0x3: {  	_ = 	snop  }
0x4: {  	_ = 	snop  }
0x5: {  	_ = 	snop  }
0x6: {  	_ = 	snop  }
0x7: {  	_ = 	snop  }
__scs_overlays_trampoline_lowered:
0x8: {  	[smem:$0x3FA6] =	sst s0  }
0x9: {  	[smem:$0x3FA7] =	sst s1  }
0xa: {  	[smem:$0x3FA8] =	sst s2  }
0xb: {  	[smem:$0x3FA9] =	sst s3  }
0xc: {  	[smem:$0x3FAA] =	sst s4  }
0xd: {  	[smem:$0x3FAB] =	sst s5  }
0xe: {  	[smem:$0x3FAC] =	sst s6  }
0xf: {  	[smem:$0x3FAD] =	sst s7  }
0x10: {  	[smem:$0x3FAE] =	sst s8  }
0x11: {  	[smem:$0x3FAF] =	sst s9;
	s0 =	simm.s32 @!p0 $0x0  }
0x12: {  	s1 =	sld [smem:$0x3F95];
	s0 =	simm.s32 @p0 $0x1  }
0x13: {  	[smem:$0x3FB0] =	sst s0;
	s0 =	simm.s32 @!p1 $0x0  }
0x14: {  	s2 =	sld [smem:$0x3F94];
	s0 =	simm.s32 @p1 $0x1  }
0x15: {  	[smem:$0x3FB1] =	sst s0;
	s0 =	simm.s32 @!p2 $0x0  }
0x16: {  	s3 =	sld [smem:$0x3FDB];
	s0 =	simm.s32 @p2 $0x1  }
0x17: {  	s4 =	simm.s32 $0x1BF5;
	[smem:$0x3FB3] =	sst s0  }
0x18: {  	s0 =	sld [smem:$0x3F96];
	_ =	swait.ge [sflag:s4], $0x0  }
0x19: {  	s7 =	sld [smem:$0x3F97]  }
0x1a: {  	s8 =	sadd.s32 $0xFFFFE003, lr  }
0x1b: {  	s9 =	sadd.s32 $0xFFFFFEF7, lr;
	s5 =	simm.s32 $0xFFFFFFFF;
	p2 =	slt.u32 s8, $0xFFFFF086  }
0x1c: {  	p1 =	slt.u32 s9, $0xF7A;
	s5 =	simm.s32 @!p2 $0x0  }
0x1d: {  	s5 =	simm.s32 @p1 $0x1;
	p0 =	seq.s32 s7, s2  }
0x1e: {  	s7 =	smul.u32 @!p0 $0xF7A, s2;
	p2 =	seq.s32 @!p0 s5, $0x0  }
0x1f: {  	s9 =	smul.u32 $0xF7A, s1;
	s8 =	simm.s32 @!p0 $0x1BF5;
	p2 =	por !p2, p0  }
0x20: {  	[sflag:s8] =	ssyncset.s32 @!p0 $0xFFFFF086;
	s6 =	sadd.s32 @!p0 s3, s7;
	s7 =	simm.s32 @!p0 $0x108  }
0x21: {  	s3 =	sadd.s32 s3, s9;
	s6 =	sadd.s32 @!p0 $0x88, s6;
	s7 =	simm.s32 @p2 $0x1082  }
0x22: {  	[simem:s7], [sflag:s8] =	dma.local @!p0 [hbm:s6], $0xF7A  }
0x23: {  	s9 =	sor.u32 $0xD0000000, s2;
	s6 =	simm.s32 $0x108;
	_ =	swait.ge @!p0 [sflag:s8], $0x0  }
0x24: {  	s3 =	sadd.s32 $0x88, s3;
	s6 =	simm.s32 @!p1 $0x1082;
	[sflag:s4] =	ssyncset.s32 $0xFFFFF086  }
0x25: {  	[simem:s6], [sflag:s4] =	dma.local [hbm:s3], $0xF7A  }
0x26: {  	[smem:$0x3F97] =	sst s1;
	(tag) =	ssettag s2;
	_ =	strace s9  }
0x27: {  	s1 =	sld [smem:$0x3FA7]  }
0x28: {  	s2 =	sld [smem:$0x3FA8]  }
0x29: {  	s4 =	sld [smem:$0x3FAA]  }
0x2a: {  	p0 =	seq.s32 s5, $0x0;
	s5 =	sld [smem:$0x3FAB]  }
0x2b: {  	s6 =	sld [smem:$0x3FAC]  }
0x2c: {  	s7 =	sld [smem:$0x3FAD]  }
0x2d: {  	s3 =	simm.s32 $0x108;
	s8 =	sld [smem:$0x3FAE]  }
0x2e: {  	s3 =	simm.s32 @!p0 $0x1082;
	s9 =	sld [smem:$0x3FAF]  }
0x2f: {  	lr =	sadd.s32 s0, s3;
	s0 =	sld [smem:$0x3FA6]  }
0x30: {  	s3 =	sld [smem:$0x3FA9]  }
0x31: {  	[smem:$0x3FB2] =	sst s10  }
0x32: {  	s10 =	sld [smem:$0x3FB0];
	_ =	sdelay $0x3  }
0x33: {  	p0 =	seq.s32 s10, $0x1;
	s10 =	sld [smem:$0x3FB2];
	_ =	sdelay $0x3  }
0x34: {  	[smem:$0x3FB2] =	sst s10  }
0x35: {  	s10 =	sld [smem:$0x3FB1];
	_ =	sdelay $0x3  }
0x36: {  	p1 =	seq.s32 s10, $0x1;
	s10 =	sld [smem:$0x3FB2];
	_ =	sdelay $0x3  }
0x37: {  	[smem:$0x3FB2] =	sst s10  }
0x38: {  	s10 =	sld [smem:$0x3FB3]  }
0x39: {  	_ = 	snop;
	(pc) =	sbr.ind lr, $3  }
0x3a: {  	_ = 	snop  }
0x3b: {  	_ = 	snop  }
0x3c: {  	p2 =	seq.s32 s10, $0x1;
	s10 =	sld [smem:$0x3FB2]  }
0x3d: {  	_ =	shalt  }
0x3e: {  	_ =	shalt  }
0x3f: {  	_ =	shalt  }
0x40: {  	_ =	shalt  }
0x41: {  	_ =	shalt  }
0x42: {  	_ =	shalt  }
0x43: {  	_ =	shalt  }
0x44: {  	_ =	shalt  }
0x45: {  	_ =	shalt  }
0x46: {  	_ =	shalt  }
0x47: {  	_ =	shalt  }
0x48: {  	_ =	shalt  }
0x49: {  	_ =	shalt  }
0x4a: {  	_ =	shalt  }
0x4b: {  	_ =	shalt  }
0x4c: {  	_ =	shalt  }
0x4d: {  	_ =	shalt  }
0x4e: {  	_ =	shalt  }
0x4f: {  	_ =	shalt  }
0x50: {  	_ =	shalt  }
0x51: {  	_ =	shalt  }
0x52: {  	_ =	shalt  }
0x53: {  	_ =	shalt  }
0x54: {  	_ =	shalt  }
0x55: {  	_ =	shalt  }
0x56: {  	_ =	shalt  }
0x57: {  	_ =	shalt  }
0x58: {  	_ =	shalt  }
0x59: {  	_ =	shalt  }
0x5a: {  	_ =	shalt  }
0x5b: {  	_ =	shalt  }
0x5c: {  	_ =	shalt  }
0x5d: {  	_ =	shalt  }
0x5e: {  	_ =	shalt  }
0x5f: {  	_ =	shalt  }
0x60: {  	_ =	shalt  }
0x61: {  	_ =	shalt  }
0x62: {  	_ =	shalt  }
0x63: {  	_ =	shalt  }
0x64: {  	_ =	shalt  }
0x65: {  	_ =	shalt  }
0x66: {  	_ =	shalt  }
0x67: {  	_ =	shalt  }
0x68: {  	_ =	shalt  }
0x69: {  	_ =	shalt  }
0x6a: {  	_ =	shalt  }
0x6b: {  	_ =	shalt  }
0x6c: {  	_ =	shalt  }
0x6d: {  	_ =	shalt  }
0x6e: {  	_ =	shalt  }
0x6f: {  	_ =	shalt  }
0x70: {  	_ =	shalt  }
0x71: {  	_ =	shalt  }
0x72: {  	_ =	shalt  }
0x73: {  	_ =	shalt  }
0x74: {  	_ =	shalt  }
0x75: {  	_ =	shalt  }
0x76: {  	_ =	shalt  }
0x77: {  	_ =	shalt  }
0x78: {  	_ =	shalt  }
0x79: {  	_ =	shalt  }
0x7a: {  	_ =	shalt  }
0x7b: {  	_ =	shalt  }
0x7c: {  	_ =	shalt  }
0x7d: {  	_ =	shalt  }
0x7e: {  	_ =	shalt  }
0x7f: {  	_ =	shalt  }
0x80: {  	_ =	shalt  }
0x81: {  	_ =	shalt  }
0x82: {  	_ =	shalt  }
0x83: {  	_ =	shalt  }
0x84: {  	_ =	shalt  }
0x85: {  	_ =	shalt  }
0x86: {  	_ =	shalt  }
0x87: {  	_ =	shalt  }
.Lfunc_end0:
.L_simem_size_0:
called_computation.1_lowered:
.L_overlay_start_0:
0x88: {  	s2 =	sld [smem:$0x3FD9]  }
0x89: {  	s3 =	sld [smem:$0x3FFE];
	_ =	sdelay $0x1  }
0x8a: {  	s1 =	srdreg.scid  }
0x8b: {  	s0 =	sand.u32 $0x1, s1  }
0x8c: {  	s16 =	sshll.u32 s0, $0xA;
	s2 =	sadd.s32 s3, s2  }
0x8d: {  	s2 =	sadd.s32 s2, s16  }
0x8e: {  	[smem:$0x3FBE] =	sst s2  }
0x8f: {  	_ = 	snop  }
0x90: {  	(tm) =	ssettm $0x1  }
0x91: {  	s17 =	sld [smem:$0x3FFB];
	_ =	sdelay $0x3  }
0x92: {  	_ =	strace s17  }
0x93: {  	s2 =	sld [smem:$0x3FFC];
	_ =	sdelay $0x3  }
0x94: {  	_ =	strace s2  }
0x95: {  	s2 =	sld [smem:$0x3FFD];
	_ =	sdelay $0x3  }
0x96: {  	_ =	strace s2  }
0x97: {  	_ =	strace $0x8FFFFFFF  }
0x98: {  	s18 =	sld [smem:$0x3FDB];
	_ =	sdelay $0x1  }
0x99: {  	s19 =	simm.s32 $_scs_section_size  }
0x9a: {  	s4 =	simm.s32 $_size__tile_overlayer_lowered;
	s5 =	simm.s32 $_tile_overlayer_lowered  }
0x9b: {  	s22 =	simm.s32 $0x1BFF;
	s21 =	sshll.u32 s5, $0x1;
	s2 =	sadd.s32 s19, s18  }
0x9c: {  	s6 =	simm.s32 $0x0;
	s20 =	sshll.u32 s4, $0x1;
	s4 =	sadd.s32 s21, s2  }
0x9d: {  	[timem:s6], [sflag:s22] =	dma.local [hbm:s4], s20  }
0x9e: {  	_ =	swait.ge [sflag:s22], s20  }
0x9f: {  	s3 =	ssub.s32 $0x0, s20;
	[sflag:s22] =	ssyncset.done $0x0  }
0xa0: {  	[sflag:s22] =	ssyncadd.s32 s3;
	_ =	sdelay $0x1  }
0xa1: {  	s23 =	simm.s32 $0x1B8B  }
0xa2: {  	_ =	swait.ge [sflag:s23], $0x1  }
0xa3: {  	[sflag:s23] =	ssyncset.done $0x0  }
0xa4: {  	s25 =	simm.s32 $0x1B8E;
	s24 =	sld [smem:$0x3FFE];
	[sflag:s23] =	ssyncadd.s32 $0xFFFFFFFF  }
0xa5: {  	s26 =	simm.s32 $execute0_lowered;
	[smem:$0x3FD2] =	sst s25  }
0xa6: {  	s4 =	sshll.u32 s26, $0x1;
	_ =	strace $0x80000049;
	[dreg:$0x1] =	wrdreg $0xFFFFFFFF  }
0xa7: {  	s28 =	simm.s32 $_size_execute0_lowered;
	s2 =	sadd.s32 s2, s4;
	[dreg:$0x0] =	wrdreg $0x0  }
0xa8: {  	s4 =	sshll.u32 s28, $0x1;
	[dreg:$0x2] =	wrdreg s2  }
0xa9: {  	[dreg:$0x3] =	wrdreg s4  }
0xaa: {  	[dreg:$0x4] =	wrdreg $0xC0  }
0xab: {  	_ =	task [dreg:s6], $0x5FFFF  }
0xac: {  	[dreg:$0x1] =	wrdreg $0xFFFFFFFF  }
0xad: {  	[dreg:$0x0] =	wrdreg $0x60  }
0xae: {  	[dreg:$0x2] =	wrdreg s24  }
0xaf: {  	[dreg:$0x3] =	wrdreg $0xF4000  }
0xb0: {  	[dreg:$0x4] =	wrdreg $0x9  }
0xb1: {  	_ =	task.clear_ibuf [dreg:s6], $0x5FFFF;
	_ =	strace $0x90000049  }
0xb2: {  	s29 =	simm.s32 $0x9;
	_ =	strace $0x8000004B  }
0xb3: {  	_ =	swait.ge [sflag:s29], $0x1  }
0xb4: {  	[sflag:s29] =	ssyncadd.s32 $0xFFFFFFFF  }
0xb5: {  	_ =	strace $0x9000004B  }
0xb6: {  	_ =	sfence  }
0xb7: {  	s30 =	sld [smem:$0x0];
	_ =	sdelay $0x2  }
0xb8: {  	s31 =	sshll.u32 s1, $0xD;
	s1 =	sshrl.u32 s1, $0x2  }
0xb9: {  	s3 =	sand.u32 $0x4000, s31;
	s1 =	sadd.s32 s1, s30  }
0xba: {  	s0 =	sor.u32 s3, s0;
	s1 =	sshll.u32 s1, $0x11  }
0xbb: {  	s0 =	sor.u32 s1, s0  }
0xbc: {  	s0 =	sadd.s32 $0x8F2B, s0  }
0xbd: {  	[sflag:s0] =	ssyncadd.remote.s32 $0x1  }
0xbe: {  	_ =	sfence.sel $0xFFFF  }
0xbf: {  	[dreg:$0x0] =	wrdreg $0xFFFFFFFF;
	(pc) =	sbr.abs _section_cstart, $3  }
0xc0: {  	[dreg:$0x1] =	wrdreg $0xFFFFFFFF  }
0xc1: {  	_ =	task.clear_ibuf [dreg:s6], $0x2FFFF;
	_ =	strace $0x9FFFFFFF  }
0xc2: {  	(tm) =	ssettm $0x7FFFFFFF  }
0xc3: {  	_ =	shalt  }
tec
execute0_lowered:
.L_overlay_start_1:
0x0: {  	(tag) =	ssettag $0x1  }
0x1: {  	s0 =	srdreg.scid;
	s8 =	stileid.u32  }
0x2: {  	s2 =	rddreg [dreg:$0x0];
	s4 =	simm.s32 $0x0;
	s0 =	sand.u32 $0x1, s0  }
0x3: {  	s3 =	sshll.u32 s8, $0x6;
	[smem:$0x7FF] =	sst s4;
	s7 =	smul.u32 $0x14000, s8  }
0x4: {  	s5 =	sadd.s32 $0x17E00, s2;
	s8 =	smul.u32 $0x28000, s8;
	s1 =	sshll.u32 s0, $0x5  }
0x5: {  	[dreg:$0x3] =	wrdreg s3;
	s6 =	smul.u32 $0x140000, s0;
	s0 =	ssub.s32 $0x2, s0  }
0x6: {  	s1 =	sor.u32 s1, s3;
	s3 =	rddreg [dreg:$0x1];
	_ =	strace $0x8000004A  }
0x7: {  	s9 =	sshrl.u32 s0, $0x1;
	s17 =	sshrl.u32 s8, $0x2;
	s1 =	smul.u32 $0x140, s1  }
0x8: {  	s6 =	sadd.s32 s7, s6;
	s0 =	ssub.s32 s0, s9;
	s7 =	sshrl.u32 s7, $0x1  }
0x9: {  	s20 =	sadd.s32 s7, s3;
	s0 =	smax.u32 s0, $0x1;
	s1 =	sshrl.u32 s1, $0x3  }
0xa: {  	[dreg:$0x7] =	wrdreg s0;
	s14 =	sshrl.u32 s20, $0x3;
	s1 =	sadd.s32 s1, s2  }
0xb: {  	s6 =	sshrl.u32 s6, $0x4;
	[dreg:$0x16] =	wrdreg s14;
	s18 =	sadd.s32 $0x3E00, s1  }
0xc: {  	s2 =	sadd.s32 s6, s2;
	s1 =	sadd.s32 $0xDE00, s1;
	[dreg:$0x4] =	wrdreg s18  }
0xd: {  	s6 =	sadd.s32 s17, s3;
	s19 =	sadd.s32 $0x2BE00, s2;
	[dreg:$0x5] =	wrdreg s1  }
0xe: {  	s21 =	sadd.s32 $0x400, s6;
	[dreg:$0x6] =	wrdreg s19  }
0xf: {  	s22 =	sadd.s32 $0x800, s6;
	[dreg:$0x8] =	wrdreg s21  }
0x10: {  	s23 =	sadd.s32 $0xC00, s6;
	[dreg:$0x9] =	wrdreg s22  }
0x11: {  	s24 =	sadd.s32 $0x1000, s6;
	[dreg:$0xa] =	wrdreg s23  }
0x12: {  	s25 =	sadd.s32 $0x1400, s6;
	[dreg:$0xb] =	wrdreg s24  }
0x13: {  	s26 =	sadd.s32 $0x1800, s6;
	[dreg:$0xc] =	wrdreg s25  }
0x14: {  	s2 =	sadd.s32 $0x1C00, s6;
	[dreg:$0xd] =	wrdreg s26  }
0x15: {  	s7 =	sadd.s32 $0x2000, s6;
	[dreg:$0xe] =	wrdreg s2  }
0x16: {  	s8 =	sadd.s32 $0x2400, s6;
	[dreg:$0xf] =	wrdreg s7  }
0x17: {  	s9 =	sadd.s32 $0x2800, s6;
	[dreg:$0x10] =	wrdreg s8  }
0x18: {  	s10 =	sadd.s32 $0x2C00, s6;
	[dreg:$0x11] =	wrdreg s9  }
0x19: {  	s11 =	sadd.s32 $0x3000, s6;
	[dreg:$0x12] =	wrdreg s10  }
0x1a: {  	s28 =	simm.s32 $0x140;
	s12 =	sadd.s32 $0x3400, s6;
	[dreg:$0x13] =	wrdreg s11  }
0x1b: {  	s29 =	simm.s32 $0x5000;
	s13 =	sadd.s32 $0x3800, s6;
	[dreg:$0x14] =	wrdreg s12  }
0x1c: {  	s30 =	simm.s32 $0xA000;
	s15 =	sadd.s32 $0x3C00, s6;
	[dreg:$0x15] =	wrdreg s13  }
0x1d: {  	s31 =	simm.s32 $0x1;
	s16 =	sadd.s32 $0x4000, s6;
	[dreg:$0x17] =	wrdreg s15  }
0x1e: {  	s0 =	simm.s32 $0x0;
	s17 =	sadd.s32 $0x4400, s6;
	[dreg:$0x18] =	wrdreg s16  }
0x1f: {  	s20 =	sadd.s32 $0x5000, s6;
	s14 =	sadd.s32 $0x7800, s6;
	[dreg:$0x19] =	wrdreg s17  }
0x20: {  	s18 =	sadd.s32 $0x4800, s6;
	s19 =	sadd.s32 $0x4C00, s6;
	[dreg:$0x1c] =	wrdreg s20  }
0x21: {  	s21 =	sadd.s32 $0x5400, s6;
	s22 =	sadd.s32 $0x5800, s6;
	[dreg:$0x1a] =	wrdreg s18  }
0x22: {  	s23 =	sadd.s32 $0x5C00, s6;
	s24 =	sadd.s32 $0x6000, s6;
	[dreg:$0x1b] =	wrdreg s19  }
0x23: {  	s25 =	sadd.s32 $0x6400, s6;
	s26 =	sadd.s32 $0x6800, s6;
	[dreg:$0x1d] =	wrdreg s21  }
0x24: {  	s11 =	sadd.s32 $0x6C00, s6;
	s12 =	sadd.s32 $0x7000, s6;
	[dreg:$0x1e] =	wrdreg s22  }
0x25: {  	s13 =	sadd.s32 $0x7400, s6;
	s15 =	sadd.s32 $0x7C00, s6;
	[dreg:$0x1f] =	wrdreg s23  }
0x26: {  	s16 =	sadd.s32 $0x8000, s6;
	s17 =	sadd.s32 $0x8400, s6;
	[smem:$0x7FB] =	sst s24  }
0x27: {  	s20 =	sadd.s32 $0x9000, s6;
	s1 =	simm.s32 $0x2;
	[smem:$0x7FC] =	sst s25  }
0x28: {  	[smem:$0x7FD] =	sst s26;
	s18 =	sadd.s32 $0x8800, s6;
	s19 =	sadd.s32 $0x8C00, s6  }
0x29: {  	s21 =	sadd.s32 $0x9400, s6;
	s22 =	sadd.s32 $0x9800, s6;
	s23 =	sadd.s32 $0x9C00, s6  }
0x2a: {  	v0 =	vimm.bf16 $0.0e+00;
	s24 =	simm.s32 $0xF000;
	s25 =	simm.s32 $0x3;
	s26 =	simm.s32 $0x4  }
.LBB2_1:
0x2b: {  	[tilespmem:$0xF000] =	vst v0  }
0x2c: {  	[tilespmem:$0xF010] =	vst v0  }
0x2d: {  	[tilespmem:$0xF020] =	vst v0  }
0x2e: {  	[tilespmem:$0xF030] =	vst v0  }
0x2f: {  	[tilespmem:$0xF040] =	vst v0  }
0x30: {  	[tilespmem:$0xF050] =	vst v0  }
0x31: {  	[tilespmem:$0xF060] =	vst v0  }
0x32: {  	[tilespmem:$0xF070] =	vst v0  }
0x33: {  	[tilespmem:$0xF080] =	vst v0  }
0x34: {  	[tilespmem:$0xF090] =	vst v0  }
0x35: {  	[tilespmem:$0xF0A0] =	vst v0  }
0x36: {  	[tilespmem:$0xF0B0] =	vst v0  }
0x37: {  	[tilespmem:$0xF0C0] =	vst v0  }
0x38: {  	[tilespmem:$0xF0D0] =	vst v0  }
0x39: {  	[tilespmem:$0xF0E0] =	vst v0  }
0x3a: {  	[tilespmem:$0xF0F0] =	vst v0  }
0x3b: {  	[tilespmem:$0xF100] =	vst v0  }
0x3c: {  	[tilespmem:$0xF110] =	vst v0  }
0x3d: {  	[tilespmem:$0xF120] =	vst v0  }
0x3e: {  	[tilespmem:$0xF130] =	vst v0  }
0x3f: {  	[tilespmem:$0xF140] =	vst v0  }
0x40: {  	[tilespmem:$0xF150] =	vst v0  }
0x41: {  	[tilespmem:$0xF160] =	vst v0  }
0x42: {  	[tilespmem:$0xF170] =	vst v0  }
0x43: {  	[tilespmem:$0xF180] =	vst v0  }
0x44: {  	[tilespmem:$0xF190] =	vst v0  }
0x45: {  	[tilespmem:$0xF1A0] =	vst v0  }
0x46: {  	[tilespmem:$0xF1B0] =	vst v0  }
0x47: {  	[tilespmem:$0xF1C0] =	vst v0  }
0x48: {  	[tilespmem:$0xF1D0] =	vst v0  }
0x49: {  	[tilespmem:$0xF1E0] =	vst v0  }
0x4a: {  	[tilespmem:$0xF1F0] =	vst v0  }
0x4b: {  	[tilespmem:$0xF200] =	vst v0  }
0x4c: {  	[tilespmem:$0xF210] =	vst v0  }
0x4d: {  	[tilespmem:$0xF220] =	vst v0  }
0x4e: {  	[tilespmem:$0xF230] =	vst v0  }
0x4f: {  	[tilespmem:$0xF240] =	vst v0  }
0x50: {  	[tilespmem:$0xF250] =	vst v0  }
0x51: {  	[tilespmem:$0xF260] =	vst v0  }
0x52: {  	[tilespmem:$0xF270] =	vst v0  }
0x53: {  	[tilespmem:$0xF280] =	vst v0  }
0x54: {  	[tilespmem:$0xF290] =	vst v0  }
0x55: {  	[tilespmem:$0xF2A0] =	vst v0  }
0x56: {  	[tilespmem:$0xF2B0] =	vst v0  }
0x57: {  	[tilespmem:$0xF2C0] =	vst v0  }
0x58: {  	[tilespmem:$0xF2D0] =	vst v0  }
0x59: {  	[tilespmem:$0xF2E0] =	vst v0  }
0x5a: {  	[tilespmem:$0xF2F0] =	vst v0  }
0x5b: {  	[tilespmem:$0xF300] =	vst v0  }
0x5c: {  	[tilespmem:$0xF310] =	vst v0  }
0x5d: {  	[tilespmem:$0xF320] =	vst v0  }
0x5e: {  	[tilespmem:$0xF330] =	vst v0  }
0x5f: {  	[tilespmem:$0xF340] =	vst v0  }
0x60: {  	[tilespmem:$0xF350] =	vst v0  }
0x61: {  	[tilespmem:$0xF360] =	vst v0  }
0x62: {  	[tilespmem:$0xF370] =	vst v0  }
0x63: {  	[tilespmem:$0xF380] =	vst v0  }
0x64: {  	[tilespmem:$0xF390] =	vst v0  }
0x65: {  	[tilespmem:$0xF3A0] =	vst v0  }
0x66: {  	[tilespmem:$0xF3B0] =	vst v0  }
0x67: {  	[tilespmem:$0xF3C0] =	vst v0  }
0x68: {  	[tilespmem:$0xF3D0] =	vst v0  }
0x69: {  	[tilespmem:$0xF3E0] =	vst v0  }
0x6a: {  	[tilespmem:$0xF3F0] =	vst v0  }
0x6b: {  	[spmem:s6] =	stream.linear.scatter [tilespmem:s24], [sflag:$0x3], $0x400, $0x38;
	[tilespmem:$0x19400] =	vst v63  }
0x6c: {  	s2 =	rddreg [dreg:$0x8]  }
0x6d: {  	[spmem:s2] =	stream.linear.scatter [tilespmem:s24], [sflag:$0x3], $0x400, $0x38;
	[tilespmem:$0x19400] =	vst v63  }
0x6e: {  	s8 =	rddreg [dreg:$0x9]  }
0x6f: {  	[spmem:s8] =	stream.linear.scatter [tilespmem:s24], [sflag:$0x3], $0x400, $0x38;
	[tilespmem:$0x19400] =	vst v63  }
0x70: {  	s9 =	rddreg [dreg:$0xa]  }
0x71: {  	[spmem:s9] =	stream.linear.scatter [tilespmem:s24], [sflag:$0x3], $0x400, $0x38;
	[tilespmem:$0x19400] =	vst v63  }
0x72: {  	_ =	swait.ge [sflag:s25], $0x400  }
0x73: {  	[sflag:s25] =	ssyncset.done $0x0  }
0x74: {  	[sflag:s25] =	ssyncadd.s32 $0xFFFFFC00  }
0x75: {  	_ =	swait.ge [sflag:s25], $0x400  }
0x76: {  	[sflag:s25] =	ssyncset.done $0x0  }
0x77: {  	[sflag:s25] =	ssyncadd.s32 $0xFFFFFC00  }
0x78: {  	_ =	swait.ge [sflag:s25], $0x400  }
0x79: {  	[sflag:s25] =	ssyncset.done $0x0  }
0x7a: {  	[sflag:s25] =	ssyncadd.s32 $0xFFFFFC00  }
0x7b: {  	_ =	swait.ge [sflag:s25], $0x400  }
0x7c: {  	[sflag:s25] =	ssyncset.done $0x0  }
0x7d: {  	s10 =	rddreg [dreg:$0xb];
	[sflag:s25] =	ssyncadd.s32 $0xFFFFFC00  }
0x7e: {  	[spmem:s10] =	stream.linear.scatter [tilespmem:s24], [sflag:$0x3], $0x400, $0x38;
	[tilespmem:$0x19400] =	vst v63  }
0x7f: {  	s7 =	rddreg [dreg:$0xc]  }
0x80: {  	[spmem:s7] =	stream.linear.scatter [tilespmem:s24], [sflag:$0x3], $0x400, $0x38;
	[tilespmem:$0x19400] =	vst v63  }
0x81: {  	s8 =	rddreg [dreg:$0xd]  }
0x82: {  	[spmem:s8] =	stream.linear.scatter [tilespmem:s24], [sflag:$0x3], $0x400, $0x38;
	[tilespmem:$0x19400] =	vst v63  }
0x83: {  	s9 =	rddreg [dreg:$0xe]  }
0x84: {  	[spmem:s9] =	stream.linear.scatter [tilespmem:s24], [sflag:$0x3], $0x400, $0x38;
	[tilespmem:$0x19400] =	vst v63  }
0x85: {  	_ =	swait.ge [sflag:s25], $0x400  }
0x86: {  	[sflag:s25] =	ssyncset.done $0x0  }
0x87: {  	[sflag:s25] =	ssyncadd.s32 $0xFFFFFC00  }
0x88: {  	_ =	swait.ge [sflag:s25], $0x400  }
0x89: {  	[sflag:s25] =	ssyncset.done $0x0  }
0x8a: {  	[sflag:s25] =	ssyncadd.s32 $0xFFFFFC00  }
0x8b: {  	_ =	swait.ge [sflag:s25], $0x400  }
0x8c: {  	[sflag:s25] =	ssyncset.done $0x0  }
0x8d: {  	[sflag:s25] =	ssyncadd.s32 $0xFFFFFC00  }
0x8e: {  	_ =	swait.ge [sflag:s25], $0x400  }
0x8f: {  	[sflag:s25] =	ssyncset.done $0x0  }
0x90: {  	s10 =	rddreg [dreg:$0xf];
	[sflag:s25] =	ssyncadd.s32 $0xFFFFFC00  }
0x91: {  	[spmem:s10] =	stream.linear.scatter [tilespmem:s24], [sflag:$0x3], $0x400, $0x38;
	[tilespmem:$0x19400] =	vst v63  }
0x92: {  	s7 =	rddreg [dreg:$0x10]  }
0x93: {  	[spmem:s7] =	stream.linear.scatter [tilespmem:s24], [sflag:$0x3], $0x400, $0x38;
	[tilespmem:$0x19400] =	vst v63  }
0x94: {  	s8 =	rddreg [dreg:$0x11]  }
0x95: {  	[spmem:s8] =	stream.linear.scatter [tilespmem:s24], [sflag:$0x3], $0x400, $0x38;
	[tilespmem:$0x19400] =	vst v63  }
0x96: {  	s9 =	rddreg [dreg:$0x12]  }
0x97: {  	[spmem:s9] =	stream.linear.scatter [tilespmem:s24], [sflag:$0x3], $0x400, $0x38;
	[tilespmem:$0x19400] =	vst v63  }
0x98: {  	_ =	swait.ge [sflag:s25], $0x400  }
0x99: {  	[sflag:s25] =	ssyncset.done $0x0  }
0x9a: {  	[sflag:s25] =	ssyncadd.s32 $0xFFFFFC00  }
0x9b: {  	_ =	swait.ge [sflag:s25], $0x400  }
0x9c: {  	[sflag:s25] =	ssyncset.done $0x0  }
0x9d: {  	[sflag:s25] =	ssyncadd.s32 $0xFFFFFC00  }
0x9e: {  	_ =	swait.ge [sflag:s25], $0x400  }
0x9f: {  	[sflag:s25] =	ssyncset.done $0x0  }
0xa0: {  	[sflag:s25] =	ssyncadd.s32 $0xFFFFFC00  }
0xa1: {  	_ =	swait.ge [sflag:s25], $0x400  }
0xa2: {  	[sflag:s25] =	ssyncset.done $0x0  }
0xa3: {  	s10 =	rddreg [dreg:$0x13];
	[sflag:s25] =	ssyncadd.s32 $0xFFFFFC00  }
0xa4: {  	[spmem:s10] =	stream.linear.scatter [tilespmem:s24], [sflag:$0x3], $0x400, $0x38;
	[tilespmem:$0x19400] =	vst v63  }
0xa5: {  	s7 =	rddreg [dreg:$0x14]  }
0xa6: {  	[spmem:s7] =	stream.linear.scatter [tilespmem:s24], [sflag:$0x3], $0x400, $0x38;
	[tilespmem:$0x19400] =	vst v63  }
0xa7: {  	s8 =	rddreg [dreg:$0x15]  }
0xa8: {  	[spmem:s8] =	stream.linear.scatter [tilespmem:s24], [sflag:$0x3], $0x400, $0x38;
	[tilespmem:$0x19400] =	vst v63  }
0xa9: {  	s9 =	rddreg [dreg:$0x17]  }
0xaa: {  	[spmem:s9] =	stream.linear.scatter [tilespmem:s24], [sflag:$0x3], $0x400, $0x38;
	[tilespmem:$0x19400] =	vst v63  }
0xab: {  	_ =	swait.ge [sflag:s25], $0x400  }
0xac: {  	[sflag:s25] =	ssyncset.done $0x0  }
0xad: {  	[sflag:s25] =	ssyncadd.s32 $0xFFFFFC00  }
0xae: {  	_ =	swait.ge [sflag:s25], $0x400  }
0xaf: {  	[sflag:s25] =	ssyncset.done $0x0  }
0xb0: {  	[sflag:s25] =	ssyncadd.s32 $0xFFFFFC00  }
0xb1: {  	_ =	swait.ge [sflag:s25], $0x400  }
0xb2: {  	[sflag:s25] =	ssyncset.done $0x0  }
0xb3: {  	[sflag:s25] =	ssyncadd.s32 $0xFFFFFC00  }
0xb4: {  	_ =	swait.ge [sflag:s25], $0x400  }
0xb5: {  	[sflag:s25] =	ssyncset.done $0x0  }
0xb6: {  	s10 =	rddreg [dreg:$0x18];
	[sflag:s25] =	ssyncadd.s32 $0xFFFFFC00  }
0xb7: {  	[spmem:s10] =	stream.linear.scatter [tilespmem:s24], [sflag:$0x3], $0x400, $0x38;
	[tilespmem:$0x19400] =	vst v63  }
0xb8: {  	s7 =	rddreg [dreg:$0x19]  }
0xb9: {  	[spmem:s7] =	stream.linear.scatter [tilespmem:s24], [sflag:$0x3], $0x400, $0x38;
	[tilespmem:$0x19400] =	vst v63  }
0xba: {  	s8 =	rddreg [dreg:$0x1a]  }
0xbb: {  	[spmem:s8] =	stream.linear.scatter [tilespmem:s24], [sflag:$0x3], $0x400, $0x38;
	[tilespmem:$0x19400] =	vst v63  }
0xbc: {  	s9 =	rddreg [dreg:$0x1b]  }
0xbd: {  	[spmem:s9] =	stream.linear.scatter [tilespmem:s24], [sflag:$0x3], $0x400, $0x38;
	[tilespmem:$0x19400] =	vst v63  }
0xbe: {  	_ =	swait.ge [sflag:s25], $0x400  }
0xbf: {  	[sflag:s25] =	ssyncset.done $0x0  }
0xc0: {  	[sflag:s25] =	ssyncadd.s32 $0xFFFFFC00  }
0xc1: {  	_ =	swait.ge [sflag:s25], $0x400  }
0xc2: {  	[sflag:s25] =	ssyncset.done $0x0  }
0xc3: {  	[sflag:s25] =	ssyncadd.s32 $0xFFFFFC00  }
0xc4: {  	_ =	swait.ge [sflag:s25], $0x400  }
0xc5: {  	[sflag:s25] =	ssyncset.done $0x0  }
0xc6: {  	[sflag:s25] =	ssyncadd.s32 $0xFFFFFC00  }
0xc7: {  	_ =	swait.ge [sflag:s25], $0x400  }
0xc8: {  	[sflag:s25] =	ssyncset.done $0x0  }
0xc9: {  	s10 =	rddreg [dreg:$0x1c];
	[sflag:s25] =	ssyncadd.s32 $0xFFFFFC00  }
0xca: {  	[spmem:s10] =	stream.linear.scatter [tilespmem:s24], [sflag:$0x3], $0x400, $0x38;
	[tilespmem:$0x19400] =	vst v63  }
0xcb: {  	s7 =	rddreg [dreg:$0x1d]  }
0xcc: {  	[spmem:s7] =	stream.linear.scatter [tilespmem:s24], [sflag:$0x3], $0x400, $0x38;
	[tilespmem:$0x19400] =	vst v63  }
0xcd: {  	s8 =	rddreg [dreg:$0x1e]  }
0xce: {  	[spmem:s8] =	stream.linear.scatter [tilespmem:s24], [sflag:$0x3], $0x400, $0x38;
	[tilespmem:$0x19400] =	vst v63  }
0xcf: {  	s9 =	rddreg [dreg:$0x1f]  }
0xd0: {  	[spmem:s9] =	stream.linear.scatter [tilespmem:s24], [sflag:$0x3], $0x400, $0x38;
	[tilespmem:$0x19400] =	vst v63  }
0xd1: {  	_ =	swait.ge [sflag:s25], $0x400  }
0xd2: {  	[sflag:s25] =	ssyncset.done $0x0  }
0xd3: {  	[sflag:s25] =	ssyncadd.s32 $0xFFFFFC00  }
0xd4: {  	_ =	swait.ge [sflag:s25], $0x400  }
0xd5: {  	[sflag:s25] =	ssyncset.done $0x0  }
0xd6: {  	[sflag:s25] =	ssyncadd.s32 $0xFFFFFC00  }
0xd7: {  	_ =	swait.ge [sflag:s25], $0x400  }
0xd8: {  	[sflag:s25] =	ssyncset.done $0x0  }
0xd9: {  	[sflag:s25] =	ssyncadd.s32 $0xFFFFFC00  }
0xda: {  	_ =	swait.ge [sflag:s25], $0x400  }
0xdb: {  	s10 =	sld [smem:$0x7FB]  }
0xdc: {  	[sflag:s25] =	ssyncset.done $0x0  }
0xdd: {  	s7 =	sld [smem:$0x7FC];
	[sflag:s25] =	ssyncadd.s32 $0xFFFFFC00  }
0xde: {  	[spmem:s10] =	stream.linear.scatter [tilespmem:s24], [sflag:$0x3], $0x400, $0x38;
	[tilespmem:$0x19400] =	vst v63  }
0xdf: {  	s8 =	sld [smem:$0x7FD]  }
0xe0: {  	[spmem:s7] =	stream.linear.scatter [tilespmem:s24], [sflag:$0x3], $0x400, $0x38;
	[tilespmem:$0x19400] =	vst v63  }
0xe1: {  	_ = 	snop  }
0xe2: {  	[spmem:s8] =	stream.linear.scatter [tilespmem:s24], [sflag:$0x3], $0x400, $0x38;
	[tilespmem:$0x19400] =	vst v63  }
0xe3: {  	_ = 	snop  }
0xe4: {  	[spmem:s11] =	stream.linear.scatter [tilespmem:s24], [sflag:$0x3], $0x400, $0x38;
	[tilespmem:$0x19400] =	vst v63  }
0xe5: {  	_ =	swait.ge [sflag:s25], $0x400  }
0xe6: {  	[sflag:s25] =	ssyncset.done $0x0  }
0xe7: {  	[sflag:s25] =	ssyncadd.s32 $0xFFFFFC00  }
0xe8: {  	_ =	swait.ge [sflag:s25], $0x400  }
0xe9: {  	[sflag:s25] =	ssyncset.done $0x0  }
0xea: {  	[sflag:s25] =	ssyncadd.s32 $0xFFFFFC00  }
0xeb: {  	_ =	swait.ge [sflag:s25], $0x400  }
0xec: {  	[sflag:s25] =	ssyncset.done $0x0  }
0xed: {  	[sflag:s25] =	ssyncadd.s32 $0xFFFFFC00  }
0xee: {  	_ =	swait.ge [sflag:s25], $0x400  }
0xef: {  	[sflag:s25] =	ssyncset.done $0x0  }
0xf0: {  	[sflag:s25] =	ssyncadd.s32 $0xFFFFFC00  }
0xf1: {  	[spmem:s12] =	stream.linear.scatter [tilespmem:s24], [sflag:$0x3], $0x400, $0x38;
	[tilespmem:$0x19400] =	vst v63  }
0xf2: {  	_ = 	snop  }
0xf3: {  	[spmem:s13] =	stream.linear.scatter [tilespmem:s24], [sflag:$0x3], $0x400, $0x38;
	[tilespmem:$0x19400] =	vst v63  }
0xf4: {  	_ = 	snop  }
0xf5: {  	[spmem:s14] =	stream.linear.scatter [tilespmem:s24], [sflag:$0x3], $0x400, $0x38;
	[tilespmem:$0x19400] =	vst v63  }
0xf6: {  	_ = 	snop  }
0xf7: {  	[spmem:s15] =	stream.linear.scatter [tilespmem:s24], [sflag:$0x3], $0x400, $0x38;
	[tilespmem:$0x19400] =	vst v63  }
0xf8: {  	_ =	swait.ge [sflag:s25], $0x400  }
0xf9: {  	[sflag:s25] =	ssyncset.done $0x0  }
0xfa: {  	[sflag:s25] =	ssyncadd.s32 $0xFFFFFC00  }
0xfb: {  	_ =	swait.ge [sflag:s25], $0x400  }
0xfc: {  	[sflag:s25] =	ssyncset.done $0x0  }
0xfd: {  	[sflag:s25] =	ssyncadd.s32 $0xFFFFFC00  }
0xfe: {  	_ =	swait.ge [sflag:s25], $0x400  }
0xff: {  	[sflag:s25] =	ssyncset.done $0x0  }
0x100: {  	[sflag:s25] =	ssyncadd.s32 $0xFFFFFC00  }
0x101: {  	_ =	swait.ge [sflag:s25], $0x400  }
0x102: {  	[sflag:s25] =	ssyncset.done $0x0  }
0x103: {  	[sflag:s25] =	ssyncadd.s32 $0xFFFFFC00  }
0x104: {  	[spmem:s16] =	stream.linear.scatter [tilespmem:s24], [sflag:$0x3], $0x400, $0x38;
	[tilespmem:$0x19400] =	vst v63  }
0x105: {  	_ = 	snop  }
0x106: {  	[spmem:s17] =	stream.linear.scatter [tilespmem:s24], [sflag:$0x3], $0x400, $0x38;
	[tilespmem:$0x19400] =	vst v63  }
0x107: {  	_ = 	snop  }
0x108: {  	[spmem:s18] =	stream.linear.scatter [tilespmem:s24], [sflag:$0x3], $0x400, $0x38;
	[tilespmem:$0x19400] =	vst v63  }
0x109: {  	_ = 	snop  }
0x10a: {  	[spmem:s19] =	stream.linear.scatter [tilespmem:s24], [sflag:$0x3], $0x400, $0x38;
	[tilespmem:$0x19400] =	vst v63  }
0x10b: {  	_ =	swait.ge [sflag:s25], $0x400  }
0x10c: {  	[sflag:s25] =	ssyncset.done $0x0  }
0x10d: {  	[sflag:s25] =	ssyncadd.s32 $0xFFFFFC00  }
0x10e: {  	_ =	swait.ge [sflag:s25], $0x400  }
0x10f: {  	[sflag:s25] =	ssyncset.done $0x0  }
0x110: {  	[sflag:s25] =	ssyncadd.s32 $0xFFFFFC00  }
0x111: {  	_ =	swait.ge [sflag:s25], $0x400  }
0x112: {  	[sflag:s25] =	ssyncset.done $0x0  }
0x113: {  	[sflag:s25] =	ssyncadd.s32 $0xFFFFFC00  }
0x114: {  	_ =	swait.ge [sflag:s25], $0x400  }
0x115: {  	[sflag:s25] =	ssyncset.done $0x0  }
0x116: {  	[sflag:s25] =	ssyncadd.s32 $0xFFFFFC00  }
0x117: {  	[spmem:s20] =	stream.linear.scatter [tilespmem:s24], [sflag:$0x3], $0x400, $0x38;
	[tilespmem:$0x19400] =	vst v63  }
0x118: {  	_ = 	snop  }
0x119: {  	[spmem:s21] =	stream.linear.scatter [tilespmem:s24], [sflag:$0x3], $0x400, $0x38;
	[tilespmem:$0x19400] =	vst v63  }
0x11a: {  	_ = 	snop  }
0x11b: {  	[spmem:s22] =	stream.linear.scatter [tilespmem:s24], [sflag:$0x3], $0x400, $0x38;
	[tilespmem:$0x19400] =	vst v63  }
0x11c: {  	_ = 	snop  }
0x11d: {  	[spmem:s23] =	stream.linear.scatter [tilespmem:s24], [sflag:$0x3], $0x400, $0x38;
	[tilespmem:$0x19400] =	vst v63  }
0x11e: {  	_ =	swait.ge [sflag:s25], $0x400  }
0x11f: {  	[sflag:s25] =	ssyncset.done $0x0  }
0x120: {  	[sflag:s25] =	ssyncadd.s32 $0xFFFFFC00  }
0x121: {  	_ =	swait.ge [sflag:s25], $0x400  }
0x122: {  	[sflag:s25] =	ssyncset.done $0x0  }
0x123: {  	[sflag:s25] =	ssyncadd.s32 $0xFFFFFC00  }
0x124: {  	_ =	swait.ge [sflag:s25], $0x400  }
0x125: {  	[sflag:s25] =	ssyncset.done $0x0  }
0x126: {  	[sflag:s25] =	ssyncadd.s32 $0xFFFFFC00  }
0x127: {  	_ =	swait.ge [sflag:s25], $0x400  }
0x128: {  	[sflag:s25] =	ssyncset.done $0x0  }
0x129: {  	s9 =	rddreg [dreg:$0x4];
	[sflag:s25] =	ssyncadd.s32 $0xFFFFFC00  }
0x12a: {  	[tilespmem:s4], [sflag:$0x4] =	stream.linear.gather [hbm4b:s9+s4], $0x2800, $0x38;
	[tilespmem:$0x19400] =	vst v63  }
0x12b: {  	_ =	swait.ge [sflag:s26], $0x2800  }
0x12c: {  	[sflag:s26] =	ssyncset.done $0x0  }
0x12d: {  	s7 =	simm.s32 $0x2800;
	s10 =	rddreg [dreg:$0x5];
	[sflag:s26] =	ssyncadd.s32 $0xFFFFD800  }
0x12e: {  	[tilespmem:s7], [sflag:$0x4] =	stream.linear.gather [hbm4b:s10+s4], $0x2800, $0x38;
	[tilespmem:$0x19400] =	vst v63  }
0x12f: {  	_ =	swait.ge [sflag:s26], $0x2800  }
0x130: {  	[sflag:s26] =	ssyncset.done $0x0  }
0x131: {  	[sflag:s26] =	ssyncadd.s32 $0xFFFFD800  }
0x132: {  	[bflag:$0x0] =	sbarrier.arrive $0xFFFF  }
0x133: {  	[tilespmem:s29], [sflag:$0x1] =	stream.indirect.gather [hbm4b:s5+s28], $0x40, s4, s28, $0xb8;
	[tilespmem:$0x19400] =	vst v63  }
0x134: {  	s7 =	simm.s32 $0x140  }
0x135: {  	[tilespmem:s30], [sflag:$0x2] =	stream.indirect.gather [hbm4b:s5+s28], $0x40, s7, s28, $0xb8;
	[tilespmem:$0x19400] =	vst v63  }
0x136: {  	_ =	swait.ge [sflag:s31], $0x5000  }
0x137: {  	[sflag:s31] =	ssyncset.done $0x0  }
0x138: {  	s8 =	simm.s32 $0x2800;
	[sflag:s31] =	ssyncadd.s32 $0xFFFFB000  }
0x139: {  	[spmem:s3] =	stream.indirect.scatter.add.bf16 [tilespmem:s29], [sflag:$0x4], $0x40, s8, s28, $0xb8;
	[tilespmem:$0x19400] =	vst v63  }
0x13a: {  	_ =	swait.ge [sflag:s26], $0x5000  }
0x13b: {  	[sflag:s26] =	ssyncset.done $0x0  }
0x13c: {  	s9 =	simm.s32 $0x280;
	[sflag:s26] =	ssyncadd.s32 $0xFFFFB000  }
0x13d: {  	[tilespmem:s29], [sflag:$0x1] =	stream.indirect.gather [hbm4b:s5+s28], $0x40, s9, s28, $0xb8;
	[tilespmem:$0x19400] =	vst v63  }
0x13e: {  	_ =	swait.ge [sflag:s1], $0x5000  }
0x13f: {  	[sflag:s1] =	ssyncset.done $0x0  }
0x140: {  	s10 =	simm.s32 $0x2940;
	[sflag:s1] =	ssyncadd.s32 $0xFFFFB000  }
0x141: {  	[spmem:s3] =	stream.indirect.scatter.add.bf16 [tilespmem:s30], [sflag:$0x4], $0x40, s10, s28, $0xb8;
	[tilespmem:$0x19400] =	vst v63  }
0x142: {  	_ =	swait.ge [sflag:s26], $0x5000  }
0x143: {  	s2 =	simm.s32 $0x280;
	s7 =	simm.s32 $0x1400;
	[sflag:s26] =	ssyncset.done $0x0  }
.LBB2_2:
0x144: {  	s8 =	sadd.s32 $0x140, s2  }
0x145: {  	[sflag:s26] =	ssyncadd.s32 $0xFFFFB000;
	s9 =	smov.u32 s7;
	s10 =	sadd.s32 $0xA00, s7  }
0x146: {  	[tilespmem:s30], [sflag:$0x2] =	stream.indirect.gather [hbm4b:s5+s28], $0x40, s8, s28, $0xb8;
	[tilespmem:$0x19400] =	vst v63  }
0x147: {  	p0 =	sne.s32 s7, $0x8C00;
	_ =	swait.ge [sflag:s31], $0x5000  }
0x148: {  	[sflag:s31] =	ssyncset.done $0x0  }
0x149: {  	s7 =	sadd.s32 $0x2800, s2;
	[sflag:s31] =	ssyncadd.s32 $0xFFFFB000  }
0x14a: {  	[spmem:s3] =	stream.indirect.scatter.add.bf16 [tilespmem:s29], [sflag:$0x4], $0x40, s7, s28, $0xb8;
	[tilespmem:$0x19400] =	vst v63  }
0x14b: {  	_ =	swait.ge [sflag:s26], $0x5000  }
0x14c: {  	[sflag:s26] =	ssyncset.done $0x0  }
0x14d: {  	s7 =	sadd.s32 $0x280, s2;
	[sflag:s26] =	ssyncadd.s32 $0xFFFFB000  }
0x14e: {  	[tilespmem:s29], [sflag:$0x1] =	stream.indirect.gather [hbm4b:s5+s28], $0x40, s7, s28, $0xb8;
	[tilespmem:$0x19400] =	vst v63  }
0x14f: {  	_ =	swait.ge [sflag:s1], $0x5000  }
.Ltmp0:
0x150: {  	[sflag:s1] =	ssyncset.done $0x0;
	(pc) =	sbr.rel @p0 .LBB2_2-.Ltmp0, $4  }
0x151: {  	s2 =	sadd.s32 $0x2940, s2;
	[sflag:s1] =	ssyncadd.s32 $0xFFFFB000  }
0x152: {  	[spmem:s3] =	stream.indirect.scatter.add.bf16 [tilespmem:s30], [sflag:$0x4], $0x40, s2, s28, $0xb8;
	[tilespmem:$0x19400] =	vst v63  }
0x153: {  	_ =	swait.ge [sflag:s26], $0x5000  }
0x154: {  	s7 =	smov.u32 s10;
	s2 =	sshra.s32 s9, $0x2;
	[sflag:s26] =	ssyncset.done $0x0  }
0x155: {  	s7 =	sadd.s32 $0x140, s2;
	[sflag:s26] =	ssyncadd.s32 $0xFFFFB000  }
0x156: {  	[tilespmem:s30], [sflag:$0x2] =	stream.indirect.gather [hbm4b:s5+s28], $0x40, s7, s28, $0xb8;
	[tilespmem:$0x19400] =	vst v63  }
0x157: {  	_ =	swait.ge [sflag:s31], $0x5000  }
0x158: {  	[sflag:s31] =	ssyncset.done $0x0  }
0x159: {  	s9 =	sadd.s32 $0x2800, s2;
	[sflag:s31] =	ssyncadd.s32 $0xFFFFB000  }
0x15a: {  	[spmem:s3] =	stream.indirect.scatter.add.bf16 [tilespmem:s29], [sflag:$0x4], $0x40, s9, s28, $0xb8;
	[tilespmem:$0x19400] =	vst v63  }
0x15b: {  	_ =	swait.ge [sflag:s26], $0x5000  }
0x15c: {  	[sflag:s26] =	ssyncset.done $0x0  }
0x15d: {  	s10 =	sadd.s32 $0x280, s2;
	[sflag:s26] =	ssyncadd.s32 $0xFFFFB000  }
0x15e: {  	[tilespmem:s29], [sflag:$0x1] =	stream.indirect.gather [hbm4b:s5+s28], $0x40, s10, s28, $0xb8;
	[tilespmem:$0x19400] =	vst v63  }
0x15f: {  	_ =	swait.ge [sflag:s1], $0x5000  }
0x160: {  	[sflag:s1] =	ssyncset.done $0x0  }
0x161: {  	s8 =	sadd.s32 $0x2940, s2;
	[sflag:s1] =	ssyncadd.s32 $0xFFFFB000  }
0x162: {  	[spmem:s3] =	stream.indirect.scatter.add.bf16 [tilespmem:s30], [sflag:$0x4], $0x40, s8, s28, $0xb8;
	[tilespmem:$0x19400] =	vst v63  }
0x163: {  	_ =	swait.ge [sflag:s26], $0x5000  }
0x164: {  	[sflag:s26] =	ssyncset.done $0x0  }
0x165: {  	s9 =	simm.s32 $0x26C0;
	[sflag:s26] =	ssyncadd.s32 $0xFFFFB000  }
0x166: {  	[tilespmem:s30], [sflag:$0x2] =	stream.indirect.gather [hbm4b:s5+s28], $0x40, s9, s28, $0xb8;
	[tilespmem:$0x19400] =	vst v63  }
0x167: {  	_ =	swait.ge [sflag:s31], $0x5000  }
0x168: {  	[sflag:s31] =	ssyncset.done $0x0  }
0x169: {  	s10 =	simm.s32 $0x4D80;
	[sflag:s31] =	ssyncadd.s32 $0xFFFFB000  }
0x16a: {  	[spmem:s3] =	stream.indirect.scatter.add.bf16 [tilespmem:s29], [sflag:$0x4], $0x40, s10, s28, $0xb8;
	[tilespmem:$0x19400] =	vst v63  }
0x16b: {  	_ =	swait.ge [sflag:s26], $0x5000  }
0x16c: {  	[sflag:s26] =	ssyncset.done $0x0  }
0x16d: {  	[sflag:s26] =	ssyncadd.s32 $0xFFFFB000  }
0x16e: {  	_ =	swait.ge [sflag:s1], $0x5000  }
0x16f: {  	[sflag:s1] =	ssyncset.done $0x0  }
0x170: {  	s7 =	simm.s32 $0x4EC0;
	[sflag:s1] =	ssyncadd.s32 $0xFFFFB000  }
0x171: {  	[spmem:s3] =	stream.indirect.scatter.add.bf16 [tilespmem:s30], [sflag:$0x4], $0x40, s7, s28, $0xb8;
	[tilespmem:$0x19400] =	vst v63  }
0x172: {  	_ =	swait.ge [sflag:s26], $0x5000  }
0x173: {  	[sflag:s26] =	ssyncset.done $0x0  }
0x174: {  	[sflag:s26] =	ssyncadd.s32 $0xFFFFB000  }
0x175: {  	[bflag:$0x0] =	sbarrier.arrive $0xFFFF  }
0x176: {  	s8 =	rddreg [dreg:$0x3]  }
0x177: {  	s9 =	rddreg [dreg:$0x6]  }
0x178: {  	s2 =	sor.u32 $0x1C04, s8;
	s8 =	rddreg [dreg:$0x16]  }
0x179: {  	[hbm:s9], [sflag:s2] =	dma.local [spmem:s8], $0x1400  }
0x17a: {  	_ =	swait.ge [sflag:s26], $0x1400  }
0x17b: {  	s0 =	sadd.s32 $0x1, s0;
	s10 =	rddreg [dreg:$0x7]  }
0x17c: {  	p0 =	sne.s32 s0, s10  }
.Ltmp1:
0x17d: {  	_ = 	snop;
	(pc) =	sbr.rel @p0 .LBB2_1-.Ltmp1, $3  }
0x17e: {  	_ =	sdelay $0x1  }
0x17f: {  	[sflag:s26] =	ssyncset.done $0x0  }
0x180: {  	[sflag:s26] =	ssyncadd.s32 $0xFFFFEC00  }
0x181: {  	_ =	sfence.sel $0x180000  }
0x182: {  	[bflag:$0x0] =	sbarrier.arrive $0xFFFF  }
0x183: {  	_ =	strace $0x9000004A  }
0x184: {  	s0 =	stileid.u32;
	[bflag:$0x2] =	sbarrier.arrive $0xFFFF  }
0x185: {  	p0 =	sne.s32 s0, $0x0;
	s0 =	rddreg [dreg:$0x2]  }
0x186: {  	s0 =	sadd.s32 @!p0 $0x100000, s0  }
0x187: {  	[sflag:s0] =	ssyncadd.tile.s32 @!p0 $0x1;
	_ =	shalt  }
.Lfunc_end2:
_tile_overlayer_lowered:
.L_overlay_start_2:
0x188: {  	(tag) =	ssettag $0x2  }
0x189: {  	s0 =	rddreg [dreg:$0x0];
	s2 =	stileid.u32  }
0x18a: {  	s1 =	rddreg [dreg:$0x1];
	p0 =	sne.s32 s2, $0x0  }
0x18b: {  	s3 =	rddreg [dreg:$0x2];
	[bflag:$0x3] =	sbarrier.arrive $0xFFFF;
	s2 =	simm.s32 @!p0 $0x1C04  }
0x18c: {  	[timem:s3], [sflag:s2] =	dma.local @!p0 [hbm:s0], s1  }
0x18d: {  	s0 =	simm.s32 @!p0 $0x4  }
0x18e: {  	_ =	swait.ge @!p0 [sflag:s0], s1  }
0x18f: {  	s1 =	ssub.s32 @!p0 $0x0, s1;
	[sflag:s0] =	ssyncset.done @!p0 $0x0  }
0x190: {  	[sflag:s0] =	ssyncadd.s32 @!p0 s1  }
0x191: {  	[bflag:$0x3] =	sbarrier.arrive $0xFFFF  }
0x192: {  	_ =	shalt  }

// kernel: kernel.16.cloned.1.call-start
scs
__scs_entry_jumppad:
0x0: {  	(pc) =	sbr.rel $0x88, $3  }
0x1: {  	(tag) =	ssettag $0x0;
	lr =	simm.s32 $0x1  }
0x2: {  	[smem:$0x3F97] =	sst lr;
	_ =	strace $0xD0000000  }
0x3: {  	_ = 	snop  }
0x4: {  	_ = 	snop  }
0x5: {  	_ = 	snop  }
0x6: {  	_ = 	snop  }
0x7: {  	_ = 	snop  }
__scs_overlays_trampoline_lowered:
0x8: {  	[smem:$0x3FA6] =	sst s0  }
0x9: {  	[smem:$0x3FA7] =	sst s1  }
0xa: {  	[smem:$0x3FA8] =	sst s2  }
0xb: {  	[smem:$0x3FA9] =	sst s3  }
0xc: {  	[smem:$0x3FAA] =	sst s4  }
0xd: {  	[smem:$0x3FAB] =	sst s5  }
0xe: {  	[smem:$0x3FAC] =	sst s6  }
0xf: {  	[smem:$0x3FAD] =	sst s7  }
0x10: {  	[smem:$0x3FAE] =	sst s8  }
0x11: {  	[smem:$0x3FAF] =	sst s9;
	s0 =	simm.s32 @!p0 $0x0  }
0x12: {  	s1 =	sld [smem:$0x3F95];
	s0 =	simm.s32 @p0 $0x1  }
0x13: {  	[smem:$0x3FB0] =	sst s0;
	s0 =	simm.s32 @!p1 $0x0  }
0x14: {  	s2 =	sld [smem:$0x3F94];
	s0 =	simm.s32 @p1 $0x1  }
0x15: {  	[smem:$0x3FB1] =	sst s0;
	s0 =	simm.s32 @!p2 $0x0  }
0x16: {  	s3 =	sld [smem:$0x3FDB];
	s0 =	simm.s32 @p2 $0x1  }
0x17: {  	s4 =	simm.s32 $0x1BF5;
	[smem:$0x3FB3] =	sst s0  }
0x18: {  	s0 =	sld [smem:$0x3F96];
	_ =	swait.ge [sflag:s4], $0x0  }
0x19: {  	s7 =	sld [smem:$0x3F97]  }
0x1a: {  	s8 =	sadd.s32 $0xFFFFE003, lr  }
0x1b: {  	s9 =	sadd.s32 $0xFFFFFEF7, lr;
	s5 =	simm.s32 $0xFFFFFFFF;
	p2 =	slt.u32 s8, $0xFFFFF086  }
0x1c: {  	p1 =	slt.u32 s9, $0xF7A;
	s5 =	simm.s32 @!p2 $0x0  }
0x1d: {  	s5 =	simm.s32 @p1 $0x1;
	p0 =	seq.s32 s7, s2  }
0x1e: {  	s7 =	smul.u32 @!p0 $0xF7A, s2;
	p2 =	seq.s32 @!p0 s5, $0x0  }
0x1f: {  	s9 =	smul.u32 $0xF7A, s1;
	s8 =	simm.s32 @!p0 $0x1BF5;
	p2 =	por !p2, p0  }
0x20: {  	[sflag:s8] =	ssyncset.s32 @!p0 $0xFFFFF086;
	s6 =	sadd.s32 @!p0 s3, s7;
	s7 =	simm.s32 @!p0 $0x108  }
0x21: {  	s3 =	sadd.s32 s3, s9;
	s6 =	sadd.s32 @!p0 $0x88, s6;
	s7 =	simm.s32 @p2 $0x1082  }
0x22: {  	[simem:s7], [sflag:s8] =	dma.local @!p0 [hbm:s6], $0xF7A  }
0x23: {  	s9 =	sor.u32 $0xD0000000, s2;
	s6 =	simm.s32 $0x108;
	_ =	swait.ge @!p0 [sflag:s8], $0x0  }
0x24: {  	s3 =	sadd.s32 $0x88, s3;
	s6 =	simm.s32 @!p1 $0x1082;
	[sflag:s4] =	ssyncset.s32 $0xFFFFF086  }
0x25: {  	[simem:s6], [sflag:s4] =	dma.local [hbm:s3], $0xF7A  }
0x26: {  	[smem:$0x3F97] =	sst s1;
	(tag) =	ssettag s2;
	_ =	strace s9  }
0x27: {  	s1 =	sld [smem:$0x3FA7]  }
0x28: {  	s2 =	sld [smem:$0x3FA8]  }
0x29: {  	s4 =	sld [smem:$0x3FAA]  }
0x2a: {  	p0 =	seq.s32 s5, $0x0;
	s5 =	sld [smem:$0x3FAB]  }
0x2b: {  	s6 =	sld [smem:$0x3FAC]  }
0x2c: {  	s7 =	sld [smem:$0x3FAD]  }
0x2d: {  	s3 =	simm.s32 $0x108;
	s8 =	sld [smem:$0x3FAE]  }
0x2e: {  	s3 =	simm.s32 @!p0 $0x1082;
	s9 =	sld [smem:$0x3FAF]  }
0x2f: {  	lr =	sadd.s32 s0, s3;
	s0 =	sld [smem:$0x3FA6]  }
0x30: {  	s3 =	sld [smem:$0x3FA9]  }
0x31: {  	[smem:$0x3FB2] =	sst s10  }
0x32: {  	s10 =	sld [smem:$0x3FB0];
	_ =	sdelay $0x3  }
0x33: {  	p0 =	seq.s32 s10, $0x1;
	s10 =	sld [smem:$0x3FB2];
	_ =	sdelay $0x3  }
0x34: {  	[smem:$0x3FB2] =	sst s10  }
0x35: {  	s10 =	sld [smem:$0x3FB1];
	_ =	sdelay $0x3  }
0x36: {  	p1 =	seq.s32 s10, $0x1;
	s10 =	sld [smem:$0x3FB2];
	_ =	sdelay $0x3  }
0x37: {  	[smem:$0x3FB2] =	sst s10  }
0x38: {  	s10 =	sld [smem:$0x3FB3]  }
0x39: {  	_ = 	snop;
	(pc) =	sbr.ind lr, $3  }
0x3a: {  	_ = 	snop  }
0x3b: {  	_ = 	snop  }
0x3c: {  	p2 =	seq.s32 s10, $0x1;
	s10 =	sld [smem:$0x3FB2]  }
0x3d: {  	_ =	shalt  }
0x3e: {  	_ =	shalt  }
0x3f: {  	_ =	shalt  }
0x40: {  	_ =	shalt  }
0x41: {  	_ =	shalt  }
0x42: {  	_ =	shalt  }
0x43: {  	_ =	shalt  }
0x44: {  	_ =	shalt  }
0x45: {  	_ =	shalt  }
0x46: {  	_ =	shalt  }
0x47: {  	_ =	shalt  }
0x48: {  	_ =	shalt  }
0x49: {  	_ =	shalt  }
0x4a: {  	_ =	shalt  }
0x4b: {  	_ =	shalt  }
0x4c: {  	_ =	shalt  }
0x4d: {  	_ =	shalt  }
0x4e: {  	_ =	shalt  }
0x4f: {  	_ =	shalt  }
0x50: {  	_ =	shalt  }
0x51: {  	_ =	shalt  }
0x52: {  	_ =	shalt  }
0x53: {  	_ =	shalt  }
0x54: {  	_ =	shalt  }
0x55: {  	_ =	shalt  }
0x56: {  	_ =	shalt  }
0x57: {  	_ =	shalt  }
0x58: {  	_ =	shalt  }
0x59: {  	_ =	shalt  }
0x5a: {  	_ =	shalt  }
0x5b: {  	_ =	shalt  }
0x5c: {  	_ =	shalt  }
0x5d: {  	_ =	shalt  }
0x5e: {  	_ =	shalt  }
0x5f: {  	_ =	shalt  }
0x60: {  	_ =	shalt  }
0x61: {  	_ =	shalt  }
0x62: {  	_ =	shalt  }
0x63: {  	_ =	shalt  }
0x64: {  	_ =	shalt  }
0x65: {  	_ =	shalt  }
0x66: {  	_ =	shalt  }
0x67: {  	_ =	shalt  }
0x68: {  	_ =	shalt  }
0x69: {  	_ =	shalt  }
0x6a: {  	_ =	shalt  }
0x6b: {  	_ =	shalt  }
0x6c: {  	_ =	shalt  }
0x6d: {  	_ =	shalt  }
0x6e: {  	_ =	shalt  }
0x6f: {  	_ =	shalt  }
0x70: {  	_ =	shalt  }
0x71: {  	_ =	shalt  }
0x72: {  	_ =	shalt  }
0x73: {  	_ =	shalt  }
0x74: {  	_ =	shalt  }
0x75: {  	_ =	shalt  }
0x76: {  	_ =	shalt  }
0x77: {  	_ =	shalt  }
0x78: {  	_ =	shalt  }
0x79: {  	_ =	shalt  }
0x7a: {  	_ =	shalt  }
0x7b: {  	_ =	shalt  }
0x7c: {  	_ =	shalt  }
0x7d: {  	_ =	shalt  }
0x7e: {  	_ =	shalt  }
0x7f: {  	_ =	shalt  }
0x80: {  	_ =	shalt  }
0x81: {  	_ =	shalt  }
0x82: {  	_ =	shalt  }
0x83: {  	_ =	shalt  }
0x84: {  	_ =	shalt  }
0x85: {  	_ =	shalt  }
0x86: {  	_ =	shalt  }
0x87: {  	_ =	shalt  }
.Lfunc_end0:
.L_simem_size_0:
called_computation.2_lowered:
.L_overlay_start_0:
0x88: {  	s2 =	sld [smem:$0x3FD9]  }
0x89: {  	s3 =	sld [smem:$0x3FFE];
	_ =	sdelay $0x1  }
0x8a: {  	s1 =	srdreg.scid  }
0x8b: {  	s0 =	sand.u32 $0x1, s1  }
0x8c: {  	s16 =	sshll.u32 s0, $0xA;
	s2 =	sadd.s32 s3, s2  }
0x8d: {  	s2 =	sadd.s32 s2, s16  }
0x8e: {  	[smem:$0x3FBE] =	sst s2  }
0x8f: {  	_ = 	snop  }
0x90: {  	(tm) =	ssettm $0x1  }
0x91: {  	s17 =	sld [smem:$0x3FFB];
	_ =	sdelay $0x3  }
0x92: {  	_ =	strace s17  }
0x93: {  	s2 =	sld [smem:$0x3FFC];
	_ =	sdelay $0x3  }
0x94: {  	_ =	strace s2  }
0x95: {  	s2 =	sld [smem:$0x3FFD];
	_ =	sdelay $0x3  }
0x96: {  	_ =	strace s2  }
0x97: {  	_ =	strace $0x8FFFFFFF  }
0x98: {  	s18 =	sld [smem:$0x3FDB];
	_ =	sdelay $0x1  }
0x99: {  	s19 =	simm.s32 $_scs_section_size  }
0x9a: {  	s4 =	simm.s32 $_size__tile_overlayer_lowered;
	s5 =	simm.s32 $_tile_overlayer_lowered  }
0x9b: {  	s22 =	simm.s32 $0x1BFF;
	s21 =	sshll.u32 s5, $0x1;
	s2 =	sadd.s32 s19, s18  }
0x9c: {  	s6 =	simm.s32 $0x0;
	s20 =	sshll.u32 s4, $0x1;
	s4 =	sadd.s32 s21, s2  }
0x9d: {  	[timem:s6], [sflag:s22] =	dma.local [hbm:s4], s20  }
0x9e: {  	_ =	swait.ge [sflag:s22], s20  }
0x9f: {  	s3 =	ssub.s32 $0x0, s20;
	[sflag:s22] =	ssyncset.done $0x0  }
0xa0: {  	[sflag:s22] =	ssyncadd.s32 s3;
	_ =	sdelay $0x1  }
0xa1: {  	s23 =	simm.s32 $0x1B8B  }
0xa2: {  	_ =	swait.ge [sflag:s23], $0x1  }
0xa3: {  	[sflag:s23] =	ssyncset.done $0x0  }
0xa4: {  	s25 =	simm.s32 $0x1B8E;
	s24 =	sld [smem:$0x3FFE];
	[sflag:s23] =	ssyncadd.s32 $0xFFFFFFFF  }
0xa5: {  	s26 =	simm.s32 $execute0_lowered;
	[smem:$0x3FD2] =	sst s25  }
0xa6: {  	s4 =	sshll.u32 s26, $0x1;
	_ =	strace $0x8000004C;
	[dreg:$0x1] =	wrdreg $0xFFFFFFFF  }
0xa7: {  	s28 =	simm.s32 $_size_execute0_lowered;
	s2 =	sadd.s32 s2, s4;
	[dreg:$0x0] =	wrdreg $0x0  }
0xa8: {  	s4 =	sshll.u32 s28, $0x1;
	[dreg:$0x2] =	wrdreg s2  }
0xa9: {  	[dreg:$0x3] =	wrdreg s4  }
0xaa: {  	[dreg:$0x4] =	wrdreg $0xC0  }
0xab: {  	_ =	task [dreg:s6], $0x5FFFF  }
0xac: {  	[dreg:$0x1] =	wrdreg $0xFFFFFFFF  }
0xad: {  	[dreg:$0x0] =	wrdreg $0x60  }
0xae: {  	[dreg:$0x2] =	wrdreg s24  }
0xaf: {  	[dreg:$0x3] =	wrdreg $0xF2000  }
0xb0: {  	[dreg:$0x4] =	wrdreg $0x9  }
0xb1: {  	_ =	task.clear_ibuf [dreg:s6], $0x5FFFF;
	_ =	strace $0x9000004C  }
0xb2: {  	s29 =	simm.s32 $0x9;
	_ =	strace $0x8000004E  }
0xb3: {  	_ =	swait.ge [sflag:s29], $0x1  }
0xb4: {  	[sflag:s29] =	ssyncadd.s32 $0xFFFFFFFF  }
0xb5: {  	_ =	strace $0x9000004E  }
0xb6: {  	_ =	sfence  }
0xb7: {  	s30 =	sld [smem:$0x0];
	_ =	sdelay $0x2  }
0xb8: {  	s31 =	sshll.u32 s1, $0xD;
	s1 =	sshrl.u32 s1, $0x2  }
0xb9: {  	s3 =	sand.u32 $0x4000, s31;
	s1 =	sadd.s32 s1, s30  }
0xba: {  	s0 =	sor.u32 s3, s0;
	s1 =	sshll.u32 s1, $0x11  }
0xbb: {  	s0 =	sor.u32 s1, s0  }
0xbc: {  	s0 =	sadd.s32 $0x8F2B, s0  }
0xbd: {  	[sflag:s0] =	ssyncadd.remote.s32 $0x1  }
0xbe: {  	_ =	sfence.sel $0xFFFF  }
0xbf: {  	[dreg:$0x0] =	wrdreg $0xFFFFFFFF;
	(pc) =	sbr.abs _section_cstart, $3  }
0xc0: {  	[dreg:$0x1] =	wrdreg $0xFFFFFFFF  }
0xc1: {  	_ =	task.clear_ibuf [dreg:s6], $0x2FFFF;
	_ =	strace $0x9FFFFFFF  }
0xc2: {  	(tm) =	ssettm $0x7FFFFFFF  }
0xc3: {  	_ =	shalt  }
tec
execute0_lowered:
.L_overlay_start_1:
0x0: {  	(tag) =	ssettag $0x1  }
0x1: {  	s1 =	srdreg.scid;
	s0 =	stileid.u32  }
0x2: {  	s9 =	rddreg [dreg:$0x0];
	s3 =	simm.s32 $0x0;
	s28 =	sand.u32 $0x1, s1  }
0x3: {  	v0 =	vimm.bf16 $0.0e+00;
	s10 =	sshll.u32 s0, $0x5;
	[smem:$0x7FF] =	sst s3;
	s2 =	sshll.u32 s28, $0x4  }
0x4: {  	s1 =	sor.u32 s2, s10;
	s2 =	rddreg [dreg:$0x1];
	_ =	strace $0x8000004D;
	[tilespmem:$0xF030] =	vst v0  }
0x5: {  	[tilespmem:$0xF040] =	vst v0  }
0x6: {  	[tilespmem:$0xF050] =	vst v0  }
0x7: {  	[tilespmem:$0xF060] =	vst v0  }
0x8: {  	[tilespmem:$0xF070] =	vst v0  }
0x9: {  	[tilespmem:$0xF080] =	vst v0  }
0xa: {  	[tilespmem:$0xF090] =	vst v0  }
0xb: {  	[tilespmem:$0xF0A0] =	vst v0  }
0xc: {  	[tilespmem:$0xF0B0] =	vst v0  }
0xd: {  	[tilespmem:$0xF0C0] =	vst v0  }
0xe: {  	[tilespmem:$0xF0D0] =	vst v0  }
0xf: {  	[tilespmem:$0xF0E0] =	vst v0  }
0x10: {  	[tilespmem:$0xF0F0] =	vst v0  }
0x11: {  	[tilespmem:$0xF100] =	vst v0  }
0x12: {  	[tilespmem:$0xF000] =	vst v0  }
0x13: {  	[tilespmem:$0xF1F0] =	vst v0  }
0x14: {  	[tilespmem:$0xF1E0] =	vst v0  }
0x15: {  	[tilespmem:$0xF1D0] =	vst v0  }
0x16: {  	[tilespmem:$0xF1C0] =	vst v0  }
0x17: {  	[tilespmem:$0xF1B0] =	vst v0  }
0x18: {  	[tilespmem:$0xF1A0] =	vst v0  }
0x19: {  	[tilespmem:$0xF190] =	vst v0  }
0x1a: {  	s29 =	smul.u32 $0xA000, s0;
	[tilespmem:$0xF180] =	vst v0  }
0x1b: {  	s5 =	smul.u32 $0xA0000, s28;
	[tilespmem:$0xF170] =	vst v0  }
0x1c: {  	[tilespmem:$0xF160] =	vst v0  }
0x1d: {  	[tilespmem:$0xF150] =	vst v0;
	s4 =	smul.u32 $0x280, s1;
	s5 =	sadd.s32 s29, s5  }
0x1e: {  	[tilespmem:$0xF140] =	vst v0;
	s5 =	sshrl.u32 s5, $0x4  }
0x1f: {  	s6 =	smul.u32 $0x14000, s0;
	[tilespmem:$0xF130] =	vst v0;
	s4 =	sshrl.u32 s4, $0x3;
	s5 =	sadd.s32 s5, s9  }
0x20: {  	[tilespmem:$0xF120] =	vst v0;
	s4 =	sadd.s32 s4, s9;
	s5 =	sadd.s32 $0x21E00, s5  }
0x21: {  	s6 =	sshrl.u32 s6, $0x2;
	[tilespmem:$0xF110] =	vst v0;
	s7 =	sadd.s32 $0x3E00, s4;
	[dreg:$0x5] =	wrdreg s5  }
0x22: {  	[tilespmem:$0xF020] =	vst v0;
	s11 =	sadd.s32 $0xDE00, s4;
	s4 =	sadd.s32 s6, s2;
	[dreg:$0x3] =	wrdreg s7  }
0x23: {  	[tilespmem:$0xF010] =	vst v0;
	s5 =	simm.s32 $0xF000;
	[dreg:$0x4] =	wrdreg s11;
	s12 =	sadd.s32 $0x200, s4  }
0x24: {  	[spmem:s4] =	stream.linear.scatter [tilespmem:s5], [sflag:$0x3], $0x200, $0x38;
	[tilespmem:$0x14200] =	vst v63  }
0x25: {  	s13 =	sadd.s32 $0x400, s4;
	[dreg:$0x6] =	wrdreg s12  }
0x26: {  	s14 =	sadd.s32 $0x600, s4;
	[dreg:$0x7] =	wrdreg s13  }
0x27: {  	s15 =	sadd.s32 $0x800, s4;
	[dreg:$0x8] =	wrdreg s14  }
0x28: {  	s16 =	sadd.s32 $0xA00, s4;
	[dreg:$0x9] =	wrdreg s15  }
0x29: {  	s17 =	sadd.s32 $0xC00, s4;
	[dreg:$0xa] =	wrdreg s16  }
0x2a: {  	s18 =	sadd.s32 $0xE00, s4;
	[dreg:$0xb] =	wrdreg s17  }
0x2b: {  	s19 =	sadd.s32 $0x1000, s4;
	[dreg:$0xc] =	wrdreg s18  }
0x2c: {  	s20 =	sadd.s32 $0x1200, s4;
	[dreg:$0xd] =	wrdreg s19  }
0x2d: {  	s21 =	sadd.s32 $0x1400, s4;
	[dreg:$0xe] =	wrdreg s20  }
0x2e: {  	s22 =	sadd.s32 $0x1600, s4;
	[dreg:$0xf] =	wrdreg s21  }
0x2f: {  	s23 =	sadd.s32 $0x1800, s4;
	[dreg:$0x10] =	wrdreg s22  }
0x30: {  	s24 =	sadd.s32 $0x1A00, s4;
	[dreg:$0x11] =	wrdreg s23  }
0x31: {  	s25 =	sadd.s32 $0x1C00, s4;
	[dreg:$0x12] =	wrdreg s24  }
0x32: {  	s26 =	sadd.s32 $0x1E00, s4;
	[dreg:$0x13] =	wrdreg s25  }
0x33: {  	s31 =	sadd.s32 $0x2000, s4;
	[dreg:$0x14] =	wrdreg s26  }
0x34: {  	s1 =	sadd.s32 $0x2200, s4;
	[dreg:$0x15] =	wrdreg s31  }
0x35: {  	s6 =	sadd.s32 $0x2400, s4;
	[dreg:$0x16] =	wrdreg s1  }
0x36: {  	s7 =	sadd.s32 $0x2600, s4;
	[dreg:$0x17] =	wrdreg s6  }
0x37: {  	s8 =	sadd.s32 $0x2800, s4;
	[dreg:$0x18] =	wrdreg s7  }
0x38: {  	s10 =	sadd.s32 $0x2A00, s4;
	[dreg:$0x19] =	wrdreg s8  }
0x39: {  	s11 =	sadd.s32 $0x2C00, s4;
	[dreg:$0x1a] =	wrdreg s10  }
0x3a: {  	[dreg:$0x1b] =	wrdreg s11;
	s12 =	sadd.s32 $0x2E00, s4  }
0x3b: {  	s13 =	sadd.s32 $0x3000, s4;
	[dreg:$0x1c] =	wrdreg s12  }
0x3c: {  	s14 =	sadd.s32 $0x3200, s4;
	[dreg:$0x1d] =	wrdreg s13  }
0x3d: {  	s15 =	sadd.s32 $0x3400, s4;
	[dreg:$0x1e] =	wrdreg s14  }
0x3e: {  	s16 =	sadd.s32 $0x3600, s4;
	[dreg:$0x1f] =	wrdreg s15  }
0x3f: {  	s17 =	sadd.s32 $0x3800, s4;
	[smem:$0x7E0] =	sst s16  }
0x40: {  	s18 =	sadd.s32 $0x3A00, s4;
	[smem:$0x7E1] =	sst s17  }
0x41: {  	s19 =	sadd.s32 $0x3C00, s4;
	[smem:$0x7E2] =	sst s18  }
0x42: {  	s20 =	sadd.s32 $0x3E00, s4;
	[smem:$0x7E3] =	sst s19  }
0x43: {  	s21 =	sadd.s32 $0x4000, s4;
	[smem:$0x7E4] =	sst s20  }
0x44: {  	s22 =	sadd.s32 $0x4200, s4;
	[smem:$0x7E5] =	sst s21  }
0x45: {  	s23 =	sadd.s32 $0x4400, s4;
	[smem:$0x7E6] =	sst s22  }
0x46: {  	s24 =	sadd.s32 $0x4600, s4;
	[smem:$0x7E7] =	sst s23  }
0x47: {  	s25 =	sadd.s32 $0x4800, s4;
	[smem:$0x7E8] =	sst s24  }
0x48: {  	s26 =	sadd.s32 $0x4A00, s4;
	[smem:$0x7E9] =	sst s25  }
0x49: {  	s31 =	sadd.s32 $0x4C00, s4;
	[smem:$0x7EA] =	sst s26  }
0x4a: {  	s1 =	sadd.s32 $0x4E00, s4;
	[smem:$0x7EB] =	sst s31  }
0x4b: {  	s6 =	simm.s32 $0x500;
	[smem:$0x7EC] =	sst s1  }
0x4c: {  	s7 =	simm.s32 $0x2A80;
	[smem:$0x7ED] =	sst s6  }
0x4d: {  	s8 =	simm.s32 $0x780;
	[smem:$0x7EE] =	sst s7  }
0x4e: {  	s10 =	simm.s32 $0x2D00;
	[smem:$0x7EF] =	sst s8  }
0x4f: {  	s11 =	simm.s32 $0xA00;
	[smem:$0x7F0] =	sst s10  }
0x50: {  	[smem:$0x7F1] =	sst s11  }
0x51: {  	s23 =	rddreg [dreg:$0x6]  }
0x52: {  	s24 =	rddreg [dreg:$0x7]  }
0x53: {  	s12 =	simm.s32 $0x2F80;
	s10 =	rddreg [dreg:$0x8]  }
0x54: {  	s13 =	simm.s32 $0xC80;
	[smem:$0x7F2] =	sst s12  }
0x55: {  	s14 =	simm.s32 $0x3200;
	[smem:$0x7F3] =	sst s13  }
0x56: {  	s15 =	simm.s32 $0xF00;
	[smem:$0x7F4] =	sst s14  }
0x57: {  	s16 =	simm.s32 $0x3480;
	[smem:$0x7F5] =	sst s15  }
0x58: {  	s17 =	simm.s32 $0x1180;
	[smem:$0x7F6] =	sst s16  }
0x59: {  	s18 =	simm.s32 $0x3700;
	[smem:$0x7F7] =	sst s17  }
0x5a: {  	s19 =	simm.s32 $0x1400;
	[smem:$0x7F8] =	sst s18  }
0x5b: {  	s20 =	simm.s32 $0x3980;
	[smem:$0x7F9] =	sst s19  }
0x5c: {  	s21 =	simm.s32 $0x1680;
	[smem:$0x7FA] =	sst s20  }
0x5d: {  	s22 =	simm.s32 $0x3C00;
	[smem:$0x7FB] =	sst s21  }
0x5e: {  	[spmem:s23] =	stream.linear.scatter [tilespmem:s5], [sflag:$0x3], $0x200, $0x38;
	[tilespmem:$0x14200] =	vst v63  }
0x5f: {  	s8 =	simm.s32 $0x1900;
	[smem:$0x7FC] =	sst s22  }
0x60: {  	[spmem:s24] =	stream.linear.scatter [tilespmem:s5], [sflag:$0x3], $0x200, $0x38;
	[tilespmem:$0x14200] =	vst v63  }
0x61: {  	s6 =	simm.s32 $0x3;
	[smem:$0x7FD] =	sst s8  }
0x62: {  	[spmem:s10] =	stream.linear.scatter [tilespmem:s5], [sflag:$0x3], $0x200, $0x38;
	[tilespmem:$0x14200] =	vst v63  }
0x63: {  	_ =	swait.ge [sflag:s6], $0x200  }
0x64: {  	[sflag:s6] =	ssyncset.done $0x0  }
0x65: {  	[sflag:s6] =	ssyncadd.s32 $0xFFFFFE00  }
0x66: {  	_ =	swait.ge [sflag:s6], $0x200  }
0x67: {  	[sflag:s6] =	ssyncset.done $0x0  }
0x68: {  	[sflag:s6] =	ssyncadd.s32 $0xFFFFFE00  }
0x69: {  	_ =	swait.ge [sflag:s6], $0x200  }
0x6a: {  	[sflag:s6] =	ssyncset.done $0x0  }
0x6b: {  	[sflag:s6] =	ssyncadd.s32 $0xFFFFFE00  }
0x6c: {  	_ =	swait.ge [sflag:s6], $0x200  }
0x6d: {  	[sflag:s6] =	ssyncset.done $0x0  }
0x6e: {  	s25 =	rddreg [dreg:$0x9];
	[sflag:s6] =	ssyncadd.s32 $0xFFFFFE00  }
0x6f: {  	[spmem:s25] =	stream.linear.scatter [tilespmem:s5], [sflag:$0x3], $0x200, $0x38;
	[tilespmem:$0x14200] =	vst v63  }
0x70: {  	s26 =	rddreg [dreg:$0xa]  }
0x71: {  	[spmem:s26] =	stream.linear.scatter [tilespmem:s5], [sflag:$0x3], $0x200, $0x38;
	[tilespmem:$0x14200] =	vst v63  }
0x72: {  	s31 =	rddreg [dreg:$0xb]  }
0x73: {  	[spmem:s31] =	stream.linear.scatter [tilespmem:s5], [sflag:$0x3], $0x200, $0x38;
	[tilespmem:$0x14200] =	vst v63  }
0x74: {  	s1 =	rddreg [dreg:$0xc]  }
0x75: {  	[spmem:s1] =	stream.linear.scatter [tilespmem:s5], [sflag:$0x3], $0x200, $0x38;
	[tilespmem:$0x14200] =	vst v63  }
0x76: {  	_ =	swait.ge [sflag:s6], $0x200  }
0x77: {  	[sflag:s6] =	ssyncset.done $0x0  }
0x78: {  	[sflag:s6] =	ssyncadd.s32 $0xFFFFFE00  }
0x79: {  	_ =	swait.ge [sflag:s6], $0x200  }
0x7a: {  	[sflag:s6] =	ssyncset.done $0x0  }
0x7b: {  	[sflag:s6] =	ssyncadd.s32 $0xFFFFFE00  }
0x7c: {  	_ =	swait.ge [sflag:s6], $0x200  }
0x7d: {  	[sflag:s6] =	ssyncset.done $0x0  }
0x7e: {  	[sflag:s6] =	ssyncadd.s32 $0xFFFFFE00  }
0x7f: {  	_ =	swait.ge [sflag:s6], $0x200  }
0x80: {  	[sflag:s6] =	ssyncset.done $0x0  }
0x81: {  	s8 =	rddreg [dreg:$0xd];
	[sflag:s6] =	ssyncadd.s32 $0xFFFFFE00  }
0x82: {  	[spmem:s8] =	stream.linear.scatter [tilespmem:s5], [sflag:$0x3], $0x200, $0x38;
	[tilespmem:$0x14200] =	vst v63  }
0x83: {  	s10 =	rddreg [dreg:$0xe]  }
0x84: {  	[spmem:s10] =	stream.linear.scatter [tilespmem:s5], [sflag:$0x3], $0x200, $0x38;
	[tilespmem:$0x14200] =	vst v63  }
0x85: {  	s11 =	rddreg [dreg:$0xf]  }
0x86: {  	[spmem:s11] =	stream.linear.scatter [tilespmem:s5], [sflag:$0x3], $0x200, $0x38;
	[tilespmem:$0x14200] =	vst v63  }
0x87: {  	s12 =	rddreg [dreg:$0x10]  }
0x88: {  	[spmem:s12] =	stream.linear.scatter [tilespmem:s5], [sflag:$0x3], $0x200, $0x38;
	[tilespmem:$0x14200] =	vst v63  }
0x89: {  	_ =	swait.ge [sflag:s6], $0x200  }
0x8a: {  	[sflag:s6] =	ssyncset.done $0x0  }
0x8b: {  	[sflag:s6] =	ssyncadd.s32 $0xFFFFFE00  }
0x8c: {  	_ =	swait.ge [sflag:s6], $0x200  }
0x8d: {  	[sflag:s6] =	ssyncset.done $0x0  }
0x8e: {  	[sflag:s6] =	ssyncadd.s32 $0xFFFFFE00  }
0x8f: {  	_ =	swait.ge [sflag:s6], $0x200  }
0x90: {  	[sflag:s6] =	ssyncset.done $0x0  }
0x91: {  	[sflag:s6] =	ssyncadd.s32 $0xFFFFFE00  }
0x92: {  	_ =	swait.ge [sflag:s6], $0x200  }
0x93: {  	[sflag:s6] =	ssyncset.done $0x0  }
0x94: {  	s13 =	rddreg [dreg:$0x11];
	[sflag:s6] =	ssyncadd.s32 $0xFFFFFE00  }
0x95: {  	[spmem:s13] =	stream.linear.scatter [tilespmem:s5], [sflag:$0x3], $0x200, $0x38;
	[tilespmem:$0x14200] =	vst v63  }
0x96: {  	s14 =	rddreg [dreg:$0x12]  }
0x97: {  	[spmem:s14] =	stream.linear.scatter [tilespmem:s5], [sflag:$0x3], $0x200, $0x38;
	[tilespmem:$0x14200] =	vst v63  }
0x98: {  	s15 =	rddreg [dreg:$0x13]  }
0x99: {  	[spmem:s15] =	stream.linear.scatter [tilespmem:s5], [sflag:$0x3], $0x200, $0x38;
	[tilespmem:$0x14200] =	vst v63  }
0x9a: {  	s16 =	rddreg [dreg:$0x14]  }
0x9b: {  	[spmem:s16] =	stream.linear.scatter [tilespmem:s5], [sflag:$0x3], $0x200, $0x38;
	[tilespmem:$0x14200] =	vst v63  }
0x9c: {  	_ =	swait.ge [sflag:s6], $0x200  }
0x9d: {  	[sflag:s6] =	ssyncset.done $0x0  }
0x9e: {  	[sflag:s6] =	ssyncadd.s32 $0xFFFFFE00  }
0x9f: {  	_ =	swait.ge [sflag:s6], $0x200  }
0xa0: {  	[sflag:s6] =	ssyncset.done $0x0  }
0xa1: {  	[sflag:s6] =	ssyncadd.s32 $0xFFFFFE00  }
0xa2: {  	_ =	swait.ge [sflag:s6], $0x200  }
0xa3: {  	[sflag:s6] =	ssyncset.done $0x0  }
0xa4: {  	[sflag:s6] =	ssyncadd.s32 $0xFFFFFE00  }
0xa5: {  	_ =	swait.ge [sflag:s6], $0x200  }
0xa6: {  	[sflag:s6] =	ssyncset.done $0x0  }
0xa7: {  	s17 =	rddreg [dreg:$0x15];
	[sflag:s6] =	ssyncadd.s32 $0xFFFFFE00  }
0xa8: {  	[spmem:s17] =	stream.linear.scatter [tilespmem:s5], [sflag:$0x3], $0x200, $0x38;
	[tilespmem:$0x14200] =	vst v63  }
0xa9: {  	s18 =	rddreg [dreg:$0x16]  }
0xaa: {  	[spmem:s18] =	stream.linear.scatter [tilespmem:s5], [sflag:$0x3], $0x200, $0x38;
	[tilespmem:$0x14200] =	vst v63  }
0xab: {  	s19 =	rddreg [dreg:$0x17]  }
0xac: {  	[spmem:s19] =	stream.linear.scatter [tilespmem:s5], [sflag:$0x3], $0x200, $0x38;
	[tilespmem:$0x14200] =	vst v63  }
0xad: {  	s20 =	rddreg [dreg:$0x18]  }
0xae: {  	[spmem:s20] =	stream.linear.scatter [tilespmem:s5], [sflag:$0x3], $0x200, $0x38;
	[tilespmem:$0x14200] =	vst v63  }
0xaf: {  	_ =	swait.ge [sflag:s6], $0x200  }
0xb0: {  	[sflag:s6] =	ssyncset.done $0x0  }
0xb1: {  	[sflag:s6] =	ssyncadd.s32 $0xFFFFFE00  }
0xb2: {  	_ =	swait.ge [sflag:s6], $0x200  }
0xb3: {  	[sflag:s6] =	ssyncset.done $0x0  }
0xb4: {  	[sflag:s6] =	ssyncadd.s32 $0xFFFFFE00  }
0xb5: {  	_ =	swait.ge [sflag:s6], $0x200  }
0xb6: {  	[sflag:s6] =	ssyncset.done $0x0  }
0xb7: {  	[sflag:s6] =	ssyncadd.s32 $0xFFFFFE00  }
0xb8: {  	_ =	swait.ge [sflag:s6], $0x200  }
0xb9: {  	[sflag:s6] =	ssyncset.done $0x0  }
0xba: {  	s21 =	rddreg [dreg:$0x19];
	[sflag:s6] =	ssyncadd.s32 $0xFFFFFE00  }
0xbb: {  	[spmem:s21] =	stream.linear.scatter [tilespmem:s5], [sflag:$0x3], $0x200, $0x38;
	[tilespmem:$0x14200] =	vst v63  }
0xbc: {  	s22 =	rddreg [dreg:$0x1a]  }
0xbd: {  	[spmem:s22] =	stream.linear.scatter [tilespmem:s5], [sflag:$0x3], $0x200, $0x38;
	[tilespmem:$0x14200] =	vst v63  }
0xbe: {  	s23 =	rddreg [dreg:$0x1b]  }
0xbf: {  	[spmem:s23] =	stream.linear.scatter [tilespmem:s5], [sflag:$0x3], $0x200, $0x38;
	[tilespmem:$0x14200] =	vst v63  }
0xc0: {  	s24 =	rddreg [dreg:$0x1c]  }
0xc1: {  	[spmem:s24] =	stream.linear.scatter [tilespmem:s5], [sflag:$0x3], $0x200, $0x38;
	[tilespmem:$0x14200] =	vst v63  }
0xc2: {  	_ =	swait.ge [sflag:s6], $0x200  }
0xc3: {  	[sflag:s6] =	ssyncset.done $0x0  }
0xc4: {  	[sflag:s6] =	ssyncadd.s32 $0xFFFFFE00  }
0xc5: {  	_ =	swait.ge [sflag:s6], $0x200  }
0xc6: {  	[sflag:s6] =	ssyncset.done $0x0  }
0xc7: {  	[sflag:s6] =	ssyncadd.s32 $0xFFFFFE00  }
0xc8: {  	_ =	swait.ge [sflag:s6], $0x200  }
0xc9: {  	[sflag:s6] =	ssyncset.done $0x0  }
0xca: {  	[sflag:s6] =	ssyncadd.s32 $0xFFFFFE00  }
0xcb: {  	_ =	swait.ge [sflag:s6], $0x200  }
0xcc: {  	s25 =	rddreg [dreg:$0x1d];
	[sflag:s6] =	ssyncset.done $0x0  }
0xcd: {  	s26 =	rddreg [dreg:$0x1e];
	[sflag:s6] =	ssyncadd.s32 $0xFFFFFE00  }
0xce: {  	[spmem:s25] =	stream.linear.scatter [tilespmem:s5], [sflag:$0x3], $0x200, $0x38;
	[tilespmem:$0x14200] =	vst v63  }
0xcf: {  	s31 =	rddreg [dreg:$0x1f]  }
0xd0: {  	[spmem:s26] =	stream.linear.scatter [tilespmem:s5], [sflag:$0x3], $0x200, $0x38;
	[tilespmem:$0x14200] =	vst v63  }
0xd1: {  	s1 =	sld [smem:$0x7E0]  }
0xd2: {  	[spmem:s31] =	stream.linear.scatter [tilespmem:s5], [sflag:$0x3], $0x200, $0x38;
	[tilespmem:$0x14200] =	vst v63  }
0xd3: {  	_ = 	snop  }
0xd4: {  	[spmem:s1] =	stream.linear.scatter [tilespmem:s5], [sflag:$0x3], $0x200, $0x38;
	[tilespmem:$0x14200] =	vst v63  }
0xd5: {  	_ =	swait.ge [sflag:s6], $0x200  }
0xd6: {  	[sflag:s6] =	ssyncset.done $0x0  }
0xd7: {  	[sflag:s6] =	ssyncadd.s32 $0xFFFFFE00  }
0xd8: {  	_ =	swait.ge [sflag:s6], $0x200  }
0xd9: {  	[sflag:s6] =	ssyncset.done $0x0  }
0xda: {  	[sflag:s6] =	ssyncadd.s32 $0xFFFFFE00  }
0xdb: {  	_ =	swait.ge [sflag:s6], $0x200  }
0xdc: {  	[sflag:s6] =	ssyncset.done $0x0  }
0xdd: {  	[sflag:s6] =	ssyncadd.s32 $0xFFFFFE00  }
0xde: {  	_ =	swait.ge [sflag:s6], $0x200  }
0xdf: {  	s10 =	sld [smem:$0x7E1]  }
0xe0: {  	[sflag:s6] =	ssyncset.done $0x0  }
0xe1: {  	s11 =	sld [smem:$0x7E2];
	[sflag:s6] =	ssyncadd.s32 $0xFFFFFE00  }
0xe2: {  	[spmem:s10] =	stream.linear.scatter [tilespmem:s5], [sflag:$0x3], $0x200, $0x38;
	[tilespmem:$0x14200] =	vst v63  }
0xe3: {  	s12 =	sld [smem:$0x7E3]  }
0xe4: {  	[spmem:s11] =	stream.linear.scatter [tilespmem:s5], [sflag:$0x3], $0x200, $0x38;
	[tilespmem:$0x14200] =	vst v63  }
0xe5: {  	s13 =	sld [smem:$0x7E4]  }
0xe6: {  	[spmem:s12] =	stream.linear.scatter [tilespmem:s5], [sflag:$0x3], $0x200, $0x38;
	[tilespmem:$0x14200] =	vst v63  }
0xe7: {  	_ = 	snop  }
0xe8: {  	[spmem:s13] =	stream.linear.scatter [tilespmem:s5], [sflag:$0x3], $0x200, $0x38;
	[tilespmem:$0x14200] =	vst v63  }
0xe9: {  	_ =	swait.ge [sflag:s6], $0x200  }
0xea: {  	[sflag:s6] =	ssyncset.done $0x0  }
0xeb: {  	[sflag:s6] =	ssyncadd.s32 $0xFFFFFE00  }
0xec: {  	_ =	swait.ge [sflag:s6], $0x200  }
0xed: {  	[sflag:s6] =	ssyncset.done $0x0  }
0xee: {  	[sflag:s6] =	ssyncadd.s32 $0xFFFFFE00  }
0xef: {  	_ =	swait.ge [sflag:s6], $0x200  }
0xf0: {  	[sflag:s6] =	ssyncset.done $0x0  }
0xf1: {  	[sflag:s6] =	ssyncadd.s32 $0xFFFFFE00  }
0xf2: {  	_ =	swait.ge [sflag:s6], $0x200  }
0xf3: {  	s14 =	sld [smem:$0x7E5]  }
0xf4: {  	[sflag:s6] =	ssyncset.done $0x0  }
0xf5: {  	s15 =	sld [smem:$0x7E6];
	[sflag:s6] =	ssyncadd.s32 $0xFFFFFE00  }
0xf6: {  	[spmem:s14] =	stream.linear.scatter [tilespmem:s5], [sflag:$0x3], $0x200, $0x38;
	[tilespmem:$0x14200] =	vst v63  }
0xf7: {  	s16 =	sld [smem:$0x7E7]  }
0xf8: {  	[spmem:s15] =	stream.linear.scatter [tilespmem:s5], [sflag:$0x3], $0x200, $0x38;
	[tilespmem:$0x14200] =	vst v63  }
0xf9: {  	s17 =	sld [smem:$0x7E8]  }
0xfa: {  	[spmem:s16] =	stream.linear.scatter [tilespmem:s5], [sflag:$0x3], $0x200, $0x38;
	[tilespmem:$0x14200] =	vst v63  }
0xfb: {  	_ = 	snop  }
0xfc: {  	[spmem:s17] =	stream.linear.scatter [tilespmem:s5], [sflag:$0x3], $0x200, $0x38;
	[tilespmem:$0x14200] =	vst v63  }
0xfd: {  	_ =	swait.ge [sflag:s6], $0x200  }
0xfe: {  	[sflag:s6] =	ssyncset.done $0x0  }
0xff: {  	[sflag:s6] =	ssyncadd.s32 $0xFFFFFE00  }
0x100: {  	_ =	swait.ge [sflag:s6], $0x200  }
0x101: {  	[sflag:s6] =	ssyncset.done $0x0  }
0x102: {  	[sflag:s6] =	ssyncadd.s32 $0xFFFFFE00  }
0x103: {  	_ =	swait.ge [sflag:s6], $0x200  }
0x104: {  	[sflag:s6] =	ssyncset.done $0x0  }
0x105: {  	[sflag:s6] =	ssyncadd.s32 $0xFFFFFE00  }
0x106: {  	_ =	swait.ge [sflag:s6], $0x200  }
0x107: {  	s18 =	sld [smem:$0x7E9]  }
0x108: {  	[sflag:s6] =	ssyncset.done $0x0  }
0x109: {  	s19 =	sld [smem:$0x7EA];
	[sflag:s6] =	ssyncadd.s32 $0xFFFFFE00  }
0x10a: {  	[spmem:s18] =	stream.linear.scatter [tilespmem:s5], [sflag:$0x3], $0x200, $0x38;
	[tilespmem:$0x14200] =	vst v63  }
0x10b: {  	s20 =	sld [smem:$0x7EB]  }
0x10c: {  	[spmem:s19] =	stream.linear.scatter [tilespmem:s5], [sflag:$0x3], $0x200, $0x38;
	[tilespmem:$0x14200] =	vst v63  }
0x10d: {  	s21 =	sld [smem:$0x7EC]  }
0x10e: {  	[spmem:s20] =	stream.linear.scatter [tilespmem:s5], [sflag:$0x3], $0x200, $0x38;
	[tilespmem:$0x14200] =	vst v63  }
0x10f: {  	_ = 	snop  }
0x110: {  	[spmem:s21] =	stream.linear.scatter [tilespmem:s5], [sflag:$0x3], $0x200, $0x38;
	[tilespmem:$0x14200] =	vst v63  }
0x111: {  	_ =	swait.ge [sflag:s6], $0x200  }
0x112: {  	[sflag:s6] =	ssyncset.done $0x0  }
0x113: {  	[sflag:s6] =	ssyncadd.s32 $0xFFFFFE00  }
0x114: {  	_ =	swait.ge [sflag:s6], $0x200  }
0x115: {  	[sflag:s6] =	ssyncset.done $0x0  }
0x116: {  	[sflag:s6] =	ssyncadd.s32 $0xFFFFFE00  }
0x117: {  	_ =	swait.ge [sflag:s6], $0x200  }
0x118: {  	[sflag:s6] =	ssyncset.done $0x0  }
0x119: {  	[sflag:s6] =	ssyncadd.s32 $0xFFFFFE00  }
0x11a: {  	_ =	swait.ge [sflag:s6], $0x200  }
0x11b: {  	[sflag:s6] =	ssyncset.done $0x0  }
0x11c: {  	s7 =	simm.s32 $0x4;
	s22 =	rddreg [dreg:$0x3];
	[sflag:s6] =	ssyncadd.s32 $0xFFFFFE00  }
0x11d: {  	[tilespmem:s3], [sflag:$0x4] =	stream.linear.gather [hbm4b:s22+s3], $0x2800, $0x38;
	[tilespmem:$0x14200] =	vst v63  }
0x11e: {  	_ =	swait.ge [sflag:s7], $0x2800  }
0x11f: {  	[sflag:s7] =	ssyncset.done $0x0  }
0x120: {  	s8 =	simm.s32 $0x2800;
	s23 =	rddreg [dreg:$0x4];
	[sflag:s7] =	ssyncadd.s32 $0xFFFFD800  }
0x121: {  	[tilespmem:s8], [sflag:$0x4] =	stream.linear.gather [hbm4b:s23+s3], $0x2800, $0x38;
	[tilespmem:$0x14200] =	vst v63  }
0x122: {  	_ =	swait.ge [sflag:s7], $0x2800  }
0x123: {  	[sflag:s7] =	ssyncset.done $0x0  }
0x124: {  	s9 =	sadd.s32 $0x17E00, s9;
	[sflag:s7] =	ssyncadd.s32 $0xFFFFD800  }
0x125: {  	s10 =	simm.s32 $0x280;
	s11 =	simm.s32 $0x5000;
	[bflag:$0x0] =	sbarrier.arrive $0xFFFF  }
0x126: {  	[tilespmem:s11], [sflag:$0x1] =	stream.indirect.gather [hbm4b:s9+s10], $0x20, s3, s10, $0xb8;
	[tilespmem:$0x14200] =	vst v63  }
0x127: {  	s12 =	simm.s32 $0xA000;
	s13 =	simm.s32 $0x1  }
0x128: {  	[tilespmem:s12], [sflag:$0x2] =	stream.indirect.gather [hbm4b:s9+s10], $0x20, s10, s10, $0xb8;
	[tilespmem:$0x14200] =	vst v63  }
0x129: {  	_ =	swait.ge [sflag:s13], $0x5000  }
0x12a: {  	[sflag:s13] =	ssyncset.done $0x0  }
0x12b: {  	[sflag:s13] =	ssyncadd.s32 $0xFFFFB000  }
0x12c: {  	[spmem:s2] =	stream.indirect.scatter.add.bf16 [tilespmem:s11], [sflag:$0x4], $0x20, s8, s10, $0xb8;
	[tilespmem:$0x14200] =	vst v63  }
0x12d: {  	_ =	swait.ge [sflag:s7], $0x5000  }
0x12e: {  	s15 =	sld [smem:$0x7ED]  }
0x12f: {  	[sflag:s7] =	ssyncset.done $0x0  }
0x130: {  	s14 =	simm.s32 $0x2;
	[sflag:s7] =	ssyncadd.s32 $0xFFFFB000  }
0x131: {  	[tilespmem:s11], [sflag:$0x1] =	stream.indirect.gather [hbm4b:s9+s10], $0x20, s15, s10, $0xb8;
	[tilespmem:$0x14200] =	vst v63  }
0x132: {  	_ =	swait.ge [sflag:s14], $0x5000  }
0x133: {  	s24 =	sld [smem:$0x7EE]  }
0x134: {  	[sflag:s14] =	ssyncset.done $0x0  }
0x135: {  	[sflag:s14] =	ssyncadd.s32 $0xFFFFB000  }
0x136: {  	[spmem:s2] =	stream.indirect.scatter.add.bf16 [tilespmem:s12], [sflag:$0x4], $0x20, s24, s10, $0xb8;
	[tilespmem:$0x14200] =	vst v63  }
0x137: {  	_ =	swait.ge [sflag:s7], $0x5000  }
0x138: {  	s25 =	sld [smem:$0x7EF]  }
0x139: {  	[sflag:s7] =	ssyncset.done $0x0  }
0x13a: {  	[sflag:s7] =	ssyncadd.s32 $0xFFFFB000  }
0x13b: {  	[tilespmem:s12], [sflag:$0x2] =	stream.indirect.gather [hbm4b:s9+s10], $0x20, s25, s10, $0xb8;
	[tilespmem:$0x14200] =	vst v63  }
0x13c: {  	_ =	swait.ge [sflag:s13], $0x5000  }
0x13d: {  	s26 =	sld [smem:$0x7F0]  }
0x13e: {  	[sflag:s13] =	ssyncset.done $0x0  }
0x13f: {  	[sflag:s13] =	ssyncadd.s32 $0xFFFFB000  }
0x140: {  	[spmem:s2] =	stream.indirect.scatter.add.bf16 [tilespmem:s11], [sflag:$0x4], $0x20, s26, s10, $0xb8;
	[tilespmem:$0x14200] =	vst v63  }
0x141: {  	_ =	swait.ge [sflag:s7], $0x5000  }
0x142: {  	s31 =	sld [smem:$0x7F1]  }
0x143: {  	[sflag:s7] =	ssyncset.done $0x0  }
0x144: {  	[sflag:s7] =	ssyncadd.s32 $0xFFFFB000  }
0x145: {  	[tilespmem:s11], [sflag:$0x1] =	stream.indirect.gather [hbm4b:s9+s10], $0x20, s31, s10, $0xb8;
	[tilespmem:$0x14200] =	vst v63  }
0x146: {  	_ =	swait.ge [sflag:s14], $0x5000  }
0x147: {  	s1 =	sld [smem:$0x7F2]  }
0x148: {  	[sflag:s14] =	ssyncset.done $0x0  }
0x149: {  	[sflag:s14] =	ssyncadd.s32 $0xFFFFB000  }
0x14a: {  	[spmem:s2] =	stream.indirect.scatter.add.bf16 [tilespmem:s12], [sflag:$0x4], $0x20, s1, s10, $0xb8;
	[tilespmem:$0x14200] =	vst v63  }
0x14b: {  	_ =	swait.ge [sflag:s7], $0x5000  }
0x14c: {  	s16 =	sld [smem:$0x7F3]  }
0x14d: {  	[sflag:s7] =	ssyncset.done $0x0  }
0x14e: {  	[sflag:s7] =	ssyncadd.s32 $0xFFFFB000  }
0x14f: {  	[tilespmem:s12], [sflag:$0x2] =	stream.indirect.gather [hbm4b:s9+s10], $0x20, s16, s10, $0xb8;
	[tilespmem:$0x14200] =	vst v63  }
0x150: {  	_ =	swait.ge [sflag:s13], $0x5000  }
0x151: {  	s17 =	sld [smem:$0x7F4]  }
0x152: {  	[sflag:s13] =	ssyncset.done $0x0  }
0x153: {  	[sflag:s13] =	ssyncadd.s32 $0xFFFFB000  }
0x154: {  	[spmem:s2] =	stream.indirect.scatter.add.bf16 [tilespmem:s11], [sflag:$0x4], $0x20, s17, s10, $0xb8;
	[tilespmem:$0x14200] =	vst v63  }
0x155: {  	_ =	swait.ge [sflag:s7], $0x5000  }
0x156: {  	s18 =	sld [smem:$0x7F5]  }
0x157: {  	[sflag:s7] =	ssyncset.done $0x0  }
0x158: {  	[sflag:s7] =	ssyncadd.s32 $0xFFFFB000  }
0x159: {  	[tilespmem:s11], [sflag:$0x1] =	stream.indirect.gather [hbm4b:s9+s10], $0x20, s18, s10, $0xb8;
	[tilespmem:$0x14200] =	vst v63  }
0x15a: {  	_ =	swait.ge [sflag:s14], $0x5000  }
0x15b: {  	s19 =	sld [smem:$0x7F6]  }
0x15c: {  	[sflag:s14] =	ssyncset.done $0x0  }
0x15d: {  	[sflag:s14] =	ssyncadd.s32 $0xFFFFB000  }
0x15e: {  	[spmem:s2] =	stream.indirect.scatter.add.bf16 [tilespmem:s12], [sflag:$0x4], $0x20, s19, s10, $0xb8;
	[tilespmem:$0x14200] =	vst v63  }
0x15f: {  	_ =	swait.ge [sflag:s7], $0x5000  }
0x160: {  	s20 =	sld [smem:$0x7F7]  }
0x161: {  	[sflag:s7] =	ssyncset.done $0x0  }
0x162: {  	[sflag:s7] =	ssyncadd.s32 $0xFFFFB000  }
0x163: {  	[tilespmem:s12], [sflag:$0x2] =	stream.indirect.gather [hbm4b:s9+s10], $0x20, s20, s10, $0xb8;
	[tilespmem:$0x14200] =	vst v63  }
0x164: {  	_ =	swait.ge [sflag:s13], $0x5000  }
0x165: {  	s21 =	sld [smem:$0x7F8]  }
0x166: {  	[sflag:s13] =	ssyncset.done $0x0  }
0x167: {  	[sflag:s13] =	ssyncadd.s32 $0xFFFFB000  }
0x168: {  	[spmem:s2] =	stream.indirect.scatter.add.bf16 [tilespmem:s11], [sflag:$0x4], $0x20, s21, s10, $0xb8;
	[tilespmem:$0x14200] =	vst v63  }
0x169: {  	_ =	swait.ge [sflag:s7], $0x5000  }
0x16a: {  	s22 =	sld [smem:$0x7F9]  }
0x16b: {  	[sflag:s7] =	ssyncset.done $0x0  }
0x16c: {  	[sflag:s7] =	ssyncadd.s32 $0xFFFFB000  }
0x16d: {  	[tilespmem:s11], [sflag:$0x1] =	stream.indirect.gather [hbm4b:s9+s10], $0x20, s22, s10, $0xb8;
	[tilespmem:$0x14200] =	vst v63  }
0x16e: {  	_ =	swait.ge [sflag:s14], $0x5000  }
0x16f: {  	s23 =	sld [smem:$0x7FA]  }
0x170: {  	[sflag:s14] =	ssyncset.done $0x0  }
0x171: {  	[sflag:s14] =	ssyncadd.s32 $0xFFFFB000  }
0x172: {  	[spmem:s2] =	stream.indirect.scatter.add.bf16 [tilespmem:s12], [sflag:$0x4], $0x20, s23, s10, $0xb8;
	[tilespmem:$0x14200] =	vst v63  }
0x173: {  	_ =	swait.ge [sflag:s7], $0x5000  }
0x174: {  	s24 =	sld [smem:$0x7FB]  }
0x175: {  	[sflag:s7] =	ssyncset.done $0x0  }
0x176: {  	[sflag:s7] =	ssyncadd.s32 $0xFFFFB000  }
0x177: {  	[tilespmem:s12], [sflag:$0x2] =	stream.indirect.gather [hbm4b:s9+s10], $0x20, s24, s10, $0xb8;
	[tilespmem:$0x14200] =	vst v63  }
0x178: {  	_ =	swait.ge [sflag:s13], $0x5000  }
0x179: {  	s25 =	sld [smem:$0x7FC]  }
0x17a: {  	[sflag:s13] =	ssyncset.done $0x0  }
0x17b: {  	[sflag:s13] =	ssyncadd.s32 $0xFFFFB000  }
0x17c: {  	[spmem:s2] =	stream.indirect.scatter.add.bf16 [tilespmem:s11], [sflag:$0x4], $0x20, s25, s10, $0xb8;
	[tilespmem:$0x14200] =	vst v63  }
0x17d: {  	_ =	swait.ge [sflag:s7], $0x5000  }
0x17e: {  	s26 =	sld [smem:$0x7FD]  }
0x17f: {  	[sflag:s7] =	ssyncset.done $0x0  }
0x180: {  	[sflag:s7] =	ssyncadd.s32 $0xFFFFB000  }
0x181: {  	[tilespmem:s11], [sflag:$0x1] =	stream.indirect.gather [hbm4b:s9+s10], $0x20, s26, s10, $0xb8;
	[tilespmem:$0x14200] =	vst v63  }
0x182: {  	_ =	swait.ge [sflag:s14], $0x5000  }
0x183: {  	[sflag:s14] =	ssyncset.done $0x0  }
0x184: {  	s31 =	simm.s32 $0x3E80;
	[sflag:s14] =	ssyncadd.s32 $0xFFFFB000  }
0x185: {  	[spmem:s2] =	stream.indirect.scatter.add.bf16 [tilespmem:s12], [sflag:$0x4], $0x20, s31, s10, $0xb8;
	[tilespmem:$0x14200] =	vst v63  }
0x186: {  	_ =	swait.ge [sflag:s7], $0x5000  }
0x187: {  	[sflag:s7] =	ssyncset.done $0x0  }
0x188: {  	s16 =	simm.s32 $0x1B80;
	[sflag:s7] =	ssyncadd.s32 $0xFFFFB000  }
0x189: {  	[tilespmem:s12], [sflag:$0x2] =	stream.indirect.gather [hbm4b:s9+s10], $0x20, s16, s10, $0xb8;
	[tilespmem:$0x14200] =	vst v63  }
0x18a: {  	_ =	swait.ge [sflag:s13], $0x5000  }
0x18b: {  	[sflag:s13] =	ssyncset.done $0x0  }
0x18c: {  	s17 =	simm.s32 $0x4100;
	[sflag:s13] =	ssyncadd.s32 $0xFFFFB000  }
0x18d: {  	[spmem:s2] =	stream.indirect.scatter.add.bf16 [tilespmem:s11], [sflag:$0x4], $0x20, s17, s10, $0xb8;
	[tilespmem:$0x14200] =	vst v63  }
0x18e: {  	_ =	swait.ge [sflag:s7], $0x5000  }
0x18f: {  	[sflag:s7] =	ssyncset.done $0x0  }
0x190: {  	s18 =	simm.s32 $0x1E00;
	[sflag:s7] =	ssyncadd.s32 $0xFFFFB000  }
0x191: {  	[tilespmem:s11], [sflag:$0x1] =	stream.indirect.gather [hbm4b:s9+s10], $0x20, s18, s10, $0xb8;
	[tilespmem:$0x14200] =	vst v63  }
0x192: {  	_ =	swait.ge [sflag:s14], $0x5000  }
0x193: {  	[sflag:s14] =	ssyncset.done $0x0  }
0x194: {  	s19 =	simm.s32 $0x4380;
	[sflag:s14] =	ssyncadd.s32 $0xFFFFB000  }
0x195: {  	[spmem:s2] =	stream.indirect.scatter.add.bf16 [tilespmem:s12], [sflag:$0x4], $0x20, s19, s10, $0xb8;
	[tilespmem:$0x14200] =	vst v63  }
0x196: {  	_ =	swait.ge [sflag:s7], $0x5000  }
0x197: {  	[sflag:s7] =	ssyncset.done $0x0  }
0x198: {  	s20 =	simm.s32 $0x2080;
	[sflag:s7] =	ssyncadd.s32 $0xFFFFB000  }
0x199: {  	[tilespmem:s12], [sflag:$0x2] =	stream.indirect.gather [hbm4b:s9+s10], $0x20, s20, s10, $0xb8;
	[tilespmem:$0x14200] =	vst v63  }
0x19a: {  	_ =	swait.ge [sflag:s13], $0x5000  }
0x19b: {  	[sflag:s13] =	ssyncset.done $0x0  }
0x19c: {  	s21 =	simm.s32 $0x4600;
	[sflag:s13] =	ssyncadd.s32 $0xFFFFB000  }
0x19d: {  	[spmem:s2] =	stream.indirect.scatter.add.bf16 [tilespmem:s11], [sflag:$0x4], $0x20, s21, s10, $0xb8;
	[tilespmem:$0x14200] =	vst v63  }
0x19e: {  	_ =	swait.ge [sflag:s7], $0x5000  }
0x19f: {  	[sflag:s7] =	ssyncset.done $0x0  }
0x1a0: {  	s22 =	simm.s32 $0x2300;
	[sflag:s7] =	ssyncadd.s32 $0xFFFFB000  }
0x1a1: {  	[tilespmem:s11], [sflag:$0x1] =	stream.indirect.gather [hbm4b:s9+s10], $0x20, s22, s10, $0xb8;
	[tilespmem:$0x14200] =	vst v63  }
0x1a2: {  	_ =	swait.ge [sflag:s14], $0x5000  }
0x1a3: {  	[sflag:s14] =	ssyncset.done $0x0  }
0x1a4: {  	s23 =	simm.s32 $0x4880;
	[sflag:s14] =	ssyncadd.s32 $0xFFFFB000  }
0x1a5: {  	[spmem:s2] =	stream.indirect.scatter.add.bf16 [tilespmem:s12], [sflag:$0x4], $0x20, s23, s10, $0xb8;
	[tilespmem:$0x14200] =	vst v63  }
0x1a6: {  	_ =	swait.ge [sflag:s7], $0x5000  }
0x1a7: {  	[sflag:s7] =	ssyncset.done $0x0  }
0x1a8: {  	s24 =	simm.s32 $0x2580;
	[sflag:s7] =	ssyncadd.s32 $0xFFFFB000  }
0x1a9: {  	[tilespmem:s12], [sflag:$0x2] =	stream.indirect.gather [hbm4b:s9+s10], $0x20, s24, s10, $0xb8;
	[tilespmem:$0x14200] =	vst v63  }
0x1aa: {  	_ =	swait.ge [sflag:s13], $0x5000  }
0x1ab: {  	[sflag:s13] =	ssyncset.done $0x0  }
0x1ac: {  	s25 =	simm.s32 $0x4B00;
	[sflag:s13] =	ssyncadd.s32 $0xFFFFB000  }
0x1ad: {  	[spmem:s2] =	stream.indirect.scatter.add.bf16 [tilespmem:s11], [sflag:$0x4], $0x20, s25, s10, $0xb8;
	[tilespmem:$0x14200] =	vst v63  }
0x1ae: {  	_ =	swait.ge [sflag:s7], $0x5000  }
0x1af: {  	[sflag:s7] =	ssyncset.done $0x0  }
0x1b0: {  	[sflag:s7] =	ssyncadd.s32 $0xFFFFB000  }
0x1b1: {  	s28 =	ssub.s32 $0x2, s28;
	_ =	swait.ge [sflag:s14], $0x5000  }
0x1b2: {  	s31 =	sshrl.u32 s28, $0x1;
	[sflag:s14] =	ssyncset.done $0x0  }
0x1b3: {  	s26 =	simm.s32 $0x4D80;
	s31 =	ssub.s32 s28, s31;
	[sflag:s14] =	ssyncadd.s32 $0xFFFFB000  }
0x1b4: {  	[spmem:s2] =	stream.indirect.scatter.add.bf16 [tilespmem:s12], [sflag:$0x4], $0x20, s26, s10, $0xb8;
	[tilespmem:$0x14200] =	vst v63  }
0x1b5: {  	s31 =	smax.u32 s31, $0x1;
	_ =	swait.ge [sflag:s7], $0x5000  }
0x1b6: {  	p0 =	sne.s32 s31, $0x1;
	[sflag:s7] =	ssyncset.done $0x0  }
.Ltmp0:
0x1b7: {  	s29 =	sshrl.u32 s29, $0x1;
	[sflag:s7] =	ssyncadd.s32 $0xFFFFB000;
	(pc) =	sbr.rel @!p0 .LBB2_2-.Ltmp0, $4  }
0x1b8: {  	s29 =	sadd.s32 s29, s2;
	s15 =	sshll.u32 s0, $0x6;
	[bflag:$0x0] =	sbarrier.arrive $0xFFFF  }
0x1b9: {  	s28 =	sshrl.u32 s29, $0x3;
	s29 =	sor.u32 $0x1C04, s15;
	s30 =	rddreg [dreg:$0x5]  }
0x1ba: {  	[hbm:s30], [sflag:s29] =	dma.local [spmem:s28], $0xA00  }
0x1bb: {  	s30 =	sadd.s32 $0xFFFFFFFF, s31;
	_ =	swait.ge [sflag:s7], $0xA00  }
.LBB2_1:
0x1bc: {  	[sflag:s7] =	ssyncset.done $0x0  }
0x1bd: {  	[sflag:s7] =	ssyncadd.s32 $0xFFFFF600  }
0x1be: {  	[tilespmem:$0xF030] =	vst v0  }
0x1bf: {  	[tilespmem:$0xF040] =	vst v0  }
0x1c0: {  	[tilespmem:$0xF050] =	vst v0  }
0x1c1: {  	[tilespmem:$0xF060] =	vst v0  }
0x1c2: {  	[tilespmem:$0xF070] =	vst v0  }
0x1c3: {  	[tilespmem:$0xF080] =	vst v0  }
0x1c4: {  	[tilespmem:$0xF090] =	vst v0  }
0x1c5: {  	[tilespmem:$0xF0A0] =	vst v0  }
0x1c6: {  	[tilespmem:$0xF0B0] =	vst v0  }
0x1c7: {  	[tilespmem:$0xF0C0] =	vst v0  }
0x1c8: {  	[tilespmem:$0xF0D0] =	vst v0  }
0x1c9: {  	[tilespmem:$0xF0E0] =	vst v0  }
0x1ca: {  	[tilespmem:$0xF0F0] =	vst v0  }
0x1cb: {  	[tilespmem:$0xF100] =	vst v0  }
0x1cc: {  	[tilespmem:$0xF000] =	vst v0  }
0x1cd: {  	[tilespmem:$0xF1F0] =	vst v0  }
0x1ce: {  	[tilespmem:$0xF1E0] =	vst v0  }
0x1cf: {  	[tilespmem:$0xF1D0] =	vst v0  }
0x1d0: {  	[tilespmem:$0xF1C0] =	vst v0  }
0x1d1: {  	[tilespmem:$0xF1B0] =	vst v0  }
0x1d2: {  	[tilespmem:$0xF1A0] =	vst v0  }
0x1d3: {  	[tilespmem:$0xF190] =	vst v0  }
0x1d4: {  	[tilespmem:$0xF180] =	vst v0  }
0x1d5: {  	[tilespmem:$0xF170] =	vst v0  }
0x1d6: {  	[tilespmem:$0xF160] =	vst v0  }
0x1d7: {  	[tilespmem:$0xF150] =	vst v0  }
0x1d8: {  	[tilespmem:$0xF140] =	vst v0  }
0x1d9: {  	[tilespmem:$0xF130] =	vst v0  }
0x1da: {  	[tilespmem:$0xF120] =	vst v0  }
0x1db: {  	[tilespmem:$0xF110] =	vst v0  }
0x1dc: {  	[tilespmem:$0xF020] =	vst v0  }
0x1dd: {  	[tilespmem:$0xF010] =	vst v0  }
0x1de: {  	[spmem:s4] =	stream.linear.scatter [tilespmem:s5], [sflag:$0x3], $0x200, $0x38;
	[tilespmem:$0x14200] =	vst v63  }
0x1df: {  	s1 =	rddreg [dreg:$0x6]  }
0x1e0: {  	[spmem:s1] =	stream.linear.scatter [tilespmem:s5], [sflag:$0x3], $0x200, $0x38;
	[tilespmem:$0x14200] =	vst v63  }
0x1e1: {  	s31 =	rddreg [dreg:$0x7]  }
0x1e2: {  	[spmem:s31] =	stream.linear.scatter [tilespmem:s5], [sflag:$0x3], $0x200, $0x38;
	[tilespmem:$0x14200] =	vst v63  }
0x1e3: {  	s0 =	rddreg [dreg:$0x8]  }
0x1e4: {  	[spmem:s0] =	stream.linear.scatter [tilespmem:s5], [sflag:$0x3], $0x200, $0x38;
	[tilespmem:$0x14200] =	vst v63  }
0x1e5: {  	_ =	swait.ge [sflag:s6], $0x200  }
0x1e6: {  	[sflag:s6] =	ssyncset.done $0x0  }
0x1e7: {  	[sflag:s6] =	ssyncadd.s32 $0xFFFFFE00  }
0x1e8: {  	_ =	swait.ge [sflag:s6], $0x200  }
0x1e9: {  	[sflag:s6] =	ssyncset.done $0x0  }
0x1ea: {  	[sflag:s6] =	ssyncadd.s32 $0xFFFFFE00  }
0x1eb: {  	_ =	swait.ge [sflag:s6], $0x200  }
0x1ec: {  	[sflag:s6] =	ssyncset.done $0x0  }
0x1ed: {  	[sflag:s6] =	ssyncadd.s32 $0xFFFFFE00  }
0x1ee: {  	_ =	swait.ge [sflag:s6], $0x200  }
0x1ef: {  	[sflag:s6] =	ssyncset.done $0x0  }
0x1f0: {  	s15 =	rddreg [dreg:$0x9];
	[sflag:s6] =	ssyncadd.s32 $0xFFFFFE00  }
0x1f1: {  	[spmem:s15] =	stream.linear.scatter [tilespmem:s5], [sflag:$0x3], $0x200, $0x38;
	[tilespmem:$0x14200] =	vst v63  }
0x1f2: {  	s0 =	rddreg [dreg:$0xa]  }
0x1f3: {  	[spmem:s0] =	stream.linear.scatter [tilespmem:s5], [sflag:$0x3], $0x200, $0x38;
	[tilespmem:$0x14200] =	vst v63  }
0x1f4: {  	s31 =	rddreg [dreg:$0xb]  }
0x1f5: {  	[spmem:s31] =	stream.linear.scatter [tilespmem:s5], [sflag:$0x3], $0x200, $0x38;
	[tilespmem:$0x14200] =	vst v63  }
0x1f6: {  	s15 =	rddreg [dreg:$0xc]  }
0x1f7: {  	[spmem:s15] =	stream.linear.scatter [tilespmem:s5], [sflag:$0x3], $0x200, $0x38;
	[tilespmem:$0x14200] =	vst v63  }
0x1f8: {  	_ =	swait.ge [sflag:s6], $0x200  }
0x1f9: {  	[sflag:s6] =	ssyncset.done $0x0  }
0x1fa: {  	[sflag:s6] =	ssyncadd.s32 $0xFFFFFE00  }
0x1fb: {  	_ =	swait.ge [sflag:s6], $0x200  }
0x1fc: {  	[sflag:s6] =	ssyncset.done $0x0  }
0x1fd: {  	[sflag:s6] =	ssyncadd.s32 $0xFFFFFE00  }
0x1fe: {  	_ =	swait.ge [sflag:s6], $0x200  }
0x1ff: {  	[sflag:s6] =	ssyncset.done $0x0  }
0x200: {  	[sflag:s6] =	ssyncadd.s32 $0xFFFFFE00  }
0x201: {  	_ =	swait.ge [sflag:s6], $0x200  }
0x202: {  	[sflag:s6] =	ssyncset.done $0x0  }
0x203: {  	s1 =	rddreg [dreg:$0xd];
	[sflag:s6] =	ssyncadd.s32 $0xFFFFFE00  }
0x204: {  	[spmem:s1] =	stream.linear.scatter [tilespmem:s5], [sflag:$0x3], $0x200, $0x38;
	[tilespmem:$0x14200] =	vst v63  }
0x205: {  	s0 =	rddreg [dreg:$0xe]  }
0x206: {  	[spmem:s0] =	stream.linear.scatter [tilespmem:s5], [sflag:$0x3], $0x200, $0x38;
	[tilespmem:$0x14200] =	vst v63  }
0x207: {  	s15 =	rddreg [dreg:$0xf]  }
0x208: {  	[spmem:s15] =	stream.linear.scatter [tilespmem:s5], [sflag:$0x3], $0x200, $0x38;
	[tilespmem:$0x14200] =	vst v63  }
0x209: {  	s31 =	rddreg [dreg:$0x10]  }
0x20a: {  	[spmem:s31] =	stream.linear.scatter [tilespmem:s5], [sflag:$0x3], $0x200, $0x38;
	[tilespmem:$0x14200] =	vst v63  }
0x20b: {  	_ =	swait.ge [sflag:s6], $0x200  }
0x20c: {  	[sflag:s6] =	ssyncset.done $0x0  }
0x20d: {  	[sflag:s6] =	ssyncadd.s32 $0xFFFFFE00  }
0x20e: {  	_ =	swait.ge [sflag:s6], $0x200  }
0x20f: {  	[sflag:s6] =	ssyncset.done $0x0  }
0x210: {  	[sflag:s6] =	ssyncadd.s32 $0xFFFFFE00  }
0x211: {  	_ =	swait.ge [sflag:s6], $0x200  }
0x212: {  	[sflag:s6] =	ssyncset.done $0x0  }
0x213: {  	[sflag:s6] =	ssyncadd.s32 $0xFFFFFE00  }
0x214: {  	_ =	swait.ge [sflag:s6], $0x200  }
0x215: {  	[sflag:s6] =	ssyncset.done $0x0  }
0x216: {  	s31 =	rddreg [dreg:$0x11];
	[sflag:s6] =	ssyncadd.s32 $0xFFFFFE00  }
0x217: {  	[spmem:s31] =	stream.linear.scatter [tilespmem:s5], [sflag:$0x3], $0x200, $0x38;
	[tilespmem:$0x14200] =	vst v63  }
0x218: {  	s1 =	rddreg [dreg:$0x12]  }
0x219: {  	[spmem:s1] =	stream.linear.scatter [tilespmem:s5], [sflag:$0x3], $0x200, $0x38;
	[tilespmem:$0x14200] =	vst v63  }
0x21a: {  	s15 =	rddreg [dreg:$0x13]  }
0x21b: {  	[spmem:s15] =	stream.linear.scatter [tilespmem:s5], [sflag:$0x3], $0x200, $0x38;
	[tilespmem:$0x14200] =	vst v63  }
0x21c: {  	s31 =	rddreg [dreg:$0x14]  }
0x21d: {  	[spmem:s31] =	stream.linear.scatter [tilespmem:s5], [sflag:$0x3], $0x200, $0x38;
	[tilespmem:$0x14200] =	vst v63  }
0x21e: {  	_ =	swait.ge [sflag:s6], $0x200  }
0x21f: {  	[sflag:s6] =	ssyncset.done $0x0  }
0x220: {  	[sflag:s6] =	ssyncadd.s32 $0xFFFFFE00  }
0x221: {  	_ =	swait.ge [sflag:s6], $0x200  }
0x222: {  	[sflag:s6] =	ssyncset.done $0x0  }
0x223: {  	[sflag:s6] =	ssyncadd.s32 $0xFFFFFE00  }
0x224: {  	_ =	swait.ge [sflag:s6], $0x200  }
0x225: {  	[sflag:s6] =	ssyncset.done $0x0  }
0x226: {  	[sflag:s6] =	ssyncadd.s32 $0xFFFFFE00  }
0x227: {  	_ =	swait.ge [sflag:s6], $0x200  }
0x228: {  	[sflag:s6] =	ssyncset.done $0x0  }
0x229: {  	s31 =	rddreg [dreg:$0x15];
	[sflag:s6] =	ssyncadd.s32 $0xFFFFFE00  }
0x22a: {  	[spmem:s31] =	stream.linear.scatter [tilespmem:s5], [sflag:$0x3], $0x200, $0x38;
	[tilespmem:$0x14200] =	vst v63  }
0x22b: {  	s1 =	rddreg [dreg:$0x16]  }
0x22c: {  	[spmem:s1] =	stream.linear.scatter [tilespmem:s5], [sflag:$0x3], $0x200, $0x38;
	[tilespmem:$0x14200] =	vst v63  }
0x22d: {  	s15 =	rddreg [dreg:$0x17]  }
0x22e: {  	[spmem:s15] =	stream.linear.scatter [tilespmem:s5], [sflag:$0x3], $0x200, $0x38;
	[tilespmem:$0x14200] =	vst v63  }
0x22f: {  	s31 =	rddreg [dreg:$0x18]  }
0x230: {  	[spmem:s31] =	stream.linear.scatter [tilespmem:s5], [sflag:$0x3], $0x200, $0x38;
	[tilespmem:$0x14200] =	vst v63  }
0x231: {  	_ =	swait.ge [sflag:s6], $0x200  }
0x232: {  	[sflag:s6] =	ssyncset.done $0x0  }
0x233: {  	[sflag:s6] =	ssyncadd.s32 $0xFFFFFE00  }
0x234: {  	_ =	swait.ge [sflag:s6], $0x200  }
0x235: {  	[sflag:s6] =	ssyncset.done $0x0  }
0x236: {  	[sflag:s6] =	ssyncadd.s32 $0xFFFFFE00  }
0x237: {  	_ =	swait.ge [sflag:s6], $0x200  }
0x238: {  	[sflag:s6] =	ssyncset.done $0x0  }
0x239: {  	[sflag:s6] =	ssyncadd.s32 $0xFFFFFE00  }
0x23a: {  	_ =	swait.ge [sflag:s6], $0x200  }
0x23b: {  	[sflag:s6] =	ssyncset.done $0x0  }
0x23c: {  	s31 =	rddreg [dreg:$0x19];
	[sflag:s6] =	ssyncadd.s32 $0xFFFFFE00  }
0x23d: {  	[spmem:s31] =	stream.linear.scatter [tilespmem:s5], [sflag:$0x3], $0x200, $0x38;
	[tilespmem:$0x14200] =	vst v63  }
0x23e: {  	s1 =	rddreg [dreg:$0x1a]  }
0x23f: {  	[spmem:s1] =	stream.linear.scatter [tilespmem:s5], [sflag:$0x3], $0x200, $0x38;
	[tilespmem:$0x14200] =	vst v63  }
0x240: {  	s15 =	rddreg [dreg:$0x1b]  }
0x241: {  	[spmem:s15] =	stream.linear.scatter [tilespmem:s5], [sflag:$0x3], $0x200, $0x38;
	[tilespmem:$0x14200] =	vst v63  }
0x242: {  	s31 =	rddreg [dreg:$0x1c]  }
0x243: {  	[spmem:s31] =	stream.linear.scatter [tilespmem:s5], [sflag:$0x3], $0x200, $0x38;
	[tilespmem:$0x14200] =	vst v63  }
0x244: {  	_ =	swait.ge [sflag:s6], $0x200  }
0x245: {  	[sflag:s6] =	ssyncset.done $0x0  }
0x246: {  	[sflag:s6] =	ssyncadd.s32 $0xFFFFFE00  }
0x247: {  	_ =	swait.ge [sflag:s6], $0x200  }
0x248: {  	[sflag:s6] =	ssyncset.done $0x0  }
0x249: {  	[sflag:s6] =	ssyncadd.s32 $0xFFFFFE00  }
0x24a: {  	_ =	swait.ge [sflag:s6], $0x200  }
0x24b: {  	[sflag:s6] =	ssyncset.done $0x0  }
0x24c: {  	[sflag:s6] =	ssyncadd.s32 $0xFFFFFE00  }
0x24d: {  	_ =	swait.ge [sflag:s6], $0x200  }
0x24e: {  	[sflag:s6] =	ssyncset.done $0x0;
	s31 =	rddreg [dreg:$0x1d]  }
0x24f: {  	s1 =	rddreg [dreg:$0x1e];
	[sflag:s6] =	ssyncadd.s32 $0xFFFFFE00  }
0x250: {  	[spmem:s31] =	stream.linear.scatter [tilespmem:s5], [sflag:$0x3], $0x200, $0x38;
	[tilespmem:$0x14200] =	vst v63  }
0x251: {  	s15 =	rddreg [dreg:$0x1f]  }
0x252: {  	[spmem:s1] =	stream.linear.scatter [tilespmem:s5], [sflag:$0x3], $0x200, $0x38;
	[tilespmem:$0x14200] =	vst v63  }
0x253: {  	s31 =	sld [smem:$0x7E0]  }
0x254: {  	[spmem:s15] =	stream.linear.scatter [tilespmem:s5], [sflag:$0x3], $0x200, $0x38;
	[tilespmem:$0x14200] =	vst v63  }
0x255: {  	_ = 	snop  }
0x256: {  	[spmem:s31] =	stream.linear.scatter [tilespmem:s5], [sflag:$0x3], $0x200, $0x38;
	[tilespmem:$0x14200] =	vst v63  }
0x257: {  	_ =	swait.ge [sflag:s6], $0x200  }
0x258: {  	[sflag:s6] =	ssyncset.done $0x0  }
0x259: {  	[sflag:s6] =	ssyncadd.s32 $0xFFFFFE00  }
0x25a: {  	_ =	swait.ge [sflag:s6], $0x200  }
0x25b: {  	[sflag:s6] =	ssyncset.done $0x0  }
0x25c: {  	[sflag:s6] =	ssyncadd.s32 $0xFFFFFE00  }
0x25d: {  	_ =	swait.ge [sflag:s6], $0x200  }
0x25e: {  	[sflag:s6] =	ssyncset.done $0x0  }
0x25f: {  	[sflag:s6] =	ssyncadd.s32 $0xFFFFFE00  }
0x260: {  	_ =	swait.ge [sflag:s6], $0x200  }
0x261: {  	s31 =	sld [smem:$0x7E1]  }
0x262: {  	[sflag:s6] =	ssyncset.done $0x0  }
0x263: {  	s1 =	sld [smem:$0x7E2];
	[sflag:s6] =	ssyncadd.s32 $0xFFFFFE00  }
0x264: {  	[spmem:s31] =	stream.linear.scatter [tilespmem:s5], [sflag:$0x3], $0x200, $0x38;
	[tilespmem:$0x14200] =	vst v63  }
0x265: {  	s15 =	sld [smem:$0x7E3]  }
0x266: {  	[spmem:s1] =	stream.linear.scatter [tilespmem:s5], [sflag:$0x3], $0x200, $0x38;
	[tilespmem:$0x14200] =	vst v63  }
0x267: {  	s31 =	sld [smem:$0x7E4]  }
0x268: {  	[spmem:s15] =	stream.linear.scatter [tilespmem:s5], [sflag:$0x3], $0x200, $0x38;
	[tilespmem:$0x14200] =	vst v63  }
0x269: {  	_ = 	snop  }
0x26a: {  	[spmem:s31] =	stream.linear.scatter [tilespmem:s5], [sflag:$0x3], $0x200, $0x38;
	[tilespmem:$0x14200] =	vst v63  }
0x26b: {  	_ =	swait.ge [sflag:s6], $0x200  }
0x26c: {  	[sflag:s6] =	ssyncset.done $0x0  }
0x26d: {  	[sflag:s6] =	ssyncadd.s32 $0xFFFFFE00  }
0x26e: {  	_ =	swait.ge [sflag:s6], $0x200  }
0x26f: {  	[sflag:s6] =	ssyncset.done $0x0  }
0x270: {  	[sflag:s6] =	ssyncadd.s32 $0xFFFFFE00  }
0x271: {  	_ =	swait.ge [sflag:s6], $0x200  }
0x272: {  	[sflag:s6] =	ssyncset.done $0x0  }
0x273: {  	[sflag:s6] =	ssyncadd.s32 $0xFFFFFE00  }
0x274: {  	_ =	swait.ge [sflag:s6], $0x200  }
0x275: {  	s31 =	sld [smem:$0x7E5]  }
0x276: {  	[sflag:s6] =	ssyncset.done $0x0  }
0x277: {  	s1 =	sld [smem:$0x7E6];
	[sflag:s6] =	ssyncadd.s32 $0xFFFFFE00  }
0x278: {  	[spmem:s31] =	stream.linear.scatter [tilespmem:s5], [sflag:$0x3], $0x200, $0x38;
	[tilespmem:$0x14200] =	vst v63  }
0x279: {  	s15 =	sld [smem:$0x7E7]  }
0x27a: {  	[spmem:s1] =	stream.linear.scatter [tilespmem:s5], [sflag:$0x3], $0x200, $0x38;
	[tilespmem:$0x14200] =	vst v63  }
0x27b: {  	s31 =	sld [smem:$0x7E8]  }
0x27c: {  	[spmem:s15] =	stream.linear.scatter [tilespmem:s5], [sflag:$0x3], $0x200, $0x38;
	[tilespmem:$0x14200] =	vst v63  }
0x27d: {  	_ = 	snop  }
0x27e: {  	[spmem:s31] =	stream.linear.scatter [tilespmem:s5], [sflag:$0x3], $0x200, $0x38;
	[tilespmem:$0x14200] =	vst v63  }
0x27f: {  	_ =	swait.ge [sflag:s6], $0x200  }
0x280: {  	[sflag:s6] =	ssyncset.done $0x0  }
0x281: {  	[sflag:s6] =	ssyncadd.s32 $0xFFFFFE00  }
0x282: {  	_ =	swait.ge [sflag:s6], $0x200  }
0x283: {  	[sflag:s6] =	ssyncset.done $0x0  }
0x284: {  	[sflag:s6] =	ssyncadd.s32 $0xFFFFFE00  }
0x285: {  	_ =	swait.ge [sflag:s6], $0x200  }
0x286: {  	[sflag:s6] =	ssyncset.done $0x0  }
0x287: {  	[sflag:s6] =	ssyncadd.s32 $0xFFFFFE00  }
0x288: {  	_ =	swait.ge [sflag:s6], $0x200  }
0x289: {  	s31 =	sld [smem:$0x7E9]  }
0x28a: {  	[sflag:s6] =	ssyncset.done $0x0  }
0x28b: {  	s1 =	sld [smem:$0x7EA];
	[sflag:s6] =	ssyncadd.s32 $0xFFFFFE00  }
0x28c: {  	[spmem:s31] =	stream.linear.scatter [tilespmem:s5], [sflag:$0x3], $0x200, $0x38;
	[tilespmem:$0x14200] =	vst v63  }
0x28d: {  	s15 =	sld [smem:$0x7EB]  }
0x28e: {  	[spmem:s1] =	stream.linear.scatter [tilespmem:s5], [sflag:$0x3], $0x200, $0x38;
	[tilespmem:$0x14200] =	vst v63  }
0x28f: {  	s31 =	sld [smem:$0x7EC]  }
0x290: {  	[spmem:s15] =	stream.linear.scatter [tilespmem:s5], [sflag:$0x3], $0x200, $0x38;
	[tilespmem:$0x14200] =	vst v63  }
0x291: {  	_ = 	snop  }
0x292: {  	[spmem:s31] =	stream.linear.scatter [tilespmem:s5], [sflag:$0x3], $0x200, $0x38;
	[tilespmem:$0x14200] =	vst v63  }
0x293: {  	_ =	swait.ge [sflag:s6], $0x200  }
0x294: {  	[sflag:s6] =	ssyncset.done $0x0  }
0x295: {  	[sflag:s6] =	ssyncadd.s32 $0xFFFFFE00  }
0x296: {  	_ =	swait.ge [sflag:s6], $0x200  }
0x297: {  	[sflag:s6] =	ssyncset.done $0x0  }
0x298: {  	[sflag:s6] =	ssyncadd.s32 $0xFFFFFE00  }
0x299: {  	_ =	swait.ge [sflag:s6], $0x200  }
0x29a: {  	[sflag:s6] =	ssyncset.done $0x0  }
0x29b: {  	[sflag:s6] =	ssyncadd.s32 $0xFFFFFE00  }
0x29c: {  	_ =	swait.ge [sflag:s6], $0x200  }
0x29d: {  	[sflag:s6] =	ssyncset.done $0x0  }
0x29e: {  	s1 =	rddreg [dreg:$0x3];
	[sflag:s6] =	ssyncadd.s32 $0xFFFFFE00  }
0x29f: {  	[tilespmem:s3], [sflag:$0x4] =	stream.linear.gather [hbm4b:s1+s3], $0x2800, $0x38;
	[tilespmem:$0x14200] =	vst v63  }
0x2a0: {  	_ =	swait.ge [sflag:s7], $0x2800  }
0x2a1: {  	[sflag:s7] =	ssyncset.done $0x0  }
0x2a2: {  	s15 =	rddreg [dreg:$0x4];
	[sflag:s7] =	ssyncadd.s32 $0xFFFFD800  }
0x2a3: {  	[tilespmem:s8], [sflag:$0x4] =	stream.linear.gather [hbm4b:s15+s3], $0x2800, $0x38;
	[tilespmem:$0x14200] =	vst v63  }
0x2a4: {  	_ =	swait.ge [sflag:s7], $0x2800  }
0x2a5: {  	[sflag:s7] =	ssyncset.done $0x0  }
0x2a6: {  	[sflag:s7] =	ssyncadd.s32 $0xFFFFD800  }
0x2a7: {  	[bflag:$0x0] =	sbarrier.arrive $0xFFFF  }
0x2a8: {  	[tilespmem:s11], [sflag:$0x1] =	stream.indirect.gather [hbm4b:s9+s10], $0x20, s3, s10, $0xb8;
	[tilespmem:$0x14200] =	vst v63  }
0x2a9: {  	_ = 	snop  }
0x2aa: {  	[tilespmem:s12], [sflag:$0x2] =	stream.indirect.gather [hbm4b:s9+s10], $0x20, s10, s10, $0xb8;
	[tilespmem:$0x14200] =	vst v63  }
0x2ab: {  	_ =	swait.ge [sflag:s13], $0x5000  }
0x2ac: {  	[sflag:s13] =	ssyncset.done $0x0  }
0x2ad: {  	[sflag:s13] =	ssyncadd.s32 $0xFFFFB000  }
0x2ae: {  	[spmem:s2] =	stream.indirect.scatter.add.bf16 [tilespmem:s11], [sflag:$0x4], $0x20, s8, s10, $0xb8;
	[tilespmem:$0x14200] =	vst v63  }
0x2af: {  	_ =	swait.ge [sflag:s7], $0x5000  }
0x2b0: {  	s31 =	sld [smem:$0x7ED]  }
0x2b1: {  	[sflag:s7] =	ssyncset.done $0x0  }
0x2b2: {  	[sflag:s7] =	ssyncadd.s32 $0xFFFFB000  }
0x2b3: {  	[tilespmem:s11], [sflag:$0x1] =	stream.indirect.gather [hbm4b:s9+s10], $0x20, s31, s10, $0xb8;
	[tilespmem:$0x14200] =	vst v63  }
0x2b4: {  	_ =	swait.ge [sflag:s14], $0x5000  }
0x2b5: {  	s1 =	sld [smem:$0x7EE]  }
0x2b6: {  	[sflag:s14] =	ssyncset.done $0x0  }
0x2b7: {  	[sflag:s14] =	ssyncadd.s32 $0xFFFFB000  }
0x2b8: {  	[spmem:s2] =	stream.indirect.scatter.add.bf16 [tilespmem:s12], [sflag:$0x4], $0x20, s1, s10, $0xb8;
	[tilespmem:$0x14200] =	vst v63  }
0x2b9: {  	_ =	swait.ge [sflag:s7], $0x5000  }
0x2ba: {  	s15 =	sld [smem:$0x7EF]  }
0x2bb: {  	[sflag:s7] =	ssyncset.done $0x0  }
0x2bc: {  	[sflag:s7] =	ssyncadd.s32 $0xFFFFB000  }
0x2bd: {  	[tilespmem:s12], [sflag:$0x2] =	stream.indirect.gather [hbm4b:s9+s10], $0x20, s15, s10, $0xb8;
	[tilespmem:$0x14200] =	vst v63  }
0x2be: {  	_ =	swait.ge [sflag:s13], $0x5000  }
0x2bf: {  	s31 =	sld [smem:$0x7F0]  }
0x2c0: {  	[sflag:s13] =	ssyncset.done $0x0  }
0x2c1: {  	[sflag:s13] =	ssyncadd.s32 $0xFFFFB000  }
0x2c2: {  	[spmem:s2] =	stream.indirect.scatter.add.bf16 [tilespmem:s11], [sflag:$0x4], $0x20, s31, s10, $0xb8;
	[tilespmem:$0x14200] =	vst v63  }
0x2c3: {  	_ =	swait.ge [sflag:s7], $0x5000  }
0x2c4: {  	s1 =	sld [smem:$0x7F1]  }
0x2c5: {  	[sflag:s7] =	ssyncset.done $0x0  }
0x2c6: {  	[sflag:s7] =	ssyncadd.s32 $0xFFFFB000  }
0x2c7: {  	[tilespmem:s11], [sflag:$0x1] =	stream.indirect.gather [hbm4b:s9+s10], $0x20, s1, s10, $0xb8;
	[tilespmem:$0x14200] =	vst v63  }
0x2c8: {  	_ =	swait.ge [sflag:s14], $0x5000  }
0x2c9: {  	s15 =	sld [smem:$0x7F2]  }
0x2ca: {  	[sflag:s14] =	ssyncset.done $0x0  }
0x2cb: {  	[sflag:s14] =	ssyncadd.s32 $0xFFFFB000  }
0x2cc: {  	[spmem:s2] =	stream.indirect.scatter.add.bf16 [tilespmem:s12], [sflag:$0x4], $0x20, s15, s10, $0xb8;
	[tilespmem:$0x14200] =	vst v63  }
0x2cd: {  	_ =	swait.ge [sflag:s7], $0x5000  }
0x2ce: {  	s31 =	sld [smem:$0x7F3]  }
0x2cf: {  	[sflag:s7] =	ssyncset.done $0x0  }
0x2d0: {  	[sflag:s7] =	ssyncadd.s32 $0xFFFFB000  }
0x2d1: {  	[tilespmem:s12], [sflag:$0x2] =	stream.indirect.gather [hbm4b:s9+s10], $0x20, s31, s10, $0xb8;
	[tilespmem:$0x14200] =	vst v63  }
0x2d2: {  	_ =	swait.ge [sflag:s13], $0x5000  }
0x2d3: {  	s1 =	sld [smem:$0x7F4]  }
0x2d4: {  	[sflag:s13] =	ssyncset.done $0x0  }
0x2d5: {  	[sflag:s13] =	ssyncadd.s32 $0xFFFFB000  }
0x2d6: {  	[spmem:s2] =	stream.indirect.scatter.add.bf16 [tilespmem:s11], [sflag:$0x4], $0x20, s1, s10, $0xb8;
	[tilespmem:$0x14200] =	vst v63  }
0x2d7: {  	_ =	swait.ge [sflag:s7], $0x5000  }
0x2d8: {  	s15 =	sld [smem:$0x7F5]  }
0x2d9: {  	[sflag:s7] =	ssyncset.done $0x0  }
0x2da: {  	[sflag:s7] =	ssyncadd.s32 $0xFFFFB000  }
0x2db: {  	[tilespmem:s11], [sflag:$0x1] =	stream.indirect.gather [hbm4b:s9+s10], $0x20, s15, s10, $0xb8;
	[tilespmem:$0x14200] =	vst v63  }
0x2dc: {  	_ =	swait.ge [sflag:s14], $0x5000  }
0x2dd: {  	s31 =	sld [smem:$0x7F6]  }
0x2de: {  	[sflag:s14] =	ssyncset.done $0x0  }
0x2df: {  	[sflag:s14] =	ssyncadd.s32 $0xFFFFB000  }
0x2e0: {  	[spmem:s2] =	stream.indirect.scatter.add.bf16 [tilespmem:s12], [sflag:$0x4], $0x20, s31, s10, $0xb8;
	[tilespmem:$0x14200] =	vst v63  }
0x2e1: {  	_ =	swait.ge [sflag:s7], $0x5000  }
0x2e2: {  	s1 =	sld [smem:$0x7F7]  }
0x2e3: {  	[sflag:s7] =	ssyncset.done $0x0  }
0x2e4: {  	[sflag:s7] =	ssyncadd.s32 $0xFFFFB000  }
0x2e5: {  	[tilespmem:s12], [sflag:$0x2] =	stream.indirect.gather [hbm4b:s9+s10], $0x20, s1, s10, $0xb8;
	[tilespmem:$0x14200] =	vst v63  }
0x2e6: {  	_ =	swait.ge [sflag:s13], $0x5000  }
0x2e7: {  	s15 =	sld [smem:$0x7F8]  }
0x2e8: {  	[sflag:s13] =	ssyncset.done $0x0  }
0x2e9: {  	[sflag:s13] =	ssyncadd.s32 $0xFFFFB000  }
0x2ea: {  	[spmem:s2] =	stream.indirect.scatter.add.bf16 [tilespmem:s11], [sflag:$0x4], $0x20, s15, s10, $0xb8;
	[tilespmem:$0x14200] =	vst v63  }
0x2eb: {  	_ =	swait.ge [sflag:s7], $0x5000  }
0x2ec: {  	s31 =	sld [smem:$0x7F9]  }
0x2ed: {  	[sflag:s7] =	ssyncset.done $0x0  }
0x2ee: {  	[sflag:s7] =	ssyncadd.s32 $0xFFFFB000  }
0x2ef: {  	[tilespmem:s11], [sflag:$0x1] =	stream.indirect.gather [hbm4b:s9+s10], $0x20, s31, s10, $0xb8;
	[tilespmem:$0x14200] =	vst v63  }
0x2f0: {  	_ =	swait.ge [sflag:s14], $0x5000  }
0x2f1: {  	s1 =	sld [smem:$0x7FA]  }
0x2f2: {  	[sflag:s14] =	ssyncset.done $0x0  }
0x2f3: {  	[sflag:s14] =	ssyncadd.s32 $0xFFFFB000  }
0x2f4: {  	[spmem:s2] =	stream.indirect.scatter.add.bf16 [tilespmem:s12], [sflag:$0x4], $0x20, s1, s10, $0xb8;
	[tilespmem:$0x14200] =	vst v63  }
0x2f5: {  	_ =	swait.ge [sflag:s7], $0x5000  }
0x2f6: {  	s15 =	sld [smem:$0x7FB]  }
0x2f7: {  	[sflag:s7] =	ssyncset.done $0x0  }
0x2f8: {  	[sflag:s7] =	ssyncadd.s32 $0xFFFFB000  }
0x2f9: {  	[tilespmem:s12], [sflag:$0x2] =	stream.indirect.gather [hbm4b:s9+s10], $0x20, s15, s10, $0xb8;
	[tilespmem:$0x14200] =	vst v63  }
0x2fa: {  	_ =	swait.ge [sflag:s13], $0x5000  }
0x2fb: {  	s31 =	sld [smem:$0x7FC]  }
0x2fc: {  	[sflag:s13] =	ssyncset.done $0x0  }
0x2fd: {  	[sflag:s13] =	ssyncadd.s32 $0xFFFFB000  }
0x2fe: {  	[spmem:s2] =	stream.indirect.scatter.add.bf16 [tilespmem:s11], [sflag:$0x4], $0x20, s31, s10, $0xb8;
	[tilespmem:$0x14200] =	vst v63  }
0x2ff: {  	_ =	swait.ge [sflag:s7], $0x5000  }
0x300: {  	s1 =	sld [smem:$0x7FD]  }
0x301: {  	[sflag:s7] =	ssyncset.done $0x0  }
0x302: {  	[sflag:s7] =	ssyncadd.s32 $0xFFFFB000  }
0x303: {  	[tilespmem:s11], [sflag:$0x1] =	stream.indirect.gather [hbm4b:s9+s10], $0x20, s1, s10, $0xb8;
	[tilespmem:$0x14200] =	vst v63  }
0x304: {  	_ =	swait.ge [sflag:s14], $0x5000  }
0x305: {  	[sflag:s14] =	ssyncset.done $0x0  }
0x306: {  	s15 =	simm.s32 $0x3E80;
	[sflag:s14] =	ssyncadd.s32 $0xFFFFB000  }
0x307: {  	[spmem:s2] =	stream.indirect.scatter.add.bf16 [tilespmem:s12], [sflag:$0x4], $0x20, s15, s10, $0xb8;
	[tilespmem:$0x14200] =	vst v63  }
0x308: {  	_ =	swait.ge [sflag:s7], $0x5000  }
0x309: {  	[sflag:s7] =	ssyncset.done $0x0  }
0x30a: {  	[sflag:s7] =	ssyncadd.s32 $0xFFFFB000  }
0x30b: {  	[tilespmem:s12], [sflag:$0x2] =	stream.indirect.gather [hbm4b:s9+s10], $0x20, s16, s10, $0xb8;
	[tilespmem:$0x14200] =	vst v63  }
0x30c: {  	_ =	swait.ge [sflag:s13], $0x5000  }
0x30d: {  	[sflag:s13] =	ssyncset.done $0x0  }
0x30e: {  	[sflag:s13] =	ssyncadd.s32 $0xFFFFB000  }
0x30f: {  	[spmem:s2] =	stream.indirect.scatter.add.bf16 [tilespmem:s11], [sflag:$0x4], $0x20, s17, s10, $0xb8;
	[tilespmem:$0x14200] =	vst v63  }
0x310: {  	_ =	swait.ge [sflag:s7], $0x5000  }
0x311: {  	[sflag:s7] =	ssyncset.done $0x0  }
0x312: {  	[sflag:s7] =	ssyncadd.s32 $0xFFFFB000  }
0x313: {  	[tilespmem:s11], [sflag:$0x1] =	stream.indirect.gather [hbm4b:s9+s10], $0x20, s18, s10, $0xb8;
	[tilespmem:$0x14200] =	vst v63  }
0x314: {  	_ =	swait.ge [sflag:s14], $0x5000  }
0x315: {  	[sflag:s14] =	ssyncset.done $0x0  }
0x316: {  	[sflag:s14] =	ssyncadd.s32 $0xFFFFB000  }
0x317: {  	[spmem:s2] =	stream.indirect.scatter.add.bf16 [tilespmem:s12], [sflag:$0x4], $0x20, s19, s10, $0xb8;
	[tilespmem:$0x14200] =	vst v63  }
0x318: {  	_ =	swait.ge [sflag:s7], $0x5000  }
0x319: {  	[sflag:s7] =	ssyncset.done $0x0  }
0x31a: {  	[sflag:s7] =	ssyncadd.s32 $0xFFFFB000  }
0x31b: {  	[tilespmem:s12], [sflag:$0x2] =	stream.indirect.gather [hbm4b:s9+s10], $0x20, s20, s10, $0xb8;
	[tilespmem:$0x14200] =	vst v63  }
0x31c: {  	_ =	swait.ge [sflag:s13], $0x5000  }
0x31d: {  	[sflag:s13] =	ssyncset.done $0x0  }
0x31e: {  	[sflag:s13] =	ssyncadd.s32 $0xFFFFB000  }
0x31f: {  	[spmem:s2] =	stream.indirect.scatter.add.bf16 [tilespmem:s11], [sflag:$0x4], $0x20, s21, s10, $0xb8;
	[tilespmem:$0x14200] =	vst v63  }
0x320: {  	_ =	swait.ge [sflag:s7], $0x5000  }
0x321: {  	[sflag:s7] =	ssyncset.done $0x0  }
0x322: {  	[sflag:s7] =	ssyncadd.s32 $0xFFFFB000  }
0x323: {  	[tilespmem:s11], [sflag:$0x1] =	stream.indirect.gather [hbm4b:s9+s10], $0x20, s22, s10, $0xb8;
	[tilespmem:$0x14200] =	vst v63  }
0x324: {  	_ =	swait.ge [sflag:s14], $0x5000  }
0x325: {  	[sflag:s14] =	ssyncset.done $0x0  }
0x326: {  	[sflag:s14] =	ssyncadd.s32 $0xFFFFB000  }
0x327: {  	[spmem:s2] =	stream.indirect.scatter.add.bf16 [tilespmem:s12], [sflag:$0x4], $0x20, s23, s10, $0xb8;
	[tilespmem:$0x14200] =	vst v63  }
0x328: {  	_ =	swait.ge [sflag:s7], $0x5000  }
0x329: {  	[sflag:s7] =	ssyncset.done $0x0  }
0x32a: {  	[sflag:s7] =	ssyncadd.s32 $0xFFFFB000  }
0x32b: {  	[tilespmem:s12], [sflag:$0x2] =	stream.indirect.gather [hbm4b:s9+s10], $0x20, s24, s10, $0xb8;
	[tilespmem:$0x14200] =	vst v63  }
0x32c: {  	_ =	swait.ge [sflag:s13], $0x5000  }
0x32d: {  	[sflag:s13] =	ssyncset.done $0x0  }
0x32e: {  	[sflag:s13] =	ssyncadd.s32 $0xFFFFB000  }
0x32f: {  	[spmem:s2] =	stream.indirect.scatter.add.bf16 [tilespmem:s11], [sflag:$0x4], $0x20, s25, s10, $0xb8;
	[tilespmem:$0x14200] =	vst v63  }
0x330: {  	_ =	swait.ge [sflag:s7], $0x5000  }
0x331: {  	[sflag:s7] =	ssyncset.done $0x0  }
0x332: {  	[sflag:s7] =	ssyncadd.s32 $0xFFFFB000  }
0x333: {  	_ =	swait.ge [sflag:s14], $0x5000  }
0x334: {  	[sflag:s14] =	ssyncset.done $0x0  }
0x335: {  	[sflag:s14] =	ssyncadd.s32 $0xFFFFB000  }
0x336: {  	[spmem:s2] =	stream.indirect.scatter.add.bf16 [tilespmem:s12], [sflag:$0x4], $0x20, s26, s10, $0xb8;
	[tilespmem:$0x14200] =	vst v63  }
0x337: {  	_ =	swait.ge [sflag:s7], $0x5000  }
0x338: {  	p0 =	sne.s32 s30, $0x1;
	[sflag:s7] =	ssyncset.done $0x0  }
.Ltmp1:
0x339: {  	[sflag:s7] =	ssyncadd.s32 $0xFFFFB000;
	(pc) =	sbr.rel @p0 .LBB2_1-.Ltmp1, $4  }
0x33a: {  	[bflag:$0x0] =	sbarrier.arrive $0xFFFF  }
0x33b: {  	s31 =	rddreg [dreg:$0x5]  }
0x33c: {  	[hbm:s31], [sflag:s29] =	dma.local [spmem:s28], $0xA00  }
0x33d: {  	s30 =	sadd.s32 $0xFFFFFFFF, s30;
	_ =	swait.ge [sflag:s7], $0xA00  }
.LBB2_2:
0x33e: {  	[sflag:s7] =	ssyncset.done $0x0  }
0x33f: {  	[sflag:s7] =	ssyncadd.s32 $0xFFFFF600  }
0x340: {  	_ =	sfence.sel $0x180000  }
0x341: {  	[bflag:$0x0] =	sbarrier.arrive $0xFFFF  }
0x342: {  	_ =	strace $0x9000004D  }
0x343: {  	s0 =	stileid.u32;
	[bflag:$0x2] =	sbarrier.arrive $0xFFFF  }
0x344: {  	p0 =	sne.s32 s0, $0x0;
	s0 =	rddreg [dreg:$0x2]  }
0x345: {  	s0 =	sadd.s32 @!p0 $0x100000, s0  }
0x346: {  	[sflag:s0] =	ssyncadd.tile.s32 @!p0 $0x1;
	_ =	shalt  }
.Lfunc_end2:
_tile_overlayer_lowered:
.L_overlay_start_2:
0x347: {  	(tag) =	ssettag $0x2  }
0x348: {  	s0 =	rddreg [dreg:$0x0];
	s2 =	stileid.u32  }
0x349: {  	s1 =	rddreg [dreg:$0x1];
	p0 =	sne.s32 s2, $0x0  }
0x34a: {  	s3 =	rddreg [dreg:$0x2];
	[bflag:$0x3] =	sbarrier.arrive $0xFFFF;
	s2 =	simm.s32 @!p0 $0x1C04  }
0x34b: {  	[timem:s3], [sflag:s2] =	dma.local @!p0 [hbm:s0], s1  }
0x34c: {  	s0 =	simm.s32 @!p0 $0x4  }
0x34d: {  	_ =	swait.ge @!p0 [sflag:s0], s1  }
0x34e: {  	s1 =	ssub.s32 @!p0 $0x0, s1;
	[sflag:s0] =	ssyncset.done @!p0 $0x0  }
0x34f: {  	[sflag:s0] =	ssyncadd.s32 @!p0 s1  }
0x350: {  	[bflag:$0x3] =	sbarrier.arrive $0xFFFF  }
0x351: {  	_ =	shalt  }

// kernel: kernel.19.cloned.1.call-start
scs
__scs_entry_jumppad:
0x0: {  	(pc) =	sbr.rel $0x88, $3  }
0x1: {  	(tag) =	ssettag $0x0;
	lr =	simm.s32 $0x1  }
0x2: {  	[smem:$0x3F97] =	sst lr;
	_ =	strace $0xD0000000  }
0x3: {  	_ = 	snop  }
0x4: {  	_ = 	snop  }
0x5: {  	_ = 	snop  }
0x6: {  	_ = 	snop  }
0x7: {  	_ = 	snop  }
__scs_overlays_trampoline_lowered:
0x8: {  	[smem:$0x3FA6] =	sst s0  }
0x9: {  	[smem:$0x3FA7] =	sst s1  }
0xa: {  	[smem:$0x3FA8] =	sst s2  }
0xb: {  	[smem:$0x3FA9] =	sst s3  }
0xc: {  	[smem:$0x3FAA] =	sst s4  }
0xd: {  	[smem:$0x3FAB] =	sst s5  }
0xe: {  	[smem:$0x3FAC] =	sst s6  }
0xf: {  	[smem:$0x3FAD] =	sst s7  }
0x10: {  	[smem:$0x3FAE] =	sst s8  }
0x11: {  	[smem:$0x3FAF] =	sst s9;
	s0 =	simm.s32 @!p0 $0x0  }
0x12: {  	s1 =	sld [smem:$0x3F95];
	s0 =	simm.s32 @p0 $0x1  }
0x13: {  	[smem:$0x3FB0] =	sst s0;
	s0 =	simm.s32 @!p1 $0x0  }
0x14: {  	s2 =	sld [smem:$0x3F94];
	s0 =	simm.s32 @p1 $0x1  }
0x15: {  	[smem:$0x3FB1] =	sst s0;
	s0 =	simm.s32 @!p2 $0x0  }
0x16: {  	s3 =	sld [smem:$0x3FDB];
	s0 =	simm.s32 @p2 $0x1  }
0x17: {  	s4 =	simm.s32 $0x1BF5;
	[smem:$0x3FB3] =	sst s0  }
0x18: {  	s0 =	sld [smem:$0x3F96];
	_ =	swait.ge [sflag:s4], $0x0  }
0x19: {  	s7 =	sld [smem:$0x3F97]  }
0x1a: {  	s8 =	sadd.s32 $0xFFFFE003, lr  }
0x1b: {  	s9 =	sadd.s32 $0xFFFFFEF7, lr;
	s5 =	simm.s32 $0xFFFFFFFF;
	p2 =	slt.u32 s8, $0xFFFFF086  }
0x1c: {  	p1 =	slt.u32 s9, $0xF7A;
	s5 =	simm.s32 @!p2 $0x0  }
0x1d: {  	s5 =	simm.s32 @p1 $0x1;
	p0 =	seq.s32 s7, s2  }
0x1e: {  	s7 =	smul.u32 @!p0 $0xF7A, s2;
	p2 =	seq.s32 @!p0 s5, $0x0  }
0x1f: {  	s9 =	smul.u32 $0xF7A, s1;
	s8 =	simm.s32 @!p0 $0x1BF5;
	p2 =	por !p2, p0  }
0x20: {  	[sflag:s8] =	ssyncset.s32 @!p0 $0xFFFFF086;
	s6 =	sadd.s32 @!p0 s3, s7;
	s7 =	simm.s32 @!p0 $0x108  }
0x21: {  	s3 =	sadd.s32 s3, s9;
	s6 =	sadd.s32 @!p0 $0x88, s6;
	s7 =	simm.s32 @p2 $0x1082  }
0x22: {  	[simem:s7], [sflag:s8] =	dma.local @!p0 [hbm:s6], $0xF7A  }
0x23: {  	s9 =	sor.u32 $0xD0000000, s2;
	s6 =	simm.s32 $0x108;
	_ =	swait.ge @!p0 [sflag:s8], $0x0  }
0x24: {  	s3 =	sadd.s32 $0x88, s3;
	s6 =	simm.s32 @!p1 $0x1082;
	[sflag:s4] =	ssyncset.s32 $0xFFFFF086  }
0x25: {  	[simem:s6], [sflag:s4] =	dma.local [hbm:s3], $0xF7A  }
0x26: {  	[smem:$0x3F97] =	sst s1;
	(tag) =	ssettag s2;
	_ =	strace s9  }
0x27: {  	s1 =	sld [smem:$0x3FA7]  }
0x28: {  	s2 =	sld [smem:$0x3FA8]  }
0x29: {  	s4 =	sld [smem:$0x3FAA]  }
0x2a: {  	p0 =	seq.s32 s5, $0x0;
	s5 =	sld [smem:$0x3FAB]  }
0x2b: {  	s6 =	sld [smem:$0x3FAC]  }
0x2c: {  	s7 =	sld [smem:$0x3FAD]  }
0x2d: {  	s3 =	simm.s32 $0x108;
	s8 =	sld [smem:$0x3FAE]  }
0x2e: {  	s3 =	simm.s32 @!p0 $0x1082;
	s9 =	sld [smem:$0x3FAF]  }
0x2f: {  	lr =	sadd.s32 s0, s3;
	s0 =	sld [smem:$0x3FA6]  }
0x30: {  	s3 =	sld [smem:$0x3FA9]  }
0x31: {  	[smem:$0x3FB2] =	sst s10  }
0x32: {  	s10 =	sld [smem:$0x3FB0];
	_ =	sdelay $0x3  }
0x33: {  	p0 =	seq.s32 s10, $0x1;
	s10 =	sld [smem:$0x3FB2];
	_ =	sdelay $0x3  }
0x34: {  	[smem:$0x3FB2] =	sst s10  }
0x35: {  	s10 =	sld [smem:$0x3FB1];
	_ =	sdelay $0x3  }
0x36: {  	p1 =	seq.s32 s10, $0x1;
	s10 =	sld [smem:$0x3FB2];
	_ =	sdelay $0x3  }
0x37: {  	[smem:$0x3FB2] =	sst s10  }
0x38: {  	s10 =	sld [smem:$0x3FB3]  }
0x39: {  	_ = 	snop;
	(pc) =	sbr.ind lr, $3  }
0x3a: {  	_ = 	snop  }
0x3b: {  	_ = 	snop  }
0x3c: {  	p2 =	seq.s32 s10, $0x1;
	s10 =	sld [smem:$0x3FB2]  }
0x3d: {  	_ =	shalt  }
0x3e: {  	_ =	shalt  }
0x3f: {  	_ =	shalt  }
0x40: {  	_ =	shalt  }
0x41: {  	_ =	shalt  }
0x42: {  	_ =	shalt  }
0x43: {  	_ =	shalt  }
0x44: {  	_ =	shalt  }
0x45: {  	_ =	shalt  }
0x46: {  	_ =	shalt  }
0x47: {  	_ =	shalt  }
0x48: {  	_ =	shalt  }
0x49: {  	_ =	shalt  }
0x4a: {  	_ =	shalt  }
0x4b: {  	_ =	shalt  }
0x4c: {  	_ =	shalt  }
0x4d: {  	_ =	shalt  }
0x4e: {  	_ =	shalt  }
0x4f: {  	_ =	shalt  }
0x50: {  	_ =	shalt  }
0x51: {  	_ =	shalt  }
0x52: {  	_ =	shalt  }
0x53: {  	_ =	shalt  }
0x54: {  	_ =	shalt  }
0x55: {  	_ =	shalt  }
0x56: {  	_ =	shalt  }
0x57: {  	_ =	shalt  }
0x58: {  	_ =	shalt  }
0x59: {  	_ =	shalt  }
0x5a: {  	_ =	shalt  }
0x5b: {  	_ =	shalt  }
0x5c: {  	_ =	shalt  }
0x5d: {  	_ =	shalt  }
0x5e: {  	_ =	shalt  }
0x5f: {  	_ =	shalt  }
0x60: {  	_ =	shalt  }
0x61: {  	_ =	shalt  }
0x62: {  	_ =	shalt  }
0x63: {  	_ =	shalt  }
0x64: {  	_ =	shalt  }
0x65: {  	_ =	shalt  }
0x66: {  	_ =	shalt  }
0x67: {  	_ =	shalt  }
0x68: {  	_ =	shalt  }
0x69: {  	_ =	shalt  }
0x6a: {  	_ =	shalt  }
0x6b: {  	_ =	shalt  }
0x6c: {  	_ =	shalt  }
0x6d: {  	_ =	shalt  }
0x6e: {  	_ =	shalt  }
0x6f: {  	_ =	shalt  }
0x70: {  	_ =	shalt  }
0x71: {  	_ =	shalt  }
0x72: {  	_ =	shalt  }
0x73: {  	_ =	shalt  }
0x74: {  	_ =	shalt  }
0x75: {  	_ =	shalt  }
0x76: {  	_ =	shalt  }
0x77: {  	_ =	shalt  }
0x78: {  	_ =	shalt  }
0x79: {  	_ =	shalt  }
0x7a: {  	_ =	shalt  }
0x7b: {  	_ =	shalt  }
0x7c: {  	_ =	shalt  }
0x7d: {  	_ =	shalt  }
0x7e: {  	_ =	shalt  }
0x7f: {  	_ =	shalt  }
0x80: {  	_ =	shalt  }
0x81: {  	_ =	shalt  }
0x82: {  	_ =	shalt  }
0x83: {  	_ =	shalt  }
0x84: {  	_ =	shalt  }
0x85: {  	_ =	shalt  }
0x86: {  	_ =	shalt  }
0x87: {  	_ =	shalt  }
.Lfunc_end0:
.L_simem_size_0:
called_computation.3_lowered:
.L_overlay_start_0:
0x88: {  	s2 =	sld [smem:$0x3FD9]  }
0x89: {  	s3 =	sld [smem:$0x3FFE];
	_ =	sdelay $0x1  }
0x8a: {  	s1 =	srdreg.scid  }
0x8b: {  	s0 =	sand.u32 $0x1, s1  }
0x8c: {  	s16 =	sshll.u32 s0, $0xA;
	s2 =	sadd.s32 s3, s2  }
0x8d: {  	s2 =	sadd.s32 s2, s16  }
0x8e: {  	[smem:$0x3FBE] =	sst s2  }
0x8f: {  	_ = 	snop  }
0x90: {  	(tm) =	ssettm $0x1  }
0x91: {  	s17 =	sld [smem:$0x3FFB];
	_ =	sdelay $0x3  }
0x92: {  	_ =	strace s17  }
0x93: {  	s2 =	sld [smem:$0x3FFC];
	_ =	sdelay $0x3  }
0x94: {  	_ =	strace s2  }
0x95: {  	s2 =	sld [smem:$0x3FFD];
	_ =	sdelay $0x3  }
0x96: {  	_ =	strace s2  }
0x97: {  	_ =	strace $0x8FFFFFFF  }
0x98: {  	s18 =	sld [smem:$0x3FDB];
	_ =	sdelay $0x1  }
0x99: {  	s19 =	simm.s32 $_scs_section_size  }
0x9a: {  	s4 =	simm.s32 $_size__tile_overlayer_lowered;
	s5 =	simm.s32 $_tile_overlayer_lowered  }
0x9b: {  	s22 =	simm.s32 $0x1BFF;
	s21 =	sshll.u32 s5, $0x1;
	s2 =	sadd.s32 s19, s18  }
0x9c: {  	s6 =	simm.s32 $0x0;
	s20 =	sshll.u32 s4, $0x1;
	s4 =	sadd.s32 s21, s2  }
0x9d: {  	[timem:s6], [sflag:s22] =	dma.local [hbm:s4], s20  }
0x9e: {  	_ =	swait.ge [sflag:s22], s20  }
0x9f: {  	s3 =	ssub.s32 $0x0, s20;
	[sflag:s22] =	ssyncset.done $0x0  }
0xa0: {  	[sflag:s22] =	ssyncadd.s32 s3;
	_ =	sdelay $0x1  }
0xa1: {  	s23 =	simm.s32 $0x1B8B  }
0xa2: {  	_ =	swait.ge [sflag:s23], $0x1  }
0xa3: {  	[sflag:s23] =	ssyncset.done $0x0  }
0xa4: {  	s25 =	simm.s32 $0x1B8E;
	s24 =	sld [smem:$0x3FFE];
	[sflag:s23] =	ssyncadd.s32 $0xFFFFFFFF  }
0xa5: {  	s26 =	simm.s32 $execute0_lowered;
	[smem:$0x3FD2] =	sst s25  }
0xa6: {  	s4 =	sshll.u32 s26, $0x1;
	_ =	strace $0x8000004F;
	[dreg:$0x1] =	wrdreg $0xFFFFFFFF  }
0xa7: {  	s28 =	simm.s32 $_size_execute0_lowered;
	s2 =	sadd.s32 s2, s4;
	[dreg:$0x0] =	wrdreg $0x0  }
0xa8: {  	s4 =	sshll.u32 s28, $0x1;
	[dreg:$0x2] =	wrdreg s2  }
0xa9: {  	[dreg:$0x3] =	wrdreg s4  }
0xaa: {  	[dreg:$0x4] =	wrdreg $0xC0  }
0xab: {  	_ =	task [dreg:s6], $0x5FFFF  }
0xac: {  	[dreg:$0x1] =	wrdreg $0xFFFFFFFF  }
0xad: {  	[dreg:$0x0] =	wrdreg $0x60  }
0xae: {  	[dreg:$0x2] =	wrdreg s24  }
0xaf: {  	[dreg:$0x3] =	wrdreg $0xA1000  }
0xb0: {  	[dreg:$0x4] =	wrdreg $0x11A000  }
0xb1: {  	[dreg:$0x5] =	wrdreg $0x9  }
0xb2: {  	_ =	task.clear_ibuf [dreg:s6], $0x6FFFF;
	_ =	strace $0x9000004F  }
0xb3: {  	s29 =	simm.s32 $0x9;
	_ =	strace $0x80000051  }
0xb4: {  	_ =	swait.ge [sflag:s29], $0x1  }
0xb5: {  	[sflag:s29] =	ssyncadd.s32 $0xFFFFFFFF  }
0xb6: {  	_ =	strace $0x90000051  }
0xb7: {  	_ =	sfence  }
0xb8: {  	s30 =	sld [smem:$0x0];
	_ =	sdelay $0x2  }
0xb9: {  	s31 =	sshll.u32 s1, $0xD;
	s1 =	sshrl.u32 s1, $0x2  }
0xba: {  	s3 =	sand.u32 $0x4000, s31;
	s1 =	sadd.s32 s1, s30  }
0xbb: {  	s0 =	sor.u32 s3, s0;
	s1 =	sshll.u32 s1, $0x11  }
0xbc: {  	s0 =	sor.u32 s1, s0  }
0xbd: {  	s0 =	sadd.s32 $0x8F2B, s0  }
0xbe: {  	[sflag:s0] =	ssyncadd.remote.s32 $0x1  }
0xbf: {  	_ =	sfence.sel $0xFFFF  }
0xc0: {  	[dreg:$0x0] =	wrdreg $0xFFFFFFFF;
	(pc) =	sbr.abs _section_cstart, $3  }
0xc1: {  	[dreg:$0x1] =	wrdreg $0xFFFFFFFF  }
0xc2: {  	_ =	task.clear_ibuf [dreg:s6], $0x2FFFF;
	_ =	strace $0x9FFFFFFF  }
0xc3: {  	(tm) =	ssettm $0x7FFFFFFF  }
tec
execute0_lowered:
.L_overlay_start_1:
0x0: {  	(tag) =	ssettag $0x1  }
0x1: {  	s0 =	srdreg.scid  }
0x2: {  	s25 =	stileid.u32;
	s1 =	rddreg [dreg:$0x0]  }
0x3: {  	s2 =	rddreg [dreg:$0x1];
	s14 =	simm.s32 $0xA000;
	s15 =	simm.s32 $0x11900  }
0x4: {  	s16 =	simm.s32 $0x3;
	s17 =	simm.s32 $0x6;
	s18 =	simm.s32 $0x2800  }
0x5: {  	s19 =	simm.s32 $0x280;
	s20 =	simm.s32 $0x5000;
	s21 =	simm.s32 $0xC900  }
0x6: {  	s28 =	simm.s32 $0x2;
	s29 =	simm.s32 $0x5;
	s7 =	smul.u32 $0x5000, s25  }
0x7: {  	s30 =	simm.s32 $0x2580;
	s0 =	sand.u32 $0x1, s0;
	s22 =	smul.u32 $0xA000, s25  }
0x8: {  	s31 =	simm.s32 $0x4D80;
	s3 =	sshll.u32 s25, $0x5;
	s6 =	smul.u32 $0x50000, s0  }
0x9: {  	p0 =	sne.s32 s25, $0x0;
	s4 =	sshll.u32 s0, $0x4;
	s10 =	smul.u32 $0x5000, s0  }
0xa: {  	s0 =	ssub.s32 $0x2, s0;
	s4 =	sor.u32 s4, s3;
	s3 =	rddreg [dreg:$0x2]  }
0xb: {  	s11 =	sshrl.u32 s0, $0x1;
	s26 =	sshrl.u32 s22, $0x2;
	s22 =	simm.s32 $0x7800  }
0xc: {  	s5 =	smul.u32 $0x280, s4;
	s4 =	simm.s32 $0x0;
	s6 =	sadd.s32 s7, s6  }
0xd: {  	s0 =	ssub.s32 s0, s11;
	s7 =	sshrl.u32 s7, $0x1;
	s12 =	sadd.s32 s26, s2  }
0xe: {  	s13 =	sadd.s32 s26, s3;
	s26 =	simm.s32 $0x4;
	[smem:$0x7FF] =	sst s4  }
0xf: {  	s9 =	sshrl.u32 s6, $0x4;
	s6 =	sadd.s32 $0x35E00, s1;
	s7 =	sadd.s32 s7, s2  }
0x10: {  	s11 =	smax.u32 s0, $0x1;
	s8 =	sshrl.u32 s5, $0x3;
	s9 =	sadd.s32 s9, s1  }
0x11: {  	_ =	strace $0x80000050;
	s8 =	sadd.s32 s8, s1;
	s24 =	sadd.s32 $0x26E00, s9  }
0x12: {  	s5 =	sadd.s32 $0x17E00, s1;
	s23 =	sadd.s32 $0x3E00, s8;
	[dreg:$0x6] =	wrdreg s24  }
0x13: {  	s1 =	sadd.s32 s10, s1;
	s8 =	sadd.s32 $0xDE00, s8;
	[dreg:$0x4] =	wrdreg s23  }
0x14: {  	s25 =	sshrl.u32 s7, $0x3;
	s1 =	sadd.s32 $0x1CE00, s1;
	[dreg:$0x5] =	wrdreg s8  }
0x15: {  	v0 =	vimm.bf16 $0.0e+00;
	v1 =	vimm.f32 $0.0e+00;
	s24 =	simm.s32 $0x1;
	[dreg:$0x7] =	wrdreg s1;
	s23 =	simm.s32 $0xF100  }
.LBB2_1:
0x16: {  	[tilespmem:$0xA000] =	vst v0  }
0x17: {  	[tilespmem:$0xA010] =	vst v0  }
0x18: {  	[tilespmem:$0xA020] =	vst v0  }
0x19: {  	[tilespmem:$0xA030] =	vst v0  }
0x1a: {  	[tilespmem:$0xA040] =	vst v0  }
0x1b: {  	[tilespmem:$0xA050] =	vst v0  }
0x1c: {  	[tilespmem:$0xA060] =	vst v0  }
0x1d: {  	[tilespmem:$0xA070] =	vst v0  }
0x1e: {  	[tilespmem:$0xA080] =	vst v0  }
0x1f: {  	[tilespmem:$0xA090] =	vst v0  }
0x20: {  	[tilespmem:$0xA0A0] =	vst v0  }
0x21: {  	[tilespmem:$0xA0B0] =	vst v0  }
0x22: {  	[tilespmem:$0xA0C0] =	vst v0  }
0x23: {  	[tilespmem:$0xA0D0] =	vst v0  }
0x24: {  	[tilespmem:$0xA0E0] =	vst v0  }
0x25: {  	[tilespmem:$0xA0F0] =	vst v0  }
0x26: {  	[tilespmem:$0x11900] =	vst v1  }
0x27: {  	[tilespmem:$0x11910] =	vst v1  }
0x28: {  	[tilespmem:$0x11920] =	vst v1  }
0x29: {  	[tilespmem:$0x11930] =	vst v1  }
0x2a: {  	[tilespmem:$0x11940] =	vst v1  }
0x2b: {  	[tilespmem:$0x11950] =	vst v1  }
0x2c: {  	[tilespmem:$0x11960] =	vst v1  }
0x2d: {  	[tilespmem:$0x11970] =	vst v1  }
0x2e: {  	[tilespmem:$0x11980] =	vst v1  }
0x2f: {  	[tilespmem:$0x11990] =	vst v1  }
0x30: {  	[tilespmem:$0x119A0] =	vst v1  }
0x31: {  	[tilespmem:$0x119B0] =	vst v1  }
0x32: {  	[tilespmem:$0x119C0] =	vst v1  }
0x33: {  	[tilespmem:$0x119D0] =	vst v1  }
0x34: {  	[tilespmem:$0x119E0] =	vst v1  }
0x35: {  	[tilespmem:$0x119F0] =	vst v1;
	s0 =	sadd.s32 $0x0, s12  }
0x36: {  	[spmem:s0] =	stream.linear.scatter [tilespmem:s14], [sflag:$0x3], $0x100, $0x38;
	[tilespmem:$0x14200] =	vst v63  }
0x37: {  	s1 =	sadd.s32 $0x0, s13  }
0x38: {  	[spmem:s1] =	stream.linear.scatter [tilespmem:s15], [sflag:$0x3], $0x100, $0x38;
	[tilespmem:$0x14200] =	vst v63  }
0x39: {  	s7 =	sadd.s32 $0x100, s0  }
0x3a: {  	[spmem:s7] =	stream.linear.scatter [tilespmem:s14], [sflag:$0x3], $0x100, $0x38;
	[tilespmem:$0x14200] =	vst v63  }
0x3b: {  	s10 =	sadd.s32 $0x100, s1  }
0x3c: {  	[spmem:s10] =	stream.linear.scatter [tilespmem:s15], [sflag:$0x3], $0x100, $0x38;
	[tilespmem:$0x14200] =	vst v63  }
0x3d: {  	s8 =	sadd.s32 $0x200, s0  }
0x3e: {  	[spmem:s8] =	stream.linear.scatter [tilespmem:s14], [sflag:$0x3], $0x100, $0x38;
	[tilespmem:$0x14200] =	vst v63  }
0x3f: {  	s9 =	sadd.s32 $0x200, s1  }
0x40: {  	[spmem:s9] =	stream.linear.scatter [tilespmem:s15], [sflag:$0x3], $0x100, $0x38;
	[tilespmem:$0x14200] =	vst v63  }
0x41: {  	s0 =	sadd.s32 $0x300, s0  }
0x42: {  	[spmem:s0] =	stream.linear.scatter [tilespmem:s14], [sflag:$0x3], $0x100, $0x38;
	[tilespmem:$0x14200] =	vst v63  }
0x43: {  	s10 =	sadd.s32 $0x300, s1  }
0x44: {  	[spmem:s10] =	stream.linear.scatter [tilespmem:s15], [sflag:$0x3], $0x100, $0x38;
	[tilespmem:$0x14200] =	vst v63  }
0x45: {  	_ =	swait.ge [sflag:s16], $0x100  }
0x46: {  	[sflag:s16] =	ssyncset.done $0x0  }
0x47: {  	[sflag:s16] =	ssyncadd.s32 $0xFFFFFF00  }
0x48: {  	_ =	swait.ge [sflag:s16], $0x100  }
0x49: {  	[sflag:s16] =	ssyncset.done $0x0  }
0x4a: {  	[sflag:s16] =	ssyncadd.s32 $0xFFFFFF00  }
0x4b: {  	_ =	swait.ge [sflag:s16], $0x100  }
0x4c: {  	[sflag:s16] =	ssyncset.done $0x0  }
0x4d: {  	[sflag:s16] =	ssyncadd.s32 $0xFFFFFF00  }
0x4e: {  	_ =	swait.ge [sflag:s16], $0x100  }
0x4f: {  	[sflag:s16] =	ssyncset.done $0x0  }
0x50: {  	[sflag:s16] =	ssyncadd.s32 $0xFFFFFF00  }
0x51: {  	_ =	swait.ge [sflag:s16], $0x100  }
0x52: {  	[sflag:s16] =	ssyncset.done $0x0  }
0x53: {  	[sflag:s16] =	ssyncadd.s32 $0xFFFFFF00  }
0x54: {  	_ =	swait.ge [sflag:s16], $0x100  }
0x55: {  	[sflag:s16] =	ssyncset.done $0x0  }
0x56: {  	[sflag:s16] =	ssyncadd.s32 $0xFFFFFF00  }
0x57: {  	_ =	swait.ge [sflag:s16], $0x100  }
0x58: {  	[sflag:s16] =	ssyncset.done $0x0  }
0x59: {  	[sflag:s16] =	ssyncadd.s32 $0xFFFFFF00  }
0x5a: {  	_ =	swait.ge [sflag:s16], $0x100  }
0x5b: {  	s7 =	simm.s32 $0x400;
	s8 =	simm.s32 $0x2000;
	[sflag:s16] =	ssyncset.done $0x0  }
.LBB2_2:
0x5c: {  	s9 =	sadd.s32 s7, s12  }
0x5d: {  	[sflag:s16] =	ssyncadd.s32 $0xFFFFFF00;
	s0 =	smov.u32 s8;
	s1 =	sadd.s32 $0x1000, s8  }
0x5e: {  	[spmem:s9] =	stream.linear.scatter [tilespmem:s14], [sflag:$0x3], $0x100, $0x38;
	[tilespmem:$0x14200] =	vst v63  }
0x5f: {  	p1 =	sne.s32 s8, $0x9000;
	s7 =	sadd.s32 s7, s13  }
0x60: {  	[spmem:s7] =	stream.linear.scatter [tilespmem:s15], [sflag:$0x3], $0x100, $0x38;
	[tilespmem:$0x14200] =	vst v63  }
0x61: {  	s8 =	sadd.s32 $0x100, s9  }
0x62: {  	[spmem:s8] =	stream.linear.scatter [tilespmem:s14], [sflag:$0x3], $0x100, $0x38;
	[tilespmem:$0x14200] =	vst v63  }
0x63: {  	s8 =	sadd.s32 $0x100, s7  }
0x64: {  	[spmem:s8] =	stream.linear.scatter [tilespmem:s15], [sflag:$0x3], $0x100, $0x38;
	[tilespmem:$0x14200] =	vst v63  }
0x65: {  	s8 =	sadd.s32 $0x200, s9  }
0x66: {  	[spmem:s8] =	stream.linear.scatter [tilespmem:s14], [sflag:$0x3], $0x100, $0x38;
	[tilespmem:$0x14200] =	vst v63  }
0x67: {  	s8 =	sadd.s32 $0x200, s7  }
0x68: {  	[spmem:s8] =	stream.linear.scatter [tilespmem:s15], [sflag:$0x3], $0x100, $0x38;
	[tilespmem:$0x14200] =	vst v63  }
0x69: {  	s8 =	sadd.s32 $0x300, s9  }
0x6a: {  	[spmem:s8] =	stream.linear.scatter [tilespmem:s14], [sflag:$0x3], $0x100, $0x38;
	[tilespmem:$0x14200] =	vst v63  }
0x6b: {  	s7 =	sadd.s32 $0x300, s7  }
0x6c: {  	[spmem:s7] =	stream.linear.scatter [tilespmem:s15], [sflag:$0x3], $0x100, $0x38;
	[tilespmem:$0x14200] =	vst v63  }
0x6d: {  	_ =	swait.ge [sflag:s16], $0x100  }
0x6e: {  	[sflag:s16] =	ssyncset.done $0x0  }
0x6f: {  	[sflag:s16] =	ssyncadd.s32 $0xFFFFFF00  }
0x70: {  	_ =	swait.ge [sflag:s16], $0x100  }
0x71: {  	[sflag:s16] =	ssyncset.done $0x0  }
0x72: {  	[sflag:s16] =	ssyncadd.s32 $0xFFFFFF00  }
0x73: {  	_ =	swait.ge [sflag:s16], $0x100  }
0x74: {  	[sflag:s16] =	ssyncset.done $0x0  }
0x75: {  	[sflag:s16] =	ssyncadd.s32 $0xFFFFFF00  }
0x76: {  	_ =	swait.ge [sflag:s16], $0x100  }
0x77: {  	[sflag:s16] =	ssyncset.done $0x0  }
0x78: {  	[sflag:s16] =	ssyncadd.s32 $0xFFFFFF00  }
0x79: {  	_ =	swait.ge [sflag:s16], $0x100  }
0x7a: {  	[sflag:s16] =	ssyncset.done $0x0  }
0x7b: {  	[sflag:s16] =	ssyncadd.s32 $0xFFFFFF00  }
0x7c: {  	_ =	swait.ge [sflag:s16], $0x100  }
0x7d: {  	[sflag:s16] =	ssyncset.done $0x0  }
0x7e: {  	[sflag:s16] =	ssyncadd.s32 $0xFFFFFF00  }
.Ltmp0:
0x7f: {  	_ =	swait.ge [sflag:s16], $0x100;
	(pc) =	sbr.rel @p1 .LBB2_2-.Ltmp0, $4  }
0x80: {  	[sflag:s16] =	ssyncset.done $0x0  }
0x81: {  	[sflag:s16] =	ssyncadd.s32 $0xFFFFFF00  }
0x82: {  	_ =	swait.ge [sflag:s16], $0x100  }
0x83: {  	s8 =	smov.u32 s1;
	s7 =	sshra.s32 s0, $0x2;
	[sflag:s16] =	ssyncset.done $0x0  }
0x84: {  	s0 =	sadd.s32 s7, s12;
	[sflag:s16] =	ssyncadd.s32 $0xFFFFFF00  }
0x85: {  	[spmem:s0] =	stream.linear.scatter [tilespmem:s14], [sflag:$0x3], $0x100, $0x38;
	[tilespmem:$0x14200] =	vst v63  }
0x86: {  	s1 =	sadd.s32 s7, s13  }
0x87: {  	[spmem:s1] =	stream.linear.scatter [tilespmem:s15], [sflag:$0x3], $0x100, $0x38;
	[tilespmem:$0x14200] =	vst v63  }
0x88: {  	s10 =	sadd.s32 $0x100, s0  }
0x89: {  	[spmem:s10] =	stream.linear.scatter [tilespmem:s14], [sflag:$0x3], $0x100, $0x38;
	[tilespmem:$0x14200] =	vst v63  }
0x8a: {  	s8 =	sadd.s32 $0x100, s1  }
0x8b: {  	[spmem:s8] =	stream.linear.scatter [tilespmem:s15], [sflag:$0x3], $0x100, $0x38;
	[tilespmem:$0x14200] =	vst v63  }
0x8c: {  	s9 =	sadd.s32 $0x200, s0  }
0x8d: {  	[spmem:s9] =	stream.linear.scatter [tilespmem:s14], [sflag:$0x3], $0x100, $0x38;
	[tilespmem:$0x14200] =	vst v63  }
0x8e: {  	s10 =	sadd.s32 $0x200, s1  }
0x8f: {  	[spmem:s10] =	stream.linear.scatter [tilespmem:s15], [sflag:$0x3], $0x100, $0x38;
	[tilespmem:$0x14200] =	vst v63  }
0x90: {  	s0 =	sadd.s32 $0x300, s0  }
0x91: {  	[spmem:s0] =	stream.linear.scatter [tilespmem:s14], [sflag:$0x3], $0x100, $0x38;
	[tilespmem:$0x14200] =	vst v63  }
0x92: {  	s1 =	sadd.s32 $0x300, s1  }
0x93: {  	[spmem:s1] =	stream.linear.scatter [tilespmem:s15], [sflag:$0x3], $0x100, $0x38;
	[tilespmem:$0x14200] =	vst v63  }
0x94: {  	_ =	swait.ge [sflag:s16], $0x100  }
0x95: {  	[sflag:s16] =	ssyncset.done $0x0  }
0x96: {  	[sflag:s16] =	ssyncadd.s32 $0xFFFFFF00  }
0x97: {  	_ =	swait.ge [sflag:s16], $0x100  }
0x98: {  	[sflag:s16] =	ssyncset.done $0x0  }
0x99: {  	[sflag:s16] =	ssyncadd.s32 $0xFFFFFF00  }
0x9a: {  	_ =	swait.ge [sflag:s16], $0x100  }
0x9b: {  	[sflag:s16] =	ssyncset.done $0x0  }
0x9c: {  	[sflag:s16] =	ssyncadd.s32 $0xFFFFFF00  }
0x9d: {  	_ =	swait.ge [sflag:s16], $0x100  }
0x9e: {  	[sflag:s16] =	ssyncset.done $0x0  }
0x9f: {  	[sflag:s16] =	ssyncadd.s32 $0xFFFFFF00  }
0xa0: {  	_ =	swait.ge [sflag:s16], $0x100  }
0xa1: {  	[sflag:s16] =	ssyncset.done $0x0  }
0xa2: {  	[sflag:s16] =	ssyncadd.s32 $0xFFFFFF00  }
0xa3: {  	_ =	swait.ge [sflag:s16], $0x100  }
0xa4: {  	[sflag:s16] =	ssyncset.done $0x0  }
0xa5: {  	[sflag:s16] =	ssyncadd.s32 $0xFFFFFF00  }
0xa6: {  	_ =	swait.ge [sflag:s16], $0x100  }
0xa7: {  	[sflag:s16] =	ssyncset.done $0x0  }
0xa8: {  	[sflag:s16] =	ssyncadd.s32 $0xFFFFFF00  }
0xa9: {  	_ =	swait.ge [sflag:s16], $0x100  }
0xaa: {  	[sflag:s16] =	ssyncset.done $0x0  }
0xab: {  	s7 =	simm.s32 $0x0;
	s8 =	rddreg [dreg:$0x4];
	[sflag:s16] =	ssyncadd.s32 $0xFFFFFF00  }
0xac: {  	[tilespmem:s7], [sflag:$0x6] =	stream.linear.gather [hbm4b:s8+s7], $0x2800, $0x38;
	[tilespmem:$0x14200] =	vst v63  }
0xad: {  	_ =	swait.ge [sflag:s17], $0x2800  }
0xae: {  	[sflag:s17] =	ssyncset.done $0x0  }
0xaf: {  	s9 =	rddreg [dreg:$0x5];
	[sflag:s17] =	ssyncadd.s32 $0xFFFFD800  }
0xb0: {  	[tilespmem:s18], [sflag:$0x6] =	stream.linear.gather [hbm4b:s9+s7], $0x2800, $0x38;
	[tilespmem:$0x14200] =	vst v63  }
0xb1: {  	_ =	swait.ge [sflag:s17], $0x2800  }
0xb2: {  	[sflag:s17] =	ssyncset.done $0x0  }
0xb3: {  	[sflag:s17] =	ssyncadd.s32 $0xFFFFD800  }
0xb4: {  	[bflag:$0x0] =	sbarrier.arrive $0xFFFF  }
0xb5: {  	[tilespmem:s20], [sflag:$0x1] =	stream.indirect.gather [hbm4b:s5+s19], $0x10, s7, s19, $0xb8;
	[tilespmem:$0x14200] =	vst v63  }
0xb6: {  	_ = 	snop  }
0xb7: {  	[tilespmem:s21], [sflag:$0x4] =	stream.indirect.gather [hbm4b:s6+s19], $0x10, s18, s19, $0xb8;
	[tilespmem:$0x14200] =	vst v63  }
0xb8: {  	s0 =	simm.s32 $0x280  }
0xb9: {  	[tilespmem:s22], [sflag:$0x2] =	stream.indirect.gather [hbm4b:s5+s19], $0x10, s0, s19, $0xb8;
	[tilespmem:$0x14200] =	vst v63  }
0xba: {  	s1 =	simm.s32 $0x2A80  }
0xbb: {  	[tilespmem:s23], [sflag:$0x5] =	stream.indirect.gather [hbm4b:s6+s19], $0x10, s1, s19, $0xb8;
	[tilespmem:$0x14200] =	vst v63  }
0xbc: {  	_ =	swait.ge [sflag:s24], $0x2800  }
0xbd: {  	[sflag:s24] =	ssyncset.done $0x0  }
0xbe: {  	s10 =	simm.s32 $0x2800;
	[sflag:s24] =	ssyncadd.s32 $0xFFFFD800  }
0xbf: {  	[spmem:s2] =	stream.indirect.scatter.add.bf16 [tilespmem:s20], [sflag:$0x6], $0x10, s10, s19, $0xb8;
	[tilespmem:$0x14200] =	vst v63  }
0xc0: {  	_ =	swait.ge [sflag:s17], $0x2800  }
0xc1: {  	[sflag:s17] =	ssyncset.done $0x0  }
0xc2: {  	[sflag:s17] =	ssyncadd.s32 $0xFFFFD800  }
0xc3: {  	_ =	swait.ge [sflag:s26], $0x2800  }
0xc4: {  	[sflag:s26] =	ssyncset.done $0x0  }
0xc5: {  	s8 =	simm.s32 $0x0;
	[sflag:s26] =	ssyncadd.s32 $0xFFFFD800  }
0xc6: {  	[spmem:s3] =	stream.indirect.scatter.add.f32 [tilespmem:s21], [sflag:$0x6], $0x10, s8, s19, $0xb8;
	[tilespmem:$0x14200] =	vst v63  }
0xc7: {  	_ =	swait.ge [sflag:s17], $0x2800  }
0xc8: {  	[sflag:s17] =	ssyncset.done $0x0  }
0xc9: {  	s9 =	simm.s32 $0x500;
	[sflag:s17] =	ssyncadd.s32 $0xFFFFD800  }
0xca: {  	[tilespmem:s20], [sflag:$0x1] =	stream.indirect.gather [hbm4b:s5+s19], $0x10, s9, s19, $0xb8;
	[tilespmem:$0x14200] =	vst v63  }
0xcb: {  	s10 =	simm.s32 $0x2D00  }
0xcc: {  	[tilespmem:s21], [sflag:$0x4] =	stream.indirect.gather [hbm4b:s6+s19], $0x10, s10, s19, $0xb8;
	[tilespmem:$0x14200] =	vst v63  }
0xcd: {  	_ =	swait.ge [sflag:s28], $0x2800  }
0xce: {  	[sflag:s28] =	ssyncset.done $0x0  }
0xcf: {  	[sflag:s28] =	ssyncadd.s32 $0xFFFFD800  }
0xd0: {  	[spmem:s2] =	stream.indirect.scatter.add.bf16 [tilespmem:s22], [sflag:$0x6], $0x10, s1, s19, $0xb8;
	[tilespmem:$0x14200] =	vst v63  }
0xd1: {  	_ =	swait.ge [sflag:s17], $0x2800  }
0xd2: {  	[sflag:s17] =	ssyncset.done $0x0  }
0xd3: {  	[sflag:s17] =	ssyncadd.s32 $0xFFFFD800  }
0xd4: {  	_ =	swait.ge [sflag:s29], $0x2800  }
0xd5: {  	[sflag:s29] =	ssyncset.done $0x0  }
0xd6: {  	[sflag:s29] =	ssyncadd.s32 $0xFFFFD800  }
0xd7: {  	[spmem:s3] =	stream.indirect.scatter.add.f32 [tilespmem:s23], [sflag:$0x6], $0x10, s0, s19, $0xb8;
	[tilespmem:$0x14200] =	vst v63  }
0xd8: {  	_ =	swait.ge [sflag:s17], $0x2800  }
0xd9: {  	s1 =	simm.s32 $0x2800;
	s0 =	simm.s32 $0x500;
	[sflag:s17] =	ssyncset.done $0x0  }
.LBB2_4:
0xda: {  	s8 =	sadd.s32 $0x280, s0  }
0xdb: {  	[sflag:s17] =	ssyncadd.s32 $0xFFFFD800;
	s7 =	smov.u32 s1;
	s9 =	sadd.s32 $0x1400, s1  }
0xdc: {  	[tilespmem:s22], [sflag:$0x2] =	stream.indirect.gather [hbm4b:s5+s19], $0x10, s8, s19, $0xb8;
	[tilespmem:$0x14200] =	vst v63  }
0xdd: {  	p1 =	sne.s32 s1, $0x7800;
	s1 =	sadd.s32 $0x2A80, s0  }
0xde: {  	[tilespmem:s23], [sflag:$0x5] =	stream.indirect.gather [hbm4b:s6+s19], $0x10, s1, s19, $0xb8;
	[tilespmem:$0x14200] =	vst v63  }
0xdf: {  	_ =	swait.ge [sflag:s24], $0x2800  }
0xe0: {  	[sflag:s24] =	ssyncset.done $0x0  }
0xe1: {  	s10 =	sadd.s32 $0x2800, s0;
	[sflag:s24] =	ssyncadd.s32 $0xFFFFD800  }
0xe2: {  	[spmem:s2] =	stream.indirect.scatter.add.bf16 [tilespmem:s20], [sflag:$0x6], $0x10, s10, s19, $0xb8;
	[tilespmem:$0x14200] =	vst v63  }
0xe3: {  	_ =	swait.ge [sflag:s17], $0x2800  }
0xe4: {  	[sflag:s17] =	ssyncset.done $0x0  }
0xe5: {  	[sflag:s17] =	ssyncadd.s32 $0xFFFFD800  }
0xe6: {  	_ =	swait.ge [sflag:s26], $0x2800  }
0xe7: {  	[sflag:s26] =	ssyncset.done $0x0  }
0xe8: {  	[sflag:s26] =	ssyncadd.s32 $0xFFFFD800  }
0xe9: {  	[spmem:s3] =	stream.indirect.scatter.add.f32 [tilespmem:s21], [sflag:$0x6], $0x10, s0, s19, $0xb8;
	[tilespmem:$0x14200] =	vst v63  }
0xea: {  	_ =	swait.ge [sflag:s17], $0x2800  }
0xeb: {  	[sflag:s17] =	ssyncset.done $0x0  }
0xec: {  	s10 =	sadd.s32 $0x500, s0;
	[sflag:s17] =	ssyncadd.s32 $0xFFFFD800  }
0xed: {  	[tilespmem:s20], [sflag:$0x1] =	stream.indirect.gather [hbm4b:s5+s19], $0x10, s10, s19, $0xb8;
	[tilespmem:$0x14200] =	vst v63  }
0xee: {  	s0 =	sadd.s32 $0x2D00, s0  }
0xef: {  	[tilespmem:s21], [sflag:$0x4] =	stream.indirect.gather [hbm4b:s6+s19], $0x10, s0, s19, $0xb8;
	[tilespmem:$0x14200] =	vst v63  }
0xf0: {  	_ =	swait.ge [sflag:s28], $0x2800  }
0xf1: {  	[sflag:s28] =	ssyncset.done $0x0  }
0xf2: {  	[sflag:s28] =	ssyncadd.s32 $0xFFFFD800  }
0xf3: {  	[spmem:s2] =	stream.indirect.scatter.add.bf16 [tilespmem:s22], [sflag:$0x6], $0x10, s1, s19, $0xb8;
	[tilespmem:$0x14200] =	vst v63  }
0xf4: {  	_ =	swait.ge [sflag:s17], $0x2800  }
0xf5: {  	[sflag:s17] =	ssyncset.done $0x0  }
0xf6: {  	[sflag:s17] =	ssyncadd.s32 $0xFFFFD800  }
0xf7: {  	_ =	swait.ge [sflag:s29], $0x2800  }
.Ltmp1:
0xf8: {  	[sflag:s29] =	ssyncset.done $0x0;
	(pc) =	sbr.rel @p1 .LBB2_4-.Ltmp1, $4  }
0xf9: {  	[sflag:s29] =	ssyncadd.s32 $0xFFFFD800  }
0xfa: {  	[spmem:s3] =	stream.indirect.scatter.add.f32 [tilespmem:s23], [sflag:$0x6], $0x10, s8, s19, $0xb8;
	[tilespmem:$0x14200] =	vst v63  }
0xfb: {  	_ =	swait.ge [sflag:s17], $0x2800  }
0xfc: {  	s0 =	sshra.s32 s7, $0x2;
	s1 =	smov.u32 s9;
	[sflag:s17] =	ssyncset.done $0x0  }
0xfd: {  	s1 =	sadd.s32 $0x280, s0;
	[sflag:s17] =	ssyncadd.s32 $0xFFFFD800  }
0xfe: {  	[tilespmem:s22], [sflag:$0x2] =	stream.indirect.gather [hbm4b:s5+s19], $0x10, s1, s19, $0xb8;
	[tilespmem:$0x14200] =	vst v63  }
0xff: {  	s7 =	sadd.s32 $0x2A80, s0  }
0x100: {  	[tilespmem:s23], [sflag:$0x5] =	stream.indirect.gather [hbm4b:s6+s19], $0x10, s7, s19, $0xb8;
	[tilespmem:$0x14200] =	vst v63  }
0x101: {  	_ =	swait.ge [sflag:s24], $0x2800  }
0x102: {  	[sflag:s24] =	ssyncset.done $0x0  }
0x103: {  	s8 =	sadd.s32 $0x2800, s0;
	[sflag:s24] =	ssyncadd.s32 $0xFFFFD800  }
0x104: {  	[spmem:s2] =	stream.indirect.scatter.add.bf16 [tilespmem:s20], [sflag:$0x6], $0x10, s8, s19, $0xb8;
	[tilespmem:$0x14200] =	vst v63  }
0x105: {  	_ =	swait.ge [sflag:s17], $0x2800  }
0x106: {  	[sflag:s17] =	ssyncset.done $0x0  }
0x107: {  	[sflag:s17] =	ssyncadd.s32 $0xFFFFD800  }
0x108: {  	_ =	swait.ge [sflag:s26], $0x2800  }
0x109: {  	[sflag:s26] =	ssyncset.done $0x0  }
0x10a: {  	[sflag:s26] =	ssyncadd.s32 $0xFFFFD800  }
0x10b: {  	[spmem:s3] =	stream.indirect.scatter.add.f32 [tilespmem:s21], [sflag:$0x6], $0x10, s0, s19, $0xb8;
	[tilespmem:$0x14200] =	vst v63  }
0x10c: {  	_ =	swait.ge [sflag:s17], $0x2800  }
0x10d: {  	[sflag:s17] =	ssyncset.done $0x0  }
0x10e: {  	s9 =	sadd.s32 $0x500, s0;
	[sflag:s17] =	ssyncadd.s32 $0xFFFFD800  }
0x10f: {  	[tilespmem:s20], [sflag:$0x1] =	stream.indirect.gather [hbm4b:s5+s19], $0x10, s9, s19, $0xb8;
	[tilespmem:$0x14200] =	vst v63  }
0x110: {  	s10 =	sadd.s32 $0x2D00, s0  }
0x111: {  	[tilespmem:s21], [sflag:$0x4] =	stream.indirect.gather [hbm4b:s6+s19], $0x10, s10, s19, $0xb8;
	[tilespmem:$0x14200] =	vst v63  }
0x112: {  	_ =	swait.ge [sflag:s28], $0x2800  }
0x113: {  	[sflag:s28] =	ssyncset.done $0x0  }
0x114: {  	[sflag:s28] =	ssyncadd.s32 $0xFFFFD800  }
0x115: {  	[spmem:s2] =	stream.indirect.scatter.add.bf16 [tilespmem:s22], [sflag:$0x6], $0x10, s7, s19, $0xb8;
	[tilespmem:$0x14200] =	vst v63  }
0x116: {  	_ =	swait.ge [sflag:s17], $0x2800  }
0x117: {  	[sflag:s17] =	ssyncset.done $0x0  }
0x118: {  	[sflag:s17] =	ssyncadd.s32 $0xFFFFD800  }
0x119: {  	_ =	swait.ge [sflag:s29], $0x2800  }
0x11a: {  	[sflag:s29] =	ssyncset.done $0x0  }
0x11b: {  	[sflag:s29] =	ssyncadd.s32 $0xFFFFD800  }
0x11c: {  	[spmem:s3] =	stream.indirect.scatter.add.f32 [tilespmem:s23], [sflag:$0x6], $0x10, s1, s19, $0xb8;
	[tilespmem:$0x14200] =	vst v63  }
0x11d: {  	_ =	swait.ge [sflag:s17], $0x2800  }
0x11e: {  	[sflag:s17] =	ssyncset.done $0x0  }
0x11f: {  	[sflag:s17] =	ssyncadd.s32 $0xFFFFD800  }
0x120: {  	[tilespmem:s22], [sflag:$0x2] =	stream.indirect.gather [hbm4b:s5+s19], $0x10, s30, s19, $0xb8;
	[tilespmem:$0x14200] =	vst v63  }
0x121: {  	_ = 	snop  }
0x122: {  	[tilespmem:s23], [sflag:$0x5] =	stream.indirect.gather [hbm4b:s6+s19], $0x10, s31, s19, $0xb8;
	[tilespmem:$0x14200] =	vst v63  }
0x123: {  	_ =	swait.ge [sflag:s24], $0x2800  }
0x124: {  	[sflag:s24] =	ssyncset.done $0x0  }
0x125: {  	s7 =	simm.s32 $0x4B00;
	[sflag:s24] =	ssyncadd.s32 $0xFFFFD800  }
0x126: {  	[spmem:s2] =	stream.indirect.scatter.add.bf16 [tilespmem:s20], [sflag:$0x6], $0x10, s7, s19, $0xb8;
	[tilespmem:$0x14200] =	vst v63  }
0x127: {  	_ =	swait.ge [sflag:s17], $0x2800  }
0x128: {  	[sflag:s17] =	ssyncset.done $0x0  }
0x129: {  	[sflag:s17] =	ssyncadd.s32 $0xFFFFD800  }
0x12a: {  	_ =	swait.ge [sflag:s26], $0x2800  }
0x12b: {  	[sflag:s26] =	ssyncset.done $0x0  }
0x12c: {  	s8 =	simm.s32 $0x2300;
	[sflag:s26] =	ssyncadd.s32 $0xFFFFD800  }
0x12d: {  	[spmem:s3] =	stream.indirect.scatter.add.f32 [tilespmem:s21], [sflag:$0x6], $0x10, s8, s19, $0xb8;
	[tilespmem:$0x14200] =	vst v63  }
0x12e: {  	_ =	swait.ge [sflag:s17], $0x2800  }
0x12f: {  	[sflag:s17] =	ssyncset.done $0x0  }
0x130: {  	[sflag:s17] =	ssyncadd.s32 $0xFFFFD800  }
0x131: {  	_ =	swait.ge [sflag:s28], $0x2800  }
0x132: {  	[sflag:s28] =	ssyncset.done $0x0  }
0x133: {  	[sflag:s28] =	ssyncadd.s32 $0xFFFFD800  }
0x134: {  	[spmem:s2] =	stream.indirect.scatter.add.bf16 [tilespmem:s22], [sflag:$0x6], $0x10, s31, s19, $0xb8;
	[tilespmem:$0x14200] =	vst v63  }
0x135: {  	_ =	swait.ge [sflag:s17], $0x2800  }
0x136: {  	[sflag:s17] =	ssyncset.done $0x0  }
0x137: {  	[sflag:s17] =	ssyncadd.s32 $0xFFFFD800  }
0x138: {  	_ =	swait.ge [sflag:s29], $0x2800  }
0x139: {  	[sflag:s29] =	ssyncset.done $0x0  }
0x13a: {  	[sflag:s29] =	ssyncadd.s32 $0xFFFFD800  }
0x13b: {  	[spmem:s3] =	stream.indirect.scatter.add.f32 [tilespmem:s23], [sflag:$0x6], $0x10, s30, s19, $0xb8;
	[tilespmem:$0x14200] =	vst v63  }
0x13c: {  	_ =	swait.ge [sflag:s17], $0x2800  }
0x13d: {  	[sflag:s17] =	ssyncset.done $0x0  }
0x13e: {  	s9 =	stileid.u32;
	[sflag:s17] =	ssyncadd.s32 $0xFFFFD800  }
0x13f: {  	s0 =	sshll.u32 s9, $0x6;
	[bflag:$0x0] =	sbarrier.arrive $0xFFFF  }
0x140: {  	s0 =	sor.u32 $0x1C06, s0;
	s10 =	rddreg [dreg:$0x6]  }
0x141: {  	[hbm:s10], [sflag:s0] =	dma.local [spmem:s25], $0x500  }
0x142: {  	s4 =	sadd.s32 $0x1, s4;
	_ =	swait.ge [sflag:s17], $0x500  }
0x143: {  	p1 =	sne.s32 s4, s11;
	[sflag:s17] =	ssyncset.done $0x0  }
0x144: {  	s1 =	sshrl.u32 @!p0 s3, $0x3;
	s7 =	rddreg [dreg:$0x7];
	[sflag:s17] =	ssyncadd.s32 $0xFFFFFB00  }
0x145: {  	[hbm:s7], [sflag:s0] =	dma.local @!p0 [spmem:s1], $0x5000  }
.Ltmp2:
0x146: {  	_ = 	snop;
	(pc) =	sbr.rel @p1 .LBB2_1-.Ltmp2, $4  }
0x147: {  	s0 =	simm.s32 @!p0 $0x6  }
0x148: {  	_ =	swait.ge @!p0 [sflag:s0], $0x5000  }
0x149: {  	[sflag:s0] =	ssyncset.done @!p0 $0x0  }
0x14a: {  	[sflag:s0] =	ssyncadd.s32 @!p0 $0xFFFFB000  }
0x14b: {  	_ =	sfence.sel $0x180000  }
0x14c: {  	[bflag:$0x0] =	sbarrier.arrive $0xFFFF  }
0x14d: {  	_ =	strace $0x90000050  }
0x14e: {  	[bflag:$0x2] =	sbarrier.arrive $0xFFFF  }
0x14f: {  	s0 =	rddreg [dreg:$0x3]  }
0x150: {  	s0 =	sadd.s32 @!p0 $0x100000, s0  }
0x151: {  	[sflag:s0] =	ssyncadd.tile.s32 @!p0 $0x1;
	_ =	shalt  }
.Lfunc_end2:
_tile_overlayer_lowered:
.L_overlay_start_2:
0x152: {  	(tag) =	ssettag $0x2  }
0x153: {  	s0 =	rddreg [dreg:$0x0];
	s2 =	stileid.u32  }
0x154: {  	s1 =	rddreg [dreg:$0x1];
	p0 =	sne.s32 s2, $0x0  }
0x155: {  	s3 =	rddreg [dreg:$0x2];
	[bflag:$0x3] =	sbarrier.arrive $0xFFFF;
	s2 =	simm.s32 @!p0 $0x1C06  }
0x156: {  	[timem:s3], [sflag:s2] =	dma.local @!p0 [hbm:s0], s1  }
0x157: {  	s0 =	simm.s32 @!p0 $0x6  }
0x158: {  	_ =	swait.ge @!p0 [sflag:s0], s1  }
0x159: {  	s1 =	ssub.s32 @!p0 $0x0, s1;
	[sflag:s0] =	ssyncset.done @!p0 $0x0  }
0x15a: {  	[sflag:s0] =	ssyncadd.s32 @!p0 s1  }
0x15b: {  	[bflag:$0x3] =	sbarrier.arrive $0xFFFF  }
0x15c: {  	_ =	shalt  }

</sc_bundles>
